<compile_context>
chip_gen: v7x
topology: tpu7x:2x2x1
jax: 0.10.2.dev20260603
libtpu: 0.0.44.dev20260713+nightly
codegen_flags: <defaults>
</compile_context>

<pallas_src>
import functools

import jax
import jax.numpy as jnp
from jax import lax
from jax.experimental import pallas as pl
from jax.experimental.pallas import tpu as pltpu
from jax.experimental.pallas import tpu_sc as plsc

DIM = 768
NUM_HEADS = 8
TOPK = 4
HEAD_DIM = DIM // NUM_HEADS
SEQ = 1024

SC_CORES = 2
SC_SUBCORES = 16
SC_WORKERS = SC_CORES * SC_SUBCORES
SC_LANES = 16
CHUNK = 64
VPAD = 128


MATMUL_PRECISION = jax.lax.Precision.DEFAULT


def _tc_body(x_ref, wt_ref, br_ref, q_ref, v_ref, w_ref, i_ref):
    n = SEQ
    d = HEAD_DIM
    xb = x_ref[0]
    hi = jnp.float32(jnp.finfo(jnp.float32).max)

    def proj(t):
        wm = wt_ref[t, 0]
        bb = br_ref[t, 0]
        return (
            jax.lax.dot_general(
                xb, wm, (((1,), (0,)), ((), ())),
                preferred_element_type=jnp.float32,
                precision=MATMUL_PRECISION,
            )
            + bb
        )

    q = proj(0)
    k = proj(1)
    v = proj(2)
    attn = jax.lax.dot_general(
        q, k, (((1,), (1,)), ((), ())),
        preferred_element_type=jnp.float32,
        precision=MATMUL_PRECISION,
    )

    nck = n // 128
    iota128 = jax.lax.broadcasted_iota(jnp.int32, (1, 128), 1).astype(jnp.float32)
    a = attn
    vals = []
    idxs = []
    for p in range(TOPK):
        m = jnp.max(a, axis=1)
        ef = (a == m[:, None]).astype(jnp.float32)
        chunks = [ef[:, 128 * c : 128 * (c + 1)] for c in range(nck)]
        s_lane = chunks[0]
        cw = jnp.zeros_like(chunks[0])
        for c in range(1, nck):
            s_lane = s_lane + chunks[c]
            cw = cw + jnp.float32(c) * chunks[c]
        lane = jnp.sum(s_lane * iota128, axis=1)
        ck = jnp.sum(cw, axis=1)
        vals.append(m)
        idxs.append(ck * 128 + lane)
        if p < TOPK - 1:
            a = a - ef * hi

    m0 = vals[0]
    exps = [jnp.exp(vv - m0) for vv in vals]
    s = exps[0] + exps[1] + exps[2] + exps[3]
    w = jnp.stack([ee / s for ee in exps], axis=1)
    base = (pl.program_id(0) * NUM_HEADS + pl.program_id(1)) * n
    ig = jnp.stack(idxs, axis=1).astype(jnp.int32) + base

    pad = jnp.zeros((n, VPAD - d), jnp.float32)
    q_ref[0, 0] = jnp.concatenate([q, pad], axis=1)
    v_ref[0, 0] = jnp.concatenate([v, pad], axis=1)
    w_ref[0, 0] = w
    i_ref[0, 0] = ig


def _tc_stage(x_r, wt, br, batch):
    n, d, h = SEQ, HEAD_DIM, NUM_HEADS
    c = DIM
    grid = (batch, h)
    return pl.pallas_call(
        _tc_body,
        grid=grid,
        in_specs=[
            pl.BlockSpec((1, n, c), lambda b, hh: (b, 0, 0)),
            pl.BlockSpec((3, 1, c, d), lambda b, hh: (0, hh, 0, 0)),
            pl.BlockSpec((3, 1, 1, d), lambda b, hh: (0, hh, 0, 0)),
        ],
        out_specs=[
            pl.BlockSpec((1, 1, n, VPAD), lambda b, hh: (b, hh, 0, 0)),
            pl.BlockSpec((1, 1, n, VPAD), lambda b, hh: (b, hh, 0, 0)),
            pl.BlockSpec((1, 1, n, TOPK), lambda b, hh: (b, hh, 0, 0)),
            pl.BlockSpec((1, 1, n, TOPK), lambda b, hh: (b, hh, 0, 0)),
        ],
        out_shape=[
            jax.ShapeDtypeStruct((batch, h, n, VPAD), jnp.float32),
            jax.ShapeDtypeStruct((batch, h, n, VPAD), jnp.float32),
            jax.ShapeDtypeStruct((batch, h, n, TOPK), jnp.float32),
            jax.ShapeDtypeStruct((batch, h, n, TOPK), jnp.int32),
        ],
    )(x_r, wt, br)


def _sc_combine(v_flat, q_flat, w2, i2, batch):
    rows = v_flat.shape[0]
    d = HEAD_DIM
    rows_per_w = rows // SC_WORKERS
    nchunk = rows_per_w // CHUNK
    meta_rows = rows_per_w * TOPK // 128
    gpc = CHUNK * TOPK // 128
    mesh = plsc.VectorSubcoreMesh(
        core_axis_name="c", subcore_axis_name="s",
        num_cores=SC_CORES, num_subcores=SC_SUBCORES,
    )

    @functools.partial(
        pl.kernel,
        mesh=mesh,
        out_type=jax.ShapeDtypeStruct((rows, VPAD), jnp.float32),
        scratch_types=[
            pltpu.VMEM((meta_rows, 128), jnp.int32),
            pltpu.VMEM((rows_per_w * TOPK + SC_LANES,), jnp.float32),
            pltpu.VMEM((CHUNK * TOPK, VPAD), jnp.float32),
            pltpu.VMEM((CHUNK * TOPK, VPAD), jnp.float32),
            pltpu.VMEM((CHUNK, VPAD), jnp.float32),
            pltpu.VMEM((CHUNK, VPAD), jnp.float32),
            pltpu.VMEM((CHUNK, VPAD), jnp.float32),
            pltpu.SemaphoreType.DMA,
            pltpu.SemaphoreType.DMA,
        ],
    )
    def sc_k(v_hbm, q_hbm, w_hbm, i_hbm, out_hbm,
             idx_all, w_all, g0, g1, q0, q1, o_v, sem0, sem1):
        wid = lax.axis_index("s") * SC_CORES + lax.axis_index("c")
        wbase = wid * rows_per_w

        nmeta = rows_per_w * TOPK
        pltpu.sync_copy(i_hbm.at[pl.ds(wid * meta_rows, meta_rows)], idx_all)
        pltpu.sync_copy(
            w_hbm.at[pl.ds(wid * nmeta, nmeta)], w_all.at[pl.ds(0, nmeta)]
        )

        def q_copy(ci, q_v, sem):
            return pltpu.make_async_copy(
                q_hbm.at[pl.ds(wbase + ci * CHUNK, CHUNK)], q_v, sem
            )

        def g_copy(ci, g_v, k, sem):
            return pltpu.make_async_copy(
                v_hbm.at[idx_all.at[ci * gpc + k]],
                g_v.at[pl.ds(k * 128, 128)],
                sem,
            )

        def issue(ci, g_v, q_v, sem):
            q_copy(ci, q_v, sem).start()
            for k in range(gpc):
                g_copy(ci, g_v, k, sem).start()

        def drain(ci, g_v, q_v, sem):
            q_copy(ci, q_v, sem).wait()
            for k in range(gpc):
                g_copy(ci, g_v, k, sem).wait()

        issue(0, g0, q0, sem0)
        issue(1, g1, q1, sem1)

        def pair_body(i, carry):
            for sl_i, (g_v, q_v, sem) in enumerate(
                ((g0, q0, sem0), (g1, q1, sem1))
            ):
                ci = 2 * i + sl_i
                drain(ci, g_v, q_v, sem)

                def row_body(r, carry2):
                    wvec = w_all[pl.ds((ci * CHUNK + r) * TOPK, SC_LANES)]
                    w0, w1, w2, w3 = wvec[0], wvec[1], wvec[2], wvec[3]
                    rb = r * TOPK
                    for sgm in range(d // SC_LANES):
                        sl = pl.ds(sgm * SC_LANES, SC_LANES)
                        acc = w0 * g_v[rb, sl]
                        acc = acc + w1 * g_v[rb + 1, sl]
                        acc = acc + w2 * g_v[rb + 2, sl]
                        acc = acc + w3 * g_v[rb + 3, sl]
                        o_v[r, sl] = acc * q_v[r, sl]
                    return carry2

                lax.fori_loop(0, CHUNK, row_body, 0)
                pltpu.sync_copy(
                    o_v, out_hbm.at[pl.ds(wbase + ci * CHUNK, CHUNK)]
                )

                @pl.when(ci + 2 < nchunk)
                def _():
                    issue(ci + 2, g_v, q_v, sem)

            return carry

        lax.fori_loop(0, nchunk // 2, pair_body, 0)

    return sc_k(v_flat, q_flat, w2, i2)


def kernel(x, W_qkv, b_qkv):
    batch, c, hh, ww = x.shape
    n = hh * ww
    h, d = NUM_HEADS, HEAD_DIM
    xt = jnp.transpose(x.reshape(batch, c, n), (0, 2, 1))
    wt = jnp.transpose(W_qkv.reshape(c, 3, h, d), (1, 2, 0, 3))
    br = b_qkv.reshape(3, h, d)[:, :, None, :]

    outs = []
    rows = h * n
    for b in range(batch):
        q4, v4, w4, i4 = _tc_stage(xt[b : b + 1], wt, br, 1)
        out_p = _sc_combine(
            v4.reshape(rows, VPAD),
            q4.reshape(rows, VPAD),
            w4.reshape(rows * TOPK),
            i4.reshape(rows * TOPK // 128, 128),
            1,
        )
        out_b = out_p.reshape(1, h, n, VPAD)[..., :d]
        outs.append(
            jnp.transpose(out_b, (0, 2, 1, 3)).reshape(1, c, hh, ww)
        )
    return jnp.concatenate(outs, axis=0)

# --- scband reference (transcript-rebuilt; emitter-appended) ---
"""Pipeline reference for scband-topk-routing-39960375722105 (READ-ONLY COPY).

The authoritative reference and input builder live on the scoring server;
editing this copy changes nothing except your own understanding.
"""

import jax, jax.numpy as jnp
import numpy as np

DIM = 768
NUM_HEADS = 8
TOPK = 4


def setup_inputs(seed: int = 0) -> dict:
    key = jax.random.key(seed)
    k1, k2, k3 = jax.random.split(key, 3)
    x = jax.random.normal(k1, (4, DIM, 32, 32), dtype=jnp.float32)
    # nn.Linear(dim, dim*3): weight [3C, C] in torch; store transposed [C, 3C] for x @ W
    W_qkv = jax.random.normal(k2, (DIM, 3 * DIM), dtype=jnp.float32) * 0.02
    b_qkv = jax.random.normal(k3, (3 * DIM,), dtype=jnp.float32) * 0.02
    return {"x": x, "W_qkv": W_qkv, "b_qkv": b_qkv}


def reference(x, W_qkv, b_qkv):
    B, C, H, W = x.shape
    N = H * W
    d = C // NUM_HEADS
    # x.flatten(2).transpose(1, 2) -> [B, N, C]
    xt = jnp.transpose(x.reshape(B, C, N), (0, 2, 1))
    qkv = xt @ W_qkv + b_qkv  # [B, N, 3C]
    qkv = jnp.transpose(qkv.reshape(B, N, 3, NUM_HEADS, d), (2, 0, 3, 1, 4))
    q, k, v = qkv[0], qkv[1], qkv[2]  # each [B, h, N, d]
    attn = jnp.einsum('bhid,bhjd->bhij', q, k)  # [B, h, N, N]
    topk_w, topk_idx = jax.lax.top_k(attn, TOPK)  # [B, h, N, topk]
    # gather selected v rows per query token (torch.gather on expanded v)
    b_idx = jnp.arange(B)[:, None, None, None]
    h_idx = jnp.arange(NUM_HEADS)[None, :, None, None]
    v_sel = v[b_idx, h_idx, topk_idx]  # [B, h, N, topk, d]
    w = jax.nn.softmax(topk_w, axis=-1)
    weighted_v = jnp.sum(w[..., None] * v_sel, axis=3)  # [B, h, N, d]
    out = weighted_v * q  # [B, h, N, d]
    # transpose(1,2).reshape(B, C, H, W)
    out = jnp.transpose(out, (0, 2, 1, 3)).reshape(B, C, H, W)
    return out

if __name__ == "__main__":
    import jax
    _d = setup_inputs()
    print(jax.jit(kernel)(*tuple(_d.values())))

</pallas_src>

<mosaic_0001>
#map = affine_map<(d0, d1) -> (0, 0)>
#map1 = affine_map<(d0, d1) -> (0)>
module attributes {stable_mosaic.version = 14 : i64} {
  func.func @sc_k(%arg0: i32, %arg1: i32, %arg2: memref<8192x128xf32, #tpu.memory_space<hbm>>, %arg3: memref<8192x128xf32, #tpu.memory_space<hbm>>, %arg4: memref<32768xf32, #tpu.memory_space<hbm>>, %arg5: memref<256x128xi32, #tpu.memory_space<hbm>>, %arg6: memref<8192x128xf32, #tpu.memory_space<hbm>>, %arg7: memref<8x128xi32, #tpu.memory_space<vmem>>, %arg8: memref<1040xf32, #tpu.memory_space<vmem>>, %arg9: memref<256x128xf32, #tpu.memory_space<vmem>>, %arg10: memref<256x128xf32, #tpu.memory_space<vmem>>, %arg11: memref<64x128xf32, #tpu.memory_space<vmem>>, %arg12: memref<64x128xf32, #tpu.memory_space<vmem>>, %arg13: memref<64x128xf32, #tpu.memory_space<vmem>>, %arg14: memref<!tpu.dma_semaphore, #tpu.memory_space<semaphore_mem>>, %arg15: memref<!tpu.dma_semaphore, #tpu.memory_space<semaphore_mem>>) attributes {dimension_semantics = [#tpu.dimension_semantics<core_parallel>, #tpu.dimension_semantics<subcore_parallel>], iteration_bounds = array<i64: 2, 16>, scalar_prefetch = 0 : i64, scratch_operands = 9 : i64, tpu.core_type = #tpu.core_type<sc_vector_subcore>, window_params = [{transform_indices = #map}, {transform_indices = #map}, {transform_indices = #map1}, {transform_indices = #map}, {transform_indices = #map}]} {
    %mul3A = arith.constant 2 : i32
    %mul3A_0 = arith.muli %arg1, %mul3A : i32
    %add3A = arith.addi %mul3A_0, %arg0 : i32
    %mul3A_1 = arith.constant 256 : i32
    %mul3A_2 = arith.muli %add3A, %mul3A_1 : i32
    %mul3A_3 = arith.constant 8 : i32
    %mul3A_4 = arith.muli %add3A, %mul3A_3 : i32
    "tpu.region"() ({
      %run_scoped3A = tpu.sem_alloc : memref<!tpu.dma_semaphore, #tpu.memory_space<semaphore_mem>>
      %dma_start3A_63 = arith.constant 0 : i32
      %dma_start3A_64 = tpu.memref_slice %arg5[%mul3A_4, %dma_start3A_63] : memref<256x128xi32, #tpu.memory_space<hbm>> -> memref<8x128xi32, #tpu.memory_space<hbm>>
      %dma_start3A_65 = arith.constant 0 : i32
      %dma_start3A_66 = tpu.memref_slice %arg5[%mul3A_4, %dma_start3A_65] : memref<256x128xi32, #tpu.memory_space<hbm>> -> memref<8x128xi32, #tpu.memory_space<hbm>>
      tpu.enqueue_dma source(%dma_start3A_66 : memref<8x128xi32, #tpu.memory_space<hbm>>) target(%arg7 : memref<8x128xi32, #tpu.memory_space<vmem>>) target_semaphore(%run_scoped3A : memref<!tpu.dma_semaphore, #tpu.memory_space<semaphore_mem>>)
      %dma_wait3A = arith.constant 0 : i32
      %dma_wait3A_67 = tpu.memref_slice %arg5[%mul3A_4, %dma_wait3A] : memref<256x128xi32, #tpu.memory_space<hbm>> -> memref<8x128xi32, #tpu.memory_space<hbm>>
      %dma_wait3A_68 = arith.constant 0 : i32
      %dma_wait3A_69 = tpu.memref_slice %arg5[%mul3A_4, %dma_wait3A_68] : memref<256x128xi32, #tpu.memory_space<hbm>> -> memref<8x128xi32, #tpu.memory_space<hbm>>
      tpu.wait_dma2 semaphore(%run_scoped3A : memref<!tpu.dma_semaphore, #tpu.memory_space<semaphore_mem>>) src(%dma_wait3A_69 : memref<8x128xi32, #tpu.memory_space<hbm>>) dst(%arg7 : memref<8x128xi32, #tpu.memory_space<vmem>>)
      tpu.yield
    }) : () -> ()
    %mul3A_5 = arith.constant 1024 : i32
    %mul3A_6 = arith.muli %add3A, %mul3A_5 : i32
    "tpu.region"() ({
      %run_scoped3A = tpu.sem_alloc : memref<!tpu.dma_semaphore, #tpu.memory_space<semaphore_mem>>
      %dma_start3A_63 = arith.constant 0 : i32
      %dma_start3A_64 = tpu.memref_slice %arg8[%dma_start3A_63] : memref<1040xf32, #tpu.memory_space<vmem>> -> memref<1024xf32, #tpu.memory_space<vmem>>
      %dma_start3A_65 = tpu.memref_slice %arg4[%mul3A_6] : memref<32768xf32, #tpu.memory_space<hbm>> -> memref<1024xf32, #tpu.memory_space<hbm>>
      %dma_start3A_66 = arith.constant 0 : i32
      %dma_start3A_67 = tpu.memref_slice %arg8[%dma_start3A_66] : memref<1040xf32, #tpu.memory_space<vmem>> -> memref<1024xf32, #tpu.memory_space<vmem>>
      %dma_start3A_68 = tpu.memref_slice %arg4[%mul3A_6] : memref<32768xf32, #tpu.memory_space<hbm>> -> memref<1024xf32, #tpu.memory_space<hbm>>
      tpu.enqueue_dma source(%dma_start3A_68 : memref<1024xf32, #tpu.memory_space<hbm>>) target(%dma_start3A_67 : memref<1024xf32, #tpu.memory_space<vmem>>) target_semaphore(%run_scoped3A : memref<!tpu.dma_semaphore, #tpu.memory_space<semaphore_mem>>)
      %dma_wait3A = arith.constant 0 : i32
      %dma_wait3A_69 = tpu.memref_slice %arg8[%dma_wait3A] : memref<1040xf32, #tpu.memory_space<vmem>> -> memref<1024xf32, #tpu.memory_space<vmem>>
      %dma_wait3A_70 = tpu.memref_slice %arg4[%mul3A_6] : memref<32768xf32, #tpu.memory_space<hbm>> -> memref<1024xf32, #tpu.memory_space<hbm>>
      %dma_wait3A_71 = arith.constant 0 : i32
      %dma_wait3A_72 = tpu.memref_slice %arg8[%dma_wait3A_71] : memref<1040xf32, #tpu.memory_space<vmem>> -> memref<1024xf32, #tpu.memory_space<vmem>>
      %dma_wait3A_73 = tpu.memref_slice %arg4[%mul3A_6] : memref<32768xf32, #tpu.memory_space<hbm>> -> memref<1024xf32, #tpu.memory_space<hbm>>
      tpu.wait_dma2 semaphore(%run_scoped3A : memref<!tpu.dma_semaphore, #tpu.memory_space<semaphore_mem>>) src(%dma_wait3A_73 : memref<1024xf32, #tpu.memory_space<hbm>>) dst(%dma_wait3A_72 : memref<1024xf32, #tpu.memory_space<vmem>>)
      tpu.yield
    }) : () -> ()
    %add3A_7 = arith.constant 0 : i32
    %add3A_8 = arith.addi %mul3A_2, %add3A_7 : i32
    %dma_start3A = arith.constant 0 : i32
    %dma_start3A_9 = tpu.memref_slice %arg3[%add3A_8, %dma_start3A] : memref<8192x128xf32, #tpu.memory_space<hbm>> -> memref<64x128xf32, #tpu.memory_space<hbm>>
    %dma_start3A_10 = arith.constant 0 : i32
    %dma_start3A_11 = tpu.memref_slice %arg3[%add3A_8, %dma_start3A_10] : memref<8192x128xf32, #tpu.memory_space<hbm>> -> memref<64x128xf32, #tpu.memory_space<hbm>>
    tpu.enqueue_dma source(%dma_start3A_11 : memref<64x128xf32, #tpu.memory_space<hbm>>) target(%arg11 : memref<64x128xf32, #tpu.memory_space<vmem>>) target_semaphore(%arg14 : memref<!tpu.dma_semaphore, #tpu.memory_space<semaphore_mem>>)
    %dma_start3A_12 = arith.constant 0 : i32
    %dma_start3A_13 = arith.constant 0 : i32
    %dma_start3A_14 = arith.constant 0 : i32
    %dma_start3A_15 = tpu.memref_slice %arg9[%dma_start3A_13, %dma_start3A_14] : memref<256x128xf32, #tpu.memory_space<vmem>> -> memref<128x128xf32, #tpu.memory_space<vmem>>
    %dma_start3A_16 = arith.constant 0 : i32
    %dma_start3A_17 = tpu.memref_slice %arg7[%dma_start3A_12, %dma_start3A_16] : memref<8x128xi32, #tpu.memory_space<vmem>> -> memref<1x128xi32, #tpu.memory_space<vmem>>
    %dma_start3A_18 = tpu.memref_squeeze %dma_start3A_17 : memref<1x128xi32, #tpu.memory_space<vmem>> -> memref<128xi32, #tpu.memory_space<vmem>>
    %dma_start3A_19 = arith.constant 0 : i32
    %dma_start3A_20 = arith.constant 0 : i32
    %dma_start3A_21 = tpu.memref_slice %arg2[%dma_start3A_19, %dma_start3A_20] : memref<8192x128xf32, #tpu.memory_space<hbm>> -> memref<8192x128xf32, #tpu.memory_space<hbm>>
    tpu.enqueue_indirect_dma source(%dma_start3A_21 : memref<8192x128xf32, #tpu.memory_space<hbm>>) target(%dma_start3A_15 : memref<128x128xf32, #tpu.memory_space<vmem>>) offsets(%dma_start3A_18 : memref<128xi32, #tpu.memory_space<vmem>>) semaphore(%arg14 : memref<!tpu.dma_semaphore, #tpu.memory_space<semaphore_mem>>)
    %dma_start3A_22 = arith.constant 1 : i32
    %dma_start3A_23 = arith.constant 128 : i32
    %dma_start3A_24 = arith.constant 0 : i32
    %dma_start3A_25 = tpu.memref_slice %arg9[%dma_start3A_23, %dma_start3A_24] : memref<256x128xf32, #tpu.memory_space<vmem>> -> memref<128x128xf32, #tpu.memory_space<vmem>>
    %dma_start3A_26 = arith.constant 0 : i32
    %dma_start3A_27 = tpu.memref_slice %arg7[%dma_start3A_22, %dma_start3A_26] : memref<8x128xi32, #tpu.memory_space<vmem>> -> memref<1x128xi32, #tpu.memory_space<vmem>>
    %dma_start3A_28 = tpu.memref_squeeze %dma_start3A_27 : memref<1x128xi32, #tpu.memory_space<vmem>> -> memref<128xi32, #tpu.memory_space<vmem>>
    %dma_start3A_29 = arith.constant 0 : i32
    %dma_start3A_30 = arith.constant 0 : i32
    %dma_start3A_31 = tpu.memref_slice %arg2[%dma_start3A_29, %dma_start3A_30] : memref<8192x128xf32, #tpu.memory_space<hbm>> -> memref<8192x128xf32, #tpu.memory_space<hbm>>
    tpu.enqueue_indirect_dma source(%dma_start3A_31 : memref<8192x128xf32, #tpu.memory_space<hbm>>) target(%dma_start3A_25 : memref<128x128xf32, #tpu.memory_space<vmem>>) offsets(%dma_start3A_28 : memref<128xi32, #tpu.memory_space<vmem>>) semaphore(%arg14 : memref<!tpu.dma_semaphore, #tpu.memory_space<semaphore_mem>>)
    %add3A_32 = arith.constant 64 : i32
    %add3A_33 = arith.addi %mul3A_2, %add3A_32 : i32
    %dma_start3A_34 = arith.constant 0 : i32
    %dma_start3A_35 = tpu.memref_slice %arg3[%add3A_33, %dma_start3A_34] : memref<8192x128xf32, #tpu.memory_space<hbm>> -> memref<64x128xf32, #tpu.memory_space<hbm>>
    %dma_start3A_36 = arith.constant 0 : i32
    %dma_start3A_37 = tpu.memref_slice %arg3[%add3A_33, %dma_start3A_36] : memref<8192x128xf32, #tpu.memory_space<hbm>> -> memref<64x128xf32, #tpu.memory_space<hbm>>
    tpu.enqueue_dma source(%dma_start3A_37 : memref<64x128xf32, #tpu.memory_space<hbm>>) target(%arg12 : memref<64x128xf32, #tpu.memory_space<vmem>>) target_semaphore(%arg15 : memref<!tpu.dma_semaphore, #tpu.memory_space<semaphore_mem>>)
    %dma_start3A_38 = arith.constant 2 : i32
    %dma_start3A_39 = arith.constant 0 : i32
    %dma_start3A_40 = arith.constant 0 : i32
    %dma_start3A_41 = tpu.memref_slice %arg10[%dma_start3A_39, %dma_start3A_40] : memref<256x128xf32, #tpu.memory_space<vmem>> -> memref<128x128xf32, #tpu.memory_space<vmem>>
    %dma_start3A_42 = arith.constant 0 : i32
    %dma_start3A_43 = tpu.memref_slice %arg7[%dma_start3A_38, %dma_start3A_42] : memref<8x128xi32, #tpu.memory_space<vmem>> -> memref<1x128xi32, #tpu.memory_space<vmem>>
    %dma_start3A_44 = tpu.memref_squeeze %dma_start3A_43 : memref<1x128xi32, #tpu.memory_space<vmem>> -> memref<128xi32, #tpu.memory_space<vmem>>
    %dma_start3A_45 = arith.constant 0 : i32
    %dma_start3A_46 = arith.constant 0 : i32
    %dma_start3A_47 = tpu.memref_slice %arg2[%dma_start3A_45, %dma_start3A_46] : memref<8192x128xf32, #tpu.memory_space<hbm>> -> memref<8192x128xf32, #tpu.memory_space<hbm>>
    tpu.enqueue_indirect_dma source(%dma_start3A_47 : memref<8192x128xf32, #tpu.memory_space<hbm>>) target(%dma_start3A_41 : memref<128x128xf32, #tpu.memory_space<vmem>>) offsets(%dma_start3A_44 : memref<128xi32, #tpu.memory_space<vmem>>) semaphore(%arg15 : memref<!tpu.dma_semaphore, #tpu.memory_space<semaphore_mem>>)
    %dma_start3A_48 = arith.constant 3 : i32
    %dma_start3A_49 = arith.constant 128 : i32
    %dma_start3A_50 = arith.constant 0 : i32
    %dma_start3A_51 = tpu.memref_slice %arg10[%dma_start3A_49, %dma_start3A_50] : memref<256x128xf32, #tpu.memory_space<vmem>> -> memref<128x128xf32, #tpu.memory_space<vmem>>
    %dma_start3A_52 = arith.constant 0 : i32
    %dma_start3A_53 = tpu.memref_slice %arg7[%dma_start3A_48, %dma_start3A_52] : memref<8x128xi32, #tpu.memory_space<vmem>> -> memref<1x128xi32, #tpu.memory_space<vmem>>
    %dma_start3A_54 = tpu.memref_squeeze %dma_start3A_53 : memref<1x128xi32, #tpu.memory_space<vmem>> -> memref<128xi32, #tpu.memory_space<vmem>>
    %dma_start3A_55 = arith.constant 0 : i32
    %dma_start3A_56 = arith.constant 0 : i32
    %dma_start3A_57 = tpu.memref_slice %arg2[%dma_start3A_55, %dma_start3A_56] : memref<8192x128xf32, #tpu.memory_space<hbm>> -> memref<8192x128xf32, #tpu.memory_space<hbm>>
    tpu.enqueue_indirect_dma source(%dma_start3A_57 : memref<8192x128xf32, #tpu.memory_space<hbm>>) target(%dma_start3A_51 : memref<128x128xf32, #tpu.memory_space<vmem>>) offsets(%dma_start3A_54 : memref<128xi32, #tpu.memory_space<vmem>>) semaphore(%arg15 : memref<!tpu.dma_semaphore, #tpu.memory_space<semaphore_mem>>)
    %scan3A = arith.constant 0 : i32
    %scan3A_58 = arith.constant 0 : i32
    %scan3A_59 = arith.constant 2 : i32
    %scan3A_60 = arith.addi %scan3A_58, %scan3A_59 : i32
    %scan3A_61 = arith.constant 1 : i32
    scf.for %scan3A_63 = %scan3A_58 to %scan3A_60 step %scan3A_61  : i32 {
      %mul3A_64 = arith.constant 2 : i32
      %mul3A_65 = arith.muli %mul3A_64, %scan3A_63 : i32
      %add3A_66 = arith.constant 0 : i32
      %add3A_67 = arith.addi %mul3A_65, %add3A_66 : i32
      %mul3A_68 = arith.constant 64 : i32
      %mul3A_69 = arith.muli %add3A_67, %mul3A_68 : i32
      %add3A_70 = arith.addi %mul3A_2, %mul3A_69 : i32
      %dma_wait3A = arith.constant 0 : i32
      %dma_wait3A_71 = tpu.memref_slice %arg3[%add3A_70, %dma_wait3A] : memref<8192x128xf32, #tpu.memory_space<hbm>> -> memref<64x128xf32, #tpu.memory_space<hbm>>
      %dma_wait3A_72 = arith.constant 0 : i32
      %dma_wait3A_73 = tpu.memref_slice %arg3[%add3A_70, %dma_wait3A_72] : memref<8192x128xf32, #tpu.memory_space<hbm>> -> memref<64x128xf32, #tpu.memory_space<hbm>>
      tpu.wait_dma2 semaphore(%arg14 : memref<!tpu.dma_semaphore, #tpu.memory_space<semaphore_mem>>) src(%dma_wait3A_73 : memref<64x128xf32, #tpu.memory_space<hbm>>) dst(%arg11 : memref<64x128xf32, #tpu.memory_space<vmem>>)
      %mul3A_74 = arith.constant 2 : i32
      %mul3A_75 = arith.muli %add3A_67, %mul3A_74 : i32
      %add3A_76 = arith.constant 0 : i32
      %add3A_77 = arith.addi %mul3A_75, %add3A_76 : i32
      %dma_wait3A_78 = arith.constant 0 : i32
      %dma_wait3A_79 = arith.constant 0 : i32
      %dma_wait3A_80 = tpu.memref_slice %arg9[%dma_wait3A_78, %dma_wait3A_79] : memref<256x128xf32, #tpu.memory_space<vmem>> -> memref<128x128xf32, #tpu.memory_space<vmem>>
      %dma_wait3A_81 = arith.constant 0 : i32
      %dma_wait3A_82 = tpu.memref_slice %arg7[%add3A_77, %dma_wait3A_81] : memref<8x128xi32, #tpu.memory_space<vmem>> -> memref<1x128xi32, #tpu.memory_space<vmem>>
      %dma_wait3A_83 = tpu.memref_squeeze %dma_wait3A_82 : memref<1x128xi32, #tpu.memory_space<vmem>> -> memref<128xi32, #tpu.memory_space<vmem>>
      %dma_wait3A_84 = arith.constant 0 : i32
      %dma_wait3A_85 = arith.constant 0 : i32
      %dma_wait3A_86 = tpu.memref_slice %arg2[%dma_wait3A_84, %dma_wait3A_85] : memref<8192x128xf32, #tpu.memory_space<hbm>> -> memref<8192x128xf32, #tpu.memory_space<hbm>>
      tpu.wait_indirect_dma semaphore(%arg14 : memref<!tpu.dma_semaphore, #tpu.memory_space<semaphore_mem>>) src(%dma_wait3A_86 : memref<8192x128xf32, #tpu.memory_space<hbm>>) dst(%dma_wait3A_80 : memref<128x128xf32, #tpu.memory_space<vmem>>)
      %mul3A_87 = arith.constant 2 : i32
      %mul3A_88 = arith.muli %add3A_67, %mul3A_87 : i32
      %add3A_89 = arith.constant 1 : i32
      %add3A_90 = arith.addi %mul3A_88, %add3A_89 : i32
      %dma_wait3A_91 = arith.constant 128 : i32
      %dma_wait3A_92 = arith.constant 0 : i32
      %dma_wait3A_93 = tpu.memref_slice %arg9[%dma_wait3A_91, %dma_wait3A_92] : memref<256x128xf32, #tpu.memory_space<vmem>> -> memref<128x128xf32, #tpu.memory_space<vmem>>
      %dma_wait3A_94 = arith.constant 0 : i32
      %dma_wait3A_95 = tpu.memref_slice %arg7[%add3A_90, %dma_wait3A_94] : memref<8x128xi32, #tpu.memory_space<vmem>> -> memref<1x128xi32, #tpu.memory_space<vmem>>
      %dma_wait3A_96 = tpu.memref_squeeze %dma_wait3A_95 : memref<1x128xi32, #tpu.memory_space<vmem>> -> memref<128xi32, #tpu.memory_space<vmem>>
      %dma_wait3A_97 = arith.constant 0 : i32
      %dma_wait3A_98 = arith.constant 0 : i32
      %dma_wait3A_99 = tpu.memref_slice %arg2[%dma_wait3A_97, %dma_wait3A_98] : memref<8192x128xf32, #tpu.memory_space<hbm>> -> memref<8192x128xf32, #tpu.memory_space<hbm>>
      tpu.wait_indirect_dma semaphore(%arg14 : memref<!tpu.dma_semaphore, #tpu.memory_space<semaphore_mem>>) src(%dma_wait3A_99 : memref<8192x128xf32, #tpu.memory_space<hbm>>) dst(%dma_wait3A_93 : memref<128x128xf32, #tpu.memory_space<vmem>>)
      %scan3A_100 = arith.constant 0 : i32
      %scan3A_101 = arith.constant 0 : i32
      %scan3A_102 = arith.constant 64 : i32
      %scan3A_103 = arith.addi %scan3A_101, %scan3A_102 : i32
      %scan3A_104 = arith.constant 1 : i32
      scf.for %scan3A_166 = %scan3A_101 to %scan3A_103 step %scan3A_104  : i32 {
        %mul3A_167 = arith.constant 64 : i32
        %mul3A_168 = arith.muli %add3A_67, %mul3A_167 : i32
        %add3A_169 = arith.addi %mul3A_168, %scan3A_166 : i32
        %mul3A_170 = arith.constant 4 : i32
        %mul3A_171 = arith.muli %add3A_169, %mul3A_170 : i32
        %get3A = arith.index_cast %mul3A_171 : i32 to index
        %get3A_172 = tpu.vector_load %arg8[%get3A] {strides = array<i32>} : memref<1040xf32, #tpu.memory_space<vmem>>, vector<16xf32>,
        %get3A_173 = vector.shape_cast %get3A_172 : vector<16xf32> to vector<16xf32>
        %slice3A = vector.extract_strided_slice %get3A_173 {offsets = [0], sizes = [1], strides = [1]} : vector<16xf32> to vector<1xf32>
        %squeeze3A = vector.extract %slice3A[0] : f32 from vector<1xf32>
        %slice3A_174 = vector.extract_strided_slice %get3A_173 {offsets = [1], sizes = [1], strides = [1]} : vector<16xf32> to vector<1xf32>
        %squeeze3A_175 = vector.extract %slice3A_174[0] : f32 from vector<1xf32>
        %slice3A_176 = vector.extract_strided_slice %get3A_173 {offsets = [2], sizes = [1], strides = [1]} : vector<16xf32> to vector<1xf32>
        %squeeze3A_177 = vector.extract %slice3A_176[0] : f32 from vector<1xf32>
        %slice3A_178 = vector.extract_strided_slice %get3A_173 {offsets = [3], sizes = [1], strides = [1]} : vector<16xf32> to vector<1xf32>
        %squeeze3A_179 = vector.extract %slice3A_178[0] : f32 from vector<1xf32>
        %mul3A_180 = arith.constant 4 : i32
        %mul3A_181 = arith.muli %scan3A_166, %mul3A_180 : i32
        %get3A_182 = arith.index_cast %mul3A_181 : i32 to index
        %get3A_183 = arith.constant 0 : index
        %get3A_184 = tpu.vector_load %arg9[%get3A_182, %get3A_183] {strides = array<i32>} : memref<256x128xf32, #tpu.memory_space<vmem>>, vector<1x16xf32>,
        %get3A_185 = vector.shape_cast %get3A_184 : vector<1x16xf32> to vector<16xf32>
        %mul3A_186 = vector.broadcast %squeeze3A : f32 to vector<16xf32>
        %mul3A_187 = arith.mulf %mul3A_186, %get3A_185 : vector<16xf32>
        %add3A_188 = arith.constant 1 : i32
        %add3A_189 = arith.addi %mul3A_181, %add3A_188 : i32
        %get3A_190 = arith.index_cast %add3A_189 : i32 to index
        %get3A_191 = arith.constant 0 : index
        %get3A_192 = tpu.vector_load %arg9[%get3A_190, %get3A_191] {strides = array<i32>} : memref<256x128xf32, #tpu.memory_space<vmem>>, vector<1x16xf32>,
        %get3A_193 = vector.shape_cast %get3A_192 : vector<1x16xf32> to vector<16xf32>
        %mul3A_194 = vector.broadcast %squeeze3A_175 : f32 to vector<16xf32>
        %mul3A_195 = arith.mulf %mul3A_194, %get3A_193 : vector<16xf32>
        %add3A_196 = arith.addf %mul3A_187, %mul3A_195 : vector<16xf32>
        %add3A_197 = arith.constant 2 : i32
        %add3A_198 = arith.addi %mul3A_181, %add3A_197 : i32
        %get3A_199 = arith.index_cast %add3A_198 : i32 to index
        %get3A_200 = arith.constant 0 : index
        %get3A_201 = tpu.vector_load %arg9[%get3A_199, %get3A_200] {strides = array<i32>} : memref<256x128xf32, #tpu.memory_space<vmem>>, vector<1x16xf32>,
        %get3A_202 = vector.shape_cast %get3A_201 : vector<1x16xf32> to vector<16xf32>
        %mul3A_203 = vector.broadcast %squeeze3A_177 : f32 to vector<16xf32>
        %mul3A_204 = arith.mulf %mul3A_203, %get3A_202 : vector<16xf32>
        %add3A_205 = arith.addf %add3A_196, %mul3A_204 : vector<16xf32>
        %add3A_206 = arith.constant 3 : i32
        %add3A_207 = arith.addi %mul3A_181, %add3A_206 : i32
        %get3A_208 = arith.index_cast %add3A_207 : i32 to index
        %get3A_209 = arith.constant 0 : index
        %get3A_210 = tpu.vector_load %arg9[%get3A_208, %get3A_209] {strides = array<i32>} : memref<256x128xf32, #tpu.memory_space<vmem>>, vector<1x16xf32>,
        %get3A_211 = vector.shape_cast %get3A_210 : vector<1x16xf32> to vector<16xf32>
        %mul3A_212 = vector.broadcast %squeeze3A_179 : f32 to vector<16xf32>
        %mul3A_213 = arith.mulf %mul3A_212, %get3A_211 : vector<16xf32>
        %add3A_214 = arith.addf %add3A_205, %mul3A_213 : vector<16xf32>
        %get3A_215 = arith.index_cast %scan3A_166 : i32 to index
        %get3A_216 = arith.constant 0 : index
        %get3A_217 = tpu.vector_load %arg11[%get3A_215, %get3A_216] {strides = array<i32>} : memref<64x128xf32, #tpu.memory_space<vmem>>, vector<1x16xf32>,
        %get3A_218 = vector.shape_cast %get3A_217 : vector<1x16xf32> to vector<16xf32>
        %mul3A_219 = arith.mulf %add3A_214, %get3A_218 : vector<16xf32>
        %swap3A = arith.index_cast %scan3A_166 : i32 to index
        %swap3A_220 = arith.constant 0 : index
        %swap3A_221 = tpu.vector_load %arg13[%swap3A, %swap3A_220] {strides = array<i32>} : memref<64x128xf32, #tpu.memory_space<vmem>>, vector<1x16xf32>,
        %swap3A_222 = vector.shape_cast %swap3A_221 : vector<1x16xf32> to vector<16xf32>
        %swap3A_223 = vector.shape_cast %mul3A_219 : vector<16xf32> to vector<1x16xf32>
        tpu.vector_store %arg13[%swap3A, %swap3A_220], %swap3A_223 {strides = array<i32>} : memref<64x128xf32, #tpu.memory_space<vmem>>, vector<1x16xf32>,
        %get3A_224 = arith.index_cast %mul3A_181 : i32 to index
        %get3A_225 = arith.constant 16 : index
        %get3A_226 = tpu.vector_load %arg9[%get3A_224, %get3A_225] {strides = array<i32>} : memref<256x128xf32, #tpu.memory_space<vmem>>, vector<1x16xf32>,
        %get3A_227 = vector.shape_cast %get3A_226 : vector<1x16xf32> to vector<16xf32>
        %mul3A_228 = vector.broadcast %squeeze3A : f32 to vector<16xf32>
        %mul3A_229 = arith.mulf %mul3A_228, %get3A_227 : vector<16xf32>
        %add3A_230 = arith.constant 1 : i32
        %add3A_231 = arith.addi %mul3A_181, %add3A_230 : i32
        %get3A_232 = arith.index_cast %add3A_231 : i32 to index
        %get3A_233 = arith.constant 16 : index
        %get3A_234 = tpu.vector_load %arg9[%get3A_232, %get3A_233] {strides = array<i32>} : memref<256x128xf32, #tpu.memory_space<vmem>>, vector<1x16xf32>,
        %get3A_235 = vector.shape_cast %get3A_234 : vector<1x16xf32> to vector<16xf32>
        %mul3A_236 = vector.broadcast %squeeze3A_175 : f32 to vector<16xf32>
        %mul3A_237 = arith.mulf %mul3A_236, %get3A_235 : vector<16xf32>
        %add3A_238 = arith.addf %mul3A_229, %mul3A_237 : vector<16xf32>
        %add3A_239 = arith.constant 2 : i32
        %add3A_240 = arith.addi %mul3A_181, %add3A_239 : i32
        %get3A_241 = arith.index_cast %add3A_240 : i32 to index
        %get3A_242 = arith.constant 16 : index
        %get3A_243 = tpu.vector_load %arg9[%get3A_241, %get3A_242] {strides = array<i32>} : memref<256x128xf32, #tpu.memory_space<vmem>>, vector<1x16xf32>,
        %get3A_244 = vector.shape_cast %get3A_243 : vector<1x16xf32> to vector<16xf32>
        %mul3A_245 = vector.broadcast %squeeze3A_177 : f32 to vector<16xf32>
        %mul3A_246 = arith.mulf %mul3A_245, %get3A_244 : vector<16xf32>
        %add3A_247 = arith.addf %add3A_238, %mul3A_246 : vector<16xf32>
        %add3A_248 = arith.constant 3 : i32
        %add3A_249 = arith.addi %mul3A_181, %add3A_248 : i32
        %get3A_250 = arith.index_cast %add3A_249 : i32 to index
        %get3A_251 = arith.constant 16 : index
        %get3A_252 = tpu.vector_load %arg9[%get3A_250, %get3A_251] {strides = array<i32>} : memref<256x128xf32, #tpu.memory_space<vmem>>, vector<1x16xf32>,
        %get3A_253 = vector.shape_cast %get3A_252 : vector<1x16xf32> to vector<16xf32>
        %mul3A_254 = vector.broadcast %squeeze3A_179 : f32 to vector<16xf32>
        %mul3A_255 = arith.mulf %mul3A_254, %get3A_253 : vector<16xf32>
        %add3A_256 = arith.addf %add3A_247, %mul3A_255 : vector<16xf32>
        %get3A_257 = arith.index_cast %scan3A_166 : i32 to index
        %get3A_258 = arith.constant 16 : index
        %get3A_259 = tpu.vector_load %arg11[%get3A_257, %get3A_258] {strides = array<i32>} : memref<64x128xf32, #tpu.memory_space<vmem>>, vector<1x16xf32>,
        %get3A_260 = vector.shape_cast %get3A_259 : vector<1x16xf32> to vector<16xf32>
        %mul3A_261 = arith.mulf %add3A_256, %get3A_260 : vector<16xf32>
        %swap3A_262 = arith.index_cast %scan3A_166 : i32 to index
        %swap3A_263 = arith.constant 16 : index
        %swap3A_264 = tpu.vector_load %arg13[%swap3A_262, %swap3A_263] {strides = array<i32>} : memref<64x128xf32, #tpu.memory_space<vmem>>, vector<1x16xf32>,
        %swap3A_265 = vector.shape_cast %swap3A_264 : vector<1x16xf32> to vector<16xf32>
        %swap3A_266 = vector.shape_cast %mul3A_261 : vector<16xf32> to vector<1x16xf32>
        tpu.vector_store %arg13[%swap3A_262, %swap3A_263], %swap3A_266 {strides = array<i32>} : memref<64x128xf32, #tpu.memory_space<vmem>>, vector<1x16xf32>,
        %get3A_267 = arith.index_cast %mul3A_181 : i32 to index
        %get3A_268 = arith.constant 32 : index
        %get3A_269 = tpu.vector_load %arg9[%get3A_267, %get3A_268] {strides = array<i32>} : memref<256x128xf32, #tpu.memory_space<vmem>>, vector<1x16xf32>,
        %get3A_270 = vector.shape_cast %get3A_269 : vector<1x16xf32> to vector<16xf32>
        %mul3A_271 = vector.broadcast %squeeze3A : f32 to vector<16xf32>
        %mul3A_272 = arith.mulf %mul3A_271, %get3A_270 : vector<16xf32>
        %add3A_273 = arith.constant 1 : i32
        %add3A_274 = arith.addi %mul3A_181, %add3A_273 : i32
        %get3A_275 = arith.index_cast %add3A_274 : i32 to index
        %get3A_276 = arith.constant 32 : index
        %get3A_277 = tpu.vector_load %arg9[%get3A_275, %get3A_276] {strides = array<i32>} : memref<256x128xf32, #tpu.memory_space<vmem>>, vector<1x16xf32>,
        %get3A_278 = vector.shape_cast %get3A_277 : vector<1x16xf32> to vector<16xf32>
        %mul3A_279 = vector.broadcast %squeeze3A_175 : f32 to vector<16xf32>
        %mul3A_280 = arith.mulf %mul3A_279, %get3A_278 : vector<16xf32>
        %add3A_281 = arith.addf %mul3A_272, %mul3A_280 : vector<16xf32>
        %add3A_282 = arith.constant 2 : i32
        %add3A_283 = arith.addi %mul3A_181, %add3A_282 : i32
        %get3A_284 = arith.index_cast %add3A_283 : i32 to index
        %get3A_285 = arith.constant 32 : index
        %get3A_286 = tpu.vector_load %arg9[%get3A_284, %get3A_285] {strides = array<i32>} : memref<256x128xf32, #tpu.memory_space<vmem>>, vector<1x16xf32>,
        %get3A_287 = vector.shape_cast %get3A_286 : vector<1x16xf32> to vector<16xf32>
        %mul3A_288 = vector.broadcast %squeeze3A_177 : f32 to vector<16xf32>
        %mul3A_289 = arith.mulf %mul3A_288, %get3A_287 : vector<16xf32>
        %add3A_290 = arith.addf %add3A_281, %mul3A_289 : vector<16xf32>
        %add3A_291 = arith.constant 3 : i32
        %add3A_292 = arith.addi %mul3A_181, %add3A_291 : i32
        %get3A_293 = arith.index_cast %add3A_292 : i32 to index
        %get3A_294 = arith.constant 32 : index
        %get3A_295 = tpu.vector_load %arg9[%get3A_293, %get3A_294] {strides = array<i32>} : memref<256x128xf32, #tpu.memory_space<vmem>>, vector<1x16xf32>,
        %get3A_296 = vector.shape_cast %get3A_295 : vector<1x16xf32> to vector<16xf32>
        %mul3A_297 = vector.broadcast %squeeze3A_179 : f32 to vector<16xf32>
        %mul3A_298 = arith.mulf %mul3A_297, %get3A_296 : vector<16xf32>
        %add3A_299 = arith.addf %add3A_290, %mul3A_298 : vector<16xf32>
        %get3A_300 = arith.index_cast %scan3A_166 : i32 to index
        %get3A_301 = arith.constant 32 : index
        %get3A_302 = tpu.vector_load %arg11[%get3A_300, %get3A_301] {strides = array<i32>} : memref<64x128xf32, #tpu.memory_space<vmem>>, vector<1x16xf32>,
        %get3A_303 = vector.shape_cast %get3A_302 : vector<1x16xf32> to vector<16xf32>
        %mul3A_304 = arith.mulf %add3A_299, %get3A_303 : vector<16xf32>
        %swap3A_305 = arith.index_cast %scan3A_166 : i32 to index
        %swap3A_306 = arith.constant 32 : index
        %swap3A_307 = tpu.vector_load %arg13[%swap3A_305, %swap3A_306] {strides = array<i32>} : memref<64x128xf32, #tpu.memory_space<vmem>>, vector<1x16xf32>,
        %swap3A_308 = vector.shape_cast %swap3A_307 : vector<1x16xf32> to vector<16xf32>
        %swap3A_309 = vector.shape_cast %mul3A_304 : vector<16xf32> to vector<1x16xf32>
        tpu.vector_store %arg13[%swap3A_305, %swap3A_306], %swap3A_309 {strides = array<i32>} : memref<64x128xf32, #tpu.memory_space<vmem>>, vector<1x16xf32>,
        %get3A_310 = arith.index_cast %mul3A_181 : i32 to index
        %get3A_311 = arith.constant 48 : index
        %get3A_312 = tpu.vector_load %arg9[%get3A_310, %get3A_311] {strides = array<i32>} : memref<256x128xf32, #tpu.memory_space<vmem>>, vector<1x16xf32>,
        %get3A_313 = vector.shape_cast %get3A_312 : vector<1x16xf32> to vector<16xf32>
        %mul3A_314 = vector.broadcast %squeeze3A : f32 to vector<16xf32>
        %mul3A_315 = arith.mulf %mul3A_314, %get3A_313 : vector<16xf32>
        %add3A_316 = arith.constant 1 : i32
        %add3A_317 = arith.addi %mul3A_181, %add3A_316 : i32
        %get3A_318 = arith.index_cast %add3A_317 : i32 to index
        %get3A_319 = arith.constant 48 : index
        %get3A_320 = tpu.vector_load %arg9[%get3A_318, %get3A_319] {strides = array<i32>} : memref<256x128xf32, #tpu.memory_space<vmem>>, vector<1x16xf32>,
        %get3A_321 = vector.shape_cast %get3A_320 : vector<1x16xf32> to vector<16xf32>
        %mul3A_322 = vector.broadcast %squeeze3A_175 : f32 to vector<16xf32>
        %mul3A_323 = arith.mulf %mul3A_322, %get3A_321 : vector<16xf32>
        %add3A_324 = arith.addf %mul3A_315, %mul3A_323 : vector<16xf32>
        %add3A_325 = arith.constant 2 : i32
        %add3A_326 = arith.addi %mul3A_181, %add3A_325 : i32
        %get3A_327 = arith.index_cast %add3A_326 : i32 to index
        %get3A_328 = arith.constant 48 : index
        %get3A_329 = tpu.vector_load %arg9[%get3A_327, %get3A_328] {strides = array<i32>} : memref<256x128xf32, #tpu.memory_space<vmem>>, vector<1x16xf32>,
        %get3A_330 = vector.shape_cast %get3A_329 : vector<1x16xf32> to vector<16xf32>
        %mul3A_331 = vector.broadcast %squeeze3A_177 : f32 to vector<16xf32>
        %mul3A_332 = arith.mulf %mul3A_331, %get3A_330 : vector<16xf32>
        %add3A_333 = arith.addf %add3A_324, %mul3A_332 : vector<16xf32>
        %add3A_334 = arith.constant 3 : i32
        %add3A_335 = arith.addi %mul3A_181, %add3A_334 : i32
        %get3A_336 = arith.index_cast %add3A_335 : i32 to index
        %get3A_337 = arith.constant 48 : index
        %get3A_338 = tpu.vector_load %arg9[%get3A_336, %get3A_337] {strides = array<i32>} : memref<256x128xf32, #tpu.memory_space<vmem>>, vector<1x16xf32>,
        %get3A_339 = vector.shape_cast %get3A_338 : vector<1x16xf32> to vector<16xf32>
        %mul3A_340 = vector.broadcast %squeeze3A_179 : f32 to vector<16xf32>
        %mul3A_341 = arith.mulf %mul3A_340, %get3A_339 : vector<16xf32>
        %add3A_342 = arith.addf %add3A_333, %mul3A_341 : vector<16xf32>
        %get3A_343 = arith.index_cast %scan3A_166 : i32 to index
        %get3A_344 = arith.constant 48 : index
        %get3A_345 = tpu.vector_load %arg11[%get3A_343, %get3A_344] {strides = array<i32>} : memref<64x128xf32, #tpu.memory_space<vmem>>, vector<1x16xf32>,
        %get3A_346 = vector.shape_cast %get3A_345 : vector<1x16xf32> to vector<16xf32>
        %mul3A_347 = arith.mulf %add3A_342, %get3A_346 : vector<16xf32>
        %swap3A_348 = arith.index_cast %scan3A_166 : i32 to index
        %swap3A_349 = arith.constant 48 : index
        %swap3A_350 = tpu.vector_load %arg13[%swap3A_348, %swap3A_349] {strides = array<i32>} : memref<64x128xf32, #tpu.memory_space<vmem>>, vector<1x16xf32>,
        %swap3A_351 = vector.shape_cast %swap3A_350 : vector<1x16xf32> to vector<16xf32>
        %swap3A_352 = vector.shape_cast %mul3A_347 : vector<16xf32> to vector<1x16xf32>
        tpu.vector_store %arg13[%swap3A_348, %swap3A_349], %swap3A_352 {strides = array<i32>} : memref<64x128xf32, #tpu.memory_space<vmem>>, vector<1x16xf32>,
        %get3A_353 = arith.index_cast %mul3A_181 : i32 to index
        %get3A_354 = arith.constant 64 : index
        %get3A_355 = tpu.vector_load %arg9[%get3A_353, %get3A_354] {strides = array<i32>} : memref<256x128xf32, #tpu.memory_space<vmem>>, vector<1x16xf32>,
        %get3A_356 = vector.shape_cast %get3A_355 : vector<1x16xf32> to vector<16xf32>
        %mul3A_357 = vector.broadcast %squeeze3A : f32 to vector<16xf32>
        %mul3A_358 = arith.mulf %mul3A_357, %get3A_356 : vector<16xf32>
        %add3A_359 = arith.constant 1 : i32
        %add3A_360 = arith.addi %mul3A_181, %add3A_359 : i32
        %get3A_361 = arith.index_cast %add3A_360 : i32 to index
        %get3A_362 = arith.constant 64 : index
        %get3A_363 = tpu.vector_load %arg9[%get3A_361, %get3A_362] {strides = array<i32>} : memref<256x128xf32, #tpu.memory_space<vmem>>, vector<1x16xf32>,
        %get3A_364 = vector.shape_cast %get3A_363 : vector<1x16xf32> to vector<16xf32>
        %mul3A_365 = vector.broadcast %squeeze3A_175 : f32 to vector<16xf32>
        %mul3A_366 = arith.mulf %mul3A_365, %get3A_364 : vector<16xf32>
        %add3A_367 = arith.addf %mul3A_358, %mul3A_366 : vector<16xf32>
        %add3A_368 = arith.constant 2 : i32
        %add3A_369 = arith.addi %mul3A_181, %add3A_368 : i32
        %get3A_370 = arith.index_cast %add3A_369 : i32 to index
        %get3A_371 = arith.constant 64 : index
        %get3A_372 = tpu.vector_load %arg9[%get3A_370, %get3A_371] {strides = array<i32>} : memref<256x128xf32, #tpu.memory_space<vmem>>, vector<1x16xf32>,
        %get3A_373 = vector.shape_cast %get3A_372 : vector<1x16xf32> to vector<16xf32>
        %mul3A_374 = vector.broadcast %squeeze3A_177 : f32 to vector<16xf32>
        %mul3A_375 = arith.mulf %mul3A_374, %get3A_373 : vector<16xf32>
        %add3A_376 = arith.addf %add3A_367, %mul3A_375 : vector<16xf32>
        %add3A_377 = arith.constant 3 : i32
        %add3A_378 = arith.addi %mul3A_181, %add3A_377 : i32
        %get3A_379 = arith.index_cast %add3A_378 : i32 to index
        %get3A_380 = arith.constant 64 : index
        %get3A_381 = tpu.vector_load %arg9[%get3A_379, %get3A_380] {strides = array<i32>} : memref<256x128xf32, #tpu.memory_space<vmem>>, vector<1x16xf32>,
        %get3A_382 = vector.shape_cast %get3A_381 : vector<1x16xf32> to vector<16xf32>
        %mul3A_383 = vector.broadcast %squeeze3A_179 : f32 to vector<16xf32>
        %mul3A_384 = arith.mulf %mul3A_383, %get3A_382 : vector<16xf32>
        %add3A_385 = arith.addf %add3A_376, %mul3A_384 : vector<16xf32>
        %get3A_386 = arith.index_cast %scan3A_166 : i32 to index
        %get3A_387 = arith.constant 64 : index
        %get3A_388 = tpu.vector_load %arg11[%get3A_386, %get3A_387] {strides = array<i32>} : memref<64x128xf32, #tpu.memory_space<vmem>>, vector<1x16xf32>,
        %get3A_389 = vector.shape_cast %get3A_388 : vector<1x16xf32> to vector<16xf32>
        %mul3A_390 = arith.mulf %add3A_385, %get3A_389 : vector<16xf32>
        %swap3A_391 = arith.index_cast %scan3A_166 : i32 to index
        %swap3A_392 = arith.constant 64 : index
        %swap3A_393 = tpu.vector_load %arg13[%swap3A_391, %swap3A_392] {strides = array<i32>} : memref<64x128xf32, #tpu.memory_space<vmem>>, vector<1x16xf32>,
        %swap3A_394 = vector.shape_cast %swap3A_393 : vector<1x16xf32> to vector<16xf32>
        %swap3A_395 = vector.shape_cast %mul3A_390 : vector<16xf32> to vector<1x16xf32>
        tpu.vector_store %arg13[%swap3A_391, %swap3A_392], %swap3A_395 {strides = array<i32>} : memref<64x128xf32, #tpu.memory_space<vmem>>, vector<1x16xf32>,
        %get3A_396 = arith.index_cast %mul3A_181 : i32 to index
        %get3A_397 = arith.constant 80 : index
        %get3A_398 = tpu.vector_load %arg9[%get3A_396, %get3A_397] {strides = array<i32>} : memref<256x128xf32, #tpu.memory_space<vmem>>, vector<1x16xf32>,
        %get3A_399 = vector.shape_cast %get3A_398 : vector<1x16xf32> to vector<16xf32>
        %mul3A_400 = vector.broadcast %squeeze3A : f32 to vector<16xf32>
        %mul3A_401 = arith.mulf %mul3A_400, %get3A_399 : vector<16xf32>
        %add3A_402 = arith.constant 1 : i32
        %add3A_403 = arith.addi %mul3A_181, %add3A_402 : i32
        %get3A_404 = arith.index_cast %add3A_403 : i32 to index
        %get3A_405 = arith.constant 80 : index
        %get3A_406 = tpu.vector_load %arg9[%get3A_404, %get3A_405] {strides = array<i32>} : memref<256x128xf32, #tpu.memory_space<vmem>>, vector<1x16xf32>,
        %get3A_407 = vector.shape_cast %get3A_406 : vector<1x16xf32> to vector<16xf32>
        %mul3A_408 = vector.broadcast %squeeze3A_175 : f32 to vector<16xf32>
        %mul3A_409 = arith.mulf %mul3A_408, %get3A_407 : vector<16xf32>
        %add3A_410 = arith.addf %mul3A_401, %mul3A_409 : vector<16xf32>
        %add3A_411 = arith.constant 2 : i32
        %add3A_412 = arith.addi %mul3A_181, %add3A_411 : i32
        %get3A_413 = arith.index_cast %add3A_412 : i32 to index
        %get3A_414 = arith.constant 80 : index
        %get3A_415 = tpu.vector_load %arg9[%get3A_413, %get3A_414] {strides = array<i32>} : memref<256x128xf32, #tpu.memory_space<vmem>>, vector<1x16xf32>,
        %get3A_416 = vector.shape_cast %get3A_415 : vector<1x16xf32> to vector<16xf32>
        %mul3A_417 = vector.broadcast %squeeze3A_177 : f32 to vector<16xf32>
        %mul3A_418 = arith.mulf %mul3A_417, %get3A_416 : vector<16xf32>
        %add3A_419 = arith.addf %add3A_410, %mul3A_418 : vector<16xf32>
        %add3A_420 = arith.constant 3 : i32
        %add3A_421 = arith.addi %mul3A_181, %add3A_420 : i32
        %get3A_422 = arith.index_cast %add3A_421 : i32 to index
        %get3A_423 = arith.constant 80 : index
        %get3A_424 = tpu.vector_load %arg9[%get3A_422, %get3A_423] {strides = array<i32>} : memref<256x128xf32, #tpu.memory_space<vmem>>, vector<1x16xf32>,
        %get3A_425 = vector.shape_cast %get3A_424 : vector<1x16xf32> to vector<16xf32>
        %mul3A_426 = vector.broadcast %squeeze3A_179 : f32 to vector<16xf32>
        %mul3A_427 = arith.mulf %mul3A_426, %get3A_425 : vector<16xf32>
        %add3A_428 = arith.addf %add3A_419, %mul3A_427 : vector<16xf32>
        %get3A_429 = arith.index_cast %scan3A_166 : i32 to index
        %get3A_430 = arith.constant 80 : index
        %get3A_431 = tpu.vector_load %arg11[%get3A_429, %get3A_430] {strides = array<i32>} : memref<64x128xf32, #tpu.memory_space<vmem>>, vector<1x16xf32>,
        %get3A_432 = vector.shape_cast %get3A_431 : vector<1x16xf32> to vector<16xf32>
        %mul3A_433 = arith.mulf %add3A_428, %get3A_432 : vector<16xf32>
        %swap3A_434 = arith.index_cast %scan3A_166 : i32 to index
        %swap3A_435 = arith.constant 80 : index
        %swap3A_436 = tpu.vector_load %arg13[%swap3A_434, %swap3A_435] {strides = array<i32>} : memref<64x128xf32, #tpu.memory_space<vmem>>, vector<1x16xf32>,
        %swap3A_437 = vector.shape_cast %swap3A_436 : vector<1x16xf32> to vector<16xf32>
        %swap3A_438 = vector.shape_cast %mul3A_433 : vector<16xf32> to vector<1x16xf32>
        tpu.vector_store %arg13[%swap3A_434, %swap3A_435], %swap3A_438 {strides = array<i32>} : memref<64x128xf32, #tpu.memory_space<vmem>>, vector<1x16xf32>,
      }
      %scan3A_105 = arith.constant 64 : i32
      %mul3A_106 = arith.constant 64 : i32
      %mul3A_107 = arith.muli %add3A_67, %mul3A_106 : i32
      %add3A_108 = arith.addi %mul3A_2, %mul3A_107 : i32
      "tpu.region"() ({
        %run_scoped3A = tpu.sem_alloc : memref<!tpu.dma_semaphore, #tpu.memory_space<semaphore_mem>>
        %dma_start3A_166 = arith.constant 0 : i32
        %dma_start3A_167 = tpu.memref_slice %arg6[%add3A_108, %dma_start3A_166] : memref<8192x128xf32, #tpu.memory_space<hbm>> -> memref<64x128xf32, #tpu.memory_space<hbm>>
        %dma_start3A_168 = arith.constant 0 : i32
        %dma_start3A_169 = tpu.memref_slice %arg6[%add3A_108, %dma_start3A_168] : memref<8192x128xf32, #tpu.memory_space<hbm>> -> memref<64x128xf32, #tpu.memory_space<hbm>>
        tpu.enqueue_dma source(%arg13 : memref<64x128xf32, #tpu.memory_space<vmem>>) target(%dma_start3A_169 : memref<64x128xf32, #tpu.memory_space<hbm>>) target_semaphore(%run_scoped3A : memref<!tpu.dma_semaphore, #tpu.memory_space<semaphore_mem>>)
        %dma_wait3A_170 = arith.constant 0 : i32
        %dma_wait3A_171 = tpu.memref_slice %arg6[%add3A_108, %dma_wait3A_170] : memref<8192x128xf32, #tpu.memory_space<hbm>> -> memref<64x128xf32, #tpu.memory_space<hbm>>
        %dma_wait3A_172 = arith.constant 0 : i32
        %dma_wait3A_173 = tpu.memref_slice %arg6[%add3A_108, %dma_wait3A_172] : memref<8192x128xf32, #tpu.memory_space<hbm>> -> memref<64x128xf32, #tpu.memory_space<hbm>>
        tpu.wait_dma2 semaphore(%run_scoped3A : memref<!tpu.dma_semaphore, #tpu.memory_space<semaphore_mem>>) src(%arg13 : memref<64x128xf32, #tpu.memory_space<vmem>>) dst(%dma_wait3A_173 : memref<64x128xf32, #tpu.memory_space<hbm>>)
        tpu.yield
      }) : () -> ()
      %add3A_109 = arith.constant 2 : i32
      %add3A_110 = arith.addi %add3A_67, %add3A_109 : i32
      %lt3A = arith.constant 4 : i32
      %lt3A_111 = arith.cmpi slt, %add3A_110, %lt3A : i32
      %convert_element_type3A = arith.extui %lt3A_111 : i1 to i32
      %cond3A = arith.constant 0 : i32
      %cond3A_112 = arith.cmpi ne, %convert_element_type3A, %cond3A : i32
      scf.if %cond3A_112 {
        %add3A_166 = arith.constant 2 : i32
        %add3A_167 = arith.addi %add3A_67, %add3A_166 : i32
        %mul3A_168 = arith.constant 64 : i32
        %mul3A_169 = arith.muli %add3A_167, %mul3A_168 : i32
        %add3A_170 = arith.addi %mul3A_2, %mul3A_169 : i32
        %dma_start3A_171 = arith.constant 0 : i32
        %dma_start3A_172 = tpu.memref_slice %arg3[%add3A_170, %dma_start3A_171] : memref<8192x128xf32, #tpu.memory_space<hbm>> -> memref<64x128xf32, #tpu.memory_space<hbm>>
        %dma_start3A_173 = arith.constant 0 : i32
        %dma_start3A_174 = tpu.memref_slice %arg3[%add3A_170, %dma_start3A_173] : memref<8192x128xf32, #tpu.memory_space<hbm>> -> memref<64x128xf32, #tpu.memory_space<hbm>>
        tpu.enqueue_dma source(%dma_start3A_174 : memref<64x128xf32, #tpu.memory_space<hbm>>) target(%arg11 : memref<64x128xf32, #tpu.memory_space<vmem>>) target_semaphore(%arg14 : memref<!tpu.dma_semaphore, #tpu.memory_space<semaphore_mem>>)
        %mul3A_175 = arith.constant 2 : i32
        %mul3A_176 = arith.muli %add3A_167, %mul3A_175 : i32
        %add3A_177 = arith.constant 0 : i32
        %add3A_178 = arith.addi %mul3A_176, %add3A_177 : i32
        %dma_start3A_179 = arith.constant 0 : i32
        %dma_start3A_180 = arith.constant 0 : i32
        %dma_start3A_181 = tpu.memref_slice %arg9[%dma_start3A_179, %dma_start3A_180] : memref<256x128xf32, #tpu.memory_space<vmem>> -> memref<128x128xf32, #tpu.memory_space<vmem>>
        %dma_start3A_182 = arith.constant 0 : i32
        %dma_start3A_183 = tpu.memref_slice %arg7[%add3A_178, %dma_start3A_182] : memref<8x128xi32, #tpu.memory_space<vmem>> -> memref<1x128xi32, #tpu.memory_space<vmem>>
        %dma_start3A_184 = tpu.memref_squeeze %dma_start3A_183 : memref<1x128xi32, #tpu.memory_space<vmem>> -> memref<128xi32, #tpu.memory_space<vmem>>
        %dma_start3A_185 = arith.constant 0 : i32
        %dma_start3A_186 = arith.constant 0 : i32
        %dma_start3A_187 = tpu.memref_slice %arg2[%dma_start3A_185, %dma_start3A_186] : memref<8192x128xf32, #tpu.memory_space<hbm>> -> memref<8192x128xf32, #tpu.memory_space<hbm>>
        tpu.enqueue_indirect_dma source(%dma_start3A_187 : memref<8192x128xf32, #tpu.memory_space<hbm>>) target(%dma_start3A_181 : memref<128x128xf32, #tpu.memory_space<vmem>>) offsets(%dma_start3A_184 : memref<128xi32, #tpu.memory_space<vmem>>) semaphore(%arg14 : memref<!tpu.dma_semaphore, #tpu.memory_space<semaphore_mem>>)
        %mul3A_188 = arith.constant 2 : i32
        %mul3A_189 = arith.muli %add3A_167, %mul3A_188 : i32
        %add3A_190 = arith.constant 1 : i32
        %add3A_191 = arith.addi %mul3A_189, %add3A_190 : i32
        %dma_start3A_192 = arith.constant 128 : i32
        %dma_start3A_193 = arith.constant 0 : i32
        %dma_start3A_194 = tpu.memref_slice %arg9[%dma_start3A_192, %dma_start3A_193] : memref<256x128xf32, #tpu.memory_space<vmem>> -> memref<128x128xf32, #tpu.memory_space<vmem>>
        %dma_start3A_195 = arith.constant 0 : i32
        %dma_start3A_196 = tpu.memref_slice %arg7[%add3A_191, %dma_start3A_195] : memref<8x128xi32, #tpu.memory_space<vmem>> -> memref<1x128xi32, #tpu.memory_space<vmem>>
        %dma_start3A_197 = tpu.memref_squeeze %dma_start3A_196 : memref<1x128xi32, #tpu.memory_space<vmem>> -> memref<128xi32, #tpu.memory_space<vmem>>
        %dma_start3A_198 = arith.constant 0 : i32
        %dma_start3A_199 = arith.constant 0 : i32
        %dma_start3A_200 = tpu.memref_slice %arg2[%dma_start3A_198, %dma_start3A_199] : memref<8192x128xf32, #tpu.memory_space<hbm>> -> memref<8192x128xf32, #tpu.memory_space<hbm>>
        tpu.enqueue_indirect_dma source(%dma_start3A_200 : memref<8192x128xf32, #tpu.memory_space<hbm>>) target(%dma_start3A_194 : memref<128x128xf32, #tpu.memory_space<vmem>>) offsets(%dma_start3A_197 : memref<128xi32, #tpu.memory_space<vmem>>) semaphore(%arg14 : memref<!tpu.dma_semaphore, #tpu.memory_space<semaphore_mem>>)
      } else {
      }
      %mul3A_113 = arith.constant 2 : i32
      %mul3A_114 = arith.muli %mul3A_113, %scan3A_63 : i32
      %add3A_115 = arith.constant 1 : i32
      %add3A_116 = arith.addi %mul3A_114, %add3A_115 : i32
      %mul3A_117 = arith.constant 64 : i32
      %mul3A_118 = arith.muli %add3A_116, %mul3A_117 : i32
      %add3A_119 = arith.addi %mul3A_2, %mul3A_118 : i32
      %dma_wait3A_120 = arith.constant 0 : i32
      %dma_wait3A_121 = tpu.memref_slice %arg3[%add3A_119, %dma_wait3A_120] : memref<8192x128xf32, #tpu.memory_space<hbm>> -> memref<64x128xf32, #tpu.memory_space<hbm>>
      %dma_wait3A_122 = arith.constant 0 : i32
      %dma_wait3A_123 = tpu.memref_slice %arg3[%add3A_119, %dma_wait3A_122] : memref<8192x128xf32, #tpu.memory_space<hbm>> -> memref<64x128xf32, #tpu.memory_space<hbm>>
      tpu.wait_dma2 semaphore(%arg15 : memref<!tpu.dma_semaphore, #tpu.memory_space<semaphore_mem>>) src(%dma_wait3A_123 : memref<64x128xf32, #tpu.memory_space<hbm>>) dst(%arg12 : memref<64x128xf32, #tpu.memory_space<vmem>>)
      %mul3A_124 = arith.constant 2 : i32
      %mul3A_125 = arith.muli %add3A_116, %mul3A_124 : i32
      %add3A_126 = arith.constant 0 : i32
      %add3A_127 = arith.addi %mul3A_125, %add3A_126 : i32
      %dma_wait3A_128 = arith.constant 0 : i32
      %dma_wait3A_129 = arith.constant 0 : i32
      %dma_wait3A_130 = tpu.memref_slice %arg10[%dma_wait3A_128, %dma_wait3A_129] : memref<256x128xf32, #tpu.memory_space<vmem>> -> memref<128x128xf32, #tpu.memory_space<vmem>>
      %dma_wait3A_131 = arith.constant 0 : i32
      %dma_wait3A_132 = tpu.memref_slice %arg7[%add3A_127, %dma_wait3A_131] : memref<8x128xi32, #tpu.memory_space<vmem>> -> memref<1x128xi32, #tpu.memory_space<vmem>>
      %dma_wait3A_133 = tpu.memref_squeeze %dma_wait3A_132 : memref<1x128xi32, #tpu.memory_space<vmem>> -> memref<128xi32, #tpu.memory_space<vmem>>
      %dma_wait3A_134 = arith.constant 0 : i32
      %dma_wait3A_135 = arith.constant 0 : i32
      %dma_wait3A_136 = tpu.memref_slice %arg2[%dma_wait3A_134, %dma_wait3A_135] : memref<8192x128xf32, #tpu.memory_space<hbm>> -> memref<8192x128xf32, #tpu.memory_space<hbm>>
      tpu.wait_indirect_dma semaphore(%arg15 : memref<!tpu.dma_semaphore, #tpu.memory_space<semaphore_mem>>) src(%dma_wait3A_136 : memref<8192x128xf32, #tpu.memory_space<hbm>>) dst(%dma_wait3A_130 : memref<128x128xf32, #tpu.memory_space<vmem>>)
      %mul3A_137 = arith.constant 2 : i32
      %mul3A_138 = arith.muli %add3A_116, %mul3A_137 : i32
      %add3A_139 = arith.constant 1 : i32
      %add3A_140 = arith.addi %mul3A_138, %add3A_139 : i32
      %dma_wait3A_141 = arith.constant 128 : i32
      %dma_wait3A_142 = arith.constant 0 : i32
      %dma_wait3A_143 = tpu.memref_slice %arg10[%dma_wait3A_141, %dma_wait3A_142] : memref<256x128xf32, #tpu.memory_space<vmem>> -> memref<128x128xf32, #tpu.memory_space<vmem>>
      %dma_wait3A_144 = arith.constant 0 : i32
      %dma_wait3A_145 = tpu.memref_slice %arg7[%add3A_140, %dma_wait3A_144] : memref<8x128xi32, #tpu.memory_space<vmem>> -> memref<1x128xi32, #tpu.memory_space<vmem>>
      %dma_wait3A_146 = tpu.memref_squeeze %dma_wait3A_145 : memref<1x128xi32, #tpu.memory_space<vmem>> -> memref<128xi32, #tpu.memory_space<vmem>>
      %dma_wait3A_147 = arith.constant 0 : i32
      %dma_wait3A_148 = arith.constant 0 : i32
      %dma_wait3A_149 = tpu.memref_slice %arg2[%dma_wait3A_147, %dma_wait3A_148] : memref<8192x128xf32, #tpu.memory_space<hbm>> -> memref<8192x128xf32, #tpu.memory_space<hbm>>
      tpu.wait_indirect_dma semaphore(%arg15 : memref<!tpu.dma_semaphore, #tpu.memory_space<semaphore_mem>>) src(%dma_wait3A_149 : memref<8192x128xf32, #tpu.memory_space<hbm>>) dst(%dma_wait3A_143 : memref<128x128xf32, #tpu.memory_space<vmem>>)
      %scan3A_150 = arith.constant 0 : i32
      %scan3A_151 = arith.constant 0 : i32
      %scan3A_152 = arith.constant 64 : i32
      %scan3A_153 = arith.addi %scan3A_151, %scan3A_152 : i32
      %scan3A_154 = arith.constant 1 : i32
      scf.for %scan3A_166 = %scan3A_151 to %scan3A_153 step %scan3A_154  : i32 {
        %mul3A_167 = arith.constant 64 : i32
        %mul3A_168 = arith.muli %add3A_116, %mul3A_167 : i32
        %add3A_169 = arith.addi %mul3A_168, %scan3A_166 : i32
        %mul3A_170 = arith.constant 4 : i32
        %mul3A_171 = arith.muli %add3A_169, %mul3A_170 : i32
        %get3A = arith.index_cast %mul3A_171 : i32 to index
        %get3A_172 = tpu.vector_load %arg8[%get3A] {strides = array<i32>} : memref<1040xf32, #tpu.memory_space<vmem>>, vector<16xf32>,
        %get3A_173 = vector.shape_cast %get3A_172 : vector<16xf32> to vector<16xf32>
        %slice3A = vector.extract_strided_slice %get3A_173 {offsets = [0], sizes = [1], strides = [1]} : vector<16xf32> to vector<1xf32>
        %squeeze3A = vector.extract %slice3A[0] : f32 from vector<1xf32>
        %slice3A_174 = vector.extract_strided_slice %get3A_173 {offsets = [1], sizes = [1], strides = [1]} : vector<16xf32> to vector<1xf32>
        %squeeze3A_175 = vector.extract %slice3A_174[0] : f32 from vector<1xf32>
        %slice3A_176 = vector.extract_strided_slice %get3A_173 {offsets = [2], sizes = [1], strides = [1]} : vector<16xf32> to vector<1xf32>
        %squeeze3A_177 = vector.extract %slice3A_176[0] : f32 from vector<1xf32>
        %slice3A_178 = vector.extract_strided_slice %get3A_173 {offsets = [3], sizes = [1], strides = [1]} : vector<16xf32> to vector<1xf32>
        %squeeze3A_179 = vector.extract %slice3A_178[0] : f32 from vector<1xf32>
        %mul3A_180 = arith.constant 4 : i32
        %mul3A_181 = arith.muli %scan3A_166, %mul3A_180 : i32
        %get3A_182 = arith.index_cast %mul3A_181 : i32 to index
        %get3A_183 = arith.constant 0 : index
        %get3A_184 = tpu.vector_load %arg10[%get3A_182, %get3A_183] {strides = array<i32>} : memref<256x128xf32, #tpu.memory_space<vmem>>, vector<1x16xf32>,
        %get3A_185 = vector.shape_cast %get3A_184 : vector<1x16xf32> to vector<16xf32>
        %mul3A_186 = vector.broadcast %squeeze3A : f32 to vector<16xf32>
        %mul3A_187 = arith.mulf %mul3A_186, %get3A_185 : vector<16xf32>
        %add3A_188 = arith.constant 1 : i32
        %add3A_189 = arith.addi %mul3A_181, %add3A_188 : i32
        %get3A_190 = arith.index_cast %add3A_189 : i32 to index
        %get3A_191 = arith.constant 0 : index
        %get3A_192 = tpu.vector_load %arg10[%get3A_190, %get3A_191] {strides = array<i32>} : memref<256x128xf32, #tpu.memory_space<vmem>>, vector<1x16xf32>,
        %get3A_193 = vector.shape_cast %get3A_192 : vector<1x16xf32> to vector<16xf32>
        %mul3A_194 = vector.broadcast %squeeze3A_175 : f32 to vector<16xf32>
        %mul3A_195 = arith.mulf %mul3A_194, %get3A_193 : vector<16xf32>
        %add3A_196 = arith.addf %mul3A_187, %mul3A_195 : vector<16xf32>
        %add3A_197 = arith.constant 2 : i32
        %add3A_198 = arith.addi %mul3A_181, %add3A_197 : i32
        %get3A_199 = arith.index_cast %add3A_198 : i32 to index
        %get3A_200 = arith.constant 0 : index
        %get3A_201 = tpu.vector_load %arg10[%get3A_199, %get3A_200] {strides = array<i32>} : memref<256x128xf32, #tpu.memory_space<vmem>>, vector<1x16xf32>,
        %get3A_202 = vector.shape_cast %get3A_201 : vector<1x16xf32> to vector<16xf32>
        %mul3A_203 = vector.broadcast %squeeze3A_177 : f32 to vector<16xf32>
        %mul3A_204 = arith.mulf %mul3A_203, %get3A_202 : vector<16xf32>
        %add3A_205 = arith.addf %add3A_196, %mul3A_204 : vector<16xf32>
        %add3A_206 = arith.constant 3 : i32
        %add3A_207 = arith.addi %mul3A_181, %add3A_206 : i32
        %get3A_208 = arith.index_cast %add3A_207 : i32 to index
        %get3A_209 = arith.constant 0 : index
        %get3A_210 = tpu.vector_load %arg10[%get3A_208, %get3A_209] {strides = array<i32>} : memref<256x128xf32, #tpu.memory_space<vmem>>, vector<1x16xf32>,
        %get3A_211 = vector.shape_cast %get3A_210 : vector<1x16xf32> to vector<16xf32>
        %mul3A_212 = vector.broadcast %squeeze3A_179 : f32 to vector<16xf32>
        %mul3A_213 = arith.mulf %mul3A_212, %get3A_211 : vector<16xf32>
        %add3A_214 = arith.addf %add3A_205, %mul3A_213 : vector<16xf32>
        %get3A_215 = arith.index_cast %scan3A_166 : i32 to index
        %get3A_216 = arith.constant 0 : index
        %get3A_217 = tpu.vector_load %arg12[%get3A_215, %get3A_216] {strides = array<i32>} : memref<64x128xf32, #tpu.memory_space<vmem>>, vector<1x16xf32>,
        %get3A_218 = vector.shape_cast %get3A_217 : vector<1x16xf32> to vector<16xf32>
        %mul3A_219 = arith.mulf %add3A_214, %get3A_218 : vector<16xf32>
        %swap3A = arith.index_cast %scan3A_166 : i32 to index
        %swap3A_220 = arith.constant 0 : index
        %swap3A_221 = tpu.vector_load %arg13[%swap3A, %swap3A_220] {strides = array<i32>} : memref<64x128xf32, #tpu.memory_space<vmem>>, vector<1x16xf32>,
        %swap3A_222 = vector.shape_cast %swap3A_221 : vector<1x16xf32> to vector<16xf32>
        %swap3A_223 = vector.shape_cast %mul3A_219 : vector<16xf32> to vector<1x16xf32>
        tpu.vector_store %arg13[%swap3A, %swap3A_220], %swap3A_223 {strides = array<i32>} : memref<64x128xf32, #tpu.memory_space<vmem>>, vector<1x16xf32>,
        %get3A_224 = arith.index_cast %mul3A_181 : i32 to index
        %get3A_225 = arith.constant 16 : index
        %get3A_226 = tpu.vector_load %arg10[%get3A_224, %get3A_225] {strides = array<i32>} : memref<256x128xf32, #tpu.memory_space<vmem>>, vector<1x16xf32>,
        %get3A_227 = vector.shape_cast %get3A_226 : vector<1x16xf32> to vector<16xf32>
        %mul3A_228 = vector.broadcast %squeeze3A : f32 to vector<16xf32>
        %mul3A_229 = arith.mulf %mul3A_228, %get3A_227 : vector<16xf32>
        %add3A_230 = arith.constant 1 : i32
        %add3A_231 = arith.addi %mul3A_181, %add3A_230 : i32
        %get3A_232 = arith.index_cast %add3A_231 : i32 to index
        %get3A_233 = arith.constant 16 : index
        %get3A_234 = tpu.vector_load %arg10[%get3A_232, %get3A_233] {strides = array<i32>} : memref<256x128xf32, #tpu.memory_space<vmem>>, vector<1x16xf32>,
        %get3A_235 = vector.shape_cast %get3A_234 : vector<1x16xf32> to vector<16xf32>
        %mul3A_236 = vector.broadcast %squeeze3A_175 : f32 to vector<16xf32>
        %mul3A_237 = arith.mulf %mul3A_236, %get3A_235 : vector<16xf32>
        %add3A_238 = arith.addf %mul3A_229, %mul3A_237 : vector<16xf32>
        %add3A_239 = arith.constant 2 : i32
        %add3A_240 = arith.addi %mul3A_181, %add3A_239 : i32
        %get3A_241 = arith.index_cast %add3A_240 : i32 to index
        %get3A_242 = arith.constant 16 : index
        %get3A_243 = tpu.vector_load %arg10[%get3A_241, %get3A_242] {strides = array<i32>} : memref<256x128xf32, #tpu.memory_space<vmem>>, vector<1x16xf32>,
        %get3A_244 = vector.shape_cast %get3A_243 : vector<1x16xf32> to vector<16xf32>
        %mul3A_245 = vector.broadcast %squeeze3A_177 : f32 to vector<16xf32>
        %mul3A_246 = arith.mulf %mul3A_245, %get3A_244 : vector<16xf32>
        %add3A_247 = arith.addf %add3A_238, %mul3A_246 : vector<16xf32>
        %add3A_248 = arith.constant 3 : i32
        %add3A_249 = arith.addi %mul3A_181, %add3A_248 : i32
        %get3A_250 = arith.index_cast %add3A_249 : i32 to index
        %get3A_251 = arith.constant 16 : index
        %get3A_252 = tpu.vector_load %arg10[%get3A_250, %get3A_251] {strides = array<i32>} : memref<256x128xf32, #tpu.memory_space<vmem>>, vector<1x16xf32>,
        %get3A_253 = vector.shape_cast %get3A_252 : vector<1x16xf32> to vector<16xf32>
        %mul3A_254 = vector.broadcast %squeeze3A_179 : f32 to vector<16xf32>
        %mul3A_255 = arith.mulf %mul3A_254, %get3A_253 : vector<16xf32>
        %add3A_256 = arith.addf %add3A_247, %mul3A_255 : vector<16xf32>
        %get3A_257 = arith.index_cast %scan3A_166 : i32 to index
        %get3A_258 = arith.constant 16 : index
        %get3A_259 = tpu.vector_load %arg12[%get3A_257, %get3A_258] {strides = array<i32>} : memref<64x128xf32, #tpu.memory_space<vmem>>, vector<1x16xf32>,
        %get3A_260 = vector.shape_cast %get3A_259 : vector<1x16xf32> to vector<16xf32>
        %mul3A_261 = arith.mulf %add3A_256, %get3A_260 : vector<16xf32>
        %swap3A_262 = arith.index_cast %scan3A_166 : i32 to index
        %swap3A_263 = arith.constant 16 : index
        %swap3A_264 = tpu.vector_load %arg13[%swap3A_262, %swap3A_263] {strides = array<i32>} : memref<64x128xf32, #tpu.memory_space<vmem>>, vector<1x16xf32>,
        %swap3A_265 = vector.shape_cast %swap3A_264 : vector<1x16xf32> to vector<16xf32>
        %swap3A_266 = vector.shape_cast %mul3A_261 : vector<16xf32> to vector<1x16xf32>
        tpu.vector_store %arg13[%swap3A_262, %swap3A_263], %swap3A_266 {strides = array<i32>} : memref<64x128xf32, #tpu.memory_space<vmem>>, vector<1x16xf32>,
        %get3A_267 = arith.index_cast %mul3A_181 : i32 to index
        %get3A_268 = arith.constant 32 : index
        %get3A_269 = tpu.vector_load %arg10[%get3A_267, %get3A_268] {strides = array<i32>} : memref<256x128xf32, #tpu.memory_space<vmem>>, vector<1x16xf32>,
        %get3A_270 = vector.shape_cast %get3A_269 : vector<1x16xf32> to vector<16xf32>
        %mul3A_271 = vector.broadcast %squeeze3A : f32 to vector<16xf32>
        %mul3A_272 = arith.mulf %mul3A_271, %get3A_270 : vector<16xf32>
        %add3A_273 = arith.constant 1 : i32
        %add3A_274 = arith.addi %mul3A_181, %add3A_273 : i32
        %get3A_275 = arith.index_cast %add3A_274 : i32 to index
        %get3A_276 = arith.constant 32 : index
        %get3A_277 = tpu.vector_load %arg10[%get3A_275, %get3A_276] {strides = array<i32>} : memref<256x128xf32, #tpu.memory_space<vmem>>, vector<1x16xf32>,
        %get3A_278 = vector.shape_cast %get3A_277 : vector<1x16xf32> to vector<16xf32>
        %mul3A_279 = vector.broadcast %squeeze3A_175 : f32 to vector<16xf32>
        %mul3A_280 = arith.mulf %mul3A_279, %get3A_278 : vector<16xf32>
        %add3A_281 = arith.addf %mul3A_272, %mul3A_280 : vector<16xf32>
        %add3A_282 = arith.constant 2 : i32
        %add3A_283 = arith.addi %mul3A_181, %add3A_282 : i32
        %get3A_284 = arith.index_cast %add3A_283 : i32 to index
        %get3A_285 = arith.constant 32 : index
        %get3A_286 = tpu.vector_load %arg10[%get3A_284, %get3A_285] {strides = array<i32>} : memref<256x128xf32, #tpu.memory_space<vmem>>, vector<1x16xf32>,
        %get3A_287 = vector.shape_cast %get3A_286 : vector<1x16xf32> to vector<16xf32>
        %mul3A_288 = vector.broadcast %squeeze3A_177 : f32 to vector<16xf32>
        %mul3A_289 = arith.mulf %mul3A_288, %get3A_287 : vector<16xf32>
        %add3A_290 = arith.addf %add3A_281, %mul3A_289 : vector<16xf32>
        %add3A_291 = arith.constant 3 : i32
        %add3A_292 = arith.addi %mul3A_181, %add3A_291 : i32
        %get3A_293 = arith.index_cast %add3A_292 : i32 to index
        %get3A_294 = arith.constant 32 : index
        %get3A_295 = tpu.vector_load %arg10[%get3A_293, %get3A_294] {strides = array<i32>} : memref<256x128xf32, #tpu.memory_space<vmem>>, vector<1x16xf32>,
        %get3A_296 = vector.shape_cast %get3A_295 : vector<1x16xf32> to vector<16xf32>
        %mul3A_297 = vector.broadcast %squeeze3A_179 : f32 to vector<16xf32>
        %mul3A_298 = arith.mulf %mul3A_297, %get3A_296 : vector<16xf32>
        %add3A_299 = arith.addf %add3A_290, %mul3A_298 : vector<16xf32>
        %get3A_300 = arith.index_cast %scan3A_166 : i32 to index
        %get3A_301 = arith.constant 32 : index
        %get3A_302 = tpu.vector_load %arg12[%get3A_300, %get3A_301] {strides = array<i32>} : memref<64x128xf32, #tpu.memory_space<vmem>>, vector<1x16xf32>,
        %get3A_303 = vector.shape_cast %get3A_302 : vector<1x16xf32> to vector<16xf32>
        %mul3A_304 = arith.mulf %add3A_299, %get3A_303 : vector<16xf32>
        %swap3A_305 = arith.index_cast %scan3A_166 : i32 to index
        %swap3A_306 = arith.constant 32 : index
        %swap3A_307 = tpu.vector_load %arg13[%swap3A_305, %swap3A_306] {strides = array<i32>} : memref<64x128xf32, #tpu.memory_space<vmem>>, vector<1x16xf32>,
        %swap3A_308 = vector.shape_cast %swap3A_307 : vector<1x16xf32> to vector<16xf32>
        %swap3A_309 = vector.shape_cast %mul3A_304 : vector<16xf32> to vector<1x16xf32>
        tpu.vector_store %arg13[%swap3A_305, %swap3A_306], %swap3A_309 {strides = array<i32>} : memref<64x128xf32, #tpu.memory_space<vmem>>, vector<1x16xf32>,
        %get3A_310 = arith.index_cast %mul3A_181 : i32 to index
        %get3A_311 = arith.constant 48 : index
        %get3A_312 = tpu.vector_load %arg10[%get3A_310, %get3A_311] {strides = array<i32>} : memref<256x128xf32, #tpu.memory_space<vmem>>, vector<1x16xf32>,
        %get3A_313 = vector.shape_cast %get3A_312 : vector<1x16xf32> to vector<16xf32>
        %mul3A_314 = vector.broadcast %squeeze3A : f32 to vector<16xf32>
        %mul3A_315 = arith.mulf %mul3A_314, %get3A_313 : vector<16xf32>
        %add3A_316 = arith.constant 1 : i32
        %add3A_317 = arith.addi %mul3A_181, %add3A_316 : i32
        %get3A_318 = arith.index_cast %add3A_317 : i32 to index
        %get3A_319 = arith.constant 48 : index
        %get3A_320 = tpu.vector_load %arg10[%get3A_318, %get3A_319] {strides = array<i32>} : memref<256x128xf32, #tpu.memory_space<vmem>>, vector<1x16xf32>,
        %get3A_321 = vector.shape_cast %get3A_320 : vector<1x16xf32> to vector<16xf32>
        %mul3A_322 = vector.broadcast %squeeze3A_175 : f32 to vector<16xf32>
        %mul3A_323 = arith.mulf %mul3A_322, %get3A_321 : vector<16xf32>
        %add3A_324 = arith.addf %mul3A_315, %mul3A_323 : vector<16xf32>
        %add3A_325 = arith.constant 2 : i32
        %add3A_326 = arith.addi %mul3A_181, %add3A_325 : i32
        %get3A_327 = arith.index_cast %add3A_326 : i32 to index
        %get3A_328 = arith.constant 48 : index
        %get3A_329 = tpu.vector_load %arg10[%get3A_327, %get3A_328] {strides = array<i32>} : memref<256x128xf32, #tpu.memory_space<vmem>>, vector<1x16xf32>,
        %get3A_330 = vector.shape_cast %get3A_329 : vector<1x16xf32> to vector<16xf32>
        %mul3A_331 = vector.broadcast %squeeze3A_177 : f32 to vector<16xf32>
        %mul3A_332 = arith.mulf %mul3A_331, %get3A_330 : vector<16xf32>
        %add3A_333 = arith.addf %add3A_324, %mul3A_332 : vector<16xf32>
        %add3A_334 = arith.constant 3 : i32
        %add3A_335 = arith.addi %mul3A_181, %add3A_334 : i32
        %get3A_336 = arith.index_cast %add3A_335 : i32 to index
        %get3A_337 = arith.constant 48 : index
        %get3A_338 = tpu.vector_load %arg10[%get3A_336, %get3A_337] {strides = array<i32>} : memref<256x128xf32, #tpu.memory_space<vmem>>, vector<1x16xf32>,
        %get3A_339 = vector.shape_cast %get3A_338 : vector<1x16xf32> to vector<16xf32>
        %mul3A_340 = vector.broadcast %squeeze3A_179 : f32 to vector<16xf32>
        %mul3A_341 = arith.mulf %mul3A_340, %get3A_339 : vector<16xf32>
        %add3A_342 = arith.addf %add3A_333, %mul3A_341 : vector<16xf32>
        %get3A_343 = arith.index_cast %scan3A_166 : i32 to index
        %get3A_344 = arith.constant 48 : index
        %get3A_345 = tpu.vector_load %arg12[%get3A_343, %get3A_344] {strides = array<i32>} : memref<64x128xf32, #tpu.memory_space<vmem>>, vector<1x16xf32>,
        %get3A_346 = vector.shape_cast %get3A_345 : vector<1x16xf32> to vector<16xf32>
        %mul3A_347 = arith.mulf %add3A_342, %get3A_346 : vector<16xf32>
        %swap3A_348 = arith.index_cast %scan3A_166 : i32 to index
        %swap3A_349 = arith.constant 48 : index
        %swap3A_350 = tpu.vector_load %arg13[%swap3A_348, %swap3A_349] {strides = array<i32>} : memref<64x128xf32, #tpu.memory_space<vmem>>, vector<1x16xf32>,
        %swap3A_351 = vector.shape_cast %swap3A_350 : vector<1x16xf32> to vector<16xf32>
        %swap3A_352 = vector.shape_cast %mul3A_347 : vector<16xf32> to vector<1x16xf32>
        tpu.vector_store %arg13[%swap3A_348, %swap3A_349], %swap3A_352 {strides = array<i32>} : memref<64x128xf32, #tpu.memory_space<vmem>>, vector<1x16xf32>,
        %get3A_353 = arith.index_cast %mul3A_181 : i32 to index
        %get3A_354 = arith.constant 64 : index
        %get3A_355 = tpu.vector_load %arg10[%get3A_353, %get3A_354] {strides = array<i32>} : memref<256x128xf32, #tpu.memory_space<vmem>>, vector<1x16xf32>,
        %get3A_356 = vector.shape_cast %get3A_355 : vector<1x16xf32> to vector<16xf32>
        %mul3A_357 = vector.broadcast %squeeze3A : f32 to vector<16xf32>
        %mul3A_358 = arith.mulf %mul3A_357, %get3A_356 : vector<16xf32>
        %add3A_359 = arith.constant 1 : i32
        %add3A_360 = arith.addi %mul3A_181, %add3A_359 : i32
        %get3A_361 = arith.index_cast %add3A_360 : i32 to index
        %get3A_362 = arith.constant 64 : index
        %get3A_363 = tpu.vector_load %arg10[%get3A_361, %get3A_362] {strides = array<i32>} : memref<256x128xf32, #tpu.memory_space<vmem>>, vector<1x16xf32>,
        %get3A_364 = vector.shape_cast %get3A_363 : vector<1x16xf32> to vector<16xf32>
        %mul3A_365 = vector.broadcast %squeeze3A_175 : f32 to vector<16xf32>
        %mul3A_366 = arith.mulf %mul3A_365, %get3A_364 : vector<16xf32>
        %add3A_367 = arith.addf %mul3A_358, %mul3A_366 : vector<16xf32>
        %add3A_368 = arith.constant 2 : i32
        %add3A_369 = arith.addi %mul3A_181, %add3A_368 : i32
        %get3A_370 = arith.index_cast %add3A_369 : i32 to index
        %get3A_371 = arith.constant 64 : index
        %get3A_372 = tpu.vector_load %arg10[%get3A_370, %get3A_371] {strides = array<i32>} : memref<256x128xf32, #tpu.memory_space<vmem>>, vector<1x16xf32>,
        %get3A_373 = vector.shape_cast %get3A_372 : vector<1x16xf32> to vector<16xf32>
        %mul3A_374 = vector.broadcast %squeeze3A_177 : f32 to vector<16xf32>
        %mul3A_375 = arith.mulf %mul3A_374, %get3A_373 : vector<16xf32>
        %add3A_376 = arith.addf %add3A_367, %mul3A_375 : vector<16xf32>
        %add3A_377 = arith.constant 3 : i32
        %add3A_378 = arith.addi %mul3A_181, %add3A_377 : i32
        %get3A_379 = arith.index_cast %add3A_378 : i32 to index
        %get3A_380 = arith.constant 64 : index
        %get3A_381 = tpu.vector_load %arg10[%get3A_379, %get3A_380] {strides = array<i32>} : memref<256x128xf32, #tpu.memory_space<vmem>>, vector<1x16xf32>,
        %get3A_382 = vector.shape_cast %get3A_381 : vector<1x16xf32> to vector<16xf32>
        %mul3A_383 = vector.broadcast %squeeze3A_179 : f32 to vector<16xf32>
        %mul3A_384 = arith.mulf %mul3A_383, %get3A_382 : vector<16xf32>
        %add3A_385 = arith.addf %add3A_376, %mul3A_384 : vector<16xf32>
        %get3A_386 = arith.index_cast %scan3A_166 : i32 to index
        %get3A_387 = arith.constant 64 : index
        %get3A_388 = tpu.vector_load %arg12[%get3A_386, %get3A_387] {strides = array<i32>} : memref<64x128xf32, #tpu.memory_space<vmem>>, vector<1x16xf32>,
        %get3A_389 = vector.shape_cast %get3A_388 : vector<1x16xf32> to vector<16xf32>
        %mul3A_390 = arith.mulf %add3A_385, %get3A_389 : vector<16xf32>
        %swap3A_391 = arith.index_cast %scan3A_166 : i32 to index
        %swap3A_392 = arith.constant 64 : index
        %swap3A_393 = tpu.vector_load %arg13[%swap3A_391, %swap3A_392] {strides = array<i32>} : memref<64x128xf32, #tpu.memory_space<vmem>>, vector<1x16xf32>,
        %swap3A_394 = vector.shape_cast %swap3A_393 : vector<1x16xf32> to vector<16xf32>
        %swap3A_395 = vector.shape_cast %mul3A_390 : vector<16xf32> to vector<1x16xf32>
        tpu.vector_store %arg13[%swap3A_391, %swap3A_392], %swap3A_395 {strides = array<i32>} : memref<64x128xf32, #tpu.memory_space<vmem>>, vector<1x16xf32>,
        %get3A_396 = arith.index_cast %mul3A_181 : i32 to index
        %get3A_397 = arith.constant 80 : index
        %get3A_398 = tpu.vector_load %arg10[%get3A_396, %get3A_397] {strides = array<i32>} : memref<256x128xf32, #tpu.memory_space<vmem>>, vector<1x16xf32>,
        %get3A_399 = vector.shape_cast %get3A_398 : vector<1x16xf32> to vector<16xf32>
        %mul3A_400 = vector.broadcast %squeeze3A : f32 to vector<16xf32>
        %mul3A_401 = arith.mulf %mul3A_400, %get3A_399 : vector<16xf32>
        %add3A_402 = arith.constant 1 : i32
        %add3A_403 = arith.addi %mul3A_181, %add3A_402 : i32
        %get3A_404 = arith.index_cast %add3A_403 : i32 to index
        %get3A_405 = arith.constant 80 : index
        %get3A_406 = tpu.vector_load %arg10[%get3A_404, %get3A_405] {strides = array<i32>} : memref<256x128xf32, #tpu.memory_space<vmem>>, vector<1x16xf32>,
        %get3A_407 = vector.shape_cast %get3A_406 : vector<1x16xf32> to vector<16xf32>
        %mul3A_408 = vector.broadcast %squeeze3A_175 : f32 to vector<16xf32>
        %mul3A_409 = arith.mulf %mul3A_408, %get3A_407 : vector<16xf32>
        %add3A_410 = arith.addf %mul3A_401, %mul3A_409 : vector<16xf32>
        %add3A_411 = arith.constant 2 : i32
        %add3A_412 = arith.addi %mul3A_181, %add3A_411 : i32
        %get3A_413 = arith.index_cast %add3A_412 : i32 to index
        %get3A_414 = arith.constant 80 : index
        %get3A_415 = tpu.vector_load %arg10[%get3A_413, %get3A_414] {strides = array<i32>} : memref<256x128xf32, #tpu.memory_space<vmem>>, vector<1x16xf32>,
        %get3A_416 = vector.shape_cast %get3A_415 : vector<1x16xf32> to vector<16xf32>
        %mul3A_417 = vector.broadcast %squeeze3A_177 : f32 to vector<16xf32>
        %mul3A_418 = arith.mulf %mul3A_417, %get3A_416 : vector<16xf32>
        %add3A_419 = arith.addf %add3A_410, %mul3A_418 : vector<16xf32>
        %add3A_420 = arith.constant 3 : i32
        %add3A_421 = arith.addi %mul3A_181, %add3A_420 : i32
        %get3A_422 = arith.index_cast %add3A_421 : i32 to index
        %get3A_423 = arith.constant 80 : index
        %get3A_424 = tpu.vector_load %arg10[%get3A_422, %get3A_423] {strides = array<i32>} : memref<256x128xf32, #tpu.memory_space<vmem>>, vector<1x16xf32>,
        %get3A_425 = vector.shape_cast %get3A_424 : vector<1x16xf32> to vector<16xf32>
        %mul3A_426 = vector.broadcast %squeeze3A_179 : f32 to vector<16xf32>
        %mul3A_427 = arith.mulf %mul3A_426, %get3A_425 : vector<16xf32>
        %add3A_428 = arith.addf %add3A_419, %mul3A_427 : vector<16xf32>
        %get3A_429 = arith.index_cast %scan3A_166 : i32 to index
        %get3A_430 = arith.constant 80 : index
        %get3A_431 = tpu.vector_load %arg12[%get3A_429, %get3A_430] {strides = array<i32>} : memref<64x128xf32, #tpu.memory_space<vmem>>, vector<1x16xf32>,
        %get3A_432 = vector.shape_cast %get3A_431 : vector<1x16xf32> to vector<16xf32>
        %mul3A_433 = arith.mulf %add3A_428, %get3A_432 : vector<16xf32>
        %swap3A_434 = arith.index_cast %scan3A_166 : i32 to index
        %swap3A_435 = arith.constant 80 : index
        %swap3A_436 = tpu.vector_load %arg13[%swap3A_434, %swap3A_435] {strides = array<i32>} : memref<64x128xf32, #tpu.memory_space<vmem>>, vector<1x16xf32>,
        %swap3A_437 = vector.shape_cast %swap3A_436 : vector<1x16xf32> to vector<16xf32>
        %swap3A_438 = vector.shape_cast %mul3A_433 : vector<16xf32> to vector<1x16xf32>
        tpu.vector_store %arg13[%swap3A_434, %swap3A_435], %swap3A_438 {strides = array<i32>} : memref<64x128xf32, #tpu.memory_space<vmem>>, vector<1x16xf32>,
      }
      %scan3A_155 = arith.constant 64 : i32
      %mul3A_156 = arith.constant 64 : i32
      %mul3A_157 = arith.muli %add3A_116, %mul3A_156 : i32
      %add3A_158 = arith.addi %mul3A_2, %mul3A_157 : i32
      "tpu.region"() ({
        %run_scoped3A = tpu.sem_alloc : memref<!tpu.dma_semaphore, #tpu.memory_space<semaphore_mem>>
        %dma_start3A_166 = arith.constant 0 : i32
        %dma_start3A_167 = tpu.memref_slice %arg6[%add3A_158, %dma_start3A_166] : memref<8192x128xf32, #tpu.memory_space<hbm>> -> memref<64x128xf32, #tpu.memory_space<hbm>>
        %dma_start3A_168 = arith.constant 0 : i32
        %dma_start3A_169 = tpu.memref_slice %arg6[%add3A_158, %dma_start3A_168] : memref<8192x128xf32, #tpu.memory_space<hbm>> -> memref<64x128xf32, #tpu.memory_space<hbm>>
        tpu.enqueue_dma source(%arg13 : memref<64x128xf32, #tpu.memory_space<vmem>>) target(%dma_start3A_169 : memref<64x128xf32, #tpu.memory_space<hbm>>) target_semaphore(%run_scoped3A : memref<!tpu.dma_semaphore, #tpu.memory_space<semaphore_mem>>)
        %dma_wait3A_170 = arith.constant 0 : i32
        %dma_wait3A_171 = tpu.memref_slice %arg6[%add3A_158, %dma_wait3A_170] : memref<8192x128xf32, #tpu.memory_space<hbm>> -> memref<64x128xf32, #tpu.memory_space<hbm>>
        %dma_wait3A_172 = arith.constant 0 : i32
        %dma_wait3A_173 = tpu.memref_slice %arg6[%add3A_158, %dma_wait3A_172] : memref<8192x128xf32, #tpu.memory_space<hbm>> -> memref<64x128xf32, #tpu.memory_space<hbm>>
        tpu.wait_dma2 semaphore(%run_scoped3A : memref<!tpu.dma_semaphore, #tpu.memory_space<semaphore_mem>>) src(%arg13 : memref<64x128xf32, #tpu.memory_space<vmem>>) dst(%dma_wait3A_173 : memref<64x128xf32, #tpu.memory_space<hbm>>)
        tpu.yield
      }) : () -> ()
      %add3A_159 = arith.constant 2 : i32
      %add3A_160 = arith.addi %add3A_116, %add3A_159 : i32
      %lt3A_161 = arith.constant 4 : i32
      %lt3A_162 = arith.cmpi slt, %add3A_160, %lt3A_161 : i32
      %convert_element_type3A_163 = arith.extui %lt3A_162 : i1 to i32
      %cond3A_164 = arith.constant 0 : i32
      %cond3A_165 = arith.cmpi ne, %convert_element_type3A_163, %cond3A_164 : i32
      scf.if %cond3A_165 {
        %add3A_166 = arith.constant 2 : i32
        %add3A_167 = arith.addi %add3A_116, %add3A_166 : i32
        %mul3A_168 = arith.constant 64 : i32
        %mul3A_169 = arith.muli %add3A_167, %mul3A_168 : i32
        %add3A_170 = arith.addi %mul3A_2, %mul3A_169 : i32
        %dma_start3A_171 = arith.constant 0 : i32
        %dma_start3A_172 = tpu.memref_slice %arg3[%add3A_170, %dma_start3A_171] : memref<8192x128xf32, #tpu.memory_space<hbm>> -> memref<64x128xf32, #tpu.memory_space<hbm>>
        %dma_start3A_173 = arith.constant 0 : i32
        %dma_start3A_174 = tpu.memref_slice %arg3[%add3A_170, %dma_start3A_173] : memref<8192x128xf32, #tpu.memory_space<hbm>> -> memref<64x128xf32, #tpu.memory_space<hbm>>
        tpu.enqueue_dma source(%dma_start3A_174 : memref<64x128xf32, #tpu.memory_space<hbm>>) target(%arg12 : memref<64x128xf32, #tpu.memory_space<vmem>>) target_semaphore(%arg15 : memref<!tpu.dma_semaphore, #tpu.memory_space<semaphore_mem>>)
        %mul3A_175 = arith.constant 2 : i32
        %mul3A_176 = arith.muli %add3A_167, %mul3A_175 : i32
        %add3A_177 = arith.constant 0 : i32
        %add3A_178 = arith.addi %mul3A_176, %add3A_177 : i32
        %dma_start3A_179 = arith.constant 0 : i32
        %dma_start3A_180 = arith.constant 0 : i32
        %dma_start3A_181 = tpu.memref_slice %arg10[%dma_start3A_179, %dma_start3A_180] : memref<256x128xf32, #tpu.memory_space<vmem>> -> memref<128x128xf32, #tpu.memory_space<vmem>>
        %dma_start3A_182 = arith.constant 0 : i32
        %dma_start3A_183 = tpu.memref_slice %arg7[%add3A_178, %dma_start3A_182] : memref<8x128xi32, #tpu.memory_space<vmem>> -> memref<1x128xi32, #tpu.memory_space<vmem>>
        %dma_start3A_184 = tpu.memref_squeeze %dma_start3A_183 : memref<1x128xi32, #tpu.memory_space<vmem>> -> memref<128xi32, #tpu.memory_space<vmem>>
        %dma_start3A_185 = arith.constant 0 : i32
        %dma_start3A_186 = arith.constant 0 : i32
        %dma_start3A_187 = tpu.memref_slice %arg2[%dma_start3A_185, %dma_start3A_186] : memref<8192x128xf32, #tpu.memory_space<hbm>> -> memref<8192x128xf32, #tpu.memory_space<hbm>>
        tpu.enqueue_indirect_dma source(%dma_start3A_187 : memref<8192x128xf32, #tpu.memory_space<hbm>>) target(%dma_start3A_181 : memref<128x128xf32, #tpu.memory_space<vmem>>) offsets(%dma_start3A_184 : memref<128xi32, #tpu.memory_space<vmem>>) semaphore(%arg15 : memref<!tpu.dma_semaphore, #tpu.memory_space<semaphore_mem>>)
        %mul3A_188 = arith.constant 2 : i32
        %mul3A_189 = arith.muli %add3A_167, %mul3A_188 : i32
        %add3A_190 = arith.constant 1 : i32
        %add3A_191 = arith.addi %mul3A_189, %add3A_190 : i32
        %dma_start3A_192 = arith.constant 128 : i32
        %dma_start3A_193 = arith.constant 0 : i32
        %dma_start3A_194 = tpu.memref_slice %arg10[%dma_start3A_192, %dma_start3A_193] : memref<256x128xf32, #tpu.memory_space<vmem>> -> memref<128x128xf32, #tpu.memory_space<vmem>>
        %dma_start3A_195 = arith.constant 0 : i32
        %dma_start3A_196 = tpu.memref_slice %arg7[%add3A_191, %dma_start3A_195] : memref<8x128xi32, #tpu.memory_space<vmem>> -> memref<1x128xi32, #tpu.memory_space<vmem>>
        %dma_start3A_197 = tpu.memref_squeeze %dma_start3A_196 : memref<1x128xi32, #tpu.memory_space<vmem>> -> memref<128xi32, #tpu.memory_space<vmem>>
        %dma_start3A_198 = arith.constant 0 : i32
        %dma_start3A_199 = arith.constant 0 : i32
        %dma_start3A_200 = tpu.memref_slice %arg2[%dma_start3A_198, %dma_start3A_199] : memref<8192x128xf32, #tpu.memory_space<hbm>> -> memref<8192x128xf32, #tpu.memory_space<hbm>>
        tpu.enqueue_indirect_dma source(%dma_start3A_200 : memref<8192x128xf32, #tpu.memory_space<hbm>>) target(%dma_start3A_194 : memref<128x128xf32, #tpu.memory_space<vmem>>) offsets(%dma_start3A_197 : memref<128xi32, #tpu.memory_space<vmem>>) semaphore(%arg15 : memref<!tpu.dma_semaphore, #tpu.memory_space<semaphore_mem>>)
      } else {
      }
    }
    %scan3A_62 = arith.constant 2 : i32
    return
  }
}

#map = affine_map<(d0, d1) -> (0, 0)>
#map1 = affine_map<(d0, d1) -> (0)>
module attributes {stable_mosaic.version = 14 : i64} {
  func.func @sc_k(%arg0: i32, %arg1: i32, %arg2: memref<8192x128xf32, #tpu.memory_space<hbm>>, %arg3: memref<8192x128xf32, #tpu.memory_space<hbm>>, %arg4: memref<32768xf32, #tpu.memory_space<hbm>>, %arg5: memref<256x128xi32, #tpu.memory_space<hbm>>, %arg6: memref<8192x128xf32, #tpu.memory_space<hbm>>, %arg7: memref<8x128xi32, #tpu.memory_space<vmem>>, %arg8: memref<1040xf32, #tpu.memory_space<vmem>>, %arg9: memref<256x128xf32, #tpu.memory_space<vmem>>, %arg10: memref<256x128xf32, #tpu.memory_space<vmem>>, %arg11: memref<64x128xf32, #tpu.memory_space<vmem>>, %arg12: memref<64x128xf32, #tpu.memory_space<vmem>>, %arg13: memref<64x128xf32, #tpu.memory_space<vmem>>, %arg14: memref<!tpu.dma_semaphore, #tpu.memory_space<semaphore_mem>>, %arg15: memref<!tpu.dma_semaphore, #tpu.memory_space<semaphore_mem>>) attributes {dimension_semantics = [#tpu.dimension_semantics<core_parallel>, #tpu.dimension_semantics<subcore_parallel>], iteration_bounds = array<i64: 2, 16>, scalar_prefetch = 0 : i64, scratch_operands = 9 : i64, tpu.core_type = #tpu.core_type<sc_vector_subcore>, window_params = [{transform_indices = #map}, {transform_indices = #map}, {transform_indices = #map1}, {transform_indices = #map}, {transform_indices = #map}]} {
    %mul3A = arith.constant 2 : i32
    %mul3A_0 = arith.muli %arg1, %mul3A : i32
    %add3A = arith.addi %mul3A_0, %arg0 : i32
    %mul3A_1 = arith.constant 256 : i32
    %mul3A_2 = arith.muli %add3A, %mul3A_1 : i32
    %mul3A_3 = arith.constant 8 : i32
    %mul3A_4 = arith.muli %add3A, %mul3A_3 : i32
    "tpu.region"() ({
      %run_scoped3A = tpu.sem_alloc : memref<!tpu.dma_semaphore, #tpu.memory_space<semaphore_mem>>
      %dma_start3A_63 = arith.constant 0 : i32
      %dma_start3A_64 = tpu.memref_slice %arg5[%mul3A_4, %dma_start3A_63] : memref<256x128xi32, #tpu.memory_space<hbm>> -> memref<8x128xi32, #tpu.memory_space<hbm>>
      %dma_start3A_65 = arith.constant 0 : i32
      %dma_start3A_66 = tpu.memref_slice %arg5[%mul3A_4, %dma_start3A_65] : memref<256x128xi32, #tpu.memory_space<hbm>> -> memref<8x128xi32, #tpu.memory_space<hbm>>
      tpu.enqueue_dma source(%dma_start3A_66 : memref<8x128xi32, #tpu.memory_space<hbm>>) target(%arg7 : memref<8x128xi32, #tpu.memory_space<vmem>>) target_semaphore(%run_scoped3A : memref<!tpu.dma_semaphore, #tpu.memory_space<semaphore_mem>>)
      %dma_wait3A = arith.constant 0 : i32
      %dma_wait3A_67 = tpu.memref_slice %arg5[%mul3A_4, %dma_wait3A] : memref<256x128xi32, #tpu.memory_space<hbm>> -> memref<8x128xi32, #tpu.memory_space<hbm>>
      %dma_wait3A_68 = arith.constant 0 : i32
      %dma_wait3A_69 = tpu.memref_slice %arg5[%mul3A_4, %dma_wait3A_68] : memref<256x128xi32, #tpu.memory_space<hbm>> -> memref<8x128xi32, #tpu.memory_space<hbm>>
      tpu.wait_dma2 semaphore(%run_scoped3A : memref<!tpu.dma_semaphore, #tpu.memory_space<semaphore_mem>>) src(%dma_wait3A_69 : memref<8x128xi32, #tpu.memory_space<hbm>>) dst(%arg7 : memref<8x128xi32, #tpu.memory_space<vmem>>)
      tpu.yield
    }) : () -> ()
    %mul3A_5 = arith.constant 1024 : i32
    %mul3A_6 = arith.muli %add3A, %mul3A_5 : i32
    "tpu.region"() ({
      %run_scoped3A = tpu.sem_alloc : memref<!tpu.dma_semaphore, #tpu.memory_space<semaphore_mem>>
      %dma_start3A_63 = arith.constant 0 : i32
      %dma_start3A_64 = tpu.memref_slice %arg8[%dma_start3A_63] : memref<1040xf32, #tpu.memory_space<vmem>> -> memref<1024xf32, #tpu.memory_space<vmem>>
      %dma_start3A_65 = tpu.memref_slice %arg4[%mul3A_6] : memref<32768xf32, #tpu.memory_space<hbm>> -> memref<1024xf32, #tpu.memory_space<hbm>>
      %dma_start3A_66 = arith.constant 0 : i32
      %dma_start3A_67 = tpu.memref_slice %arg8[%dma_start3A_66] : memref<1040xf32, #tpu.memory_space<vmem>> -> memref<1024xf32, #tpu.memory_space<vmem>>
      %dma_start3A_68 = tpu.memref_slice %arg4[%mul3A_6] : memref<32768xf32, #tpu.memory_space<hbm>> -> memref<1024xf32, #tpu.memory_space<hbm>>
      tpu.enqueue_dma source(%dma_start3A_68 : memref<1024xf32, #tpu.memory_space<hbm>>) target(%dma_start3A_67 : memref<1024xf32, #tpu.memory_space<vmem>>) target_semaphore(%run_scoped3A : memref<!tpu.dma_semaphore, #tpu.memory_space<semaphore_mem>>)
      %dma_wait3A = arith.constant 0 : i32
      %dma_wait3A_69 = tpu.memref_slice %arg8[%dma_wait3A] : memref<1040xf32, #tpu.memory_space<vmem>> -> memref<1024xf32, #tpu.memory_space<vmem>>
      %dma_wait3A_70 = tpu.memref_slice %arg4[%mul3A_6] : memref<32768xf32, #tpu.memory_space<hbm>> -> memref<1024xf32, #tpu.memory_space<hbm>>
      %dma_wait3A_71 = arith.constant 0 : i32
      %dma_wait3A_72 = tpu.memref_slice %arg8[%dma_wait3A_71] : memref<1040xf32, #tpu.memory_space<vmem>> -> memref<1024xf32, #tpu.memory_space<vmem>>
      %dma_wait3A_73 = tpu.memref_slice %arg4[%mul3A_6] : memref<32768xf32, #tpu.memory_space<hbm>> -> memref<1024xf32, #tpu.memory_space<hbm>>
      tpu.wait_dma2 semaphore(%run_scoped3A : memref<!tpu.dma_semaphore, #tpu.memory_space<semaphore_mem>>) src(%dma_wait3A_73 : memref<1024xf32, #tpu.memory_space<hbm>>) dst(%dma_wait3A_72 : memref<1024xf32, #tpu.memory_space<vmem>>)
      tpu.yield
    }) : () -> ()
    %add3A_7 = arith.constant 0 : i32
    %add3A_8 = arith.addi %mul3A_2, %add3A_7 : i32
    %dma_start3A = arith.constant 0 : i32
    %dma_start3A_9 = tpu.memref_slice %arg3[%add3A_8, %dma_start3A] : memref<8192x128xf32, #tpu.memory_space<hbm>> -> memref<64x128xf32, #tpu.memory_space<hbm>>
    %dma_start3A_10 = arith.constant 0 : i32
    %dma_start3A_11 = tpu.memref_slice %arg3[%add3A_8, %dma_start3A_10] : memref<8192x128xf32, #tpu.memory_space<hbm>> -> memref<64x128xf32, #tpu.memory_space<hbm>>
    tpu.enqueue_dma source(%dma_start3A_11 : memref<64x128xf32, #tpu.memory_space<hbm>>) target(%arg11 : memref<64x128xf32, #tpu.memory_space<vmem>>) target_semaphore(%arg14 : memref<!tpu.dma_semaphore, #tpu.memory_space<semaphore_mem>>)
    %dma_start3A_12 = arith.constant 0 : i32
    %dma_start3A_13 = arith.constant 0 : i32
    %dma_start3A_14 = arith.constant 0 : i32
    %dma_start3A_15 = tpu.memref_slice %arg9[%dma_start3A_13, %dma_start3A_14] : memref<256x128xf32, #tpu.memory_space<vmem>> -> memref<128x128xf32, #tpu.memory_space<vmem>>
    %dma_start3A_16 = arith.constant 0 : i32
    %dma_start3A_17 = tpu.memref_slice %arg7[%dma_start3A_12, %dma_start3A_16] : memref<8x128xi32, #tpu.memory_space<vmem>> -> memref<1x128xi32, #tpu.memory_space<vmem>>
    %dma_start3A_18 = tpu.memref_squeeze %dma_start3A_17 : memref<1x128xi32, #tpu.memory_space<vmem>> -> memref<128xi32, #tpu.memory_space<vmem>>
    %dma_start3A_19 = arith.constant 0 : i32
    %dma_start3A_20 = arith.constant 0 : i32
    %dma_start3A_21 = tpu.memref_slice %arg2[%dma_start3A_19, %dma_start3A_20] : memref<8192x128xf32, #tpu.memory_space<hbm>> -> memref<8192x128xf32, #tpu.memory_space<hbm>>
    tpu.enqueue_indirect_dma source(%dma_start3A_21 : memref<8192x128xf32, #tpu.memory_space<hbm>>) target(%dma_start3A_15 : memref<128x128xf32, #tpu.memory_space<vmem>>) offsets(%dma_start3A_18 : memref<128xi32, #tpu.memory_space<vmem>>) semaphore(%arg14 : memref<!tpu.dma_semaphore, #tpu.memory_space<semaphore_mem>>)
    %dma_start3A_22 = arith.constant 1 : i32
    %dma_start3A_23 = arith.constant 128 : i32
    %dma_start3A_24 = arith.constant 0 : i32
    %dma_start3A_25 = tpu.memref_slice %arg9[%dma_start3A_23, %dma_start3A_24] : memref<256x128xf32, #tpu.memory_space<vmem>> -> memref<128x128xf32, #tpu.memory_space<vmem>>
    %dma_start3A_26 = arith.constant 0 : i32
    %dma_start3A_27 = tpu.memref_slice %arg7[%dma_start3A_22, %dma_start3A_26] : memref<8x128xi32, #tpu.memory_space<vmem>> -> memref<1x128xi32, #tpu.memory_space<vmem>>
    %dma_start3A_28 = tpu.memref_squeeze %dma_start3A_27 : memref<1x128xi32, #tpu.memory_space<vmem>> -> memref<128xi32, #tpu.memory_space<vmem>>
    %dma_start3A_29 = arith.constant 0 : i32
    %dma_start3A_30 = arith.constant 0 : i32
    %dma_start3A_31 = tpu.memref_slice %arg2[%dma_start3A_29, %dma_start3A_30] : memref<8192x128xf32, #tpu.memory_space<hbm>> -> memref<8192x128xf32, #tpu.memory_space<hbm>>
    tpu.enqueue_indirect_dma source(%dma_start3A_31 : memref<8192x128xf32, #tpu.memory_space<hbm>>) target(%dma_start3A_25 : memref<128x128xf32, #tpu.memory_space<vmem>>) offsets(%dma_start3A_28 : memref<128xi32, #tpu.memory_space<vmem>>) semaphore(%arg14 : memref<!tpu.dma_semaphore, #tpu.memory_space<semaphore_mem>>)
    %add3A_32 = arith.constant 64 : i32
    %add3A_33 = arith.addi %mul3A_2, %add3A_32 : i32
    %dma_start3A_34 = arith.constant 0 : i32
    %dma_start3A_35 = tpu.memref_slice %arg3[%add3A_33, %dma_start3A_34] : memref<8192x128xf32, #tpu.memory_space<hbm>> -> memref<64x128xf32, #tpu.memory_space<hbm>>
    %dma_start3A_36 = arith.constant 0 : i32
    %dma_start3A_37 = tpu.memref_slice %arg3[%add3A_33, %dma_start3A_36] : memref<8192x128xf32, #tpu.memory_space<hbm>> -> memref<64x128xf32, #tpu.memory_space<hbm>>
    tpu.enqueue_dma source(%dma_start3A_37 : memref<64x128xf32, #tpu.memory_space<hbm>>) target(%arg12 : memref<64x128xf32, #tpu.memory_space<vmem>>) target_semaphore(%arg15 : memref<!tpu.dma_semaphore, #tpu.memory_space<semaphore_mem>>)
    %dma_start3A_38 = arith.constant 2 : i32
    %dma_start3A_39 = arith.constant 0 : i32
    %dma_start3A_40 = arith.constant 0 : i32
    %dma_start3A_41 = tpu.memref_slice %arg10[%dma_start3A_39, %dma_start3A_40] : memref<256x128xf32, #tpu.memory_space<vmem>> -> memref<128x128xf32, #tpu.memory_space<vmem>>
    %dma_start3A_42 = arith.constant 0 : i32
    %dma_start3A_43 = tpu.memref_slice %arg7[%dma_start3A_38, %dma_start3A_42] : memref<8x128xi32, #tpu.memory_space<vmem>> -> memref<1x128xi32, #tpu.memory_space<vmem>>
    %dma_start3A_44 = tpu.memref_squeeze %dma_start3A_43 : memref<1x128xi32, #tpu.memory_space<vmem>> -> memref<128xi32, #tpu.memory_space<vmem>>
    %dma_start3A_45 = arith.constant 0 : i32
    %dma_start3A_46 = arith.constant 0 : i32
    %dma_start3A_47 = tpu.memref_slice %arg2[%dma_start3A_45, %dma_start3A_46] : memref<8192x128xf32, #tpu.memory_space<hbm>> -> memref<8192x128xf32, #tpu.memory_space<hbm>>
    tpu.enqueue_indirect_dma source(%dma_start3A_47 : memref<8192x128xf32, #tpu.memory_space<hbm>>) target(%dma_start3A_41 : memref<128x128xf32, #tpu.memory_space<vmem>>) offsets(%dma_start3A_44 : memref<128xi32, #tpu.memory_space<vmem>>) semaphore(%arg15 : memref<!tpu.dma_semaphore, #tpu.memory_space<semaphore_mem>>)
    %dma_start3A_48 = arith.constant 3 : i32
    %dma_start3A_49 = arith.constant 128 : i32
    %dma_start3A_50 = arith.constant 0 : i32
    %dma_start3A_51 = tpu.memref_slice %arg10[%dma_start3A_49, %dma_start3A_50] : memref<256x128xf32, #tpu.memory_space<vmem>> -> memref<128x128xf32, #tpu.memory_space<vmem>>
    %dma_start3A_52 = arith.constant 0 : i32
    %dma_start3A_53 = tpu.memref_slice %arg7[%dma_start3A_48, %dma_start3A_52] : memref<8x128xi32, #tpu.memory_space<vmem>> -> memref<1x128xi32, #tpu.memory_space<vmem>>
    %dma_start3A_54 = tpu.memref_squeeze %dma_start3A_53 : memref<1x128xi32, #tpu.memory_space<vmem>> -> memref<128xi32, #tpu.memory_space<vmem>>
    %dma_start3A_55 = arith.constant 0 : i32
    %dma_start3A_56 = arith.constant 0 : i32
    %dma_start3A_57 = tpu.memref_slice %arg2[%dma_start3A_55, %dma_start3A_56] : memref<8192x128xf32, #tpu.memory_space<hbm>> -> memref<8192x128xf32, #tpu.memory_space<hbm>>
    tpu.enqueue_indirect_dma source(%dma_start3A_57 : memref<8192x128xf32, #tpu.memory_space<hbm>>) target(%dma_start3A_51 : memref<128x128xf32, #tpu.memory_space<vmem>>) offsets(%dma_start3A_54 : memref<128xi32, #tpu.memory_space<vmem>>) semaphore(%arg15 : memref<!tpu.dma_semaphore, #tpu.memory_space<semaphore_mem>>)
    %scan3A = arith.constant 0 : i32
    %scan3A_58 = arith.constant 0 : i32
    %scan3A_59 = arith.constant 2 : i32
    %scan3A_60 = arith.addi %scan3A_58, %scan3A_59 : i32
    %scan3A_61 = arith.constant 1 : i32
    scf.for %scan3A_63 = %scan3A_58 to %scan3A_60 step %scan3A_61  : i32 {
      %mul3A_64 = arith.constant 2 : i32
      %mul3A_65 = arith.muli %mul3A_64, %scan3A_63 : i32
      %add3A_66 = arith.constant 0 : i32
      %add3A_67 = arith.addi %mul3A_65, %add3A_66 : i32
      %mul3A_68 = arith.constant 64 : i32
      %mul3A_69 = arith.muli %add3A_67, %mul3A_68 : i32
      %add3A_70 = arith.addi %mul3A_2, %mul3A_69 : i32
      %dma_wait3A = arith.constant 0 : i32
      %dma_wait3A_71 = tpu.memref_slice %arg3[%add3A_70, %dma_wait3A] : memref<8192x128xf32, #tpu.memory_space<hbm>> -> memref<64x128xf32, #tpu.memory_space<hbm>>
      %dma_wait3A_72 = arith.constant 0 : i32
      %dma_wait3A_73 = tpu.memref_slice %arg3[%add3A_70, %dma_wait3A_72] : memref<8192x128xf32, #tpu.memory_space<hbm>> -> memref<64x128xf32, #tpu.memory_space<hbm>>
      tpu.wait_dma2 semaphore(%arg14 : memref<!tpu.dma_semaphore, #tpu.memory_space<semaphore_mem>>) src(%dma_wait3A_73 : memref<64x128xf32, #tpu.memory_space<hbm>>) dst(%arg11 : memref<64x128xf32, #tpu.memory_space<vmem>>)
      %mul3A_74 = arith.constant 2 : i32
      %mul3A_75 = arith.muli %add3A_67, %mul3A_74 : i32
      %add3A_76 = arith.constant 0 : i32
      %add3A_77 = arith.addi %mul3A_75, %add3A_76 : i32
      %dma_wait3A_78 = arith.constant 0 : i32
      %dma_wait3A_79 = arith.constant 0 : i32
      %dma_wait3A_80 = tpu.memref_slice %arg9[%dma_wait3A_78, %dma_wait3A_79] : memref<256x128xf32, #tpu.memory_space<vmem>> -> memref<128x128xf32, #tpu.memory_space<vmem>>
      %dma_wait3A_81 = arith.constant 0 : i32
      %dma_wait3A_82 = tpu.memref_slice %arg7[%add3A_77, %dma_wait3A_81] : memref<8x128xi32, #tpu.memory_space<vmem>> -> memref<1x128xi32, #tpu.memory_space<vmem>>
      %dma_wait3A_83 = tpu.memref_squeeze %dma_wait3A_82 : memref<1x128xi32, #tpu.memory_space<vmem>> -> memref<128xi32, #tpu.memory_space<vmem>>
      %dma_wait3A_84 = arith.constant 0 : i32
      %dma_wait3A_85 = arith.constant 0 : i32
      %dma_wait3A_86 = tpu.memref_slice %arg2[%dma_wait3A_84, %dma_wait3A_85] : memref<8192x128xf32, #tpu.memory_space<hbm>> -> memref<8192x128xf32, #tpu.memory_space<hbm>>
      tpu.wait_indirect_dma semaphore(%arg14 : memref<!tpu.dma_semaphore, #tpu.memory_space<semaphore_mem>>) src(%dma_wait3A_86 : memref<8192x128xf32, #tpu.memory_space<hbm>>) dst(%dma_wait3A_80 : memref<128x128xf32, #tpu.memory_space<vmem>>)
      %mul3A_87 = arith.constant 2 : i32
      %mul3A_88 = arith.muli %add3A_67, %mul3A_87 : i32
      %add3A_89 = arith.constant 1 : i32
      %add3A_90 = arith.addi %mul3A_88, %add3A_89 : i32
      %dma_wait3A_91 = arith.constant 128 : i32
      %dma_wait3A_92 = arith.constant 0 : i32
      %dma_wait3A_93 = tpu.memref_slice %arg9[%dma_wait3A_91, %dma_wait3A_92] : memref<256x128xf32, #tpu.memory_space<vmem>> -> memref<128x128xf32, #tpu.memory_space<vmem>>
      %dma_wait3A_94 = arith.constant 0 : i32
      %dma_wait3A_95 = tpu.memref_slice %arg7[%add3A_90, %dma_wait3A_94] : memref<8x128xi32, #tpu.memory_space<vmem>> -> memref<1x128xi32, #tpu.memory_space<vmem>>
      %dma_wait3A_96 = tpu.memref_squeeze %dma_wait3A_95 : memref<1x128xi32, #tpu.memory_space<vmem>> -> memref<128xi32, #tpu.memory_space<vmem>>
      %dma_wait3A_97 = arith.constant 0 : i32
      %dma_wait3A_98 = arith.constant 0 : i32
      %dma_wait3A_99 = tpu.memref_slice %arg2[%dma_wait3A_97, %dma_wait3A_98] : memref<8192x128xf32, #tpu.memory_space<hbm>> -> memref<8192x128xf32, #tpu.memory_space<hbm>>
      tpu.wait_indirect_dma semaphore(%arg14 : memref<!tpu.dma_semaphore, #tpu.memory_space<semaphore_mem>>) src(%dma_wait3A_99 : memref<8192x128xf32, #tpu.memory_space<hbm>>) dst(%dma_wait3A_93 : memref<128x128xf32, #tpu.memory_space<vmem>>)
      %scan3A_100 = arith.constant 0 : i32
      %scan3A_101 = arith.constant 0 : i32
      %scan3A_102 = arith.constant 64 : i32
      %scan3A_103 = arith.addi %scan3A_101, %scan3A_102 : i32
      %scan3A_104 = arith.constant 1 : i32
      scf.for %scan3A_166 = %scan3A_101 to %scan3A_103 step %scan3A_104  : i32 {
        %mul3A_167 = arith.constant 64 : i32
        %mul3A_168 = arith.muli %add3A_67, %mul3A_167 : i32
        %add3A_169 = arith.addi %mul3A_168, %scan3A_166 : i32
        %mul3A_170 = arith.constant 4 : i32
        %mul3A_171 = arith.muli %add3A_169, %mul3A_170 : i32
        %get3A = arith.index_cast %mul3A_171 : i32 to index
        %get3A_172 = tpu.vector_load %arg8[%get3A] {strides = array<i32>} : memref<1040xf32, #tpu.memory_space<vmem>>, vector<16xf32>,
        %get3A_173 = vector.shape_cast %get3A_172 : vector<16xf32> to vector<16xf32>
        %slice3A = vector.extract_strided_slice %get3A_173 {offsets = [0], sizes = [1], strides = [1]} : vector<16xf32> to vector<1xf32>
        %squeeze3A = vector.extract %slice3A[0] : f32 from vector<1xf32>
        %slice3A_174 = vector.extract_strided_slice %get3A_173 {offsets = [1], sizes = [1], strides = [1]} : vector<16xf32> to vector<1xf32>
        %squeeze3A_175 = vector.extract %slice3A_174[0] : f32 from vector<1xf32>
        %slice3A_176 = vector.extract_strided_slice %get3A_173 {offsets = [2], sizes = [1], strides = [1]} : vector<16xf32> to vector<1xf32>
        %squeeze3A_177 = vector.extract %slice3A_176[0] : f32 from vector<1xf32>
        %slice3A_178 = vector.extract_strided_slice %get3A_173 {offsets = [3], sizes = [1], strides = [1]} : vector<16xf32> to vector<1xf32>
        %squeeze3A_179 = vector.extract %slice3A_178[0] : f32 from vector<1xf32>
        %mul3A_180 = arith.constant 4 : i32
        %mul3A_181 = arith.muli %scan3A_166, %mul3A_180 : i32
        %get3A_182 = arith.index_cast %mul3A_181 : i32 to index
        %get3A_183 = arith.constant 0 : index
        %get3A_184 = tpu.vector_load %arg9[%get3A_182, %get3A_183] {strides = array<i32>} : memref<256x128xf32, #tpu.memory_space<vmem>>, vector<1x16xf32>,
        %get3A_185 = vector.shape_cast %get3A_184 : vector<1x16xf32> to vector<16xf32>
        %mul3A_186 = vector.broadcast %squeeze3A : f32 to vector<16xf32>
        %mul3A_187 = arith.mulf %mul3A_186, %get3A_185 : vector<16xf32>
        %add3A_188 = arith.constant 1 : i32
        %add3A_189 = arith.addi %mul3A_181, %add3A_188 : i32
        %get3A_190 = arith.index_cast %add3A_189 : i32 to index
        %get3A_191 = arith.constant 0 : index
        %get3A_192 = tpu.vector_load %arg9[%get3A_190, %get3A_191] {strides = array<i32>} : memref<256x128xf32, #tpu.memory_space<vmem>>, vector<1x16xf32>,
        %get3A_193 = vector.shape_cast %get3A_192 : vector<1x16xf32> to vector<16xf32>
        %mul3A_194 = vector.broadcast %squeeze3A_175 : f32 to vector<16xf32>
        %mul3A_195 = arith.mulf %mul3A_194, %get3A_193 : vector<16xf32>
        %add3A_196 = arith.addf %mul3A_187, %mul3A_195 : vector<16xf32>
        %add3A_197 = arith.constant 2 : i32
        %add3A_198 = arith.addi %mul3A_181, %add3A_197 : i32
        %get3A_199 = arith.index_cast %add3A_198 : i32 to index
        %get3A_200 = arith.constant 0 : index
        %get3A_201 = tpu.vector_load %arg9[%get3A_199, %get3A_200] {strides = array<i32>} : memref<256x128xf32, #tpu.memory_space<vmem>>, vector<1x16xf32>,
        %get3A_202 = vector.shape_cast %get3A_201 : vector<1x16xf32> to vector<16xf32>
        %mul3A_203 = vector.broadcast %squeeze3A_177 : f32 to vector<16xf32>
        %mul3A_204 = arith.mulf %mul3A_203, %get3A_202 : vector<16xf32>
        %add3A_205 = arith.addf %add3A_196, %mul3A_204 : vector<16xf32>
        %add3A_206 = arith.constant 3 : i32
        %add3A_207 = arith.addi %mul3A_181, %add3A_206 : i32
        %get3A_208 = arith.index_cast %add3A_207 : i32 to index
        %get3A_209 = arith.constant 0 : index
        %get3A_210 = tpu.vector_load %arg9[%get3A_208, %get3A_209] {strides = array<i32>} : memref<256x128xf32, #tpu.memory_space<vmem>>, vector<1x16xf32>,
        %get3A_211 = vector.shape_cast %get3A_210 : vector<1x16xf32> to vector<16xf32>
        %mul3A_212 = vector.broadcast %squeeze3A_179 : f32 to vector<16xf32>
        %mul3A_213 = arith.mulf %mul3A_212, %get3A_211 : vector<16xf32>
        %add3A_214 = arith.addf %add3A_205, %mul3A_213 : vector<16xf32>
        %get3A_215 = arith.index_cast %scan3A_166 : i32 to index
        %get3A_216 = arith.constant 0 : index
        %get3A_217 = tpu.vector_load %arg11[%get3A_215, %get3A_216] {strides = array<i32>} : memref<64x128xf32, #tpu.memory_space<vmem>>, vector<1x16xf32>,
        %get3A_218 = vector.shape_cast %get3A_217 : vector<1x16xf32> to vector<16xf32>
        %mul3A_219 = arith.mulf %add3A_214, %get3A_218 : vector<16xf32>
        %swap3A = arith.index_cast %scan3A_166 : i32 to index
        %swap3A_220 = arith.constant 0 : index
        %swap3A_221 = tpu.vector_load %arg13[%swap3A, %swap3A_220] {strides = array<i32>} : memref<64x128xf32, #tpu.memory_space<vmem>>, vector<1x16xf32>,
        %swap3A_222 = vector.shape_cast %swap3A_221 : vector<1x16xf32> to vector<16xf32>
        %swap3A_223 = vector.shape_cast %mul3A_219 : vector<16xf32> to vector<1x16xf32>
        tpu.vector_store %arg13[%swap3A, %swap3A_220], %swap3A_223 {strides = array<i32>} : memref<64x128xf32, #tpu.memory_space<vmem>>, vector<1x16xf32>,
        %get3A_224 = arith.index_cast %mul3A_181 : i32 to index
        %get3A_225 = arith.constant 16 : index
        %get3A_226 = tpu.vector_load %arg9[%get3A_224, %get3A_225] {strides = array<i32>} : memref<256x128xf32, #tpu.memory_space<vmem>>, vector<1x16xf32>,
        %get3A_227 = vector.shape_cast %get3A_226 : vector<1x16xf32> to vector<16xf32>
        %mul3A_228 = vector.broadcast %squeeze3A : f32 to vector<16xf32>
        %mul3A_229 = arith.mulf %mul3A_228, %get3A_227 : vector<16xf32>
        %add3A_230 = arith.constant 1 : i32
        %add3A_231 = arith.addi %mul3A_181, %add3A_230 : i32
        %get3A_232 = arith.index_cast %add3A_231 : i32 to index
        %get3A_233 = arith.constant 16 : index
        %get3A_234 = tpu.vector_load %arg9[%get3A_232, %get3A_233] {strides = array<i32>} : memref<256x128xf32, #tpu.memory_space<vmem>>, vector<1x16xf32>,
        %get3A_235 = vector.shape_cast %get3A_234 : vector<1x16xf32> to vector<16xf32>
        %mul3A_236 = vector.broadcast %squeeze3A_175 : f32 to vector<16xf32>
        %mul3A_237 = arith.mulf %mul3A_236, %get3A_235 : vector<16xf32>
        %add3A_238 = arith.addf %mul3A_229, %mul3A_237 : vector<16xf32>
        %add3A_239 = arith.constant 2 : i32
        %add3A_240 = arith.addi %mul3A_181, %add3A_239 : i32
        %get3A_241 = arith.index_cast %add3A_240 : i32 to index
        %get3A_242 = arith.constant 16 : index
        %get3A_243 = tpu.vector_load %arg9[%get3A_241, %get3A_242] {strides = array<i32>} : memref<256x128xf32, #tpu.memory_space<vmem>>, vector<1x16xf32>,
        %get3A_244 = vector.shape_cast %get3A_243 : vector<1x16xf32> to vector<16xf32>
        %mul3A_245 = vector.broadcast %squeeze3A_177 : f32 to vector<16xf32>
        %mul3A_246 = arith.mulf %mul3A_245, %get3A_244 : vector<16xf32>
        %add3A_247 = arith.addf %add3A_238, %mul3A_246 : vector<16xf32>
        %add3A_248 = arith.constant 3 : i32
        %add3A_249 = arith.addi %mul3A_181, %add3A_248 : i32
        %get3A_250 = arith.index_cast %add3A_249 : i32 to index
        %get3A_251 = arith.constant 16 : index
        %get3A_252 = tpu.vector_load %arg9[%get3A_250, %get3A_251] {strides = array<i32>} : memref<256x128xf32, #tpu.memory_space<vmem>>, vector<1x16xf32>,
        %get3A_253 = vector.shape_cast %get3A_252 : vector<1x16xf32> to vector<16xf32>
        %mul3A_254 = vector.broadcast %squeeze3A_179 : f32 to vector<16xf32>
        %mul3A_255 = arith.mulf %mul3A_254, %get3A_253 : vector<16xf32>
        %add3A_256 = arith.addf %add3A_247, %mul3A_255 : vector<16xf32>
        %get3A_257 = arith.index_cast %scan3A_166 : i32 to index
        %get3A_258 = arith.constant 16 : index
        %get3A_259 = tpu.vector_load %arg11[%get3A_257, %get3A_258] {strides = array<i32>} : memref<64x128xf32, #tpu.memory_space<vmem>>, vector<1x16xf32>,
        %get3A_260 = vector.shape_cast %get3A_259 : vector<1x16xf32> to vector<16xf32>
        %mul3A_261 = arith.mulf %add3A_256, %get3A_260 : vector<16xf32>
        %swap3A_262 = arith.index_cast %scan3A_166 : i32 to index
        %swap3A_263 = arith.constant 16 : index
        %swap3A_264 = tpu.vector_load %arg13[%swap3A_262, %swap3A_263] {strides = array<i32>} : memref<64x128xf32, #tpu.memory_space<vmem>>, vector<1x16xf32>,
        %swap3A_265 = vector.shape_cast %swap3A_264 : vector<1x16xf32> to vector<16xf32>
        %swap3A_266 = vector.shape_cast %mul3A_261 : vector<16xf32> to vector<1x16xf32>
        tpu.vector_store %arg13[%swap3A_262, %swap3A_263], %swap3A_266 {strides = array<i32>} : memref<64x128xf32, #tpu.memory_space<vmem>>, vector<1x16xf32>,
        %get3A_267 = arith.index_cast %mul3A_181 : i32 to index
        %get3A_268 = arith.constant 32 : index
        %get3A_269 = tpu.vector_load %arg9[%get3A_267, %get3A_268] {strides = array<i32>} : memref<256x128xf32, #tpu.memory_space<vmem>>, vector<1x16xf32>,
        %get3A_270 = vector.shape_cast %get3A_269 : vector<1x16xf32> to vector<16xf32>
        %mul3A_271 = vector.broadcast %squeeze3A : f32 to vector<16xf32>
        %mul3A_272 = arith.mulf %mul3A_271, %get3A_270 : vector<16xf32>
        %add3A_273 = arith.constant 1 : i32
        %add3A_274 = arith.addi %mul3A_181, %add3A_273 : i32
        %get3A_275 = arith.index_cast %add3A_274 : i32 to index
        %get3A_276 = arith.constant 32 : index
        %get3A_277 = tpu.vector_load %arg9[%get3A_275, %get3A_276] {strides = array<i32>} : memref<256x128xf32, #tpu.memory_space<vmem>>, vector<1x16xf32>,
        %get3A_278 = vector.shape_cast %get3A_277 : vector<1x16xf32> to vector<16xf32>
        %mul3A_279 = vector.broadcast %squeeze3A_175 : f32 to vector<16xf32>
        %mul3A_280 = arith.mulf %mul3A_279, %get3A_278 : vector<16xf32>
        %add3A_281 = arith.addf %mul3A_272, %mul3A_280 : vector<16xf32>
        %add3A_282 = arith.constant 2 : i32
        %add3A_283 = arith.addi %mul3A_181, %add3A_282 : i32
        %get3A_284 = arith.index_cast %add3A_283 : i32 to index
        %get3A_285 = arith.constant 32 : index
        %get3A_286 = tpu.vector_load %arg9[%get3A_284, %get3A_285] {strides = array<i32>} : memref<256x128xf32, #tpu.memory_space<vmem>>, vector<1x16xf32>,
        %get3A_287 = vector.shape_cast %get3A_286 : vector<1x16xf32> to vector<16xf32>
        %mul3A_288 = vector.broadcast %squeeze3A_177 : f32 to vector<16xf32>
        %mul3A_289 = arith.mulf %mul3A_288, %get3A_287 : vector<16xf32>
        %add3A_290 = arith.addf %add3A_281, %mul3A_289 : vector<16xf32>
        %add3A_291 = arith.constant 3 : i32
        %add3A_292 = arith.addi %mul3A_181, %add3A_291 : i32
        %get3A_293 = arith.index_cast %add3A_292 : i32 to index
        %get3A_294 = arith.constant 32 : index
        %get3A_295 = tpu.vector_load %arg9[%get3A_293, %get3A_294] {strides = array<i32>} : memref<256x128xf32, #tpu.memory_space<vmem>>, vector<1x16xf32>,
        %get3A_296 = vector.shape_cast %get3A_295 : vector<1x16xf32> to vector<16xf32>
        %mul3A_297 = vector.broadcast %squeeze3A_179 : f32 to vector<16xf32>
        %mul3A_298 = arith.mulf %mul3A_297, %get3A_296 : vector<16xf32>
        %add3A_299 = arith.addf %add3A_290, %mul3A_298 : vector<16xf32>
        %get3A_300 = arith.index_cast %scan3A_166 : i32 to index
        %get3A_301 = arith.constant 32 : index
        %get3A_302 = tpu.vector_load %arg11[%get3A_300, %get3A_301] {strides = array<i32>} : memref<64x128xf32, #tpu.memory_space<vmem>>, vector<1x16xf32>,
        %get3A_303 = vector.shape_cast %get3A_302 : vector<1x16xf32> to vector<16xf32>
        %mul3A_304 = arith.mulf %add3A_299, %get3A_303 : vector<16xf32>
        %swap3A_305 = arith.index_cast %scan3A_166 : i32 to index
        %swap3A_306 = arith.constant 32 : index
        %swap3A_307 = tpu.vector_load %arg13[%swap3A_305, %swap3A_306] {strides = array<i32>} : memref<64x128xf32, #tpu.memory_space<vmem>>, vector<1x16xf32>,
        %swap3A_308 = vector.shape_cast %swap3A_307 : vector<1x16xf32> to vector<16xf32>
        %swap3A_309 = vector.shape_cast %mul3A_304 : vector<16xf32> to vector<1x16xf32>
        tpu.vector_store %arg13[%swap3A_305, %swap3A_306], %swap3A_309 {strides = array<i32>} : memref<64x128xf32, #tpu.memory_space<vmem>>, vector<1x16xf32>,
        %get3A_310 = arith.index_cast %mul3A_181 : i32 to index
        %get3A_311 = arith.constant 48 : index
        %get3A_312 = tpu.vector_load %arg9[%get3A_310, %get3A_311] {strides = array<i32>} : memref<256x128xf32, #tpu.memory_space<vmem>>, vector<1x16xf32>,
        %get3A_313 = vector.shape_cast %get3A_312 : vector<1x16xf32> to vector<16xf32>
        %mul3A_314 = vector.broadcast %squeeze3A : f32 to vector<16xf32>
        %mul3A_315 = arith.mulf %mul3A_314, %get3A_313 : vector<16xf32>
        %add3A_316 = arith.constant 1 : i32
        %add3A_317 = arith.addi %mul3A_181, %add3A_316 : i32
        %get3A_318 = arith.index_cast %add3A_317 : i32 to index
        %get3A_319 = arith.constant 48 : index
        %get3A_320 = tpu.vector_load %arg9[%get3A_318, %get3A_319] {strides = array<i32>} : memref<256x128xf32, #tpu.memory_space<vmem>>, vector<1x16xf32>,
        %get3A_321 = vector.shape_cast %get3A_320 : vector<1x16xf32> to vector<16xf32>
        %mul3A_322 = vector.broadcast %squeeze3A_175 : f32 to vector<16xf32>
        %mul3A_323 = arith.mulf %mul3A_322, %get3A_321 : vector<16xf32>
        %add3A_324 = arith.addf %mul3A_315, %mul3A_323 : vector<16xf32>
        %add3A_325 = arith.constant 2 : i32
        %add3A_326 = arith.addi %mul3A_181, %add3A_325 : i32
        %get3A_327 = arith.index_cast %add3A_326 : i32 to index
        %get3A_328 = arith.constant 48 : index
        %get3A_329 = tpu.vector_load %arg9[%get3A_327, %get3A_328] {strides = array<i32>} : memref<256x128xf32, #tpu.memory_space<vmem>>, vector<1x16xf32>,
        %get3A_330 = vector.shape_cast %get3A_329 : vector<1x16xf32> to vector<16xf32>
        %mul3A_331 = vector.broadcast %squeeze3A_177 : f32 to vector<16xf32>
        %mul3A_332 = arith.mulf %mul3A_331, %get3A_330 : vector<16xf32>
        %add3A_333 = arith.addf %add3A_324, %mul3A_332 : vector<16xf32>
        %add3A_334 = arith.constant 3 : i32
        %add3A_335 = arith.addi %mul3A_181, %add3A_334 : i32
        %get3A_336 = arith.index_cast %add3A_335 : i32 to index
        %get3A_337 = arith.constant 48 : index
        %get3A_338 = tpu.vector_load %arg9[%get3A_336, %get3A_337] {strides = array<i32>} : memref<256x128xf32, #tpu.memory_space<vmem>>, vector<1x16xf32>,
        %get3A_339 = vector.shape_cast %get3A_338 : vector<1x16xf32> to vector<16xf32>
        %mul3A_340 = vector.broadcast %squeeze3A_179 : f32 to vector<16xf32>
        %mul3A_341 = arith.mulf %mul3A_340, %get3A_339 : vector<16xf32>
        %add3A_342 = arith.addf %add3A_333, %mul3A_341 : vector<16xf32>
        %get3A_343 = arith.index_cast %scan3A_166 : i32 to index
        %get3A_344 = arith.constant 48 : index
        %get3A_345 = tpu.vector_load %arg11[%get3A_343, %get3A_344] {strides = array<i32>} : memref<64x128xf32, #tpu.memory_space<vmem>>, vector<1x16xf32>,
        %get3A_346 = vector.shape_cast %get3A_345 : vector<1x16xf32> to vector<16xf32>
        %mul3A_347 = arith.mulf %add3A_342, %get3A_346 : vector<16xf32>
        %swap3A_348 = arith.index_cast %scan3A_166 : i32 to index
        %swap3A_349 = arith.constant 48 : index
        %swap3A_350 = tpu.vector_load %arg13[%swap3A_348, %swap3A_349] {strides = array<i32>} : memref<64x128xf32, #tpu.memory_space<vmem>>, vector<1x16xf32>,
        %swap3A_351 = vector.shape_cast %swap3A_350 : vector<1x16xf32> to vector<16xf32>
        %swap3A_352 = vector.shape_cast %mul3A_347 : vector<16xf32> to vector<1x16xf32>
        tpu.vector_store %arg13[%swap3A_348, %swap3A_349], %swap3A_352 {strides = array<i32>} : memref<64x128xf32, #tpu.memory_space<vmem>>, vector<1x16xf32>,
        %get3A_353 = arith.index_cast %mul3A_181 : i32 to index
        %get3A_354 = arith.constant 64 : index
        %get3A_355 = tpu.vector_load %arg9[%get3A_353, %get3A_354] {strides = array<i32>} : memref<256x128xf32, #tpu.memory_space<vmem>>, vector<1x16xf32>,
        %get3A_356 = vector.shape_cast %get3A_355 : vector<1x16xf32> to vector<16xf32>
        %mul3A_357 = vector.broadcast %squeeze3A : f32 to vector<16xf32>
        %mul3A_358 = arith.mulf %mul3A_357, %get3A_356 : vector<16xf32>
        %add3A_359 = arith.constant 1 : i32
        %add3A_360 = arith.addi %mul3A_181, %add3A_359 : i32
        %get3A_361 = arith.index_cast %add3A_360 : i32 to index
        %get3A_362 = arith.constant 64 : index
        %get3A_363 = tpu.vector_load %arg9[%get3A_361, %get3A_362] {strides = array<i32>} : memref<256x128xf32, #tpu.memory_space<vmem>>, vector<1x16xf32>,
        %get3A_364 = vector.shape_cast %get3A_363 : vector<1x16xf32> to vector<16xf32>
        %mul3A_365 = vector.broadcast %squeeze3A_175 : f32 to vector<16xf32>
        %mul3A_366 = arith.mulf %mul3A_365, %get3A_364 : vector<16xf32>
        %add3A_367 = arith.addf %mul3A_358, %mul3A_366 : vector<16xf32>
        %add3A_368 = arith.constant 2 : i32
        %add3A_369 = arith.addi %mul3A_181, %add3A_368 : i32
        %get3A_370 = arith.index_cast %add3A_369 : i32 to index
        %get3A_371 = arith.constant 64 : index
        %get3A_372 = tpu.vector_load %arg9[%get3A_370, %get3A_371] {strides = array<i32>} : memref<256x128xf32, #tpu.memory_space<vmem>>, vector<1x16xf32>,
        %get3A_373 = vector.shape_cast %get3A_372 : vector<1x16xf32> to vector<16xf32>
        %mul3A_374 = vector.broadcast %squeeze3A_177 : f32 to vector<16xf32>
        %mul3A_375 = arith.mulf %mul3A_374, %get3A_373 : vector<16xf32>
        %add3A_376 = arith.addf %add3A_367, %mul3A_375 : vector<16xf32>
        %add3A_377 = arith.constant 3 : i32
        %add3A_378 = arith.addi %mul3A_181, %add3A_377 : i32
        %get3A_379 = arith.index_cast %add3A_378 : i32 to index
        %get3A_380 = arith.constant 64 : index
        %get3A_381 = tpu.vector_load %arg9[%get3A_379, %get3A_380] {strides = array<i32>} : memref<256x128xf32, #tpu.memory_space<vmem>>, vector<1x16xf32>,
        %get3A_382 = vector.shape_cast %get3A_381 : vector<1x16xf32> to vector<16xf32>
        %mul3A_383 = vector.broadcast %squeeze3A_179 : f32 to vector<16xf32>
        %mul3A_384 = arith.mulf %mul3A_383, %get3A_382 : vector<16xf32>
        %add3A_385 = arith.addf %add3A_376, %mul3A_384 : vector<16xf32>
        %get3A_386 = arith.index_cast %scan3A_166 : i32 to index
        %get3A_387 = arith.constant 64 : index
        %get3A_388 = tpu.vector_load %arg11[%get3A_386, %get3A_387] {strides = array<i32>} : memref<64x128xf32, #tpu.memory_space<vmem>>, vector<1x16xf32>,
        %get3A_389 = vector.shape_cast %get3A_388 : vector<1x16xf32> to vector<16xf32>
        %mul3A_390 = arith.mulf %add3A_385, %get3A_389 : vector<16xf32>
        %swap3A_391 = arith.index_cast %scan3A_166 : i32 to index
        %swap3A_392 = arith.constant 64 : index
        %swap3A_393 = tpu.vector_load %arg13[%swap3A_391, %swap3A_392] {strides = array<i32>} : memref<64x128xf32, #tpu.memory_space<vmem>>, vector<1x16xf32>,
        %swap3A_394 = vector.shape_cast %swap3A_393 : vector<1x16xf32> to vector<16xf32>
        %swap3A_395 = vector.shape_cast %mul3A_390 : vector<16xf32> to vector<1x16xf32>
        tpu.vector_store %arg13[%swap3A_391, %swap3A_392], %swap3A_395 {strides = array<i32>} : memref<64x128xf32, #tpu.memory_space<vmem>>, vector<1x16xf32>,
        %get3A_396 = arith.index_cast %mul3A_181 : i32 to index
        %get3A_397 = arith.constant 80 : index
        %get3A_398 = tpu.vector_load %arg9[%get3A_396, %get3A_397] {strides = array<i32>} : memref<256x128xf32, #tpu.memory_space<vmem>>, vector<1x16xf32>,
        %get3A_399 = vector.shape_cast %get3A_398 : vector<1x16xf32> to vector<16xf32>
        %mul3A_400 = vector.broadcast %squeeze3A : f32 to vector<16xf32>
        %mul3A_401 = arith.mulf %mul3A_400, %get3A_399 : vector<16xf32>
        %add3A_402 = arith.constant 1 : i32
        %add3A_403 = arith.addi %mul3A_181, %add3A_402 : i32
        %get3A_404 = arith.index_cast %add3A_403 : i32 to index
        %get3A_405 = arith.constant 80 : index
        %get3A_406 = tpu.vector_load %arg9[%get3A_404, %get3A_405] {strides = array<i32>} : memref<256x128xf32, #tpu.memory_space<vmem>>, vector<1x16xf32>,
        %get3A_407 = vector.shape_cast %get3A_406 : vector<1x16xf32> to vector<16xf32>
        %mul3A_408 = vector.broadcast %squeeze3A_175 : f32 to vector<16xf32>
        %mul3A_409 = arith.mulf %mul3A_408, %get3A_407 : vector<16xf32>
        %add3A_410 = arith.addf %mul3A_401, %mul3A_409 : vector<16xf32>
        %add3A_411 = arith.constant 2 : i32
        %add3A_412 = arith.addi %mul3A_181, %add3A_411 : i32
        %get3A_413 = arith.index_cast %add3A_412 : i32 to index
        %get3A_414 = arith.constant 80 : index
        %get3A_415 = tpu.vector_load %arg9[%get3A_413, %get3A_414] {strides = array<i32>} : memref<256x128xf32, #tpu.memory_space<vmem>>, vector<1x16xf32>,
        %get3A_416 = vector.shape_cast %get3A_415 : vector<1x16xf32> to vector<16xf32>
        %mul3A_417 = vector.broadcast %squeeze3A_177 : f32 to vector<16xf32>
        %mul3A_418 = arith.mulf %mul3A_417, %get3A_416 : vector<16xf32>
        %add3A_419 = arith.addf %add3A_410, %mul3A_418 : vector<16xf32>
        %add3A_420 = arith.constant 3 : i32
        %add3A_421 = arith.addi %mul3A_181, %add3A_420 : i32
        %get3A_422 = arith.index_cast %add3A_421 : i32 to index
        %get3A_423 = arith.constant 80 : index
        %get3A_424 = tpu.vector_load %arg9[%get3A_422, %get3A_423] {strides = array<i32>} : memref<256x128xf32, #tpu.memory_space<vmem>>, vector<1x16xf32>,
        %get3A_425 = vector.shape_cast %get3A_424 : vector<1x16xf32> to vector<16xf32>
        %mul3A_426 = vector.broadcast %squeeze3A_179 : f32 to vector<16xf32>
        %mul3A_427 = arith.mulf %mul3A_426, %get3A_425 : vector<16xf32>
        %add3A_428 = arith.addf %add3A_419, %mul3A_427 : vector<16xf32>
        %get3A_429 = arith.index_cast %scan3A_166 : i32 to index
        %get3A_430 = arith.constant 80 : index
        %get3A_431 = tpu.vector_load %arg11[%get3A_429, %get3A_430] {strides = array<i32>} : memref<64x128xf32, #tpu.memory_space<vmem>>, vector<1x16xf32>,
        %get3A_432 = vector.shape_cast %get3A_431 : vector<1x16xf32> to vector<16xf32>
        %mul3A_433 = arith.mulf %add3A_428, %get3A_432 : vector<16xf32>
        %swap3A_434 = arith.index_cast %scan3A_166 : i32 to index
        %swap3A_435 = arith.constant 80 : index
        %swap3A_436 = tpu.vector_load %arg13[%swap3A_434, %swap3A_435] {strides = array<i32>} : memref<64x128xf32, #tpu.memory_space<vmem>>, vector<1x16xf32>,
        %swap3A_437 = vector.shape_cast %swap3A_436 : vector<1x16xf32> to vector<16xf32>
        %swap3A_438 = vector.shape_cast %mul3A_433 : vector<16xf32> to vector<1x16xf32>
        tpu.vector_store %arg13[%swap3A_434, %swap3A_435], %swap3A_438 {strides = array<i32>} : memref<64x128xf32, #tpu.memory_space<vmem>>, vector<1x16xf32>,
      }
      %scan3A_105 = arith.constant 64 : i32
      %mul3A_106 = arith.constant 64 : i32
      %mul3A_107 = arith.muli %add3A_67, %mul3A_106 : i32
      %add3A_108 = arith.addi %mul3A_2, %mul3A_107 : i32
      "tpu.region"() ({
        %run_scoped3A = tpu.sem_alloc : memref<!tpu.dma_semaphore, #tpu.memory_space<semaphore_mem>>
        %dma_start3A_166 = arith.constant 0 : i32
        %dma_start3A_167 = tpu.memref_slice %arg6[%add3A_108, %dma_start3A_166] : memref<8192x128xf32, #tpu.memory_space<hbm>> -> memref<64x128xf32, #tpu.memory_space<hbm>>
        %dma_start3A_168 = arith.constant 0 : i32
        %dma_start3A_169 = tpu.memref_slice %arg6[%add3A_108, %dma_start3A_168] : memref<8192x128xf32, #tpu.memory_space<hbm>> -> memref<64x128xf32, #tpu.memory_space<hbm>>
        tpu.enqueue_dma source(%arg13 : memref<64x128xf32, #tpu.memory_space<vmem>>) target(%dma_start3A_169 : memref<64x128xf32, #tpu.memory_space<hbm>>) target_semaphore(%run_scoped3A : memref<!tpu.dma_semaphore, #tpu.memory_space<semaphore_mem>>)
        %dma_wait3A_170 = arith.constant 0 : i32
        %dma_wait3A_171 = tpu.memref_slice %arg6[%add3A_108, %dma_wait3A_170] : memref<8192x128xf32, #tpu.memory_space<hbm>> -> memref<64x128xf32, #tpu.memory_space<hbm>>
        %dma_wait3A_172 = arith.constant 0 : i32
        %dma_wait3A_173 = tpu.memref_slice %arg6[%add3A_108, %dma_wait3A_172] : memref<8192x128xf32, #tpu.memory_space<hbm>> -> memref<64x128xf32, #tpu.memory_space<hbm>>
        tpu.wait_dma2 semaphore(%run_scoped3A : memref<!tpu.dma_semaphore, #tpu.memory_space<semaphore_mem>>) src(%arg13 : memref<64x128xf32, #tpu.memory_space<vmem>>) dst(%dma_wait3A_173 : memref<64x128xf32, #tpu.memory_space<hbm>>)
        tpu.yield
      }) : () -> ()
      %add3A_109 = arith.constant 2 : i32
      %add3A_110 = arith.addi %add3A_67, %add3A_109 : i32
      %lt3A = arith.constant 4 : i32
      %lt3A_111 = arith.cmpi slt, %add3A_110, %lt3A : i32
      %convert_element_type3A = arith.extui %lt3A_111 : i1 to i32
      %cond3A = arith.constant 0 : i32
      %cond3A_112 = arith.cmpi ne, %convert_element_type3A, %cond3A : i32
      scf.if %cond3A_112 {
        %add3A_166 = arith.constant 2 : i32
        %add3A_167 = arith.addi %add3A_67, %add3A_166 : i32
        %mul3A_168 = arith.constant 64 : i32
        %mul3A_169 = arith.muli %add3A_167, %mul3A_168 : i32
        %add3A_170 = arith.addi %mul3A_2, %mul3A_169 : i32
        %dma_start3A_171 = arith.constant 0 : i32
        %dma_start3A_172 = tpu.memref_slice %arg3[%add3A_170, %dma_start3A_171] : memref<8192x128xf32, #tpu.memory_space<hbm>> -> memref<64x128xf32, #tpu.memory_space<hbm>>
        %dma_start3A_173 = arith.constant 0 : i32
        %dma_start3A_174 = tpu.memref_slice %arg3[%add3A_170, %dma_start3A_173] : memref<8192x128xf32, #tpu.memory_space<hbm>> -> memref<64x128xf32, #tpu.memory_space<hbm>>
        tpu.enqueue_dma source(%dma_start3A_174 : memref<64x128xf32, #tpu.memory_space<hbm>>) target(%arg11 : memref<64x128xf32, #tpu.memory_space<vmem>>) target_semaphore(%arg14 : memref<!tpu.dma_semaphore, #tpu.memory_space<semaphore_mem>>)
        %mul3A_175 = arith.constant 2 : i32
        %mul3A_176 = arith.muli %add3A_167, %mul3A_175 : i32
        %add3A_177 = arith.constant 0 : i32
        %add3A_178 = arith.addi %mul3A_176, %add3A_177 : i32
        %dma_start3A_179 = arith.constant 0 : i32
        %dma_start3A_180 = arith.constant 0 : i32
        %dma_start3A_181 = tpu.memref_slice %arg9[%dma_start3A_179, %dma_start3A_180] : memref<256x128xf32, #tpu.memory_space<vmem>> -> memref<128x128xf32, #tpu.memory_space<vmem>>
        %dma_start3A_182 = arith.constant 0 : i32
        %dma_start3A_183 = tpu.memref_slice %arg7[%add3A_178, %dma_start3A_182] : memref<8x128xi32, #tpu.memory_space<vmem>> -> memref<1x128xi32, #tpu.memory_space<vmem>>
        %dma_start3A_184 = tpu.memref_squeeze %dma_start3A_183 : memref<1x128xi32, #tpu.memory_space<vmem>> -> memref<128xi32, #tpu.memory_space<vmem>>
        %dma_start3A_185 = arith.constant 0 : i32
        %dma_start3A_186 = arith.constant 0 : i32
        %dma_start3A_187 = tpu.memref_slice %arg2[%dma_start3A_185, %dma_start3A_186] : memref<8192x128xf32, #tpu.memory_space<hbm>> -> memref<8192x128xf32, #tpu.memory_space<hbm>>
        tpu.enqueue_indirect_dma source(%dma_start3A_187 : memref<8192x128xf32, #tpu.memory_space<hbm>>) target(%dma_start3A_181 : memref<128x128xf32, #tpu.memory_space<vmem>>) offsets(%dma_start3A_184 : memref<128xi32, #tpu.memory_space<vmem>>) semaphore(%arg14 : memref<!tpu.dma_semaphore, #tpu.memory_space<semaphore_mem>>)
        %mul3A_188 = arith.constant 2 : i32
        %mul3A_189 = arith.muli %add3A_167, %mul3A_188 : i32
        %add3A_190 = arith.constant 1 : i32
        %add3A_191 = arith.addi %mul3A_189, %add3A_190 : i32
        %dma_start3A_192 = arith.constant 128 : i32
        %dma_start3A_193 = arith.constant 0 : i32
        %dma_start3A_194 = tpu.memref_slice %arg9[%dma_start3A_192, %dma_start3A_193] : memref<256x128xf32, #tpu.memory_space<vmem>> -> memref<128x128xf32, #tpu.memory_space<vmem>>
        %dma_start3A_195 = arith.constant 0 : i32
        %dma_start3A_196 = tpu.memref_slice %arg7[%add3A_191, %dma_start3A_195] : memref<8x128xi32, #tpu.memory_space<vmem>> -> memref<1x128xi32, #tpu.memory_space<vmem>>
        %dma_start3A_197 = tpu.memref_squeeze %dma_start3A_196 : memref<1x128xi32, #tpu.memory_space<vmem>> -> memref<128xi32, #tpu.memory_space<vmem>>
        %dma_start3A_198 = arith.constant 0 : i32
        %dma_start3A_199 = arith.constant 0 : i32
        %dma_start3A_200 = tpu.memref_slice %arg2[%dma_start3A_198, %dma_start3A_199] : memref<8192x128xf32, #tpu.memory_space<hbm>> -> memref<8192x128xf32, #tpu.memory_space<hbm>>
        tpu.enqueue_indirect_dma source(%dma_start3A_200 : memref<8192x128xf32, #tpu.memory_space<hbm>>) target(%dma_start3A_194 : memref<128x128xf32, #tpu.memory_space<vmem>>) offsets(%dma_start3A_197 : memref<128xi32, #tpu.memory_space<vmem>>) semaphore(%arg14 : memref<!tpu.dma_semaphore, #tpu.memory_space<semaphore_mem>>)
      } else {
      }
      %mul3A_113 = arith.constant 2 : i32
      %mul3A_114 = arith.muli %mul3A_113, %scan3A_63 : i32
      %add3A_115 = arith.constant 1 : i32
      %add3A_116 = arith.addi %mul3A_114, %add3A_115 : i32
      %mul3A_117 = arith.constant 64 : i32
      %mul3A_118 = arith.muli %add3A_116, %mul3A_117 : i32
      %add3A_119 = arith.addi %mul3A_2, %mul3A_118 : i32
      %dma_wait3A_120 = arith.constant 0 : i32
      %dma_wait3A_121 = tpu.memref_slice %arg3[%add3A_119, %dma_wait3A_120] : memref<8192x128xf32, #tpu.memory_space<hbm>> -> memref<64x128xf32, #tpu.memory_space<hbm>>
      %dma_wait3A_122 = arith.constant 0 : i32
      %dma_wait3A_123 = tpu.memref_slice %arg3[%add3A_119, %dma_wait3A_122] : memref<8192x128xf32, #tpu.memory_space<hbm>> -> memref<64x128xf32, #tpu.memory_space<hbm>>
      tpu.wait_dma2 semaphore(%arg15 : memref<!tpu.dma_semaphore, #tpu.memory_space<semaphore_mem>>) src(%dma_wait3A_123 : memref<64x128xf32, #tpu.memory_space<hbm>>) dst(%arg12 : memref<64x128xf32, #tpu.memory_space<vmem>>)
      %mul3A_124 = arith.constant 2 : i32
      %mul3A_125 = arith.muli %add3A_116, %mul3A_124 : i32
      %add3A_126 = arith.constant 0 : i32
      %add3A_127 = arith.addi %mul3A_125, %add3A_126 : i32
      %dma_wait3A_128 = arith.constant 0 : i32
      %dma_wait3A_129 = arith.constant 0 : i32
      %dma_wait3A_130 = tpu.memref_slice %arg10[%dma_wait3A_128, %dma_wait3A_129] : memref<256x128xf32, #tpu.memory_space<vmem>> -> memref<128x128xf32, #tpu.memory_space<vmem>>
      %dma_wait3A_131 = arith.constant 0 : i32
      %dma_wait3A_132 = tpu.memref_slice %arg7[%add3A_127, %dma_wait3A_131] : memref<8x128xi32, #tpu.memory_space<vmem>> -> memref<1x128xi32, #tpu.memory_space<vmem>>
      %dma_wait3A_133 = tpu.memref_squeeze %dma_wait3A_132 : memref<1x128xi32, #tpu.memory_space<vmem>> -> memref<128xi32, #tpu.memory_space<vmem>>
      %dma_wait3A_134 = arith.constant 0 : i32
      %dma_wait3A_135 = arith.constant 0 : i32
      %dma_wait3A_136 = tpu.memref_slice %arg2[%dma_wait3A_134, %dma_wait3A_135] : memref<8192x128xf32, #tpu.memory_space<hbm>> -> memref<8192x128xf32, #tpu.memory_space<hbm>>
      tpu.wait_indirect_dma semaphore(%arg15 : memref<!tpu.dma_semaphore, #tpu.memory_space<semaphore_mem>>) src(%dma_wait3A_136 : memref<8192x128xf32, #tpu.memory_space<hbm>>) dst(%dma_wait3A_130 : memref<128x128xf32, #tpu.memory_space<vmem>>)
      %mul3A_137 = arith.constant 2 : i32
      %mul3A_138 = arith.muli %add3A_116, %mul3A_137 : i32
      %add3A_139 = arith.constant 1 : i32
      %add3A_140 = arith.addi %mul3A_138, %add3A_139 : i32
      %dma_wait3A_141 = arith.constant 128 : i32
      %dma_wait3A_142 = arith.constant 0 : i32
      %dma_wait3A_143 = tpu.memref_slice %arg10[%dma_wait3A_141, %dma_wait3A_142] : memref<256x128xf32, #tpu.memory_space<vmem>> -> memref<128x128xf32, #tpu.memory_space<vmem>>
      %dma_wait3A_144 = arith.constant 0 : i32
      %dma_wait3A_145 = tpu.memref_slice %arg7[%add3A_140, %dma_wait3A_144] : memref<8x128xi32, #tpu.memory_space<vmem>> -> memref<1x128xi32, #tpu.memory_space<vmem>>
      %dma_wait3A_146 = tpu.memref_squeeze %dma_wait3A_145 : memref<1x128xi32, #tpu.memory_space<vmem>> -> memref<128xi32, #tpu.memory_space<vmem>>
      %dma_wait3A_147 = arith.constant 0 : i32
      %dma_wait3A_148 = arith.constant 0 : i32
      %dma_wait3A_149 = tpu.memref_slice %arg2[%dma_wait3A_147, %dma_wait3A_148] : memref<8192x128xf32, #tpu.memory_space<hbm>> -> memref<8192x128xf32, #tpu.memory_space<hbm>>
      tpu.wait_indirect_dma semaphore(%arg15 : memref<!tpu.dma_semaphore, #tpu.memory_space<semaphore_mem>>) src(%dma_wait3A_149 : memref<8192x128xf32, #tpu.memory_space<hbm>>) dst(%dma_wait3A_143 : memref<128x128xf32, #tpu.memory_space<vmem>>)
      %scan3A_150 = arith.constant 0 : i32
      %scan3A_151 = arith.constant 0 : i32
      %scan3A_152 = arith.constant 64 : i32
      %scan3A_153 = arith.addi %scan3A_151, %scan3A_152 : i32
      %scan3A_154 = arith.constant 1 : i32
      scf.for %scan3A_166 = %scan3A_151 to %scan3A_153 step %scan3A_154  : i32 {
        %mul3A_167 = arith.constant 64 : i32
        %mul3A_168 = arith.muli %add3A_116, %mul3A_167 : i32
        %add3A_169 = arith.addi %mul3A_168, %scan3A_166 : i32
        %mul3A_170 = arith.constant 4 : i32
        %mul3A_171 = arith.muli %add3A_169, %mul3A_170 : i32
        %get3A = arith.index_cast %mul3A_171 : i32 to index
        %get3A_172 = tpu.vector_load %arg8[%get3A] {strides = array<i32>} : memref<1040xf32, #tpu.memory_space<vmem>>, vector<16xf32>,
        %get3A_173 = vector.shape_cast %get3A_172 : vector<16xf32> to vector<16xf32>
        %slice3A = vector.extract_strided_slice %get3A_173 {offsets = [0], sizes = [1], strides = [1]} : vector<16xf32> to vector<1xf32>
        %squeeze3A = vector.extract %slice3A[0] : f32 from vector<1xf32>
        %slice3A_174 = vector.extract_strided_slice %get3A_173 {offsets = [1], sizes = [1], strides = [1]} : vector<16xf32> to vector<1xf32>
        %squeeze3A_175 = vector.extract %slice3A_174[0] : f32 from vector<1xf32>
        %slice3A_176 = vector.extract_strided_slice %get3A_173 {offsets = [2], sizes = [1], strides = [1]} : vector<16xf32> to vector<1xf32>
        %squeeze3A_177 = vector.extract %slice3A_176[0] : f32 from vector<1xf32>
        %slice3A_178 = vector.extract_strided_slice %get3A_173 {offsets = [3], sizes = [1], strides = [1]} : vector<16xf32> to vector<1xf32>
        %squeeze3A_179 = vector.extract %slice3A_178[0] : f32 from vector<1xf32>
        %mul3A_180 = arith.constant 4 : i32
        %mul3A_181 = arith.muli %scan3A_166, %mul3A_180 : i32
        %get3A_182 = arith.index_cast %mul3A_181 : i32 to index
        %get3A_183 = arith.constant 0 : index
        %get3A_184 = tpu.vector_load %arg10[%get3A_182, %get3A_183] {strides = array<i32>} : memref<256x128xf32, #tpu.memory_space<vmem>>, vector<1x16xf32>,
        %get3A_185 = vector.shape_cast %get3A_184 : vector<1x16xf32> to vector<16xf32>
        %mul3A_186 = vector.broadcast %squeeze3A : f32 to vector<16xf32>
        %mul3A_187 = arith.mulf %mul3A_186, %get3A_185 : vector<16xf32>
        %add3A_188 = arith.constant 1 : i32
        %add3A_189 = arith.addi %mul3A_181, %add3A_188 : i32
        %get3A_190 = arith.index_cast %add3A_189 : i32 to index
        %get3A_191 = arith.constant 0 : index
        %get3A_192 = tpu.vector_load %arg10[%get3A_190, %get3A_191] {strides = array<i32>} : memref<256x128xf32, #tpu.memory_space<vmem>>, vector<1x16xf32>,
        %get3A_193 = vector.shape_cast %get3A_192 : vector<1x16xf32> to vector<16xf32>
        %mul3A_194 = vector.broadcast %squeeze3A_175 : f32 to vector<16xf32>
        %mul3A_195 = arith.mulf %mul3A_194, %get3A_193 : vector<16xf32>
        %add3A_196 = arith.addf %mul3A_187, %mul3A_195 : vector<16xf32>
        %add3A_197 = arith.constant 2 : i32
        %add3A_198 = arith.addi %mul3A_181, %add3A_197 : i32
        %get3A_199 = arith.index_cast %add3A_198 : i32 to index
        %get3A_200 = arith.constant 0 : index
        %get3A_201 = tpu.vector_load %arg10[%get3A_199, %get3A_200] {strides = array<i32>} : memref<256x128xf32, #tpu.memory_space<vmem>>, vector<1x16xf32>,
        %get3A_202 = vector.shape_cast %get3A_201 : vector<1x16xf32> to vector<16xf32>
        %mul3A_203 = vector.broadcast %squeeze3A_177 : f32 to vector<16xf32>
        %mul3A_204 = arith.mulf %mul3A_203, %get3A_202 : vector<16xf32>
        %add3A_205 = arith.addf %add3A_196, %mul3A_204 : vector<16xf32>
        %add3A_206 = arith.constant 3 : i32
        %add3A_207 = arith.addi %mul3A_181, %add3A_206 : i32
        %get3A_208 = arith.index_cast %add3A_207 : i32 to index
        %get3A_209 = arith.constant 0 : index
        %get3A_210 = tpu.vector_load %arg10[%get3A_208, %get3A_209] {strides = array<i32>} : memref<256x128xf32, #tpu.memory_space<vmem>>, vector<1x16xf32>,
        %get3A_211 = vector.shape_cast %get3A_210 : vector<1x16xf32> to vector<16xf32>
        %mul3A_212 = vector.broadcast %squeeze3A_179 : f32 to vector<16xf32>
        %mul3A_213 = arith.mulf %mul3A_212, %get3A_211 : vector<16xf32>
        %add3A_214 = arith.addf %add3A_205, %mul3A_213 : vector<16xf32>
        %get3A_215 = arith.index_cast %scan3A_166 : i32 to index
        %get3A_216 = arith.constant 0 : index
        %get3A_217 = tpu.vector_load %arg12[%get3A_215, %get3A_216] {strides = array<i32>} : memref<64x128xf32, #tpu.memory_space<vmem>>, vector<1x16xf32>,
        %get3A_218 = vector.shape_cast %get3A_217 : vector<1x16xf32> to vector<16xf32>
        %mul3A_219 = arith.mulf %add3A_214, %get3A_218 : vector<16xf32>
        %swap3A = arith.index_cast %scan3A_166 : i32 to index
        %swap3A_220 = arith.constant 0 : index
        %swap3A_221 = tpu.vector_load %arg13[%swap3A, %swap3A_220] {strides = array<i32>} : memref<64x128xf32, #tpu.memory_space<vmem>>, vector<1x16xf32>,
        %swap3A_222 = vector.shape_cast %swap3A_221 : vector<1x16xf32> to vector<16xf32>
        %swap3A_223 = vector.shape_cast %mul3A_219 : vector<16xf32> to vector<1x16xf32>
        tpu.vector_store %arg13[%swap3A, %swap3A_220], %swap3A_223 {strides = array<i32>} : memref<64x128xf32, #tpu.memory_space<vmem>>, vector<1x16xf32>,
        %get3A_224 = arith.index_cast %mul3A_181 : i32 to index
        %get3A_225 = arith.constant 16 : index
        %get3A_226 = tpu.vector_load %arg10[%get3A_224, %get3A_225] {strides = array<i32>} : memref<256x128xf32, #tpu.memory_space<vmem>>, vector<1x16xf32>,
        %get3A_227 = vector.shape_cast %get3A_226 : vector<1x16xf32> to vector<16xf32>
        %mul3A_228 = vector.broadcast %squeeze3A : f32 to vector<16xf32>
        %mul3A_229 = arith.mulf %mul3A_228, %get3A_227 : vector<16xf32>
        %add3A_230 = arith.constant 1 : i32
        %add3A_231 = arith.addi %mul3A_181, %add3A_230 : i32
        %get3A_232 = arith.index_cast %add3A_231 : i32 to index
        %get3A_233 = arith.constant 16 : index
        %get3A_234 = tpu.vector_load %arg10[%get3A_232, %get3A_233] {strides = array<i32>} : memref<256x128xf32, #tpu.memory_space<vmem>>, vector<1x16xf32>,
        %get3A_235 = vector.shape_cast %get3A_234 : vector<1x16xf32> to vector<16xf32>
        %mul3A_236 = vector.broadcast %squeeze3A_175 : f32 to vector<16xf32>
        %mul3A_237 = arith.mulf %mul3A_236, %get3A_235 : vector<16xf32>
        %add3A_238 = arith.addf %mul3A_229, %mul3A_237 : vector<16xf32>
        %add3A_239 = arith.constant 2 : i32
        %add3A_240 = arith.addi %mul3A_181, %add3A_239 : i32
        %get3A_241 = arith.index_cast %add3A_240 : i32 to index
        %get3A_242 = arith.constant 16 : index
        %get3A_243 = tpu.vector_load %arg10[%get3A_241, %get3A_242] {strides = array<i32>} : memref<256x128xf32, #tpu.memory_space<vmem>>, vector<1x16xf32>,
        %get3A_244 = vector.shape_cast %get3A_243 : vector<1x16xf32> to vector<16xf32>
        %mul3A_245 = vector.broadcast %squeeze3A_177 : f32 to vector<16xf32>
        %mul3A_246 = arith.mulf %mul3A_245, %get3A_244 : vector<16xf32>
        %add3A_247 = arith.addf %add3A_238, %mul3A_246 : vector<16xf32>
        %add3A_248 = arith.constant 3 : i32
        %add3A_249 = arith.addi %mul3A_181, %add3A_248 : i32
        %get3A_250 = arith.index_cast %add3A_249 : i32 to index
        %get3A_251 = arith.constant 16 : index
        %get3A_252 = tpu.vector_load %arg10[%get3A_250, %get3A_251] {strides = array<i32>} : memref<256x128xf32, #tpu.memory_space<vmem>>, vector<1x16xf32>,
        %get3A_253 = vector.shape_cast %get3A_252 : vector<1x16xf32> to vector<16xf32>
        %mul3A_254 = vector.broadcast %squeeze3A_179 : f32 to vector<16xf32>
        %mul3A_255 = arith.mulf %mul3A_254, %get3A_253 : vector<16xf32>
        %add3A_256 = arith.addf %add3A_247, %mul3A_255 : vector<16xf32>
        %get3A_257 = arith.index_cast %scan3A_166 : i32 to index
        %get3A_258 = arith.constant 16 : index
        %get3A_259 = tpu.vector_load %arg12[%get3A_257, %get3A_258] {strides = array<i32>} : memref<64x128xf32, #tpu.memory_space<vmem>>, vector<1x16xf32>,
        %get3A_260 = vector.shape_cast %get3A_259 : vector<1x16xf32> to vector<16xf32>
        %mul3A_261 = arith.mulf %add3A_256, %get3A_260 : vector<16xf32>
        %swap3A_262 = arith.index_cast %scan3A_166 : i32 to index
        %swap3A_263 = arith.constant 16 : index
        %swap3A_264 = tpu.vector_load %arg13[%swap3A_262, %swap3A_263] {strides = array<i32>} : memref<64x128xf32, #tpu.memory_space<vmem>>, vector<1x16xf32>,
        %swap3A_265 = vector.shape_cast %swap3A_264 : vector<1x16xf32> to vector<16xf32>
        %swap3A_266 = vector.shape_cast %mul3A_261 : vector<16xf32> to vector<1x16xf32>
        tpu.vector_store %arg13[%swap3A_262, %swap3A_263], %swap3A_266 {strides = array<i32>} : memref<64x128xf32, #tpu.memory_space<vmem>>, vector<1x16xf32>,
        %get3A_267 = arith.index_cast %mul3A_181 : i32 to index
        %get3A_268 = arith.constant 32 : index
        %get3A_269 = tpu.vector_load %arg10[%get3A_267, %get3A_268] {strides = array<i32>} : memref<256x128xf32, #tpu.memory_space<vmem>>, vector<1x16xf32>,
        %get3A_270 = vector.shape_cast %get3A_269 : vector<1x16xf32> to vector<16xf32>
        %mul3A_271 = vector.broadcast %squeeze3A : f32 to vector<16xf32>
        %mul3A_272 = arith.mulf %mul3A_271, %get3A_270 : vector<16xf32>
        %add3A_273 = arith.constant 1 : i32
        %add3A_274 = arith.addi %mul3A_181, %add3A_273 : i32
        %get3A_275 = arith.index_cast %add3A_274 : i32 to index
        %get3A_276 = arith.constant 32 : index
        %get3A_277 = tpu.vector_load %arg10[%get3A_275, %get3A_276] {strides = array<i32>} : memref<256x128xf32, #tpu.memory_space<vmem>>, vector<1x16xf32>,
        %get3A_278 = vector.shape_cast %get3A_277 : vector<1x16xf32> to vector<16xf32>
        %mul3A_279 = vector.broadcast %squeeze3A_175 : f32 to vector<16xf32>
        %mul3A_280 = arith.mulf %mul3A_279, %get3A_278 : vector<16xf32>
        %add3A_281 = arith.addf %mul3A_272, %mul3A_280 : vector<16xf32>
        %add3A_282 = arith.constant 2 : i32
        %add3A_283 = arith.addi %mul3A_181, %add3A_282 : i32
        %get3A_284 = arith.index_cast %add3A_283 : i32 to index
        %get3A_285 = arith.constant 32 : index
        %get3A_286 = tpu.vector_load %arg10[%get3A_284, %get3A_285] {strides = array<i32>} : memref<256x128xf32, #tpu.memory_space<vmem>>, vector<1x16xf32>,
        %get3A_287 = vector.shape_cast %get3A_286 : vector<1x16xf32> to vector<16xf32>
        %mul3A_288 = vector.broadcast %squeeze3A_177 : f32 to vector<16xf32>
        %mul3A_289 = arith.mulf %mul3A_288, %get3A_287 : vector<16xf32>
        %add3A_290 = arith.addf %add3A_281, %mul3A_289 : vector<16xf32>
        %add3A_291 = arith.constant 3 : i32
        %add3A_292 = arith.addi %mul3A_181, %add3A_291 : i32
        %get3A_293 = arith.index_cast %add3A_292 : i32 to index
        %get3A_294 = arith.constant 32 : index
        %get3A_295 = tpu.vector_load %arg10[%get3A_293, %get3A_294] {strides = array<i32>} : memref<256x128xf32, #tpu.memory_space<vmem>>, vector<1x16xf32>,
        %get3A_296 = vector.shape_cast %get3A_295 : vector<1x16xf32> to vector<16xf32>
        %mul3A_297 = vector.broadcast %squeeze3A_179 : f32 to vector<16xf32>
        %mul3A_298 = arith.mulf %mul3A_297, %get3A_296 : vector<16xf32>
        %add3A_299 = arith.addf %add3A_290, %mul3A_298 : vector<16xf32>
        %get3A_300 = arith.index_cast %scan3A_166 : i32 to index
        %get3A_301 = arith.constant 32 : index
        %get3A_302 = tpu.vector_load %arg12[%get3A_300, %get3A_301] {strides = array<i32>} : memref<64x128xf32, #tpu.memory_space<vmem>>, vector<1x16xf32>,
        %get3A_303 = vector.shape_cast %get3A_302 : vector<1x16xf32> to vector<16xf32>
        %mul3A_304 = arith.mulf %add3A_299, %get3A_303 : vector<16xf32>
        %swap3A_305 = arith.index_cast %scan3A_166 : i32 to index
        %swap3A_306 = arith.constant 32 : index
        %swap3A_307 = tpu.vector_load %arg13[%swap3A_305, %swap3A_306] {strides = array<i32>} : memref<64x128xf32, #tpu.memory_space<vmem>>, vector<1x16xf32>,
        %swap3A_308 = vector.shape_cast %swap3A_307 : vector<1x16xf32> to vector<16xf32>
        %swap3A_309 = vector.shape_cast %mul3A_304 : vector<16xf32> to vector<1x16xf32>
        tpu.vector_store %arg13[%swap3A_305, %swap3A_306], %swap3A_309 {strides = array<i32>} : memref<64x128xf32, #tpu.memory_space<vmem>>, vector<1x16xf32>,
        %get3A_310 = arith.index_cast %mul3A_181 : i32 to index
        %get3A_311 = arith.constant 48 : index
        %get3A_312 = tpu.vector_load %arg10[%get3A_310, %get3A_311] {strides = array<i32>} : memref<256x128xf32, #tpu.memory_space<vmem>>, vector<1x16xf32>,
        %get3A_313 = vector.shape_cast %get3A_312 : vector<1x16xf32> to vector<16xf32>
        %mul3A_314 = vector.broadcast %squeeze3A : f32 to vector<16xf32>
        %mul3A_315 = arith.mulf %mul3A_314, %get3A_313 : vector<16xf32>
        %add3A_316 = arith.constant 1 : i32
        %add3A_317 = arith.addi %mul3A_181, %add3A_316 : i32
        %get3A_318 = arith.index_cast %add3A_317 : i32 to index
        %get3A_319 = arith.constant 48 : index
        %get3A_320 = tpu.vector_load %arg10[%get3A_318, %get3A_319] {strides = array<i32>} : memref<256x128xf32, #tpu.memory_space<vmem>>, vector<1x16xf32>,
        %get3A_321 = vector.shape_cast %get3A_320 : vector<1x16xf32> to vector<16xf32>
        %mul3A_322 = vector.broadcast %squeeze3A_175 : f32 to vector<16xf32>
        %mul3A_323 = arith.mulf %mul3A_322, %get3A_321 : vector<16xf32>
        %add3A_324 = arith.addf %mul3A_315, %mul3A_323 : vector<16xf32>
        %add3A_325 = arith.constant 2 : i32
        %add3A_326 = arith.addi %mul3A_181, %add3A_325 : i32
        %get3A_327 = arith.index_cast %add3A_326 : i32 to index
        %get3A_328 = arith.constant 48 : index
        %get3A_329 = tpu.vector_load %arg10[%get3A_327, %get3A_328] {strides = array<i32>} : memref<256x128xf32, #tpu.memory_space<vmem>>, vector<1x16xf32>,
        %get3A_330 = vector.shape_cast %get3A_329 : vector<1x16xf32> to vector<16xf32>
        %mul3A_331 = vector.broadcast %squeeze3A_177 : f32 to vector<16xf32>
        %mul3A_332 = arith.mulf %mul3A_331, %get3A_330 : vector<16xf32>
        %add3A_333 = arith.addf %add3A_324, %mul3A_332 : vector<16xf32>
        %add3A_334 = arith.constant 3 : i32
        %add3A_335 = arith.addi %mul3A_181, %add3A_334 : i32
        %get3A_336 = arith.index_cast %add3A_335 : i32 to index
        %get3A_337 = arith.constant 48 : index
        %get3A_338 = tpu.vector_load %arg10[%get3A_336, %get3A_337] {strides = array<i32>} : memref<256x128xf32, #tpu.memory_space<vmem>>, vector<1x16xf32>,
        %get3A_339 = vector.shape_cast %get3A_338 : vector<1x16xf32> to vector<16xf32>
        %mul3A_340 = vector.broadcast %squeeze3A_179 : f32 to vector<16xf32>
        %mul3A_341 = arith.mulf %mul3A_340, %get3A_339 : vector<16xf32>
        %add3A_342 = arith.addf %add3A_333, %mul3A_341 : vector<16xf32>
        %get3A_343 = arith.index_cast %scan3A_166 : i32 to index
        %get3A_344 = arith.constant 48 : index
        %get3A_345 = tpu.vector_load %arg12[%get3A_343, %get3A_344] {strides = array<i32>} : memref<64x128xf32, #tpu.memory_space<vmem>>, vector<1x16xf32>,
        %get3A_346 = vector.shape_cast %get3A_345 : vector<1x16xf32> to vector<16xf32>
        %mul3A_347 = arith.mulf %add3A_342, %get3A_346 : vector<16xf32>
        %swap3A_348 = arith.index_cast %scan3A_166 : i32 to index
        %swap3A_349 = arith.constant 48 : index
        %swap3A_350 = tpu.vector_load %arg13[%swap3A_348, %swap3A_349] {strides = array<i32>} : memref<64x128xf32, #tpu.memory_space<vmem>>, vector<1x16xf32>,
        %swap3A_351 = vector.shape_cast %swap3A_350 : vector<1x16xf32> to vector<16xf32>
        %swap3A_352 = vector.shape_cast %mul3A_347 : vector<16xf32> to vector<1x16xf32>
        tpu.vector_store %arg13[%swap3A_348, %swap3A_349], %swap3A_352 {strides = array<i32>} : memref<64x128xf32, #tpu.memory_space<vmem>>, vector<1x16xf32>,
        %get3A_353 = arith.index_cast %mul3A_181 : i32 to index
        %get3A_354 = arith.constant 64 : index
        %get3A_355 = tpu.vector_load %arg10[%get3A_353, %get3A_354] {strides = array<i32>} : memref<256x128xf32, #tpu.memory_space<vmem>>, vector<1x16xf32>,
        %get3A_356 = vector.shape_cast %get3A_355 : vector<1x16xf32> to vector<16xf32>
        %mul3A_357 = vector.broadcast %squeeze3A : f32 to vector<16xf32>
        %mul3A_358 = arith.mulf %mul3A_357, %get3A_356 : vector<16xf32>
        %add3A_359 = arith.constant 1 : i32
        %add3A_360 = arith.addi %mul3A_181, %add3A_359 : i32
        %get3A_361 = arith.index_cast %add3A_360 : i32 to index
        %get3A_362 = arith.constant 64 : index
        %get3A_363 = tpu.vector_load %arg10[%get3A_361, %get3A_362] {strides = array<i32>} : memref<256x128xf32, #tpu.memory_space<vmem>>, vector<1x16xf32>,
        %get3A_364 = vector.shape_cast %get3A_363 : vector<1x16xf32> to vector<16xf32>
        %mul3A_365 = vector.broadcast %squeeze3A_175 : f32 to vector<16xf32>
        %mul3A_366 = arith.mulf %mul3A_365, %get3A_364 : vector<16xf32>
        %add3A_367 = arith.addf %mul3A_358, %mul3A_366 : vector<16xf32>
        %add3A_368 = arith.constant 2 : i32
        %add3A_369 = arith.addi %mul3A_181, %add3A_368 : i32
        %get3A_370 = arith.index_cast %add3A_369 : i32 to index
        %get3A_371 = arith.constant 64 : index
        %get3A_372 = tpu.vector_load %arg10[%get3A_370, %get3A_371] {strides = array<i32>} : memref<256x128xf32, #tpu.memory_space<vmem>>, vector<1x16xf32>,
        %get3A_373 = vector.shape_cast %get3A_372 : vector<1x16xf32> to vector<16xf32>
        %mul3A_374 = vector.broadcast %squeeze3A_177 : f32 to vector<16xf32>
        %mul3A_375 = arith.mulf %mul3A_374, %get3A_373 : vector<16xf32>
        %add3A_376 = arith.addf %add3A_367, %mul3A_375 : vector<16xf32>
        %add3A_377 = arith.constant 3 : i32
        %add3A_378 = arith.addi %mul3A_181, %add3A_377 : i32
        %get3A_379 = arith.index_cast %add3A_378 : i32 to index
        %get3A_380 = arith.constant 64 : index
        %get3A_381 = tpu.vector_load %arg10[%get3A_379, %get3A_380] {strides = array<i32>} : memref<256x128xf32, #tpu.memory_space<vmem>>, vector<1x16xf32>,
        %get3A_382 = vector.shape_cast %get3A_381 : vector<1x16xf32> to vector<16xf32>
        %mul3A_383 = vector.broadcast %squeeze3A_179 : f32 to vector<16xf32>
        %mul3A_384 = arith.mulf %mul3A_383, %get3A_382 : vector<16xf32>
        %add3A_385 = arith.addf %add3A_376, %mul3A_384 : vector<16xf32>
        %get3A_386 = arith.index_cast %scan3A_166 : i32 to index
        %get3A_387 = arith.constant 64 : index
        %get3A_388 = tpu.vector_load %arg12[%get3A_386, %get3A_387] {strides = array<i32>} : memref<64x128xf32, #tpu.memory_space<vmem>>, vector<1x16xf32>,
        %get3A_389 = vector.shape_cast %get3A_388 : vector<1x16xf32> to vector<16xf32>
        %mul3A_390 = arith.mulf %add3A_385, %get3A_389 : vector<16xf32>
        %swap3A_391 = arith.index_cast %scan3A_166 : i32 to index
        %swap3A_392 = arith.constant 64 : index
        %swap3A_393 = tpu.vector_load %arg13[%swap3A_391, %swap3A_392] {strides = array<i32>} : memref<64x128xf32, #tpu.memory_space<vmem>>, vector<1x16xf32>,
        %swap3A_394 = vector.shape_cast %swap3A_393 : vector<1x16xf32> to vector<16xf32>
        %swap3A_395 = vector.shape_cast %mul3A_390 : vector<16xf32> to vector<1x16xf32>
        tpu.vector_store %arg13[%swap3A_391, %swap3A_392], %swap3A_395 {strides = array<i32>} : memref<64x128xf32, #tpu.memory_space<vmem>>, vector<1x16xf32>,
        %get3A_396 = arith.index_cast %mul3A_181 : i32 to index
        %get3A_397 = arith.constant 80 : index
        %get3A_398 = tpu.vector_load %arg10[%get3A_396, %get3A_397] {strides = array<i32>} : memref<256x128xf32, #tpu.memory_space<vmem>>, vector<1x16xf32>,
        %get3A_399 = vector.shape_cast %get3A_398 : vector<1x16xf32> to vector<16xf32>
        %mul3A_400 = vector.broadcast %squeeze3A : f32 to vector<16xf32>
        %mul3A_401 = arith.mulf %mul3A_400, %get3A_399 : vector<16xf32>
        %add3A_402 = arith.constant 1 : i32
        %add3A_403 = arith.addi %mul3A_181, %add3A_402 : i32
        %get3A_404 = arith.index_cast %add3A_403 : i32 to index
        %get3A_405 = arith.constant 80 : index
        %get3A_406 = tpu.vector_load %arg10[%get3A_404, %get3A_405] {strides = array<i32>} : memref<256x128xf32, #tpu.memory_space<vmem>>, vector<1x16xf32>,
        %get3A_407 = vector.shape_cast %get3A_406 : vector<1x16xf32> to vector<16xf32>
        %mul3A_408 = vector.broadcast %squeeze3A_175 : f32 to vector<16xf32>
        %mul3A_409 = arith.mulf %mul3A_408, %get3A_407 : vector<16xf32>
        %add3A_410 = arith.addf %mul3A_401, %mul3A_409 : vector<16xf32>
        %add3A_411 = arith.constant 2 : i32
        %add3A_412 = arith.addi %mul3A_181, %add3A_411 : i32
        %get3A_413 = arith.index_cast %add3A_412 : i32 to index
        %get3A_414 = arith.constant 80 : index
        %get3A_415 = tpu.vector_load %arg10[%get3A_413, %get3A_414] {strides = array<i32>} : memref<256x128xf32, #tpu.memory_space<vmem>>, vector<1x16xf32>,
        %get3A_416 = vector.shape_cast %get3A_415 : vector<1x16xf32> to vector<16xf32>
        %mul3A_417 = vector.broadcast %squeeze3A_177 : f32 to vector<16xf32>
        %mul3A_418 = arith.mulf %mul3A_417, %get3A_416 : vector<16xf32>
        %add3A_419 = arith.addf %add3A_410, %mul3A_418 : vector<16xf32>
        %add3A_420 = arith.constant 3 : i32
        %add3A_421 = arith.addi %mul3A_181, %add3A_420 : i32
        %get3A_422 = arith.index_cast %add3A_421 : i32 to index
        %get3A_423 = arith.constant 80 : index
        %get3A_424 = tpu.vector_load %arg10[%get3A_422, %get3A_423] {strides = array<i32>} : memref<256x128xf32, #tpu.memory_space<vmem>>, vector<1x16xf32>,
        %get3A_425 = vector.shape_cast %get3A_424 : vector<1x16xf32> to vector<16xf32>
        %mul3A_426 = vector.broadcast %squeeze3A_179 : f32 to vector<16xf32>
        %mul3A_427 = arith.mulf %mul3A_426, %get3A_425 : vector<16xf32>
        %add3A_428 = arith.addf %add3A_419, %mul3A_427 : vector<16xf32>
        %get3A_429 = arith.index_cast %scan3A_166 : i32 to index
        %get3A_430 = arith.constant 80 : index
        %get3A_431 = tpu.vector_load %arg12[%get3A_429, %get3A_430] {strides = array<i32>} : memref<64x128xf32, #tpu.memory_space<vmem>>, vector<1x16xf32>,
        %get3A_432 = vector.shape_cast %get3A_431 : vector<1x16xf32> to vector<16xf32>
        %mul3A_433 = arith.mulf %add3A_428, %get3A_432 : vector<16xf32>
        %swap3A_434 = arith.index_cast %scan3A_166 : i32 to index
        %swap3A_435 = arith.constant 80 : index
        %swap3A_436 = tpu.vector_load %arg13[%swap3A_434, %swap3A_435] {strides = array<i32>} : memref<64x128xf32, #tpu.memory_space<vmem>>, vector<1x16xf32>,
        %swap3A_437 = vector.shape_cast %swap3A_436 : vector<1x16xf32> to vector<16xf32>
        %swap3A_438 = vector.shape_cast %mul3A_433 : vector<16xf32> to vector<1x16xf32>
        tpu.vector_store %arg13[%swap3A_434, %swap3A_435], %swap3A_438 {strides = array<i32>} : memref<64x128xf32, #tpu.memory_space<vmem>>, vector<1x16xf32>,
      }
      %scan3A_155 = arith.constant 64 : i32
      %mul3A_156 = arith.constant 64 : i32
      %mul3A_157 = arith.muli %add3A_116, %mul3A_156 : i32
      %add3A_158 = arith.addi %mul3A_2, %mul3A_157 : i32
      "tpu.region"() ({
        %run_scoped3A = tpu.sem_alloc : memref<!tpu.dma_semaphore, #tpu.memory_space<semaphore_mem>>
        %dma_start3A_166 = arith.constant 0 : i32
        %dma_start3A_167 = tpu.memref_slice %arg6[%add3A_158, %dma_start3A_166] : memref<8192x128xf32, #tpu.memory_space<hbm>> -> memref<64x128xf32, #tpu.memory_space<hbm>>
        %dma_start3A_168 = arith.constant 0 : i32
        %dma_start3A_169 = tpu.memref_slice %arg6[%add3A_158, %dma_start3A_168] : memref<8192x128xf32, #tpu.memory_space<hbm>> -> memref<64x128xf32, #tpu.memory_space<hbm>>
        tpu.enqueue_dma source(%arg13 : memref<64x128xf32, #tpu.memory_space<vmem>>) target(%dma_start3A_169 : memref<64x128xf32, #tpu.memory_space<hbm>>) target_semaphore(%run_scoped3A : memref<!tpu.dma_semaphore, #tpu.memory_space<semaphore_mem>>)
        %dma_wait3A_170 = arith.constant 0 : i32
        %dma_wait3A_171 = tpu.memref_slice %arg6[%add3A_158, %dma_wait3A_170] : memref<8192x128xf32, #tpu.memory_space<hbm>> -> memref<64x128xf32, #tpu.memory_space<hbm>>
        %dma_wait3A_172 = arith.constant 0 : i32
        %dma_wait3A_173 = tpu.memref_slice %arg6[%add3A_158, %dma_wait3A_172] : memref<8192x128xf32, #tpu.memory_space<hbm>> -> memref<64x128xf32, #tpu.memory_space<hbm>>
        tpu.wait_dma2 semaphore(%run_scoped3A : memref<!tpu.dma_semaphore, #tpu.memory_space<semaphore_mem>>) src(%arg13 : memref<64x128xf32, #tpu.memory_space<vmem>>) dst(%dma_wait3A_173 : memref<64x128xf32, #tpu.memory_space<hbm>>)
        tpu.yield
      }) : () -> ()
      %add3A_159 = arith.constant 2 : i32
      %add3A_160 = arith.addi %add3A_116, %add3A_159 : i32
      %lt3A_161 = arith.constant 4 : i32
      %lt3A_162 = arith.cmpi slt, %add3A_160, %lt3A_161 : i32
      %convert_element_type3A_163 = arith.extui %lt3A_162 : i1 to i32
      %cond3A_164 = arith.constant 0 : i32
      %cond3A_165 = arith.cmpi ne, %convert_element_type3A_163, %cond3A_164 : i32
      scf.if %cond3A_165 {
        %add3A_166 = arith.constant 2 : i32
        %add3A_167 = arith.addi %add3A_116, %add3A_166 : i32
        %mul3A_168 = arith.constant 64 : i32
        %mul3A_169 = arith.muli %add3A_167, %mul3A_168 : i32
        %add3A_170 = arith.addi %mul3A_2, %mul3A_169 : i32
        %dma_start3A_171 = arith.constant 0 : i32
        %dma_start3A_172 = tpu.memref_slice %arg3[%add3A_170, %dma_start3A_171] : memref<8192x128xf32, #tpu.memory_space<hbm>> -> memref<64x128xf32, #tpu.memory_space<hbm>>
        %dma_start3A_173 = arith.constant 0 : i32
        %dma_start3A_174 = tpu.memref_slice %arg3[%add3A_170, %dma_start3A_173] : memref<8192x128xf32, #tpu.memory_space<hbm>> -> memref<64x128xf32, #tpu.memory_space<hbm>>
        tpu.enqueue_dma source(%dma_start3A_174 : memref<64x128xf32, #tpu.memory_space<hbm>>) target(%arg12 : memref<64x128xf32, #tpu.memory_space<vmem>>) target_semaphore(%arg15 : memref<!tpu.dma_semaphore, #tpu.memory_space<semaphore_mem>>)
        %mul3A_175 = arith.constant 2 : i32
        %mul3A_176 = arith.muli %add3A_167, %mul3A_175 : i32
        %add3A_177 = arith.constant 0 : i32
        %add3A_178 = arith.addi %mul3A_176, %add3A_177 : i32
        %dma_start3A_179 = arith.constant 0 : i32
        %dma_start3A_180 = arith.constant 0 : i32
        %dma_start3A_181 = tpu.memref_slice %arg10[%dma_start3A_179, %dma_start3A_180] : memref<256x128xf32, #tpu.memory_space<vmem>> -> memref<128x128xf32, #tpu.memory_space<vmem>>
        %dma_start3A_182 = arith.constant 0 : i32
        %dma_start3A_183 = tpu.memref_slice %arg7[%add3A_178, %dma_start3A_182] : memref<8x128xi32, #tpu.memory_space<vmem>> -> memref<1x128xi32, #tpu.memory_space<vmem>>
        %dma_start3A_184 = tpu.memref_squeeze %dma_start3A_183 : memref<1x128xi32, #tpu.memory_space<vmem>> -> memref<128xi32, #tpu.memory_space<vmem>>
        %dma_start3A_185 = arith.constant 0 : i32
        %dma_start3A_186 = arith.constant 0 : i32
        %dma_start3A_187 = tpu.memref_slice %arg2[%dma_start3A_185, %dma_start3A_186] : memref<8192x128xf32, #tpu.memory_space<hbm>> -> memref<8192x128xf32, #tpu.memory_space<hbm>>
        tpu.enqueue_indirect_dma source(%dma_start3A_187 : memref<8192x128xf32, #tpu.memory_space<hbm>>) target(%dma_start3A_181 : memref<128x128xf32, #tpu.memory_space<vmem>>) offsets(%dma_start3A_184 : memref<128xi32, #tpu.memory_space<vmem>>) semaphore(%arg15 : memref<!tpu.dma_semaphore, #tpu.memory_space<semaphore_mem>>)
        %mul3A_188 = arith.constant 2 : i32
        %mul3A_189 = arith.muli %add3A_167, %mul3A_188 : i32
        %add3A_190 = arith.constant 1 : i32
        %add3A_191 = arith.addi %mul3A_189, %add3A_190 : i32
        %dma_start3A_192 = arith.constant 128 : i32
        %dma_start3A_193 = arith.constant 0 : i32
        %dma_start3A_194 = tpu.memref_slice %arg10[%dma_start3A_192, %dma_start3A_193] : memref<256x128xf32, #tpu.memory_space<vmem>> -> memref<128x128xf32, #tpu.memory_space<vmem>>
        %dma_start3A_195 = arith.constant 0 : i32
        %dma_start3A_196 = tpu.memref_slice %arg7[%add3A_191, %dma_start3A_195] : memref<8x128xi32, #tpu.memory_space<vmem>> -> memref<1x128xi32, #tpu.memory_space<vmem>>
        %dma_start3A_197 = tpu.memref_squeeze %dma_start3A_196 : memref<1x128xi32, #tpu.memory_space<vmem>> -> memref<128xi32, #tpu.memory_space<vmem>>
        %dma_start3A_198 = arith.constant 0 : i32
        %dma_start3A_199 = arith.constant 0 : i32
        %dma_start3A_200 = tpu.memref_slice %arg2[%dma_start3A_198, %dma_start3A_199] : memref<8192x128xf32, #tpu.memory_space<hbm>> -> memref<8192x128xf32, #tpu.memory_space<hbm>>
        tpu.enqueue_indirect_dma source(%dma_start3A_200 : memref<8192x128xf32, #tpu.memory_space<hbm>>) target(%dma_start3A_194 : memref<128x128xf32, #tpu.memory_space<vmem>>) offsets(%dma_start3A_197 : memref<128xi32, #tpu.memory_space<vmem>>) semaphore(%arg15 : memref<!tpu.dma_semaphore, #tpu.memory_space<semaphore_mem>>)
      } else {
      }
    }
    %scan3A_62 = arith.constant 2 : i32
    return
  }
}

#map = affine_map<(d0, d1) -> (0, 0)>
#map1 = affine_map<(d0, d1) -> (0)>
module attributes {stable_mosaic.version = 14 : i64} {
  func.func @sc_k(%arg0: i32, %arg1: i32, %arg2: memref<8192x128xf32, #tpu.memory_space<hbm>>, %arg3: memref<8192x128xf32, #tpu.memory_space<hbm>>, %arg4: memref<32768xf32, #tpu.memory_space<hbm>>, %arg5: memref<256x128xi32, #tpu.memory_space<hbm>>, %arg6: memref<8192x128xf32, #tpu.memory_space<hbm>>, %arg7: memref<8x128xi32, #tpu.memory_space<vmem>>, %arg8: memref<1040xf32, #tpu.memory_space<vmem>>, %arg9: memref<256x128xf32, #tpu.memory_space<vmem>>, %arg10: memref<256x128xf32, #tpu.memory_space<vmem>>, %arg11: memref<64x128xf32, #tpu.memory_space<vmem>>, %arg12: memref<64x128xf32, #tpu.memory_space<vmem>>, %arg13: memref<64x128xf32, #tpu.memory_space<vmem>>, %arg14: memref<!tpu.dma_semaphore, #tpu.memory_space<semaphore_mem>>, %arg15: memref<!tpu.dma_semaphore, #tpu.memory_space<semaphore_mem>>) attributes {dimension_semantics = [#tpu.dimension_semantics<core_parallel>, #tpu.dimension_semantics<subcore_parallel>], iteration_bounds = array<i64: 2, 16>, scalar_prefetch = 0 : i64, scratch_operands = 9 : i64, tpu.core_type = #tpu.core_type<sc_vector_subcore>, window_params = [{transform_indices = #map}, {transform_indices = #map}, {transform_indices = #map1}, {transform_indices = #map}, {transform_indices = #map}]} {
    %mul3A = arith.constant 2 : i32
    %mul3A_0 = arith.muli %arg1, %mul3A : i32
    %add3A = arith.addi %mul3A_0, %arg0 : i32
    %mul3A_1 = arith.constant 256 : i32
    %mul3A_2 = arith.muli %add3A, %mul3A_1 : i32
    %mul3A_3 = arith.constant 8 : i32
    %mul3A_4 = arith.muli %add3A, %mul3A_3 : i32
    "tpu.region"() ({
      %run_scoped3A = tpu.sem_alloc : memref<!tpu.dma_semaphore, #tpu.memory_space<semaphore_mem>>
      %dma_start3A_63 = arith.constant 0 : i32
      %dma_start3A_64 = tpu.memref_slice %arg5[%mul3A_4, %dma_start3A_63] : memref<256x128xi32, #tpu.memory_space<hbm>> -> memref<8x128xi32, #tpu.memory_space<hbm>>
      %dma_start3A_65 = arith.constant 0 : i32
      %dma_start3A_66 = tpu.memref_slice %arg5[%mul3A_4, %dma_start3A_65] : memref<256x128xi32, #tpu.memory_space<hbm>> -> memref<8x128xi32, #tpu.memory_space<hbm>>
      tpu.enqueue_dma source(%dma_start3A_66 : memref<8x128xi32, #tpu.memory_space<hbm>>) target(%arg7 : memref<8x128xi32, #tpu.memory_space<vmem>>) target_semaphore(%run_scoped3A : memref<!tpu.dma_semaphore, #tpu.memory_space<semaphore_mem>>)
      %dma_wait3A = arith.constant 0 : i32
      %dma_wait3A_67 = tpu.memref_slice %arg5[%mul3A_4, %dma_wait3A] : memref<256x128xi32, #tpu.memory_space<hbm>> -> memref<8x128xi32, #tpu.memory_space<hbm>>
      %dma_wait3A_68 = arith.constant 0 : i32
      %dma_wait3A_69 = tpu.memref_slice %arg5[%mul3A_4, %dma_wait3A_68] : memref<256x128xi32, #tpu.memory_space<hbm>> -> memref<8x128xi32, #tpu.memory_space<hbm>>
      tpu.wait_dma2 semaphore(%run_scoped3A : memref<!tpu.dma_semaphore, #tpu.memory_space<semaphore_mem>>) src(%dma_wait3A_69 : memref<8x128xi32, #tpu.memory_space<hbm>>) dst(%arg7 : memref<8x128xi32, #tpu.memory_space<vmem>>)
      tpu.yield
    }) : () -> ()
    %mul3A_5 = arith.constant 1024 : i32
    %mul3A_6 = arith.muli %add3A, %mul3A_5 : i32
    "tpu.region"() ({
      %run_scoped3A = tpu.sem_alloc : memref<!tpu.dma_semaphore, #tpu.memory_space<semaphore_mem>>
      %dma_start3A_63 = arith.constant 0 : i32
      %dma_start3A_64 = tpu.memref_slice %arg8[%dma_start3A_63] : memref<1040xf32, #tpu.memory_space<vmem>> -> memref<1024xf32, #tpu.memory_space<vmem>>
      %dma_start3A_65 = tpu.memref_slice %arg4[%mul3A_6] : memref<32768xf32, #tpu.memory_space<hbm>> -> memref<1024xf32, #tpu.memory_space<hbm>>
      %dma_start3A_66 = arith.constant 0 : i32
      %dma_start3A_67 = tpu.memref_slice %arg8[%dma_start3A_66] : memref<1040xf32, #tpu.memory_space<vmem>> -> memref<1024xf32, #tpu.memory_space<vmem>>
      %dma_start3A_68 = tpu.memref_slice %arg4[%mul3A_6] : memref<32768xf32, #tpu.memory_space<hbm>> -> memref<1024xf32, #tpu.memory_space<hbm>>
      tpu.enqueue_dma source(%dma_start3A_68 : memref<1024xf32, #tpu.memory_space<hbm>>) target(%dma_start3A_67 : memref<1024xf32, #tpu.memory_space<vmem>>) target_semaphore(%run_scoped3A : memref<!tpu.dma_semaphore, #tpu.memory_space<semaphore_mem>>)
      %dma_wait3A = arith.constant 0 : i32
      %dma_wait3A_69 = tpu.memref_slice %arg8[%dma_wait3A] : memref<1040xf32, #tpu.memory_space<vmem>> -> memref<1024xf32, #tpu.memory_space<vmem>>
      %dma_wait3A_70 = tpu.memref_slice %arg4[%mul3A_6] : memref<32768xf32, #tpu.memory_space<hbm>> -> memref<1024xf32, #tpu.memory_space<hbm>>
      %dma_wait3A_71 = arith.constant 0 : i32
      %dma_wait3A_72 = tpu.memref_slice %arg8[%dma_wait3A_71] : memref<1040xf32, #tpu.memory_space<vmem>> -> memref<1024xf32, #tpu.memory_space<vmem>>
      %dma_wait3A_73 = tpu.memref_slice %arg4[%mul3A_6] : memref<32768xf32, #tpu.memory_space<hbm>> -> memref<1024xf32, #tpu.memory_space<hbm>>
      tpu.wait_dma2 semaphore(%run_scoped3A : memref<!tpu.dma_semaphore, #tpu.memory_space<semaphore_mem>>) src(%dma_wait3A_73 : memref<1024xf32, #tpu.memory_space<hbm>>) dst(%dma_wait3A_72 : memref<1024xf32, #tpu.memory_space<vmem>>)
      tpu.yield
    }) : () -> ()
    %add3A_7 = arith.constant 0 : i32
    %add3A_8 = arith.addi %mul3A_2, %add3A_7 : i32
    %dma_start3A = arith.constant 0 : i32
    %dma_start3A_9 = tpu.memref_slice %arg3[%add3A_8, %dma_start3A] : memref<8192x128xf32, #tpu.memory_space<hbm>> -> memref<64x128xf32, #tpu.memory_space<hbm>>
    %dma_start3A_10 = arith.constant 0 : i32
    %dma_start3A_11 = tpu.memref_slice %arg3[%add3A_8, %dma_start3A_10] : memref<8192x128xf32, #tpu.memory_space<hbm>> -> memref<64x128xf32, #tpu.memory_space<hbm>>
    tpu.enqueue_dma source(%dma_start3A_11 : memref<64x128xf32, #tpu.memory_space<hbm>>) target(%arg11 : memref<64x128xf32, #tpu.memory_space<vmem>>) target_semaphore(%arg14 : memref<!tpu.dma_semaphore, #tpu.memory_space<semaphore_mem>>)
    %dma_start3A_12 = arith.constant 0 : i32
    %dma_start3A_13 = arith.constant 0 : i32
    %dma_start3A_14 = arith.constant 0 : i32
    %dma_start3A_15 = tpu.memref_slice %arg9[%dma_start3A_13, %dma_start3A_14] : memref<256x128xf32, #tpu.memory_space<vmem>> -> memref<128x128xf32, #tpu.memory_space<vmem>>
    %dma_start3A_16 = arith.constant 0 : i32
    %dma_start3A_17 = tpu.memref_slice %arg7[%dma_start3A_12, %dma_start3A_16] : memref<8x128xi32, #tpu.memory_space<vmem>> -> memref<1x128xi32, #tpu.memory_space<vmem>>
    %dma_start3A_18 = tpu.memref_squeeze %dma_start3A_17 : memref<1x128xi32, #tpu.memory_space<vmem>> -> memref<128xi32, #tpu.memory_space<vmem>>
    %dma_start3A_19 = arith.constant 0 : i32
    %dma_start3A_20 = arith.constant 0 : i32
    %dma_start3A_21 = tpu.memref_slice %arg2[%dma_start3A_19, %dma_start3A_20] : memref<8192x128xf32, #tpu.memory_space<hbm>> -> memref<8192x128xf32, #tpu.memory_space<hbm>>
    tpu.enqueue_indirect_dma source(%dma_start3A_21 : memref<8192x128xf32, #tpu.memory_space<hbm>>) target(%dma_start3A_15 : memref<128x128xf32, #tpu.memory_space<vmem>>) offsets(%dma_start3A_18 : memref<128xi32, #tpu.memory_space<vmem>>) semaphore(%arg14 : memref<!tpu.dma_semaphore, #tpu.memory_space<semaphore_mem>>)
    %dma_start3A_22 = arith.constant 1 : i32
    %dma_start3A_23 = arith.constant 128 : i32
    %dma_start3A_24 = arith.constant 0 : i32
    %dma_start3A_25 = tpu.memref_slice %arg9[%dma_start3A_23, %dma_start3A_24] : memref<256x128xf32, #tpu.memory_space<vmem>> -> memref<128x128xf32, #tpu.memory_space<vmem>>
    %dma_start3A_26 = arith.constant 0 : i32
    %dma_start3A_27 = tpu.memref_slice %arg7[%dma_start3A_22, %dma_start3A_26] : memref<8x128xi32, #tpu.memory_space<vmem>> -> memref<1x128xi32, #tpu.memory_space<vmem>>
    %dma_start3A_28 = tpu.memref_squeeze %dma_start3A_27 : memref<1x128xi32, #tpu.memory_space<vmem>> -> memref<128xi32, #tpu.memory_space<vmem>>
    %dma_start3A_29 = arith.constant 0 : i32
    %dma_start3A_30 = arith.constant 0 : i32
    %dma_start3A_31 = tpu.memref_slice %arg2[%dma_start3A_29, %dma_start3A_30] : memref<8192x128xf32, #tpu.memory_space<hbm>> -> memref<8192x128xf32, #tpu.memory_space<hbm>>
    tpu.enqueue_indirect_dma source(%dma_start3A_31 : memref<8192x128xf32, #tpu.memory_space<hbm>>) target(%dma_start3A_25 : memref<128x128xf32, #tpu.memory_space<vmem>>) offsets(%dma_start3A_28 : memref<128xi32, #tpu.memory_space<vmem>>) semaphore(%arg14 : memref<!tpu.dma_semaphore, #tpu.memory_space<semaphore_mem>>)
    %add3A_32 = arith.constant 64 : i32
    %add3A_33 = arith.addi %mul3A_2, %add3A_32 : i32
    %dma_start3A_34 = arith.constant 0 : i32
    %dma_start3A_35 = tpu.memref_slice %arg3[%add3A_33, %dma_start3A_34] : memref<8192x128xf32, #tpu.memory_space<hbm>> -> memref<64x128xf32, #tpu.memory_space<hbm>>
    %dma_start3A_36 = arith.constant 0 : i32
    %dma_start3A_37 = tpu.memref_slice %arg3[%add3A_33, %dma_start3A_36] : memref<8192x128xf32, #tpu.memory_space<hbm>> -> memref<64x128xf32, #tpu.memory_space<hbm>>
    tpu.enqueue_dma source(%dma_start3A_37 : memref<64x128xf32, #tpu.memory_space<hbm>>) target(%arg12 : memref<64x128xf32, #tpu.memory_space<vmem>>) target_semaphore(%arg15 : memref<!tpu.dma_semaphore, #tpu.memory_space<semaphore_mem>>)
    %dma_start3A_38 = arith.constant 2 : i32
    %dma_start3A_39 = arith.constant 0 : i32
    %dma_start3A_40 = arith.constant 0 : i32
    %dma_start3A_41 = tpu.memref_slice %arg10[%dma_start3A_39, %dma_start3A_40] : memref<256x128xf32, #tpu.memory_space<vmem>> -> memref<128x128xf32, #tpu.memory_space<vmem>>
    %dma_start3A_42 = arith.constant 0 : i32
    %dma_start3A_43 = tpu.memref_slice %arg7[%dma_start3A_38, %dma_start3A_42] : memref<8x128xi32, #tpu.memory_space<vmem>> -> memref<1x128xi32, #tpu.memory_space<vmem>>
    %dma_start3A_44 = tpu.memref_squeeze %dma_start3A_43 : memref<1x128xi32, #tpu.memory_space<vmem>> -> memref<128xi32, #tpu.memory_space<vmem>>
    %dma_start3A_45 = arith.constant 0 : i32
    %dma_start3A_46 = arith.constant 0 : i32
    %dma_start3A_47 = tpu.memref_slice %arg2[%dma_start3A_45, %dma_start3A_46] : memref<8192x128xf32, #tpu.memory_space<hbm>> -> memref<8192x128xf32, #tpu.memory_space<hbm>>
    tpu.enqueue_indirect_dma source(%dma_start3A_47 : memref<8192x128xf32, #tpu.memory_space<hbm>>) target(%dma_start3A_41 : memref<128x128xf32, #tpu.memory_space<vmem>>) offsets(%dma_start3A_44 : memref<128xi32, #tpu.memory_space<vmem>>) semaphore(%arg15 : memref<!tpu.dma_semaphore, #tpu.memory_space<semaphore_mem>>)
    %dma_start3A_48 = arith.constant 3 : i32
    %dma_start3A_49 = arith.constant 128 : i32
    %dma_start3A_50 = arith.constant 0 : i32
    %dma_start3A_51 = tpu.memref_slice %arg10[%dma_start3A_49, %dma_start3A_50] : memref<256x128xf32, #tpu.memory_space<vmem>> -> memref<128x128xf32, #tpu.memory_space<vmem>>
    %dma_start3A_52 = arith.constant 0 : i32
    %dma_start3A_53 = tpu.memref_slice %arg7[%dma_start3A_48, %dma_start3A_52] : memref<8x128xi32, #tpu.memory_space<vmem>> -> memref<1x128xi32, #tpu.memory_space<vmem>>
    %dma_start3A_54 = tpu.memref_squeeze %dma_start3A_53 : memref<1x128xi32, #tpu.memory_space<vmem>> -> memref<128xi32, #tpu.memory_space<vmem>>
    %dma_start3A_55 = arith.constant 0 : i32
    %dma_start3A_56 = arith.constant 0 : i32
    %dma_start3A_57 = tpu.memref_slice %arg2[%dma_start3A_55, %dma_start3A_56] : memref<8192x128xf32, #tpu.memory_space<hbm>> -> memref<8192x128xf32, #tpu.memory_space<hbm>>
    tpu.enqueue_indirect_dma source(%dma_start3A_57 : memref<8192x128xf32, #tpu.memory_space<hbm>>) target(%dma_start3A_51 : memref<128x128xf32, #tpu.memory_space<vmem>>) offsets(%dma_start3A_54 : memref<128xi32, #tpu.memory_space<vmem>>) semaphore(%arg15 : memref<!tpu.dma_semaphore, #tpu.memory_space<semaphore_mem>>)
    %scan3A = arith.constant 0 : i32
    %scan3A_58 = arith.constant 0 : i32
    %scan3A_59 = arith.constant 2 : i32
    %scan3A_60 = arith.addi %scan3A_58, %scan3A_59 : i32
    %scan3A_61 = arith.constant 1 : i32
    scf.for %scan3A_63 = %scan3A_58 to %scan3A_60 step %scan3A_61  : i32 {
      %mul3A_64 = arith.constant 2 : i32
      %mul3A_65 = arith.muli %mul3A_64, %scan3A_63 : i32
      %add3A_66 = arith.constant 0 : i32
      %add3A_67 = arith.addi %mul3A_65, %add3A_66 : i32
      %mul3A_68 = arith.constant 64 : i32
      %mul3A_69 = arith.muli %add3A_67, %mul3A_68 : i32
      %add3A_70 = arith.addi %mul3A_2, %mul3A_69 : i32
      %dma_wait3A = arith.constant 0 : i32
      %dma_wait3A_71 = tpu.memref_slice %arg3[%add3A_70, %dma_wait3A] : memref<8192x128xf32, #tpu.memory_space<hbm>> -> memref<64x128xf32, #tpu.memory_space<hbm>>
      %dma_wait3A_72 = arith.constant 0 : i32
      %dma_wait3A_73 = tpu.memref_slice %arg3[%add3A_70, %dma_wait3A_72] : memref<8192x128xf32, #tpu.memory_space<hbm>> -> memref<64x128xf32, #tpu.memory_space<hbm>>
      tpu.wait_dma2 semaphore(%arg14 : memref<!tpu.dma_semaphore, #tpu.memory_space<semaphore_mem>>) src(%dma_wait3A_73 : memref<64x128xf32, #tpu.memory_space<hbm>>) dst(%arg11 : memref<64x128xf32, #tpu.memory_space<vmem>>)
      %mul3A_74 = arith.constant 2 : i32
      %mul3A_75 = arith.muli %add3A_67, %mul3A_74 : i32
      %add3A_76 = arith.constant 0 : i32
      %add3A_77 = arith.addi %mul3A_75, %add3A_76 : i32
      %dma_wait3A_78 = arith.constant 0 : i32
      %dma_wait3A_79 = arith.constant 0 : i32
      %dma_wait3A_80 = tpu.memref_slice %arg9[%dma_wait3A_78, %dma_wait3A_79] : memref<256x128xf32, #tpu.memory_space<vmem>> -> memref<128x128xf32, #tpu.memory_space<vmem>>
      %dma_wait3A_81 = arith.constant 0 : i32
      %dma_wait3A_82 = tpu.memref_slice %arg7[%add3A_77, %dma_wait3A_81] : memref<8x128xi32, #tpu.memory_space<vmem>> -> memref<1x128xi32, #tpu.memory_space<vmem>>
      %dma_wait3A_83 = tpu.memref_squeeze %dma_wait3A_82 : memref<1x128xi32, #tpu.memory_space<vmem>> -> memref<128xi32, #tpu.memory_space<vmem>>
      %dma_wait3A_84 = arith.constant 0 : i32
      %dma_wait3A_85 = arith.constant 0 : i32
      %dma_wait3A_86 = tpu.memref_slice %arg2[%dma_wait3A_84, %dma_wait3A_85] : memref<8192x128xf32, #tpu.memory_space<hbm>> -> memref<8192x128xf32, #tpu.memory_space<hbm>>
      tpu.wait_indirect_dma semaphore(%arg14 : memref<!tpu.dma_semaphore, #tpu.memory_space<semaphore_mem>>) src(%dma_wait3A_86 : memref<8192x128xf32, #tpu.memory_space<hbm>>) dst(%dma_wait3A_80 : memref<128x128xf32, #tpu.memory_space<vmem>>)
      %mul3A_87 = arith.constant 2 : i32
      %mul3A_88 = arith.muli %add3A_67, %mul3A_87 : i32
      %add3A_89 = arith.constant 1 : i32
      %add3A_90 = arith.addi %mul3A_88, %add3A_89 : i32
      %dma_wait3A_91 = arith.constant 128 : i32
      %dma_wait3A_92 = arith.constant 0 : i32
      %dma_wait3A_93 = tpu.memref_slice %arg9[%dma_wait3A_91, %dma_wait3A_92] : memref<256x128xf32, #tpu.memory_space<vmem>> -> memref<128x128xf32, #tpu.memory_space<vmem>>
      %dma_wait3A_94 = arith.constant 0 : i32
      %dma_wait3A_95 = tpu.memref_slice %arg7[%add3A_90, %dma_wait3A_94] : memref<8x128xi32, #tpu.memory_space<vmem>> -> memref<1x128xi32, #tpu.memory_space<vmem>>
      %dma_wait3A_96 = tpu.memref_squeeze %dma_wait3A_95 : memref<1x128xi32, #tpu.memory_space<vmem>> -> memref<128xi32, #tpu.memory_space<vmem>>
      %dma_wait3A_97 = arith.constant 0 : i32
      %dma_wait3A_98 = arith.constant 0 : i32
      %dma_wait3A_99 = tpu.memref_slice %arg2[%dma_wait3A_97, %dma_wait3A_98] : memref<8192x128xf32, #tpu.memory_space<hbm>> -> memref<8192x128xf32, #tpu.memory_space<hbm>>
      tpu.wait_indirect_dma semaphore(%arg14 : memref<!tpu.dma_semaphore, #tpu.memory_space<semaphore_mem>>) src(%dma_wait3A_99 : memref<8192x128xf32, #tpu.memory_space<hbm>>) dst(%dma_wait3A_93 : memref<128x128xf32, #tpu.memory_space<vmem>>)
      %scan3A_100 = arith.constant 0 : i32
      %scan3A_101 = arith.constant 0 : i32
      %scan3A_102 = arith.constant 64 : i32
      %scan3A_103 = arith.addi %scan3A_101, %scan3A_102 : i32
      %scan3A_104 = arith.constant 1 : i32
      scf.for %scan3A_166 = %scan3A_101 to %scan3A_103 step %scan3A_104  : i32 {
        %mul3A_167 = arith.constant 64 : i32
        %mul3A_168 = arith.muli %add3A_67, %mul3A_167 : i32
        %add3A_169 = arith.addi %mul3A_168, %scan3A_166 : i32
        %mul3A_170 = arith.constant 4 : i32
        %mul3A_171 = arith.muli %add3A_169, %mul3A_170 : i32
        %get3A = arith.index_cast %mul3A_171 : i32 to index
        %get3A_172 = tpu.vector_load %arg8[%get3A] {strides = array<i32>} : memref<1040xf32, #tpu.memory_space<vmem>>, vector<16xf32>,
        %get3A_173 = vector.shape_cast %get3A_172 : vector<16xf32> to vector<16xf32>
        %slice3A = vector.extract_strided_slice %get3A_173 {offsets = [0], sizes = [1], strides = [1]} : vector<16xf32> to vector<1xf32>
        %squeeze3A = vector.extract %slice3A[0] : f32 from vector<1xf32>
        %slice3A_174 = vector.extract_strided_slice %get3A_173 {offsets = [1], sizes = [1], strides = [1]} : vector<16xf32> to vector<1xf32>
        %squeeze3A_175 = vector.extract %slice3A_174[0] : f32 from vector<1xf32>
        %slice3A_176 = vector.extract_strided_slice %get3A_173 {offsets = [2], sizes = [1], strides = [1]} : vector<16xf32> to vector<1xf32>
        %squeeze3A_177 = vector.extract %slice3A_176[0] : f32 from vector<1xf32>
        %slice3A_178 = vector.extract_strided_slice %get3A_173 {offsets = [3], sizes = [1], strides = [1]} : vector<16xf32> to vector<1xf32>
        %squeeze3A_179 = vector.extract %slice3A_178[0] : f32 from vector<1xf32>
        %mul3A_180 = arith.constant 4 : i32
        %mul3A_181 = arith.muli %scan3A_166, %mul3A_180 : i32
        %get3A_182 = arith.index_cast %mul3A_181 : i32 to index
        %get3A_183 = arith.constant 0 : index
        %get3A_184 = tpu.vector_load %arg9[%get3A_182, %get3A_183] {strides = array<i32>} : memref<256x128xf32, #tpu.memory_space<vmem>>, vector<1x16xf32>,
        %get3A_185 = vector.shape_cast %get3A_184 : vector<1x16xf32> to vector<16xf32>
        %mul3A_186 = vector.broadcast %squeeze3A : f32 to vector<16xf32>
        %mul3A_187 = arith.mulf %mul3A_186, %get3A_185 : vector<16xf32>
        %add3A_188 = arith.constant 1 : i32
        %add3A_189 = arith.addi %mul3A_181, %add3A_188 : i32
        %get3A_190 = arith.index_cast %add3A_189 : i32 to index
        %get3A_191 = arith.constant 0 : index
        %get3A_192 = tpu.vector_load %arg9[%get3A_190, %get3A_191] {strides = array<i32>} : memref<256x128xf32, #tpu.memory_space<vmem>>, vector<1x16xf32>,
        %get3A_193 = vector.shape_cast %get3A_192 : vector<1x16xf32> to vector<16xf32>
        %mul3A_194 = vector.broadcast %squeeze3A_175 : f32 to vector<16xf32>
        %mul3A_195 = arith.mulf %mul3A_194, %get3A_193 : vector<16xf32>
        %add3A_196 = arith.addf %mul3A_187, %mul3A_195 : vector<16xf32>
        %add3A_197 = arith.constant 2 : i32
        %add3A_198 = arith.addi %mul3A_181, %add3A_197 : i32
        %get3A_199 = arith.index_cast %add3A_198 : i32 to index
        %get3A_200 = arith.constant 0 : index
        %get3A_201 = tpu.vector_load %arg9[%get3A_199, %get3A_200] {strides = array<i32>} : memref<256x128xf32, #tpu.memory_space<vmem>>, vector<1x16xf32>,
        %get3A_202 = vector.shape_cast %get3A_201 : vector<1x16xf32> to vector<16xf32>
        %mul3A_203 = vector.broadcast %squeeze3A_177 : f32 to vector<16xf32>
        %mul3A_204 = arith.mulf %mul3A_203, %get3A_202 : vector<16xf32>
        %add3A_205 = arith.addf %add3A_196, %mul3A_204 : vector<16xf32>
        %add3A_206 = arith.constant 3 : i32
        %add3A_207 = arith.addi %mul3A_181, %add3A_206 : i32
        %get3A_208 = arith.index_cast %add3A_207 : i32 to index
        %get3A_209 = arith.constant 0 : index
        %get3A_210 = tpu.vector_load %arg9[%get3A_208, %get3A_209] {strides = array<i32>} : memref<256x128xf32, #tpu.memory_space<vmem>>, vector<1x16xf32>,
        %get3A_211 = vector.shape_cast %get3A_210 : vector<1x16xf32> to vector<16xf32>
        %mul3A_212 = vector.broadcast %squeeze3A_179 : f32 to vector<16xf32>
        %mul3A_213 = arith.mulf %mul3A_212, %get3A_211 : vector<16xf32>
        %add3A_214 = arith.addf %add3A_205, %mul3A_213 : vector<16xf32>
        %get3A_215 = arith.index_cast %scan3A_166 : i32 to index
        %get3A_216 = arith.constant 0 : index
        %get3A_217 = tpu.vector_load %arg11[%get3A_215, %get3A_216] {strides = array<i32>} : memref<64x128xf32, #tpu.memory_space<vmem>>, vector<1x16xf32>,
        %get3A_218 = vector.shape_cast %get3A_217 : vector<1x16xf32> to vector<16xf32>
        %mul3A_219 = arith.mulf %add3A_214, %get3A_218 : vector<16xf32>
        %swap3A = arith.index_cast %scan3A_166 : i32 to index
        %swap3A_220 = arith.constant 0 : index
        %swap3A_221 = tpu.vector_load %arg13[%swap3A, %swap3A_220] {strides = array<i32>} : memref<64x128xf32, #tpu.memory_space<vmem>>, vector<1x16xf32>,
        %swap3A_222 = vector.shape_cast %swap3A_221 : vector<1x16xf32> to vector<16xf32>
        %swap3A_223 = vector.shape_cast %mul3A_219 : vector<16xf32> to vector<1x16xf32>
        tpu.vector_store %arg13[%swap3A, %swap3A_220], %swap3A_223 {strides = array<i32>} : memref<64x128xf32, #tpu.memory_space<vmem>>, vector<1x16xf32>,
        %get3A_224 = arith.index_cast %mul3A_181 : i32 to index
        %get3A_225 = arith.constant 16 : index
        %get3A_226 = tpu.vector_load %arg9[%get3A_224, %get3A_225] {strides = array<i32>} : memref<256x128xf32, #tpu.memory_space<vmem>>, vector<1x16xf32>,
        %get3A_227 = vector.shape_cast %get3A_226 : vector<1x16xf32> to vector<16xf32>
        %mul3A_228 = vector.broadcast %squeeze3A : f32 to vector<16xf32>
        %mul3A_229 = arith.mulf %mul3A_228, %get3A_227 : vector<16xf32>
        %add3A_230 = arith.constant 1 : i32
        %add3A_231 = arith.addi %mul3A_181, %add3A_230 : i32
        %get3A_232 = arith.index_cast %add3A_231 : i32 to index
        %get3A_233 = arith.constant 16 : index
        %get3A_234 = tpu.vector_load %arg9[%get3A_232, %get3A_233] {strides = array<i32>} : memref<256x128xf32, #tpu.memory_space<vmem>>, vector<1x16xf32>,
        %get3A_235 = vector.shape_cast %get3A_234 : vector<1x16xf32> to vector<16xf32>
        %mul3A_236 = vector.broadcast %squeeze3A_175 : f32 to vector<16xf32>
        %mul3A_237 = arith.mulf %mul3A_236, %get3A_235 : vector<16xf32>
        %add3A_238 = arith.addf %mul3A_229, %mul3A_237 : vector<16xf32>
        %add3A_239 = arith.constant 2 : i32
        %add3A_240 = arith.addi %mul3A_181, %add3A_239 : i32
        %get3A_241 = arith.index_cast %add3A_240 : i32 to index
        %get3A_242 = arith.constant 16 : index
        %get3A_243 = tpu.vector_load %arg9[%get3A_241, %get3A_242] {strides = array<i32>} : memref<256x128xf32, #tpu.memory_space<vmem>>, vector<1x16xf32>,
        %get3A_244 = vector.shape_cast %get3A_243 : vector<1x16xf32> to vector<16xf32>
        %mul3A_245 = vector.broadcast %squeeze3A_177 : f32 to vector<16xf32>
        %mul3A_246 = arith.mulf %mul3A_245, %get3A_244 : vector<16xf32>
        %add3A_247 = arith.addf %add3A_238, %mul3A_246 : vector<16xf32>
        %add3A_248 = arith.constant 3 : i32
        %add3A_249 = arith.addi %mul3A_181, %add3A_248 : i32
        %get3A_250 = arith.index_cast %add3A_249 : i32 to index
        %get3A_251 = arith.constant 16 : index
        %get3A_252 = tpu.vector_load %arg9[%get3A_250, %get3A_251] {strides = array<i32>} : memref<256x128xf32, #tpu.memory_space<vmem>>, vector<1x16xf32>,
        %get3A_253 = vector.shape_cast %get3A_252 : vector<1x16xf32> to vector<16xf32>
        %mul3A_254 = vector.broadcast %squeeze3A_179 : f32 to vector<16xf32>
        %mul3A_255 = arith.mulf %mul3A_254, %get3A_253 : vector<16xf32>
        %add3A_256 = arith.addf %add3A_247, %mul3A_255 : vector<16xf32>
        %get3A_257 = arith.index_cast %scan3A_166 : i32 to index
        %get3A_258 = arith.constant 16 : index
        %get3A_259 = tpu.vector_load %arg11[%get3A_257, %get3A_258] {strides = array<i32>} : memref<64x128xf32, #tpu.memory_space<vmem>>, vector<1x16xf32>,
        %get3A_260 = vector.shape_cast %get3A_259 : vector<1x16xf32> to vector<16xf32>
        %mul3A_261 = arith.mulf %add3A_256, %get3A_260 : vector<16xf32>
        %swap3A_262 = arith.index_cast %scan3A_166 : i32 to index
        %swap3A_263 = arith.constant 16 : index
        %swap3A_264 = tpu.vector_load %arg13[%swap3A_262, %swap3A_263] {strides = array<i32>} : memref<64x128xf32, #tpu.memory_space<vmem>>, vector<1x16xf32>,
        %swap3A_265 = vector.shape_cast %swap3A_264 : vector<1x16xf32> to vector<16xf32>
        %swap3A_266 = vector.shape_cast %mul3A_261 : vector<16xf32> to vector<1x16xf32>
        tpu.vector_store %arg13[%swap3A_262, %swap3A_263], %swap3A_266 {strides = array<i32>} : memref<64x128xf32, #tpu.memory_space<vmem>>, vector<1x16xf32>,
        %get3A_267 = arith.index_cast %mul3A_181 : i32 to index
        %get3A_268 = arith.constant 32 : index
        %get3A_269 = tpu.vector_load %arg9[%get3A_267, %get3A_268] {strides = array<i32>} : memref<256x128xf32, #tpu.memory_space<vmem>>, vector<1x16xf32>,
        %get3A_270 = vector.shape_cast %get3A_269 : vector<1x16xf32> to vector<16xf32>
        %mul3A_271 = vector.broadcast %squeeze3A : f32 to vector<16xf32>
        %mul3A_272 = arith.mulf %mul3A_271, %get3A_270 : vector<16xf32>
        %add3A_273 = arith.constant 1 : i32
        %add3A_274 = arith.addi %mul3A_181, %add3A_273 : i32
        %get3A_275 = arith.index_cast %add3A_274 : i32 to index
        %get3A_276 = arith.constant 32 : index
        %get3A_277 = tpu.vector_load %arg9[%get3A_275, %get3A_276] {strides = array<i32>} : memref<256x128xf32, #tpu.memory_space<vmem>>, vector<1x16xf32>,
        %get3A_278 = vector.shape_cast %get3A_277 : vector<1x16xf32> to vector<16xf32>
        %mul3A_279 = vector.broadcast %squeeze3A_175 : f32 to vector<16xf32>
        %mul3A_280 = arith.mulf %mul3A_279, %get3A_278 : vector<16xf32>
        %add3A_281 = arith.addf %mul3A_272, %mul3A_280 : vector<16xf32>
        %add3A_282 = arith.constant 2 : i32
        %add3A_283 = arith.addi %mul3A_181, %add3A_282 : i32
        %get3A_284 = arith.index_cast %add3A_283 : i32 to index
        %get3A_285 = arith.constant 32 : index
        %get3A_286 = tpu.vector_load %arg9[%get3A_284, %get3A_285] {strides = array<i32>} : memref<256x128xf32, #tpu.memory_space<vmem>>, vector<1x16xf32>,
        %get3A_287 = vector.shape_cast %get3A_286 : vector<1x16xf32> to vector<16xf32>
        %mul3A_288 = vector.broadcast %squeeze3A_177 : f32 to vector<16xf32>
        %mul3A_289 = arith.mulf %mul3A_288, %get3A_287 : vector<16xf32>
        %add3A_290 = arith.addf %add3A_281, %mul3A_289 : vector<16xf32>
        %add3A_291 = arith.constant 3 : i32
        %add3A_292 = arith.addi %mul3A_181, %add3A_291 : i32
        %get3A_293 = arith.index_cast %add3A_292 : i32 to index
        %get3A_294 = arith.constant 32 : index
        %get3A_295 = tpu.vector_load %arg9[%get3A_293, %get3A_294] {strides = array<i32>} : memref<256x128xf32, #tpu.memory_space<vmem>>, vector<1x16xf32>,
        %get3A_296 = vector.shape_cast %get3A_295 : vector<1x16xf32> to vector<16xf32>
        %mul3A_297 = vector.broadcast %squeeze3A_179 : f32 to vector<16xf32>
        %mul3A_298 = arith.mulf %mul3A_297, %get3A_296 : vector<16xf32>
        %add3A_299 = arith.addf %add3A_290, %mul3A_298 : vector<16xf32>
        %get3A_300 = arith.index_cast %scan3A_166 : i32 to index
        %get3A_301 = arith.constant 32 : index
        %get3A_302 = tpu.vector_load %arg11[%get3A_300, %get3A_301] {strides = array<i32>} : memref<64x128xf32, #tpu.memory_space<vmem>>, vector<1x16xf32>,
        %get3A_303 = vector.shape_cast %get3A_302 : vector<1x16xf32> to vector<16xf32>
        %mul3A_304 = arith.mulf %add3A_299, %get3A_303 : vector<16xf32>
        %swap3A_305 = arith.index_cast %scan3A_166 : i32 to index
        %swap3A_306 = arith.constant 32 : index
        %swap3A_307 = tpu.vector_load %arg13[%swap3A_305, %swap3A_306] {strides = array<i32>} : memref<64x128xf32, #tpu.memory_space<vmem>>, vector<1x16xf32>,
        %swap3A_308 = vector.shape_cast %swap3A_307 : vector<1x16xf32> to vector<16xf32>
        %swap3A_309 = vector.shape_cast %mul3A_304 : vector<16xf32> to vector<1x16xf32>
        tpu.vector_store %arg13[%swap3A_305, %swap3A_306], %swap3A_309 {strides = array<i32>} : memref<64x128xf32, #tpu.memory_space<vmem>>, vector<1x16xf32>,
        %get3A_310 = arith.index_cast %mul3A_181 : i32 to index
        %get3A_311 = arith.constant 48 : index
        %get3A_312 = tpu.vector_load %arg9[%get3A_310, %get3A_311] {strides = array<i32>} : memref<256x128xf32, #tpu.memory_space<vmem>>, vector<1x16xf32>,
        %get3A_313 = vector.shape_cast %get3A_312 : vector<1x16xf32> to vector<16xf32>
        %mul3A_314 = vector.broadcast %squeeze3A : f32 to vector<16xf32>
        %mul3A_315 = arith.mulf %mul3A_314, %get3A_313 : vector<16xf32>
        %add3A_316 = arith.constant 1 : i32
        %add3A_317 = arith.addi %mul3A_181, %add3A_316 : i32
        %get3A_318 = arith.index_cast %add3A_317 : i32 to index
        %get3A_319 = arith.constant 48 : index
        %get3A_320 = tpu.vector_load %arg9[%get3A_318, %get3A_319] {strides = array<i32>} : memref<256x128xf32, #tpu.memory_space<vmem>>, vector<1x16xf32>,
        %get3A_321 = vector.shape_cast %get3A_320 : vector<1x16xf32> to vector<16xf32>
        %mul3A_322 = vector.broadcast %squeeze3A_175 : f32 to vector<16xf32>
        %mul3A_323 = arith.mulf %mul3A_322, %get3A_321 : vector<16xf32>
        %add3A_324 = arith.addf %mul3A_315, %mul3A_323 : vector<16xf32>
        %add3A_325 = arith.constant 2 : i32
        %add3A_326 = arith.addi %mul3A_181, %add3A_325 : i32
        %get3A_327 = arith.index_cast %add3A_326 : i32 to index
        %get3A_328 = arith.constant 48 : index
        %get3A_329 = tpu.vector_load %arg9[%get3A_327, %get3A_328] {strides = array<i32>} : memref<256x128xf32, #tpu.memory_space<vmem>>, vector<1x16xf32>,
        %get3A_330 = vector.shape_cast %get3A_329 : vector<1x16xf32> to vector<16xf32>
        %mul3A_331 = vector.broadcast %squeeze3A_177 : f32 to vector<16xf32>
        %mul3A_332 = arith.mulf %mul3A_331, %get3A_330 : vector<16xf32>
        %add3A_333 = arith.addf %add3A_324, %mul3A_332 : vector<16xf32>
        %add3A_334 = arith.constant 3 : i32
        %add3A_335 = arith.addi %mul3A_181, %add3A_334 : i32
        %get3A_336 = arith.index_cast %add3A_335 : i32 to index
        %get3A_337 = arith.constant 48 : index
        %get3A_338 = tpu.vector_load %arg9[%get3A_336, %get3A_337] {strides = array<i32>} : memref<256x128xf32, #tpu.memory_space<vmem>>, vector<1x16xf32>,
        %get3A_339 = vector.shape_cast %get3A_338 : vector<1x16xf32> to vector<16xf32>
        %mul3A_340 = vector.broadcast %squeeze3A_179 : f32 to vector<16xf32>
        %mul3A_341 = arith.mulf %mul3A_340, %get3A_339 : vector<16xf32>
        %add3A_342 = arith.addf %add3A_333, %mul3A_341 : vector<16xf32>
        %get3A_343 = arith.index_cast %scan3A_166 : i32 to index
        %get3A_344 = arith.constant 48 : index
        %get3A_345 = tpu.vector_load %arg11[%get3A_343, %get3A_344] {strides = array<i32>} : memref<64x128xf32, #tpu.memory_space<vmem>>, vector<1x16xf32>,
        %get3A_346 = vector.shape_cast %get3A_345 : vector<1x16xf32> to vector<16xf32>
        %mul3A_347 = arith.mulf %add3A_342, %get3A_346 : vector<16xf32>
        %swap3A_348 = arith.index_cast %scan3A_166 : i32 to index
        %swap3A_349 = arith.constant 48 : index
        %swap3A_350 = tpu.vector_load %arg13[%swap3A_348, %swap3A_349] {strides = array<i32>} : memref<64x128xf32, #tpu.memory_space<vmem>>, vector<1x16xf32>,
        %swap3A_351 = vector.shape_cast %swap3A_350 : vector<1x16xf32> to vector<16xf32>
        %swap3A_352 = vector.shape_cast %mul3A_347 : vector<16xf32> to vector<1x16xf32>
        tpu.vector_store %arg13[%swap3A_348, %swap3A_349], %swap3A_352 {strides = array<i32>} : memref<64x128xf32, #tpu.memory_space<vmem>>, vector<1x16xf32>,
        %get3A_353 = arith.index_cast %mul3A_181 : i32 to index
        %get3A_354 = arith.constant 64 : index
        %get3A_355 = tpu.vector_load %arg9[%get3A_353, %get3A_354] {strides = array<i32>} : memref<256x128xf32, #tpu.memory_space<vmem>>, vector<1x16xf32>,
        %get3A_356 = vector.shape_cast %get3A_355 : vector<1x16xf32> to vector<16xf32>
        %mul3A_357 = vector.broadcast %squeeze3A : f32 to vector<16xf32>
        %mul3A_358 = arith.mulf %mul3A_357, %get3A_356 : vector<16xf32>
        %add3A_359 = arith.constant 1 : i32
        %add3A_360 = arith.addi %mul3A_181, %add3A_359 : i32
        %get3A_361 = arith.index_cast %add3A_360 : i32 to index
        %get3A_362 = arith.constant 64 : index
        %get3A_363 = tpu.vector_load %arg9[%get3A_361, %get3A_362] {strides = array<i32>} : memref<256x128xf32, #tpu.memory_space<vmem>>, vector<1x16xf32>,
        %get3A_364 = vector.shape_cast %get3A_363 : vector<1x16xf32> to vector<16xf32>
        %mul3A_365 = vector.broadcast %squeeze3A_175 : f32 to vector<16xf32>
        %mul3A_366 = arith.mulf %mul3A_365, %get3A_364 : vector<16xf32>
        %add3A_367 = arith.addf %mul3A_358, %mul3A_366 : vector<16xf32>
        %add3A_368 = arith.constant 2 : i32
        %add3A_369 = arith.addi %mul3A_181, %add3A_368 : i32
        %get3A_370 = arith.index_cast %add3A_369 : i32 to index
        %get3A_371 = arith.constant 64 : index
        %get3A_372 = tpu.vector_load %arg9[%get3A_370, %get3A_371] {strides = array<i32>} : memref<256x128xf32, #tpu.memory_space<vmem>>, vector<1x16xf32>,
        %get3A_373 = vector.shape_cast %get3A_372 : vector<1x16xf32> to vector<16xf32>
        %mul3A_374 = vector.broadcast %squeeze3A_177 : f32 to vector<16xf32>
        %mul3A_375 = arith.mulf %mul3A_374, %get3A_373 : vector<16xf32>
        %add3A_376 = arith.addf %add3A_367, %mul3A_375 : vector<16xf32>
        %add3A_377 = arith.constant 3 : i32
        %add3A_378 = arith.addi %mul3A_181, %add3A_377 : i32
        %get3A_379 = arith.index_cast %add3A_378 : i32 to index
        %get3A_380 = arith.constant 64 : index
        %get3A_381 = tpu.vector_load %arg9[%get3A_379, %get3A_380] {strides = array<i32>} : memref<256x128xf32, #tpu.memory_space<vmem>>, vector<1x16xf32>,
        %get3A_382 = vector.shape_cast %get3A_381 : vector<1x16xf32> to vector<16xf32>
        %mul3A_383 = vector.broadcast %squeeze3A_179 : f32 to vector<16xf32>
        %mul3A_384 = arith.mulf %mul3A_383, %get3A_382 : vector<16xf32>
        %add3A_385 = arith.addf %add3A_376, %mul3A_384 : vector<16xf32>
        %get3A_386 = arith.index_cast %scan3A_166 : i32 to index
        %get3A_387 = arith.constant 64 : index
        %get3A_388 = tpu.vector_load %arg11[%get3A_386, %get3A_387] {strides = array<i32>} : memref<64x128xf32, #tpu.memory_space<vmem>>, vector<1x16xf32>,
        %get3A_389 = vector.shape_cast %get3A_388 : vector<1x16xf32> to vector<16xf32>
        %mul3A_390 = arith.mulf %add3A_385, %get3A_389 : vector<16xf32>
        %swap3A_391 = arith.index_cast %scan3A_166 : i32 to index
        %swap3A_392 = arith.constant 64 : index
        %swap3A_393 = tpu.vector_load %arg13[%swap3A_391, %swap3A_392] {strides = array<i32>} : memref<64x128xf32, #tpu.memory_space<vmem>>, vector<1x16xf32>,
        %swap3A_394 = vector.shape_cast %swap3A_393 : vector<1x16xf32> to vector<16xf32>
        %swap3A_395 = vector.shape_cast %mul3A_390 : vector<16xf32> to vector<1x16xf32>
        tpu.vector_store %arg13[%swap3A_391, %swap3A_392], %swap3A_395 {strides = array<i32>} : memref<64x128xf32, #tpu.memory_space<vmem>>, vector<1x16xf32>,
        %get3A_396 = arith.index_cast %mul3A_181 : i32 to index
        %get3A_397 = arith.constant 80 : index
        %get3A_398 = tpu.vector_load %arg9[%get3A_396, %get3A_397] {strides = array<i32>} : memref<256x128xf32, #tpu.memory_space<vmem>>, vector<1x16xf32>,
        %get3A_399 = vector.shape_cast %get3A_398 : vector<1x16xf32> to vector<16xf32>
        %mul3A_400 = vector.broadcast %squeeze3A : f32 to vector<16xf32>
        %mul3A_401 = arith.mulf %mul3A_400, %get3A_399 : vector<16xf32>
        %add3A_402 = arith.constant 1 : i32
        %add3A_403 = arith.addi %mul3A_181, %add3A_402 : i32
        %get3A_404 = arith.index_cast %add3A_403 : i32 to index
        %get3A_405 = arith.constant 80 : index
        %get3A_406 = tpu.vector_load %arg9[%get3A_404, %get3A_405] {strides = array<i32>} : memref<256x128xf32, #tpu.memory_space<vmem>>, vector<1x16xf32>,
        %get3A_407 = vector.shape_cast %get3A_406 : vector<1x16xf32> to vector<16xf32>
        %mul3A_408 = vector.broadcast %squeeze3A_175 : f32 to vector<16xf32>
        %mul3A_409 = arith.mulf %mul3A_408, %get3A_407 : vector<16xf32>
        %add3A_410 = arith.addf %mul3A_401, %mul3A_409 : vector<16xf32>
        %add3A_411 = arith.constant 2 : i32
        %add3A_412 = arith.addi %mul3A_181, %add3A_411 : i32
        %get3A_413 = arith.index_cast %add3A_412 : i32 to index
        %get3A_414 = arith.constant 80 : index
        %get3A_415 = tpu.vector_load %arg9[%get3A_413, %get3A_414] {strides = array<i32>} : memref<256x128xf32, #tpu.memory_space<vmem>>, vector<1x16xf32>,
        %get3A_416 = vector.shape_cast %get3A_415 : vector<1x16xf32> to vector<16xf32>
        %mul3A_417 = vector.broadcast %squeeze3A_177 : f32 to vector<16xf32>
        %mul3A_418 = arith.mulf %mul3A_417, %get3A_416 : vector<16xf32>
        %add3A_419 = arith.addf %add3A_410, %mul3A_418 : vector<16xf32>
        %add3A_420 = arith.constant 3 : i32
        %add3A_421 = arith.addi %mul3A_181, %add3A_420 : i32
        %get3A_422 = arith.index_cast %add3A_421 : i32 to index
        %get3A_423 = arith.constant 80 : index
        %get3A_424 = tpu.vector_load %arg9[%get3A_422, %get3A_423] {strides = array<i32>} : memref<256x128xf32, #tpu.memory_space<vmem>>, vector<1x16xf32>,
        %get3A_425 = vector.shape_cast %get3A_424 : vector<1x16xf32> to vector<16xf32>
        %mul3A_426 = vector.broadcast %squeeze3A_179 : f32 to vector<16xf32>
        %mul3A_427 = arith.mulf %mul3A_426, %get3A_425 : vector<16xf32>
        %add3A_428 = arith.addf %add3A_419, %mul3A_427 : vector<16xf32>
        %get3A_429 = arith.index_cast %scan3A_166 : i32 to index
        %get3A_430 = arith.constant 80 : index
        %get3A_431 = tpu.vector_load %arg11[%get3A_429, %get3A_430] {strides = array<i32>} : memref<64x128xf32, #tpu.memory_space<vmem>>, vector<1x16xf32>,
        %get3A_432 = vector.shape_cast %get3A_431 : vector<1x16xf32> to vector<16xf32>
        %mul3A_433 = arith.mulf %add3A_428, %get3A_432 : vector<16xf32>
        %swap3A_434 = arith.index_cast %scan3A_166 : i32 to index
        %swap3A_435 = arith.constant 80 : index
        %swap3A_436 = tpu.vector_load %arg13[%swap3A_434, %swap3A_435] {strides = array<i32>} : memref<64x128xf32, #tpu.memory_space<vmem>>, vector<1x16xf32>,
        %swap3A_437 = vector.shape_cast %swap3A_436 : vector<1x16xf32> to vector<16xf32>
        %swap3A_438 = vector.shape_cast %mul3A_433 : vector<16xf32> to vector<1x16xf32>
        tpu.vector_store %arg13[%swap3A_434, %swap3A_435], %swap3A_438 {strides = array<i32>} : memref<64x128xf32, #tpu.memory_space<vmem>>, vector<1x16xf32>,
      }
      %scan3A_105 = arith.constant 64 : i32
      %mul3A_106 = arith.constant 64 : i32
      %mul3A_107 = arith.muli %add3A_67, %mul3A_106 : i32
      %add3A_108 = arith.addi %mul3A_2, %mul3A_107 : i32
      "tpu.region"() ({
        %run_scoped3A = tpu.sem_alloc : memref<!tpu.dma_semaphore, #tpu.memory_space<semaphore_mem>>
        %dma_start3A_166 = arith.constant 0 : i32
        %dma_start3A_167 = tpu.memref_slice %arg6[%add3A_108, %dma_start3A_166] : memref<8192x128xf32, #tpu.memory_space<hbm>> -> memref<64x128xf32, #tpu.memory_space<hbm>>
        %dma_start3A_168 = arith.constant 0 : i32
        %dma_start3A_169 = tpu.memref_slice %arg6[%add3A_108, %dma_start3A_168] : memref<8192x128xf32, #tpu.memory_space<hbm>> -> memref<64x128xf32, #tpu.memory_space<hbm>>
        tpu.enqueue_dma source(%arg13 : memref<64x128xf32, #tpu.memory_space<vmem>>) target(%dma_start3A_169 : memref<64x128xf32, #tpu.memory_space<hbm>>) target_semaphore(%run_scoped3A : memref<!tpu.dma_semaphore, #tpu.memory_space<semaphore_mem>>)
        %dma_wait3A_170 = arith.constant 0 : i32
        %dma_wait3A_171 = tpu.memref_slice %arg6[%add3A_108, %dma_wait3A_170] : memref<8192x128xf32, #tpu.memory_space<hbm>> -> memref<64x128xf32, #tpu.memory_space<hbm>>
        %dma_wait3A_172 = arith.constant 0 : i32
        %dma_wait3A_173 = tpu.memref_slice %arg6[%add3A_108, %dma_wait3A_172] : memref<8192x128xf32, #tpu.memory_space<hbm>> -> memref<64x128xf32, #tpu.memory_space<hbm>>
        tpu.wait_dma2 semaphore(%run_scoped3A : memref<!tpu.dma_semaphore, #tpu.memory_space<semaphore_mem>>) src(%arg13 : memref<64x128xf32, #tpu.memory_space<vmem>>) dst(%dma_wait3A_173 : memref<64x128xf32, #tpu.memory_space<hbm>>)
        tpu.yield
      }) : () -> ()
      %add3A_109 = arith.constant 2 : i32
      %add3A_110 = arith.addi %add3A_67, %add3A_109 : i32
      %lt3A = arith.constant 4 : i32
      %lt3A_111 = arith.cmpi slt, %add3A_110, %lt3A : i32
      %convert_element_type3A = arith.extui %lt3A_111 : i1 to i32
      %cond3A = arith.constant 0 : i32
      %cond3A_112 = arith.cmpi ne, %convert_element_type3A, %cond3A : i32
      scf.if %cond3A_112 {
        %add3A_166 = arith.constant 2 : i32
        %add3A_167 = arith.addi %add3A_67, %add3A_166 : i32
        %mul3A_168 = arith.constant 64 : i32
        %mul3A_169 = arith.muli %add3A_167, %mul3A_168 : i32
        %add3A_170 = arith.addi %mul3A_2, %mul3A_169 : i32
        %dma_start3A_171 = arith.constant 0 : i32
        %dma_start3A_172 = tpu.memref_slice %arg3[%add3A_170, %dma_start3A_171] : memref<8192x128xf32, #tpu.memory_space<hbm>> -> memref<64x128xf32, #tpu.memory_space<hbm>>
        %dma_start3A_173 = arith.constant 0 : i32
        %dma_start3A_174 = tpu.memref_slice %arg3[%add3A_170, %dma_start3A_173] : memref<8192x128xf32, #tpu.memory_space<hbm>> -> memref<64x128xf32, #tpu.memory_space<hbm>>
        tpu.enqueue_dma source(%dma_start3A_174 : memref<64x128xf32, #tpu.memory_space<hbm>>) target(%arg11 : memref<64x128xf32, #tpu.memory_space<vmem>>) target_semaphore(%arg14 : memref<!tpu.dma_semaphore, #tpu.memory_space<semaphore_mem>>)
        %mul3A_175 = arith.constant 2 : i32
        %mul3A_176 = arith.muli %add3A_167, %mul3A_175 : i32
        %add3A_177 = arith.constant 0 : i32
        %add3A_178 = arith.addi %mul3A_176, %add3A_177 : i32
        %dma_start3A_179 = arith.constant 0 : i32
        %dma_start3A_180 = arith.constant 0 : i32
        %dma_start3A_181 = tpu.memref_slice %arg9[%dma_start3A_179, %dma_start3A_180] : memref<256x128xf32, #tpu.memory_space<vmem>> -> memref<128x128xf32, #tpu.memory_space<vmem>>
        %dma_start3A_182 = arith.constant 0 : i32
        %dma_start3A_183 = tpu.memref_slice %arg7[%add3A_178, %dma_start3A_182] : memref<8x128xi32, #tpu.memory_space<vmem>> -> memref<1x128xi32, #tpu.memory_space<vmem>>
        %dma_start3A_184 = tpu.memref_squeeze %dma_start3A_183 : memref<1x128xi32, #tpu.memory_space<vmem>> -> memref<128xi32, #tpu.memory_space<vmem>>
        %dma_start3A_185 = arith.constant 0 : i32
        %dma_start3A_186 = arith.constant 0 : i32
        %dma_start3A_187 = tpu.memref_slice %arg2[%dma_start3A_185, %dma_start3A_186] : memref<8192x128xf32, #tpu.memory_space<hbm>> -> memref<8192x128xf32, #tpu.memory_space<hbm>>
        tpu.enqueue_indirect_dma source(%dma_start3A_187 : memref<8192x128xf32, #tpu.memory_space<hbm>>) target(%dma_start3A_181 : memref<128x128xf32, #tpu.memory_space<vmem>>) offsets(%dma_start3A_184 : memref<128xi32, #tpu.memory_space<vmem>>) semaphore(%arg14 : memref<!tpu.dma_semaphore, #tpu.memory_space<semaphore_mem>>)
        %mul3A_188 = arith.constant 2 : i32
        %mul3A_189 = arith.muli %add3A_167, %mul3A_188 : i32
        %add3A_190 = arith.constant 1 : i32
        %add3A_191 = arith.addi %mul3A_189, %add3A_190 : i32
        %dma_start3A_192 = arith.constant 128 : i32
        %dma_start3A_193 = arith.constant 0 : i32
        %dma_start3A_194 = tpu.memref_slice %arg9[%dma_start3A_192, %dma_start3A_193] : memref<256x128xf32, #tpu.memory_space<vmem>> -> memref<128x128xf32, #tpu.memory_space<vmem>>
        %dma_start3A_195 = arith.constant 0 : i32
        %dma_start3A_196 = tpu.memref_slice %arg7[%add3A_191, %dma_start3A_195] : memref<8x128xi32, #tpu.memory_space<vmem>> -> memref<1x128xi32, #tpu.memory_space<vmem>>
        %dma_start3A_197 = tpu.memref_squeeze %dma_start3A_196 : memref<1x128xi32, #tpu.memory_space<vmem>> -> memref<128xi32, #tpu.memory_space<vmem>>
        %dma_start3A_198 = arith.constant 0 : i32
        %dma_start3A_199 = arith.constant 0 : i32
        %dma_start3A_200 = tpu.memref_slice %arg2[%dma_start3A_198, %dma_start3A_199] : memref<8192x128xf32, #tpu.memory_space<hbm>> -> memref<8192x128xf32, #tpu.memory_space<hbm>>
        tpu.enqueue_indirect_dma source(%dma_start3A_200 : memref<8192x128xf32, #tpu.memory_space<hbm>>) target(%dma_start3A_194 : memref<128x128xf32, #tpu.memory_space<vmem>>) offsets(%dma_start3A_197 : memref<128xi32, #tpu.memory_space<vmem>>) semaphore(%arg14 : memref<!tpu.dma_semaphore, #tpu.memory_space<semaphore_mem>>)
      } else {
      }
      %mul3A_113 = arith.constant 2 : i32
      %mul3A_114 = arith.muli %mul3A_113, %scan3A_63 : i32
      %add3A_115 = arith.constant 1 : i32
      %add3A_116 = arith.addi %mul3A_114, %add3A_115 : i32
      %mul3A_117 = arith.constant 64 : i32
      %mul3A_118 = arith.muli %add3A_116, %mul3A_117 : i32
      %add3A_119 = arith.addi %mul3A_2, %mul3A_118 : i32
      %dma_wait3A_120 = arith.constant 0 : i32
      %dma_wait3A_121 = tpu.memref_slice %arg3[%add3A_119, %dma_wait3A_120] : memref<8192x128xf32, #tpu.memory_space<hbm>> -> memref<64x128xf32, #tpu.memory_space<hbm>>
      %dma_wait3A_122 = arith.constant 0 : i32
      %dma_wait3A_123 = tpu.memref_slice %arg3[%add3A_119, %dma_wait3A_122] : memref<8192x128xf32, #tpu.memory_space<hbm>> -> memref<64x128xf32, #tpu.memory_space<hbm>>
      tpu.wait_dma2 semaphore(%arg15 : memref<!tpu.dma_semaphore, #tpu.memory_space<semaphore_mem>>) src(%dma_wait3A_123 : memref<64x128xf32, #tpu.memory_space<hbm>>) dst(%arg12 : memref<64x128xf32, #tpu.memory_space<vmem>>)
      %mul3A_124 = arith.constant 2 : i32
      %mul3A_125 = arith.muli %add3A_116, %mul3A_124 : i32
      %add3A_126 = arith.constant 0 : i32
      %add3A_127 = arith.addi %mul3A_125, %add3A_126 : i32
      %dma_wait3A_128 = arith.constant 0 : i32
      %dma_wait3A_129 = arith.constant 0 : i32
      %dma_wait3A_130 = tpu.memref_slice %arg10[%dma_wait3A_128, %dma_wait3A_129] : memref<256x128xf32, #tpu.memory_space<vmem>> -> memref<128x128xf32, #tpu.memory_space<vmem>>
      %dma_wait3A_131 = arith.constant 0 : i32
      %dma_wait3A_132 = tpu.memref_slice %arg7[%add3A_127, %dma_wait3A_131] : memref<8x128xi32, #tpu.memory_space<vmem>> -> memref<1x128xi32, #tpu.memory_space<vmem>>
      %dma_wait3A_133 = tpu.memref_squeeze %dma_wait3A_132 : memref<1x128xi32, #tpu.memory_space<vmem>> -> memref<128xi32, #tpu.memory_space<vmem>>
      %dma_wait3A_134 = arith.constant 0 : i32
      %dma_wait3A_135 = arith.constant 0 : i32
      %dma_wait3A_136 = tpu.memref_slice %arg2[%dma_wait3A_134, %dma_wait3A_135] : memref<8192x128xf32, #tpu.memory_space<hbm>> -> memref<8192x128xf32, #tpu.memory_space<hbm>>
      tpu.wait_indirect_dma semaphore(%arg15 : memref<!tpu.dma_semaphore, #tpu.memory_space<semaphore_mem>>) src(%dma_wait3A_136 : memref<8192x128xf32, #tpu.memory_space<hbm>>) dst(%dma_wait3A_130 : memref<128x128xf32, #tpu.memory_space<vmem>>)
      %mul3A_137 = arith.constant 2 : i32
      %mul3A_138 = arith.muli %add3A_116, %mul3A_137 : i32
      %add3A_139 = arith.constant 1 : i32
      %add3A_140 = arith.addi %mul3A_138, %add3A_139 : i32
      %dma_wait3A_141 = arith.constant 128 : i32
      %dma_wait3A_142 = arith.constant 0 : i32
      %dma_wait3A_143 = tpu.memref_slice %arg10[%dma_wait3A_141, %dma_wait3A_142] : memref<256x128xf32, #tpu.memory_space<vmem>> -> memref<128x128xf32, #tpu.memory_space<vmem>>
      %dma_wait3A_144 = arith.constant 0 : i32
      %dma_wait3A_145 = tpu.memref_slice %arg7[%add3A_140, %dma_wait3A_144] : memref<8x128xi32, #tpu.memory_space<vmem>> -> memref<1x128xi32, #tpu.memory_space<vmem>>
      %dma_wait3A_146 = tpu.memref_squeeze %dma_wait3A_145 : memref<1x128xi32, #tpu.memory_space<vmem>> -> memref<128xi32, #tpu.memory_space<vmem>>
      %dma_wait3A_147 = arith.constant 0 : i32
      %dma_wait3A_148 = arith.constant 0 : i32
      %dma_wait3A_149 = tpu.memref_slice %arg2[%dma_wait3A_147, %dma_wait3A_148] : memref<8192x128xf32, #tpu.memory_space<hbm>> -> memref<8192x128xf32, #tpu.memory_space<hbm>>
      tpu.wait_indirect_dma semaphore(%arg15 : memref<!tpu.dma_semaphore, #tpu.memory_space<semaphore_mem>>) src(%dma_wait3A_149 : memref<8192x128xf32, #tpu.memory_space<hbm>>) dst(%dma_wait3A_143 : memref<128x128xf32, #tpu.memory_space<vmem>>)
      %scan3A_150 = arith.constant 0 : i32
      %scan3A_151 = arith.constant 0 : i32
      %scan3A_152 = arith.constant 64 : i32
      %scan3A_153 = arith.addi %scan3A_151, %scan3A_152 : i32
      %scan3A_154 = arith.constant 1 : i32
      scf.for %scan3A_166 = %scan3A_151 to %scan3A_153 step %scan3A_154  : i32 {
        %mul3A_167 = arith.constant 64 : i32
        %mul3A_168 = arith.muli %add3A_116, %mul3A_167 : i32
        %add3A_169 = arith.addi %mul3A_168, %scan3A_166 : i32
        %mul3A_170 = arith.constant 4 : i32
        %mul3A_171 = arith.muli %add3A_169, %mul3A_170 : i32
        %get3A = arith.index_cast %mul3A_171 : i32 to index
        %get3A_172 = tpu.vector_load %arg8[%get3A] {strides = array<i32>} : memref<1040xf32, #tpu.memory_space<vmem>>, vector<16xf32>,
        %get3A_173 = vector.shape_cast %get3A_172 : vector<16xf32> to vector<16xf32>
        %slice3A = vector.extract_strided_slice %get3A_173 {offsets = [0], sizes = [1], strides = [1]} : vector<16xf32> to vector<1xf32>
        %squeeze3A = vector.extract %slice3A[0] : f32 from vector<1xf32>
        %slice3A_174 = vector.extract_strided_slice %get3A_173 {offsets = [1], sizes = [1], strides = [1]} : vector<16xf32> to vector<1xf32>
        %squeeze3A_175 = vector.extract %slice3A_174[0] : f32 from vector<1xf32>
        %slice3A_176 = vector.extract_strided_slice %get3A_173 {offsets = [2], sizes = [1], strides = [1]} : vector<16xf32> to vector<1xf32>
        %squeeze3A_177 = vector.extract %slice3A_176[0] : f32 from vector<1xf32>
        %slice3A_178 = vector.extract_strided_slice %get3A_173 {offsets = [3], sizes = [1], strides = [1]} : vector<16xf32> to vector<1xf32>
        %squeeze3A_179 = vector.extract %slice3A_178[0] : f32 from vector<1xf32>
        %mul3A_180 = arith.constant 4 : i32
        %mul3A_181 = arith.muli %scan3A_166, %mul3A_180 : i32
        %get3A_182 = arith.index_cast %mul3A_181 : i32 to index
        %get3A_183 = arith.constant 0 : index
        %get3A_184 = tpu.vector_load %arg10[%get3A_182, %get3A_183] {strides = array<i32>} : memref<256x128xf32, #tpu.memory_space<vmem>>, vector<1x16xf32>,
        %get3A_185 = vector.shape_cast %get3A_184 : vector<1x16xf32> to vector<16xf32>
        %mul3A_186 = vector.broadcast %squeeze3A : f32 to vector<16xf32>
        %mul3A_187 = arith.mulf %mul3A_186, %get3A_185 : vector<16xf32>
        %add3A_188 = arith.constant 1 : i32
        %add3A_189 = arith.addi %mul3A_181, %add3A_188 : i32
        %get3A_190 = arith.index_cast %add3A_189 : i32 to index
        %get3A_191 = arith.constant 0 : index
        %get3A_192 = tpu.vector_load %arg10[%get3A_190, %get3A_191] {strides = array<i32>} : memref<256x128xf32, #tpu.memory_space<vmem>>, vector<1x16xf32>,
        %get3A_193 = vector.shape_cast %get3A_192 : vector<1x16xf32> to vector<16xf32>
        %mul3A_194 = vector.broadcast %squeeze3A_175 : f32 to vector<16xf32>
        %mul3A_195 = arith.mulf %mul3A_194, %get3A_193 : vector<16xf32>
        %add3A_196 = arith.addf %mul3A_187, %mul3A_195 : vector<16xf32>
        %add3A_197 = arith.constant 2 : i32
        %add3A_198 = arith.addi %mul3A_181, %add3A_197 : i32
        %get3A_199 = arith.index_cast %add3A_198 : i32 to index
        %get3A_200 = arith.constant 0 : index
        %get3A_201 = tpu.vector_load %arg10[%get3A_199, %get3A_200] {strides = array<i32>} : memref<256x128xf32, #tpu.memory_space<vmem>>, vector<1x16xf32>,
        %get3A_202 = vector.shape_cast %get3A_201 : vector<1x16xf32> to vector<16xf32>
        %mul3A_203 = vector.broadcast %squeeze3A_177 : f32 to vector<16xf32>
        %mul3A_204 = arith.mulf %mul3A_203, %get3A_202 : vector<16xf32>
        %add3A_205 = arith.addf %add3A_196, %mul3A_204 : vector<16xf32>
        %add3A_206 = arith.constant 3 : i32
        %add3A_207 = arith.addi %mul3A_181, %add3A_206 : i32
        %get3A_208 = arith.index_cast %add3A_207 : i32 to index
        %get3A_209 = arith.constant 0 : index
        %get3A_210 = tpu.vector_load %arg10[%get3A_208, %get3A_209] {strides = array<i32>} : memref<256x128xf32, #tpu.memory_space<vmem>>, vector<1x16xf32>,
        %get3A_211 = vector.shape_cast %get3A_210 : vector<1x16xf32> to vector<16xf32>
        %mul3A_212 = vector.broadcast %squeeze3A_179 : f32 to vector<16xf32>
        %mul3A_213 = arith.mulf %mul3A_212, %get3A_211 : vector<16xf32>
        %add3A_214 = arith.addf %add3A_205, %mul3A_213 : vector<16xf32>
        %get3A_215 = arith.index_cast %scan3A_166 : i32 to index
        %get3A_216 = arith.constant 0 : index
        %get3A_217 = tpu.vector_load %arg12[%get3A_215, %get3A_216] {strides = array<i32>} : memref<64x128xf32, #tpu.memory_space<vmem>>, vector<1x16xf32>,
        %get3A_218 = vector.shape_cast %get3A_217 : vector<1x16xf32> to vector<16xf32>
        %mul3A_219 = arith.mulf %add3A_214, %get3A_218 : vector<16xf32>
        %swap3A = arith.index_cast %scan3A_166 : i32 to index
        %swap3A_220 = arith.constant 0 : index
        %swap3A_221 = tpu.vector_load %arg13[%swap3A, %swap3A_220] {strides = array<i32>} : memref<64x128xf32, #tpu.memory_space<vmem>>, vector<1x16xf32>,
        %swap3A_222 = vector.shape_cast %swap3A_221 : vector<1x16xf32> to vector<16xf32>
        %swap3A_223 = vector.shape_cast %mul3A_219 : vector<16xf32> to vector<1x16xf32>
        tpu.vector_store %arg13[%swap3A, %swap3A_220], %swap3A_223 {strides = array<i32>} : memref<64x128xf32, #tpu.memory_space<vmem>>, vector<1x16xf32>,
        %get3A_224 = arith.index_cast %mul3A_181 : i32 to index
        %get3A_225 = arith.constant 16 : index
        %get3A_226 = tpu.vector_load %arg10[%get3A_224, %get3A_225] {strides = array<i32>} : memref<256x128xf32, #tpu.memory_space<vmem>>, vector<1x16xf32>,
        %get3A_227 = vector.shape_cast %get3A_226 : vector<1x16xf32> to vector<16xf32>
        %mul3A_228 = vector.broadcast %squeeze3A : f32 to vector<16xf32>
        %mul3A_229 = arith.mulf %mul3A_228, %get3A_227 : vector<16xf32>
        %add3A_230 = arith.constant 1 : i32
        %add3A_231 = arith.addi %mul3A_181, %add3A_230 : i32
        %get3A_232 = arith.index_cast %add3A_231 : i32 to index
        %get3A_233 = arith.constant 16 : index
        %get3A_234 = tpu.vector_load %arg10[%get3A_232, %get3A_233] {strides = array<i32>} : memref<256x128xf32, #tpu.memory_space<vmem>>, vector<1x16xf32>,
        %get3A_235 = vector.shape_cast %get3A_234 : vector<1x16xf32> to vector<16xf32>
        %mul3A_236 = vector.broadcast %squeeze3A_175 : f32 to vector<16xf32>
        %mul3A_237 = arith.mulf %mul3A_236, %get3A_235 : vector<16xf32>
        %add3A_238 = arith.addf %mul3A_229, %mul3A_237 : vector<16xf32>
        %add3A_239 = arith.constant 2 : i32
        %add3A_240 = arith.addi %mul3A_181, %add3A_239 : i32
        %get3A_241 = arith.index_cast %add3A_240 : i32 to index
        %get3A_242 = arith.constant 16 : index
        %get3A_243 = tpu.vector_load %arg10[%get3A_241, %get3A_242] {strides = array<i32>} : memref<256x128xf32, #tpu.memory_space<vmem>>, vector<1x16xf32>,
        %get3A_244 = vector.shape_cast %get3A_243 : vector<1x16xf32> to vector<16xf32>
        %mul3A_245 = vector.broadcast %squeeze3A_177 : f32 to vector<16xf32>
        %mul3A_246 = arith.mulf %mul3A_245, %get3A_244 : vector<16xf32>
        %add3A_247 = arith.addf %add3A_238, %mul3A_246 : vector<16xf32>
        %add3A_248 = arith.constant 3 : i32
        %add3A_249 = arith.addi %mul3A_181, %add3A_248 : i32
        %get3A_250 = arith.index_cast %add3A_249 : i32 to index
        %get3A_251 = arith.constant 16 : index
        %get3A_252 = tpu.vector_load %arg10[%get3A_250, %get3A_251] {strides = array<i32>} : memref<256x128xf32, #tpu.memory_space<vmem>>, vector<1x16xf32>,
        %get3A_253 = vector.shape_cast %get3A_252 : vector<1x16xf32> to vector<16xf32>
        %mul3A_254 = vector.broadcast %squeeze3A_179 : f32 to vector<16xf32>
        %mul3A_255 = arith.mulf %mul3A_254, %get3A_253 : vector<16xf32>
        %add3A_256 = arith.addf %add3A_247, %mul3A_255 : vector<16xf32>
        %get3A_257 = arith.index_cast %scan3A_166 : i32 to index
        %get3A_258 = arith.constant 16 : index
        %get3A_259 = tpu.vector_load %arg12[%get3A_257, %get3A_258] {strides = array<i32>} : memref<64x128xf32, #tpu.memory_space<vmem>>, vector<1x16xf32>,
        %get3A_260 = vector.shape_cast %get3A_259 : vector<1x16xf32> to vector<16xf32>
        %mul3A_261 = arith.mulf %add3A_256, %get3A_260 : vector<16xf32>
        %swap3A_262 = arith.index_cast %scan3A_166 : i32 to index
        %swap3A_263 = arith.constant 16 : index
        %swap3A_264 = tpu.vector_load %arg13[%swap3A_262, %swap3A_263] {strides = array<i32>} : memref<64x128xf32, #tpu.memory_space<vmem>>, vector<1x16xf32>,
        %swap3A_265 = vector.shape_cast %swap3A_264 : vector<1x16xf32> to vector<16xf32>
        %swap3A_266 = vector.shape_cast %mul3A_261 : vector<16xf32> to vector<1x16xf32>
        tpu.vector_store %arg13[%swap3A_262, %swap3A_263], %swap3A_266 {strides = array<i32>} : memref<64x128xf32, #tpu.memory_space<vmem>>, vector<1x16xf32>,
        %get3A_267 = arith.index_cast %mul3A_181 : i32 to index
        %get3A_268 = arith.constant 32 : index
        %get3A_269 = tpu.vector_load %arg10[%get3A_267, %get3A_268] {strides = array<i32>} : memref<256x128xf32, #tpu.memory_space<vmem>>, vector<1x16xf32>,
        %get3A_270 = vector.shape_cast %get3A_269 : vector<1x16xf32> to vector<16xf32>
        %mul3A_271 = vector.broadcast %squeeze3A : f32 to vector<16xf32>
        %mul3A_272 = arith.mulf %mul3A_271, %get3A_270 : vector<16xf32>
        %add3A_273 = arith.constant 1 : i32
        %add3A_274 = arith.addi %mul3A_181, %add3A_273 : i32
        %get3A_275 = arith.index_cast %add3A_274 : i32 to index
        %get3A_276 = arith.constant 32 : index
        %get3A_277 = tpu.vector_load %arg10[%get3A_275, %get3A_276] {strides = array<i32>} : memref<256x128xf32, #tpu.memory_space<vmem>>, vector<1x16xf32>,
        %get3A_278 = vector.shape_cast %get3A_277 : vector<1x16xf32> to vector<16xf32>
        %mul3A_279 = vector.broadcast %squeeze3A_175 : f32 to vector<16xf32>
        %mul3A_280 = arith.mulf %mul3A_279, %get3A_278 : vector<16xf32>
        %add3A_281 = arith.addf %mul3A_272, %mul3A_280 : vector<16xf32>
        %add3A_282 = arith.constant 2 : i32
        %add3A_283 = arith.addi %mul3A_181, %add3A_282 : i32
        %get3A_284 = arith.index_cast %add3A_283 : i32 to index
        %get3A_285 = arith.constant 32 : index
        %get3A_286 = tpu.vector_load %arg10[%get3A_284, %get3A_285] {strides = array<i32>} : memref<256x128xf32, #tpu.memory_space<vmem>>, vector<1x16xf32>,
        %get3A_287 = vector.shape_cast %get3A_286 : vector<1x16xf32> to vector<16xf32>
        %mul3A_288 = vector.broadcast %squeeze3A_177 : f32 to vector<16xf32>
        %mul3A_289 = arith.mulf %mul3A_288, %get3A_287 : vector<16xf32>
        %add3A_290 = arith.addf %add3A_281, %mul3A_289 : vector<16xf32>
        %add3A_291 = arith.constant 3 : i32
        %add3A_292 = arith.addi %mul3A_181, %add3A_291 : i32
        %get3A_293 = arith.index_cast %add3A_292 : i32 to index
        %get3A_294 = arith.constant 32 : index
        %get3A_295 = tpu.vector_load %arg10[%get3A_293, %get3A_294] {strides = array<i32>} : memref<256x128xf32, #tpu.memory_space<vmem>>, vector<1x16xf32>,
        %get3A_296 = vector.shape_cast %get3A_295 : vector<1x16xf32> to vector<16xf32>
        %mul3A_297 = vector.broadcast %squeeze3A_179 : f32 to vector<16xf32>
        %mul3A_298 = arith.mulf %mul3A_297, %get3A_296 : vector<16xf32>
        %add3A_299 = arith.addf %add3A_290, %mul3A_298 : vector<16xf32>
        %get3A_300 = arith.index_cast %scan3A_166 : i32 to index
        %get3A_301 = arith.constant 32 : index
        %get3A_302 = tpu.vector_load %arg12[%get3A_300, %get3A_301] {strides = array<i32>} : memref<64x128xf32, #tpu.memory_space<vmem>>, vector<1x16xf32>,
        %get3A_303 = vector.shape_cast %get3A_302 : vector<1x16xf32> to vector<16xf32>
        %mul3A_304 = arith.mulf %add3A_299, %get3A_303 : vector<16xf32>
        %swap3A_305 = arith.index_cast %scan3A_166 : i32 to index
        %swap3A_306 = arith.constant 32 : index
        %swap3A_307 = tpu.vector_load %arg13[%swap3A_305, %swap3A_306] {strides = array<i32>} : memref<64x128xf32, #tpu.memory_space<vmem>>, vector<1x16xf32>,
        %swap3A_308 = vector.shape_cast %swap3A_307 : vector<1x16xf32> to vector<16xf32>
        %swap3A_309 = vector.shape_cast %mul3A_304 : vector<16xf32> to vector<1x16xf32>
        tpu.vector_store %arg13[%swap3A_305, %swap3A_306], %swap3A_309 {strides = array<i32>} : memref<64x128xf32, #tpu.memory_space<vmem>>, vector<1x16xf32>,
        %get3A_310 = arith.index_cast %mul3A_181 : i32 to index
        %get3A_311 = arith.constant 48 : index
        %get3A_312 = tpu.vector_load %arg10[%get3A_310, %get3A_311] {strides = array<i32>} : memref<256x128xf32, #tpu.memory_space<vmem>>, vector<1x16xf32>,
        %get3A_313 = vector.shape_cast %get3A_312 : vector<1x16xf32> to vector<16xf32>
        %mul3A_314 = vector.broadcast %squeeze3A : f32 to vector<16xf32>
        %mul3A_315 = arith.mulf %mul3A_314, %get3A_313 : vector<16xf32>
        %add3A_316 = arith.constant 1 : i32
        %add3A_317 = arith.addi %mul3A_181, %add3A_316 : i32
        %get3A_318 = arith.index_cast %add3A_317 : i32 to index
        %get3A_319 = arith.constant 48 : index
        %get3A_320 = tpu.vector_load %arg10[%get3A_318, %get3A_319] {strides = array<i32>} : memref<256x128xf32, #tpu.memory_space<vmem>>, vector<1x16xf32>,
        %get3A_321 = vector.shape_cast %get3A_320 : vector<1x16xf32> to vector<16xf32>
        %mul3A_322 = vector.broadcast %squeeze3A_175 : f32 to vector<16xf32>
        %mul3A_323 = arith.mulf %mul3A_322, %get3A_321 : vector<16xf32>
        %add3A_324 = arith.addf %mul3A_315, %mul3A_323 : vector<16xf32>
        %add3A_325 = arith.constant 2 : i32
        %add3A_326 = arith.addi %mul3A_181, %add3A_325 : i32
        %get3A_327 = arith.index_cast %add3A_326 : i32 to index
        %get3A_328 = arith.constant 48 : index
        %get3A_329 = tpu.vector_load %arg10[%get3A_327, %get3A_328] {strides = array<i32>} : memref<256x128xf32, #tpu.memory_space<vmem>>, vector<1x16xf32>,
        %get3A_330 = vector.shape_cast %get3A_329 : vector<1x16xf32> to vector<16xf32>
        %mul3A_331 = vector.broadcast %squeeze3A_177 : f32 to vector<16xf32>
        %mul3A_332 = arith.mulf %mul3A_331, %get3A_330 : vector<16xf32>
        %add3A_333 = arith.addf %add3A_324, %mul3A_332 : vector<16xf32>
        %add3A_334 = arith.constant 3 : i32
        %add3A_335 = arith.addi %mul3A_181, %add3A_334 : i32
        %get3A_336 = arith.index_cast %add3A_335 : i32 to index
        %get3A_337 = arith.constant 48 : index
        %get3A_338 = tpu.vector_load %arg10[%get3A_336, %get3A_337] {strides = array<i32>} : memref<256x128xf32, #tpu.memory_space<vmem>>, vector<1x16xf32>,
        %get3A_339 = vector.shape_cast %get3A_338 : vector<1x16xf32> to vector<16xf32>
        %mul3A_340 = vector.broadcast %squeeze3A_179 : f32 to vector<16xf32>
        %mul3A_341 = arith.mulf %mul3A_340, %get3A_339 : vector<16xf32>
        %add3A_342 = arith.addf %add3A_333, %mul3A_341 : vector<16xf32>
        %get3A_343 = arith.index_cast %scan3A_166 : i32 to index
        %get3A_344 = arith.constant 48 : index
        %get3A_345 = tpu.vector_load %arg12[%get3A_343, %get3A_344] {strides = array<i32>} : memref<64x128xf32, #tpu.memory_space<vmem>>, vector<1x16xf32>,
        %get3A_346 = vector.shape_cast %get3A_345 : vector<1x16xf32> to vector<16xf32>
        %mul3A_347 = arith.mulf %add3A_342, %get3A_346 : vector<16xf32>
        %swap3A_348 = arith.index_cast %scan3A_166 : i32 to index
        %swap3A_349 = arith.constant 48 : index
        %swap3A_350 = tpu.vector_load %arg13[%swap3A_348, %swap3A_349] {strides = array<i32>} : memref<64x128xf32, #tpu.memory_space<vmem>>, vector<1x16xf32>,
        %swap3A_351 = vector.shape_cast %swap3A_350 : vector<1x16xf32> to vector<16xf32>
        %swap3A_352 = vector.shape_cast %mul3A_347 : vector<16xf32> to vector<1x16xf32>
        tpu.vector_store %arg13[%swap3A_348, %swap3A_349], %swap3A_352 {strides = array<i32>} : memref<64x128xf32, #tpu.memory_space<vmem>>, vector<1x16xf32>,
        %get3A_353 = arith.index_cast %mul3A_181 : i32 to index
        %get3A_354 = arith.constant 64 : index
        %get3A_355 = tpu.vector_load %arg10[%get3A_353, %get3A_354] {strides = array<i32>} : memref<256x128xf32, #tpu.memory_space<vmem>>, vector<1x16xf32>,
        %get3A_356 = vector.shape_cast %get3A_355 : vector<1x16xf32> to vector<16xf32>
        %mul3A_357 = vector.broadcast %squeeze3A : f32 to vector<16xf32>
        %mul3A_358 = arith.mulf %mul3A_357, %get3A_356 : vector<16xf32>
        %add3A_359 = arith.constant 1 : i32
        %add3A_360 = arith.addi %mul3A_181, %add3A_359 : i32
        %get3A_361 = arith.index_cast %add3A_360 : i32 to index
        %get3A_362 = arith.constant 64 : index
        %get3A_363 = tpu.vector_load %arg10[%get3A_361, %get3A_362] {strides = array<i32>} : memref<256x128xf32, #tpu.memory_space<vmem>>, vector<1x16xf32>,
        %get3A_364 = vector.shape_cast %get3A_363 : vector<1x16xf32> to vector<16xf32>
        %mul3A_365 = vector.broadcast %squeeze3A_175 : f32 to vector<16xf32>
        %mul3A_366 = arith.mulf %mul3A_365, %get3A_364 : vector<16xf32>
        %add3A_367 = arith.addf %mul3A_358, %mul3A_366 : vector<16xf32>
        %add3A_368 = arith.constant 2 : i32
        %add3A_369 = arith.addi %mul3A_181, %add3A_368 : i32
        %get3A_370 = arith.index_cast %add3A_369 : i32 to index
        %get3A_371 = arith.constant 64 : index
        %get3A_372 = tpu.vector_load %arg10[%get3A_370, %get3A_371] {strides = array<i32>} : memref<256x128xf32, #tpu.memory_space<vmem>>, vector<1x16xf32>,
        %get3A_373 = vector.shape_cast %get3A_372 : vector<1x16xf32> to vector<16xf32>
        %mul3A_374 = vector.broadcast %squeeze3A_177 : f32 to vector<16xf32>
        %mul3A_375 = arith.mulf %mul3A_374, %get3A_373 : vector<16xf32>
        %add3A_376 = arith.addf %add3A_367, %mul3A_375 : vector<16xf32>
        %add3A_377 = arith.constant 3 : i32
        %add3A_378 = arith.addi %mul3A_181, %add3A_377 : i32
        %get3A_379 = arith.index_cast %add3A_378 : i32 to index
        %get3A_380 = arith.constant 64 : index
        %get3A_381 = tpu.vector_load %arg10[%get3A_379, %get3A_380] {strides = array<i32>} : memref<256x128xf32, #tpu.memory_space<vmem>>, vector<1x16xf32>,
        %get3A_382 = vector.shape_cast %get3A_381 : vector<1x16xf32> to vector<16xf32>
        %mul3A_383 = vector.broadcast %squeeze3A_179 : f32 to vector<16xf32>
        %mul3A_384 = arith.mulf %mul3A_383, %get3A_382 : vector<16xf32>
        %add3A_385 = arith.addf %add3A_376, %mul3A_384 : vector<16xf32>
        %get3A_386 = arith.index_cast %scan3A_166 : i32 to index
        %get3A_387 = arith.constant 64 : index
        %get3A_388 = tpu.vector_load %arg12[%get3A_386, %get3A_387] {strides = array<i32>} : memref<64x128xf32, #tpu.memory_space<vmem>>, vector<1x16xf32>,
        %get3A_389 = vector.shape_cast %get3A_388 : vector<1x16xf32> to vector<16xf32>
        %mul3A_390 = arith.mulf %add3A_385, %get3A_389 : vector<16xf32>
        %swap3A_391 = arith.index_cast %scan3A_166 : i32 to index
        %swap3A_392 = arith.constant 64 : index
        %swap3A_393 = tpu.vector_load %arg13[%swap3A_391, %swap3A_392] {strides = array<i32>} : memref<64x128xf32, #tpu.memory_space<vmem>>, vector<1x16xf32>,
        %swap3A_394 = vector.shape_cast %swap3A_393 : vector<1x16xf32> to vector<16xf32>
        %swap3A_395 = vector.shape_cast %mul3A_390 : vector<16xf32> to vector<1x16xf32>
        tpu.vector_store %arg13[%swap3A_391, %swap3A_392], %swap3A_395 {strides = array<i32>} : memref<64x128xf32, #tpu.memory_space<vmem>>, vector<1x16xf32>,
        %get3A_396 = arith.index_cast %mul3A_181 : i32 to index
        %get3A_397 = arith.constant 80 : index
        %get3A_398 = tpu.vector_load %arg10[%get3A_396, %get3A_397] {strides = array<i32>} : memref<256x128xf32, #tpu.memory_space<vmem>>, vector<1x16xf32>,
        %get3A_399 = vector.shape_cast %get3A_398 : vector<1x16xf32> to vector<16xf32>
        %mul3A_400 = vector.broadcast %squeeze3A : f32 to vector<16xf32>
        %mul3A_401 = arith.mulf %mul3A_400, %get3A_399 : vector<16xf32>
        %add3A_402 = arith.constant 1 : i32
        %add3A_403 = arith.addi %mul3A_181, %add3A_402 : i32
        %get3A_404 = arith.index_cast %add3A_403 : i32 to index
        %get3A_405 = arith.constant 80 : index
        %get3A_406 = tpu.vector_load %arg10[%get3A_404, %get3A_405] {strides = array<i32>} : memref<256x128xf32, #tpu.memory_space<vmem>>, vector<1x16xf32>,
        %get3A_407 = vector.shape_cast %get3A_406 : vector<1x16xf32> to vector<16xf32>
        %mul3A_408 = vector.broadcast %squeeze3A_175 : f32 to vector<16xf32>
        %mul3A_409 = arith.mulf %mul3A_408, %get3A_407 : vector<16xf32>
        %add3A_410 = arith.addf %mul3A_401, %mul3A_409 : vector<16xf32>
        %add3A_411 = arith.constant 2 : i32
        %add3A_412 = arith.addi %mul3A_181, %add3A_411 : i32
        %get3A_413 = arith.index_cast %add3A_412 : i32 to index
        %get3A_414 = arith.constant 80 : index
        %get3A_415 = tpu.vector_load %arg10[%get3A_413, %get3A_414] {strides = array<i32>} : memref<256x128xf32, #tpu.memory_space<vmem>>, vector<1x16xf32>,
        %get3A_416 = vector.shape_cast %get3A_415 : vector<1x16xf32> to vector<16xf32>
        %mul3A_417 = vector.broadcast %squeeze3A_177 : f32 to vector<16xf32>
        %mul3A_418 = arith.mulf %mul3A_417, %get3A_416 : vector<16xf32>
        %add3A_419 = arith.addf %add3A_410, %mul3A_418 : vector<16xf32>
        %add3A_420 = arith.constant 3 : i32
        %add3A_421 = arith.addi %mul3A_181, %add3A_420 : i32
        %get3A_422 = arith.index_cast %add3A_421 : i32 to index
        %get3A_423 = arith.constant 80 : index
        %get3A_424 = tpu.vector_load %arg10[%get3A_422, %get3A_423] {strides = array<i32>} : memref<256x128xf32, #tpu.memory_space<vmem>>, vector<1x16xf32>,
        %get3A_425 = vector.shape_cast %get3A_424 : vector<1x16xf32> to vector<16xf32>
        %mul3A_426 = vector.broadcast %squeeze3A_179 : f32 to vector<16xf32>
        %mul3A_427 = arith.mulf %mul3A_426, %get3A_425 : vector<16xf32>
        %add3A_428 = arith.addf %add3A_419, %mul3A_427 : vector<16xf32>
        %get3A_429 = arith.index_cast %scan3A_166 : i32 to index
        %get3A_430 = arith.constant 80 : index
        %get3A_431 = tpu.vector_load %arg12[%get3A_429, %get3A_430] {strides = array<i32>} : memref<64x128xf32, #tpu.memory_space<vmem>>, vector<1x16xf32>,
        %get3A_432 = vector.shape_cast %get3A_431 : vector<1x16xf32> to vector<16xf32>
        %mul3A_433 = arith.mulf %add3A_428, %get3A_432 : vector<16xf32>
        %swap3A_434 = arith.index_cast %scan3A_166 : i32 to index
        %swap3A_435 = arith.constant 80 : index
        %swap3A_436 = tpu.vector_load %arg13[%swap3A_434, %swap3A_435] {strides = array<i32>} : memref<64x128xf32, #tpu.memory_space<vmem>>, vector<1x16xf32>,
        %swap3A_437 = vector.shape_cast %swap3A_436 : vector<1x16xf32> to vector<16xf32>
        %swap3A_438 = vector.shape_cast %mul3A_433 : vector<16xf32> to vector<1x16xf32>
        tpu.vector_store %arg13[%swap3A_434, %swap3A_435], %swap3A_438 {strides = array<i32>} : memref<64x128xf32, #tpu.memory_space<vmem>>, vector<1x16xf32>,
      }
      %scan3A_155 = arith.constant 64 : i32
      %mul3A_156 = arith.constant 64 : i32
      %mul3A_157 = arith.muli %add3A_116, %mul3A_156 : i32
      %add3A_158 = arith.addi %mul3A_2, %mul3A_157 : i32
      "tpu.region"() ({
        %run_scoped3A = tpu.sem_alloc : memref<!tpu.dma_semaphore, #tpu.memory_space<semaphore_mem>>
        %dma_start3A_166 = arith.constant 0 : i32
        %dma_start3A_167 = tpu.memref_slice %arg6[%add3A_158, %dma_start3A_166] : memref<8192x128xf32, #tpu.memory_space<hbm>> -> memref<64x128xf32, #tpu.memory_space<hbm>>
        %dma_start3A_168 = arith.constant 0 : i32
        %dma_start3A_169 = tpu.memref_slice %arg6[%add3A_158, %dma_start3A_168] : memref<8192x128xf32, #tpu.memory_space<hbm>> -> memref<64x128xf32, #tpu.memory_space<hbm>>
        tpu.enqueue_dma source(%arg13 : memref<64x128xf32, #tpu.memory_space<vmem>>) target(%dma_start3A_169 : memref<64x128xf32, #tpu.memory_space<hbm>>) target_semaphore(%run_scoped3A : memref<!tpu.dma_semaphore, #tpu.memory_space<semaphore_mem>>)
        %dma_wait3A_170 = arith.constant 0 : i32
        %dma_wait3A_171 = tpu.memref_slice %arg6[%add3A_158, %dma_wait3A_170] : memref<8192x128xf32, #tpu.memory_space<hbm>> -> memref<64x128xf32, #tpu.memory_space<hbm>>
        %dma_wait3A_172 = arith.constant 0 : i32
        %dma_wait3A_173 = tpu.memref_slice %arg6[%add3A_158, %dma_wait3A_172] : memref<8192x128xf32, #tpu.memory_space<hbm>> -> memref<64x128xf32, #tpu.memory_space<hbm>>
        tpu.wait_dma2 semaphore(%run_scoped3A : memref<!tpu.dma_semaphore, #tpu.memory_space<semaphore_mem>>) src(%arg13 : memref<64x128xf32, #tpu.memory_space<vmem>>) dst(%dma_wait3A_173 : memref<64x128xf32, #tpu.memory_space<hbm>>)
        tpu.yield
      }) : () -> ()
      %add3A_159 = arith.constant 2 : i32
      %add3A_160 = arith.addi %add3A_116, %add3A_159 : i32
      %lt3A_161 = arith.constant 4 : i32
      %lt3A_162 = arith.cmpi slt, %add3A_160, %lt3A_161 : i32
      %convert_element_type3A_163 = arith.extui %lt3A_162 : i1 to i32
      %cond3A_164 = arith.constant 0 : i32
      %cond3A_165 = arith.cmpi ne, %convert_element_type3A_163, %cond3A_164 : i32
      scf.if %cond3A_165 {
        %add3A_166 = arith.constant 2 : i32
        %add3A_167 = arith.addi %add3A_116, %add3A_166 : i32
        %mul3A_168 = arith.constant 64 : i32
        %mul3A_169 = arith.muli %add3A_167, %mul3A_168 : i32
        %add3A_170 = arith.addi %mul3A_2, %mul3A_169 : i32
        %dma_start3A_171 = arith.constant 0 : i32
        %dma_start3A_172 = tpu.memref_slice %arg3[%add3A_170, %dma_start3A_171] : memref<8192x128xf32, #tpu.memory_space<hbm>> -> memref<64x128xf32, #tpu.memory_space<hbm>>
        %dma_start3A_173 = arith.constant 0 : i32
        %dma_start3A_174 = tpu.memref_slice %arg3[%add3A_170, %dma_start3A_173] : memref<8192x128xf32, #tpu.memory_space<hbm>> -> memref<64x128xf32, #tpu.memory_space<hbm>>
        tpu.enqueue_dma source(%dma_start3A_174 : memref<64x128xf32, #tpu.memory_space<hbm>>) target(%arg12 : memref<64x128xf32, #tpu.memory_space<vmem>>) target_semaphore(%arg15 : memref<!tpu.dma_semaphore, #tpu.memory_space<semaphore_mem>>)
        %mul3A_175 = arith.constant 2 : i32
        %mul3A_176 = arith.muli %add3A_167, %mul3A_175 : i32
        %add3A_177 = arith.constant 0 : i32
        %add3A_178 = arith.addi %mul3A_176, %add3A_177 : i32
        %dma_start3A_179 = arith.constant 0 : i32
        %dma_start3A_180 = arith.constant 0 : i32
        %dma_start3A_181 = tpu.memref_slice %arg10[%dma_start3A_179, %dma_start3A_180] : memref<256x128xf32, #tpu.memory_space<vmem>> -> memref<128x128xf32, #tpu.memory_space<vmem>>
        %dma_start3A_182 = arith.constant 0 : i32
        %dma_start3A_183 = tpu.memref_slice %arg7[%add3A_178, %dma_start3A_182] : memref<8x128xi32, #tpu.memory_space<vmem>> -> memref<1x128xi32, #tpu.memory_space<vmem>>
        %dma_start3A_184 = tpu.memref_squeeze %dma_start3A_183 : memref<1x128xi32, #tpu.memory_space<vmem>> -> memref<128xi32, #tpu.memory_space<vmem>>
        %dma_start3A_185 = arith.constant 0 : i32
        %dma_start3A_186 = arith.constant 0 : i32
        %dma_start3A_187 = tpu.memref_slice %arg2[%dma_start3A_185, %dma_start3A_186] : memref<8192x128xf32, #tpu.memory_space<hbm>> -> memref<8192x128xf32, #tpu.memory_space<hbm>>
        tpu.enqueue_indirect_dma source(%dma_start3A_187 : memref<8192x128xf32, #tpu.memory_space<hbm>>) target(%dma_start3A_181 : memref<128x128xf32, #tpu.memory_space<vmem>>) offsets(%dma_start3A_184 : memref<128xi32, #tpu.memory_space<vmem>>) semaphore(%arg15 : memref<!tpu.dma_semaphore, #tpu.memory_space<semaphore_mem>>)
        %mul3A_188 = arith.constant 2 : i32
        %mul3A_189 = arith.muli %add3A_167, %mul3A_188 : i32
        %add3A_190 = arith.constant 1 : i32
        %add3A_191 = arith.addi %mul3A_189, %add3A_190 : i32
        %dma_start3A_192 = arith.constant 128 : i32
        %dma_start3A_193 = arith.constant 0 : i32
        %dma_start3A_194 = tpu.memref_slice %arg10[%dma_start3A_192, %dma_start3A_193] : memref<256x128xf32, #tpu.memory_space<vmem>> -> memref<128x128xf32, #tpu.memory_space<vmem>>
        %dma_start3A_195 = arith.constant 0 : i32
        %dma_start3A_196 = tpu.memref_slice %arg7[%add3A_191, %dma_start3A_195] : memref<8x128xi32, #tpu.memory_space<vmem>> -> memref<1x128xi32, #tpu.memory_space<vmem>>
        %dma_start3A_197 = tpu.memref_squeeze %dma_start3A_196 : memref<1x128xi32, #tpu.memory_space<vmem>> -> memref<128xi32, #tpu.memory_space<vmem>>
        %dma_start3A_198 = arith.constant 0 : i32
        %dma_start3A_199 = arith.constant 0 : i32
        %dma_start3A_200 = tpu.memref_slice %arg2[%dma_start3A_198, %dma_start3A_199] : memref<8192x128xf32, #tpu.memory_space<hbm>> -> memref<8192x128xf32, #tpu.memory_space<hbm>>
        tpu.enqueue_indirect_dma source(%dma_start3A_200 : memref<8192x128xf32, #tpu.memory_space<hbm>>) target(%dma_start3A_194 : memref<128x128xf32, #tpu.memory_space<vmem>>) offsets(%dma_start3A_197 : memref<128xi32, #tpu.memory_space<vmem>>) semaphore(%arg15 : memref<!tpu.dma_semaphore, #tpu.memory_space<semaphore_mem>>)
      } else {
      }
    }
    %scan3A_62 = arith.constant 2 : i32
    return
  }
}

#map = affine_map<(d0, d1) -> (0, 0)>
#map1 = affine_map<(d0, d1) -> (0)>
module attributes {stable_mosaic.version = 14 : i64} {
  func.func @sc_k(%arg0: i32, %arg1: i32, %arg2: memref<8192x128xf32, #tpu.memory_space<hbm>>, %arg3: memref<8192x128xf32, #tpu.memory_space<hbm>>, %arg4: memref<32768xf32, #tpu.memory_space<hbm>>, %arg5: memref<256x128xi32, #tpu.memory_space<hbm>>, %arg6: memref<8192x128xf32, #tpu.memory_space<hbm>>, %arg7: memref<8x128xi32, #tpu.memory_space<vmem>>, %arg8: memref<1040xf32, #tpu.memory_space<vmem>>, %arg9: memref<256x128xf32, #tpu.memory_space<vmem>>, %arg10: memref<256x128xf32, #tpu.memory_space<vmem>>, %arg11: memref<64x128xf32, #tpu.memory_space<vmem>>, %arg12: memref<64x128xf32, #tpu.memory_space<vmem>>, %arg13: memref<64x128xf32, #tpu.memory_space<vmem>>, %arg14: memref<!tpu.dma_semaphore, #tpu.memory_space<semaphore_mem>>, %arg15: memref<!tpu.dma_semaphore, #tpu.memory_space<semaphore_mem>>) attributes {dimension_semantics = [#tpu.dimension_semantics<core_parallel>, #tpu.dimension_semantics<subcore_parallel>], iteration_bounds = array<i64: 2, 16>, scalar_prefetch = 0 : i64, scratch_operands = 9 : i64, tpu.core_type = #tpu.core_type<sc_vector_subcore>, window_params = [{transform_indices = #map}, {transform_indices = #map}, {transform_indices = #map1}, {transform_indices = #map}, {transform_indices = #map}]} {
    %mul3A = arith.constant 2 : i32
    %mul3A_0 = arith.muli %arg1, %mul3A : i32
    %add3A = arith.addi %mul3A_0, %arg0 : i32
    %mul3A_1 = arith.constant 256 : i32
    %mul3A_2 = arith.muli %add3A, %mul3A_1 : i32
    %mul3A_3 = arith.constant 8 : i32
    %mul3A_4 = arith.muli %add3A, %mul3A_3 : i32
    "tpu.region"() ({
      %run_scoped3A = tpu.sem_alloc : memref<!tpu.dma_semaphore, #tpu.memory_space<semaphore_mem>>
      %dma_start3A_63 = arith.constant 0 : i32
      %dma_start3A_64 = tpu.memref_slice %arg5[%mul3A_4, %dma_start3A_63] : memref<256x128xi32, #tpu.memory_space<hbm>> -> memref<8x128xi32, #tpu.memory_space<hbm>>
      %dma_start3A_65 = arith.constant 0 : i32
      %dma_start3A_66 = tpu.memref_slice %arg5[%mul3A_4, %dma_start3A_65] : memref<256x128xi32, #tpu.memory_space<hbm>> -> memref<8x128xi32, #tpu.memory_space<hbm>>
      tpu.enqueue_dma source(%dma_start3A_66 : memref<8x128xi32, #tpu.memory_space<hbm>>) target(%arg7 : memref<8x128xi32, #tpu.memory_space<vmem>>) target_semaphore(%run_scoped3A : memref<!tpu.dma_semaphore, #tpu.memory_space<semaphore_mem>>)
      %dma_wait3A = arith.constant 0 : i32
      %dma_wait3A_67 = tpu.memref_slice %arg5[%mul3A_4, %dma_wait3A] : memref<256x128xi32, #tpu.memory_space<hbm>> -> memref<8x128xi32, #tpu.memory_space<hbm>>
      %dma_wait3A_68 = arith.constant 0 : i32
      %dma_wait3A_69 = tpu.memref_slice %arg5[%mul3A_4, %dma_wait3A_68] : memref<256x128xi32, #tpu.memory_space<hbm>> -> memref<8x128xi32, #tpu.memory_space<hbm>>
      tpu.wait_dma2 semaphore(%run_scoped3A : memref<!tpu.dma_semaphore, #tpu.memory_space<semaphore_mem>>) src(%dma_wait3A_69 : memref<8x128xi32, #tpu.memory_space<hbm>>) dst(%arg7 : memref<8x128xi32, #tpu.memory_space<vmem>>)
      tpu.yield
    }) : () -> ()
    %mul3A_5 = arith.constant 1024 : i32
    %mul3A_6 = arith.muli %add3A, %mul3A_5 : i32
    "tpu.region"() ({
      %run_scoped3A = tpu.sem_alloc : memref<!tpu.dma_semaphore, #tpu.memory_space<semaphore_mem>>
      %dma_start3A_63 = arith.constant 0 : i32
      %dma_start3A_64 = tpu.memref_slice %arg8[%dma_start3A_63] : memref<1040xf32, #tpu.memory_space<vmem>> -> memref<1024xf32, #tpu.memory_space<vmem>>
      %dma_start3A_65 = tpu.memref_slice %arg4[%mul3A_6] : memref<32768xf32, #tpu.memory_space<hbm>> -> memref<1024xf32, #tpu.memory_space<hbm>>
      %dma_start3A_66 = arith.constant 0 : i32
      %dma_start3A_67 = tpu.memref_slice %arg8[%dma_start3A_66] : memref<1040xf32, #tpu.memory_space<vmem>> -> memref<1024xf32, #tpu.memory_space<vmem>>
      %dma_start3A_68 = tpu.memref_slice %arg4[%mul3A_6] : memref<32768xf32, #tpu.memory_space<hbm>> -> memref<1024xf32, #tpu.memory_space<hbm>>
      tpu.enqueue_dma source(%dma_start3A_68 : memref<1024xf32, #tpu.memory_space<hbm>>) target(%dma_start3A_67 : memref<1024xf32, #tpu.memory_space<vmem>>) target_semaphore(%run_scoped3A : memref<!tpu.dma_semaphore, #tpu.memory_space<semaphore_mem>>)
      %dma_wait3A = arith.constant 0 : i32
      %dma_wait3A_69 = tpu.memref_slice %arg8[%dma_wait3A] : memref<1040xf32, #tpu.memory_space<vmem>> -> memref<1024xf32, #tpu.memory_space<vmem>>
      %dma_wait3A_70 = tpu.memref_slice %arg4[%mul3A_6] : memref<32768xf32, #tpu.memory_space<hbm>> -> memref<1024xf32, #tpu.memory_space<hbm>>
      %dma_wait3A_71 = arith.constant 0 : i32
      %dma_wait3A_72 = tpu.memref_slice %arg8[%dma_wait3A_71] : memref<1040xf32, #tpu.memory_space<vmem>> -> memref<1024xf32, #tpu.memory_space<vmem>>
      %dma_wait3A_73 = tpu.memref_slice %arg4[%mul3A_6] : memref<32768xf32, #tpu.memory_space<hbm>> -> memref<1024xf32, #tpu.memory_space<hbm>>
      tpu.wait_dma2 semaphore(%run_scoped3A : memref<!tpu.dma_semaphore, #tpu.memory_space<semaphore_mem>>) src(%dma_wait3A_73 : memref<1024xf32, #tpu.memory_space<hbm>>) dst(%dma_wait3A_72 : memref<1024xf32, #tpu.memory_space<vmem>>)
      tpu.yield
    }) : () -> ()
    %add3A_7 = arith.constant 0 : i32
    %add3A_8 = arith.addi %mul3A_2, %add3A_7 : i32
    %dma_start3A = arith.constant 0 : i32
    %dma_start3A_9 = tpu.memref_slice %arg3[%add3A_8, %dma_start3A] : memref<8192x128xf32, #tpu.memory_space<hbm>> -> memref<64x128xf32, #tpu.memory_space<hbm>>
    %dma_start3A_10 = arith.constant 0 : i32
    %dma_start3A_11 = tpu.memref_slice %arg3[%add3A_8, %dma_start3A_10] : memref<8192x128xf32, #tpu.memory_space<hbm>> -> memref<64x128xf32, #tpu.memory_space<hbm>>
    tpu.enqueue_dma source(%dma_start3A_11 : memref<64x128xf32, #tpu.memory_space<hbm>>) target(%arg11 : memref<64x128xf32, #tpu.memory_space<vmem>>) target_semaphore(%arg14 : memref<!tpu.dma_semaphore, #tpu.memory_space<semaphore_mem>>)
    %dma_start3A_12 = arith.constant 0 : i32
    %dma_start3A_13 = arith.constant 0 : i32
    %dma_start3A_14 = arith.constant 0 : i32
    %dma_start3A_15 = tpu.memref_slice %arg9[%dma_start3A_13, %dma_start3A_14] : memref<256x128xf32, #tpu.memory_space<vmem>> -> memref<128x128xf32, #tpu.memory_space<vmem>>
    %dma_start3A_16 = arith.constant 0 : i32
    %dma_start3A_17 = tpu.memref_slice %arg7[%dma_start3A_12, %dma_start3A_16] : memref<8x128xi32, #tpu.memory_space<vmem>> -> memref<1x128xi32, #tpu.memory_space<vmem>>
    %dma_start3A_18 = tpu.memref_squeeze %dma_start3A_17 : memref<1x128xi32, #tpu.memory_space<vmem>> -> memref<128xi32, #tpu.memory_space<vmem>>
    %dma_start3A_19 = arith.constant 0 : i32
    %dma_start3A_20 = arith.constant 0 : i32
    %dma_start3A_21 = tpu.memref_slice %arg2[%dma_start3A_19, %dma_start3A_20] : memref<8192x128xf32, #tpu.memory_space<hbm>> -> memref<8192x128xf32, #tpu.memory_space<hbm>>
    tpu.enqueue_indirect_dma source(%dma_start3A_21 : memref<8192x128xf32, #tpu.memory_space<hbm>>) target(%dma_start3A_15 : memref<128x128xf32, #tpu.memory_space<vmem>>) offsets(%dma_start3A_18 : memref<128xi32, #tpu.memory_space<vmem>>) semaphore(%arg14 : memref<!tpu.dma_semaphore, #tpu.memory_space<semaphore_mem>>)
    %dma_start3A_22 = arith.constant 1 : i32
    %dma_start3A_23 = arith.constant 128 : i32
    %dma_start3A_24 = arith.constant 0 : i32
    %dma_start3A_25 = tpu.memref_slice %arg9[%dma_start3A_23, %dma_start3A_24] : memref<256x128xf32, #tpu.memory_space<vmem>> -> memref<128x128xf32, #tpu.memory_space<vmem>>
    %dma_start3A_26 = arith.constant 0 : i32
    %dma_start3A_27 = tpu.memref_slice %arg7[%dma_start3A_22, %dma_start3A_26] : memref<8x128xi32, #tpu.memory_space<vmem>> -> memref<1x128xi32, #tpu.memory_space<vmem>>
    %dma_start3A_28 = tpu.memref_squeeze %dma_start3A_27 : memref<1x128xi32, #tpu.memory_space<vmem>> -> memref<128xi32, #tpu.memory_space<vmem>>
    %dma_start3A_29 = arith.constant 0 : i32
    %dma_start3A_30 = arith.constant 0 : i32
    %dma_start3A_31 = tpu.memref_slice %arg2[%dma_start3A_29, %dma_start3A_30] : memref<8192x128xf32, #tpu.memory_space<hbm>> -> memref<8192x128xf32, #tpu.memory_space<hbm>>
    tpu.enqueue_indirect_dma source(%dma_start3A_31 : memref<8192x128xf32, #tpu.memory_space<hbm>>) target(%dma_start3A_25 : memref<128x128xf32, #tpu.memory_space<vmem>>) offsets(%dma_start3A_28 : memref<128xi32, #tpu.memory_space<vmem>>) semaphore(%arg14 : memref<!tpu.dma_semaphore, #tpu.memory_space<semaphore_mem>>)
    %add3A_32 = arith.constant 64 : i32
    %add3A_33 = arith.addi %mul3A_2, %add3A_32 : i32
    %dma_start3A_34 = arith.constant 0 : i32
    %dma_start3A_35 = tpu.memref_slice %arg3[%add3A_33, %dma_start3A_34] : memref<8192x128xf32, #tpu.memory_space<hbm>> -> memref<64x128xf32, #tpu.memory_space<hbm>>
    %dma_start3A_36 = arith.constant 0 : i32
    %dma_start3A_37 = tpu.memref_slice %arg3[%add3A_33, %dma_start3A_36] : memref<8192x128xf32, #tpu.memory_space<hbm>> -> memref<64x128xf32, #tpu.memory_space<hbm>>
    tpu.enqueue_dma source(%dma_start3A_37 : memref<64x128xf32, #tpu.memory_space<hbm>>) target(%arg12 : memref<64x128xf32, #tpu.memory_space<vmem>>) target_semaphore(%arg15 : memref<!tpu.dma_semaphore, #tpu.memory_space<semaphore_mem>>)
    %dma_start3A_38 = arith.constant 2 : i32
    %dma_start3A_39 = arith.constant 0 : i32
    %dma_start3A_40 = arith.constant 0 : i32
    %dma_start3A_41 = tpu.memref_slice %arg10[%dma_start3A_39, %dma_start3A_40] : memref<256x128xf32, #tpu.memory_space<vmem>> -> memref<128x128xf32, #tpu.memory_space<vmem>>
    %dma_start3A_42 = arith.constant 0 : i32
    %dma_start3A_43 = tpu.memref_slice %arg7[%dma_start3A_38, %dma_start3A_42] : memref<8x128xi32, #tpu.memory_space<vmem>> -> memref<1x128xi32, #tpu.memory_space<vmem>>
    %dma_start3A_44 = tpu.memref_squeeze %dma_start3A_43 : memref<1x128xi32, #tpu.memory_space<vmem>> -> memref<128xi32, #tpu.memory_space<vmem>>
    %dma_start3A_45 = arith.constant 0 : i32
    %dma_start3A_46 = arith.constant 0 : i32
    %dma_start3A_47 = tpu.memref_slice %arg2[%dma_start3A_45, %dma_start3A_46] : memref<8192x128xf32, #tpu.memory_space<hbm>> -> memref<8192x128xf32, #tpu.memory_space<hbm>>
    tpu.enqueue_indirect_dma source(%dma_start3A_47 : memref<8192x128xf32, #tpu.memory_space<hbm>>) target(%dma_start3A_41 : memref<128x128xf32, #tpu.memory_space<vmem>>) offsets(%dma_start3A_44 : memref<128xi32, #tpu.memory_space<vmem>>) semaphore(%arg15 : memref<!tpu.dma_semaphore, #tpu.memory_space<semaphore_mem>>)
    %dma_start3A_48 = arith.constant 3 : i32
    %dma_start3A_49 = arith.constant 128 : i32
    %dma_start3A_50 = arith.constant 0 : i32
    %dma_start3A_51 = tpu.memref_slice %arg10[%dma_start3A_49, %dma_start3A_50] : memref<256x128xf32, #tpu.memory_space<vmem>> -> memref<128x128xf32, #tpu.memory_space<vmem>>
    %dma_start3A_52 = arith.constant 0 : i32
    %dma_start3A_53 = tpu.memref_slice %arg7[%dma_start3A_48, %dma_start3A_52] : memref<8x128xi32, #tpu.memory_space<vmem>> -> memref<1x128xi32, #tpu.memory_space<vmem>>
    %dma_start3A_54 = tpu.memref_squeeze %dma_start3A_53 : memref<1x128xi32, #tpu.memory_space<vmem>> -> memref<128xi32, #tpu.memory_space<vmem>>
    %dma_start3A_55 = arith.constant 0 : i32
    %dma_start3A_56 = arith.constant 0 : i32
    %dma_start3A_57 = tpu.memref_slice %arg2[%dma_start3A_55, %dma_start3A_56] : memref<8192x128xf32, #tpu.memory_space<hbm>> -> memref<8192x128xf32, #tpu.memory_space<hbm>>
    tpu.enqueue_indirect_dma source(%dma_start3A_57 : memref<8192x128xf32, #tpu.memory_space<hbm>>) target(%dma_start3A_51 : memref<128x128xf32, #tpu.memory_space<vmem>>) offsets(%dma_start3A_54 : memref<128xi32, #tpu.memory_space<vmem>>) semaphore(%arg15 : memref<!tpu.dma_semaphore, #tpu.memory_space<semaphore_mem>>)
    %scan3A = arith.constant 0 : i32
    %scan3A_58 = arith.constant 0 : i32
    %scan3A_59 = arith.constant 2 : i32
    %scan3A_60 = arith.addi %scan3A_58, %scan3A_59 : i32
    %scan3A_61 = arith.constant 1 : i32
    scf.for %scan3A_63 = %scan3A_58 to %scan3A_60 step %scan3A_61  : i32 {
      %mul3A_64 = arith.constant 2 : i32
      %mul3A_65 = arith.muli %mul3A_64, %scan3A_63 : i32
      %add3A_66 = arith.constant 0 : i32
      %add3A_67 = arith.addi %mul3A_65, %add3A_66 : i32
      %mul3A_68 = arith.constant 64 : i32
      %mul3A_69 = arith.muli %add3A_67, %mul3A_68 : i32
      %add3A_70 = arith.addi %mul3A_2, %mul3A_69 : i32
      %dma_wait3A = arith.constant 0 : i32
      %dma_wait3A_71 = tpu.memref_slice %arg3[%add3A_70, %dma_wait3A] : memref<8192x128xf32, #tpu.memory_space<hbm>> -> memref<64x128xf32, #tpu.memory_space<hbm>>
      %dma_wait3A_72 = arith.constant 0 : i32
      %dma_wait3A_73 = tpu.memref_slice %arg3[%add3A_70, %dma_wait3A_72] : memref<8192x128xf32, #tpu.memory_space<hbm>> -> memref<64x128xf32, #tpu.memory_space<hbm>>
      tpu.wait_dma2 semaphore(%arg14 : memref<!tpu.dma_semaphore, #tpu.memory_space<semaphore_mem>>) src(%dma_wait3A_73 : memref<64x128xf32, #tpu.memory_space<hbm>>) dst(%arg11 : memref<64x128xf32, #tpu.memory_space<vmem>>)
      %mul3A_74 = arith.constant 2 : i32
      %mul3A_75 = arith.muli %add3A_67, %mul3A_74 : i32
      %add3A_76 = arith.constant 0 : i32
      %add3A_77 = arith.addi %mul3A_75, %add3A_76 : i32
      %dma_wait3A_78 = arith.constant 0 : i32
      %dma_wait3A_79 = arith.constant 0 : i32
      %dma_wait3A_80 = tpu.memref_slice %arg9[%dma_wait3A_78, %dma_wait3A_79] : memref<256x128xf32, #tpu.memory_space<vmem>> -> memref<128x128xf32, #tpu.memory_space<vmem>>
      %dma_wait3A_81 = arith.constant 0 : i32
      %dma_wait3A_82 = tpu.memref_slice %arg7[%add3A_77, %dma_wait3A_81] : memref<8x128xi32, #tpu.memory_space<vmem>> -> memref<1x128xi32, #tpu.memory_space<vmem>>
      %dma_wait3A_83 = tpu.memref_squeeze %dma_wait3A_82 : memref<1x128xi32, #tpu.memory_space<vmem>> -> memref<128xi32, #tpu.memory_space<vmem>>
      %dma_wait3A_84 = arith.constant 0 : i32
      %dma_wait3A_85 = arith.constant 0 : i32
      %dma_wait3A_86 = tpu.memref_slice %arg2[%dma_wait3A_84, %dma_wait3A_85] : memref<8192x128xf32, #tpu.memory_space<hbm>> -> memref<8192x128xf32, #tpu.memory_space<hbm>>
      tpu.wait_indirect_dma semaphore(%arg14 : memref<!tpu.dma_semaphore, #tpu.memory_space<semaphore_mem>>) src(%dma_wait3A_86 : memref<8192x128xf32, #tpu.memory_space<hbm>>) dst(%dma_wait3A_80 : memref<128x128xf32, #tpu.memory_space<vmem>>)
      %mul3A_87 = arith.constant 2 : i32
      %mul3A_88 = arith.muli %add3A_67, %mul3A_87 : i32
      %add3A_89 = arith.constant 1 : i32
      %add3A_90 = arith.addi %mul3A_88, %add3A_89 : i32
      %dma_wait3A_91 = arith.constant 128 : i32
      %dma_wait3A_92 = arith.constant 0 : i32
      %dma_wait3A_93 = tpu.memref_slice %arg9[%dma_wait3A_91, %dma_wait3A_92] : memref<256x128xf32, #tpu.memory_space<vmem>> -> memref<128x128xf32, #tpu.memory_space<vmem>>
      %dma_wait3A_94 = arith.constant 0 : i32
      %dma_wait3A_95 = tpu.memref_slice %arg7[%add3A_90, %dma_wait3A_94] : memref<8x128xi32, #tpu.memory_space<vmem>> -> memref<1x128xi32, #tpu.memory_space<vmem>>
      %dma_wait3A_96 = tpu.memref_squeeze %dma_wait3A_95 : memref<1x128xi32, #tpu.memory_space<vmem>> -> memref<128xi32, #tpu.memory_space<vmem>>
      %dma_wait3A_97 = arith.constant 0 : i32
      %dma_wait3A_98 = arith.constant 0 : i32
      %dma_wait3A_99 = tpu.memref_slice %arg2[%dma_wait3A_97, %dma_wait3A_98] : memref<8192x128xf32, #tpu.memory_space<hbm>> -> memref<8192x128xf32, #tpu.memory_space<hbm>>
      tpu.wait_indirect_dma semaphore(%arg14 : memref<!tpu.dma_semaphore, #tpu.memory_space<semaphore_mem>>) src(%dma_wait3A_99 : memref<8192x128xf32, #tpu.memory_space<hbm>>) dst(%dma_wait3A_93 : memref<128x128xf32, #tpu.memory_space<vmem>>)
      %scan3A_100 = arith.constant 0 : i32
      %scan3A_101 = arith.constant 0 : i32
      %scan3A_102 = arith.constant 64 : i32
      %scan3A_103 = arith.addi %scan3A_101, %scan3A_102 : i32
      %scan3A_104 = arith.constant 1 : i32
      scf.for %scan3A_166 = %scan3A_101 to %scan3A_103 step %scan3A_104  : i32 {
        %mul3A_167 = arith.constant 64 : i32
        %mul3A_168 = arith.muli %add3A_67, %mul3A_167 : i32
        %add3A_169 = arith.addi %mul3A_168, %scan3A_166 : i32
        %mul3A_170 = arith.constant 4 : i32
        %mul3A_171 = arith.muli %add3A_169, %mul3A_170 : i32
        %get3A = arith.index_cast %mul3A_171 : i32 to index
        %get3A_172 = tpu.vector_load %arg8[%get3A] {strides = array<i32>} : memref<1040xf32, #tpu.memory_space<vmem>>, vector<16xf32>,
        %get3A_173 = vector.shape_cast %get3A_172 : vector<16xf32> to vector<16xf32>
        %slice3A = vector.extract_strided_slice %get3A_173 {offsets = [0], sizes = [1], strides = [1]} : vector<16xf32> to vector<1xf32>
        %squeeze3A = vector.extract %slice3A[0] : f32 from vector<1xf32>
        %slice3A_174 = vector.extract_strided_slice %get3A_173 {offsets = [1], sizes = [1], strides = [1]} : vector<16xf32> to vector<1xf32>
        %squeeze3A_175 = vector.extract %slice3A_174[0] : f32 from vector<1xf32>
        %slice3A_176 = vector.extract_strided_slice %get3A_173 {offsets = [2], sizes = [1], strides = [1]} : vector<16xf32> to vector<1xf32>
        %squeeze3A_177 = vector.extract %slice3A_176[0] : f32 from vector<1xf32>
        %slice3A_178 = vector.extract_strided_slice %get3A_173 {offsets = [3], sizes = [1], strides = [1]} : vector<16xf32> to vector<1xf32>
        %squeeze3A_179 = vector.extract %slice3A_178[0] : f32 from vector<1xf32>
        %mul3A_180 = arith.constant 4 : i32
        %mul3A_181 = arith.muli %scan3A_166, %mul3A_180 : i32
        %get3A_182 = arith.index_cast %mul3A_181 : i32 to index
        %get3A_183 = arith.constant 0 : index
        %get3A_184 = tpu.vector_load %arg9[%get3A_182, %get3A_183] {strides = array<i32>} : memref<256x128xf32, #tpu.memory_space<vmem>>, vector<1x16xf32>,
        %get3A_185 = vector.shape_cast %get3A_184 : vector<1x16xf32> to vector<16xf32>
        %mul3A_186 = vector.broadcast %squeeze3A : f32 to vector<16xf32>
        %mul3A_187 = arith.mulf %mul3A_186, %get3A_185 : vector<16xf32>
        %add3A_188 = arith.constant 1 : i32
        %add3A_189 = arith.addi %mul3A_181, %add3A_188 : i32
        %get3A_190 = arith.index_cast %add3A_189 : i32 to index
        %get3A_191 = arith.constant 0 : index
        %get3A_192 = tpu.vector_load %arg9[%get3A_190, %get3A_191] {strides = array<i32>} : memref<256x128xf32, #tpu.memory_space<vmem>>, vector<1x16xf32>,
        %get3A_193 = vector.shape_cast %get3A_192 : vector<1x16xf32> to vector<16xf32>
        %mul3A_194 = vector.broadcast %squeeze3A_175 : f32 to vector<16xf32>
        %mul3A_195 = arith.mulf %mul3A_194, %get3A_193 : vector<16xf32>
        %add3A_196 = arith.addf %mul3A_187, %mul3A_195 : vector<16xf32>
        %add3A_197 = arith.constant 2 : i32
        %add3A_198 = arith.addi %mul3A_181, %add3A_197 : i32
        %get3A_199 = arith.index_cast %add3A_198 : i32 to index
        %get3A_200 = arith.constant 0 : index
        %get3A_201 = tpu.vector_load %arg9[%get3A_199, %get3A_200] {strides = array<i32>} : memref<256x128xf32, #tpu.memory_space<vmem>>, vector<1x16xf32>,
        %get3A_202 = vector.shape_cast %get3A_201 : vector<1x16xf32> to vector<16xf32>
        %mul3A_203 = vector.broadcast %squeeze3A_177 : f32 to vector<16xf32>
        %mul3A_204 = arith.mulf %mul3A_203, %get3A_202 : vector<16xf32>
        %add3A_205 = arith.addf %add3A_196, %mul3A_204 : vector<16xf32>
        %add3A_206 = arith.constant 3 : i32
        %add3A_207 = arith.addi %mul3A_181, %add3A_206 : i32
        %get3A_208 = arith.index_cast %add3A_207 : i32 to index
        %get3A_209 = arith.constant 0 : index
        %get3A_210 = tpu.vector_load %arg9[%get3A_208, %get3A_209] {strides = array<i32>} : memref<256x128xf32, #tpu.memory_space<vmem>>, vector<1x16xf32>,
        %get3A_211 = vector.shape_cast %get3A_210 : vector<1x16xf32> to vector<16xf32>
        %mul3A_212 = vector.broadcast %squeeze3A_179 : f32 to vector<16xf32>
        %mul3A_213 = arith.mulf %mul3A_212, %get3A_211 : vector<16xf32>
        %add3A_214 = arith.addf %add3A_205, %mul3A_213 : vector<16xf32>
        %get3A_215 = arith.index_cast %scan3A_166 : i32 to index
        %get3A_216 = arith.constant 0 : index
        %get3A_217 = tpu.vector_load %arg11[%get3A_215, %get3A_216] {strides = array<i32>} : memref<64x128xf32, #tpu.memory_space<vmem>>, vector<1x16xf32>,
        %get3A_218 = vector.shape_cast %get3A_217 : vector<1x16xf32> to vector<16xf32>
        %mul3A_219 = arith.mulf %add3A_214, %get3A_218 : vector<16xf32>
        %swap3A = arith.index_cast %scan3A_166 : i32 to index
        %swap3A_220 = arith.constant 0 : index
        %swap3A_221 = tpu.vector_load %arg13[%swap3A, %swap3A_220] {strides = array<i32>} : memref<64x128xf32, #tpu.memory_space<vmem>>, vector<1x16xf32>,
        %swap3A_222 = vector.shape_cast %swap3A_221 : vector<1x16xf32> to vector<16xf32>
        %swap3A_223 = vector.shape_cast %mul3A_219 : vector<16xf32> to vector<1x16xf32>
        tpu.vector_store %arg13[%swap3A, %swap3A_220], %swap3A_223 {strides = array<i32>} : memref<64x128xf32, #tpu.memory_space<vmem>>, vector<1x16xf32>,
        %get3A_224 = arith.index_cast %mul3A_181 : i32 to index
        %get3A_225 = arith.constant 16 : index
        %get3A_226 = tpu.vector_load %arg9[%get3A_224, %get3A_225] {strides = array<i32>} : memref<256x128xf32, #tpu.memory_space<vmem>>, vector<1x16xf32>,
        %get3A_227 = vector.shape_cast %get3A_226 : vector<1x16xf32> to vector<16xf32>
        %mul3A_228 = vector.broadcast %squeeze3A : f32 to vector<16xf32>
        %mul3A_229 = arith.mulf %mul3A_228, %get3A_227 : vector<16xf32>
        %add3A_230 = arith.constant 1 : i32
        %add3A_231 = arith.addi %mul3A_181, %add3A_230 : i32
        %get3A_232 = arith.index_cast %add3A_231 : i32 to index
        %get3A_233 = arith.constant 16 : index
        %get3A_234 = tpu.vector_load %arg9[%get3A_232, %get3A_233] {strides = array<i32>} : memref<256x128xf32, #tpu.memory_space<vmem>>, vector<1x16xf32>,
        %get3A_235 = vector.shape_cast %get3A_234 : vector<1x16xf32> to vector<16xf32>
        %mul3A_236 = vector.broadcast %squeeze3A_175 : f32 to vector<16xf32>
        %mul3A_237 = arith.mulf %mul3A_236, %get3A_235 : vector<16xf32>
        %add3A_238 = arith.addf %mul3A_229, %mul3A_237 : vector<16xf32>
        %add3A_239 = arith.constant 2 : i32
        %add3A_240 = arith.addi %mul3A_181, %add3A_239 : i32
        %get3A_241 = arith.index_cast %add3A_240 : i32 to index
        %get3A_242 = arith.constant 16 : index
        %get3A_243 = tpu.vector_load %arg9[%get3A_241, %get3A_242] {strides = array<i32>} : memref<256x128xf32, #tpu.memory_space<vmem>>, vector<1x16xf32>,
        %get3A_244 = vector.shape_cast %get3A_243 : vector<1x16xf32> to vector<16xf32>
        %mul3A_245 = vector.broadcast %squeeze3A_177 : f32 to vector<16xf32>
        %mul3A_246 = arith.mulf %mul3A_245, %get3A_244 : vector<16xf32>
        %add3A_247 = arith.addf %add3A_238, %mul3A_246 : vector<16xf32>
        %add3A_248 = arith.constant 3 : i32
        %add3A_249 = arith.addi %mul3A_181, %add3A_248 : i32
        %get3A_250 = arith.index_cast %add3A_249 : i32 to index
        %get3A_251 = arith.constant 16 : index
        %get3A_252 = tpu.vector_load %arg9[%get3A_250, %get3A_251] {strides = array<i32>} : memref<256x128xf32, #tpu.memory_space<vmem>>, vector<1x16xf32>,
        %get3A_253 = vector.shape_cast %get3A_252 : vector<1x16xf32> to vector<16xf32>
        %mul3A_254 = vector.broadcast %squeeze3A_179 : f32 to vector<16xf32>
        %mul3A_255 = arith.mulf %mul3A_254, %get3A_253 : vector<16xf32>
        %add3A_256 = arith.addf %add3A_247, %mul3A_255 : vector<16xf32>
        %get3A_257 = arith.index_cast %scan3A_166 : i32 to index
        %get3A_258 = arith.constant 16 : index
        %get3A_259 = tpu.vector_load %arg11[%get3A_257, %get3A_258] {strides = array<i32>} : memref<64x128xf32, #tpu.memory_space<vmem>>, vector<1x16xf32>,
        %get3A_260 = vector.shape_cast %get3A_259 : vector<1x16xf32> to vector<16xf32>
        %mul3A_261 = arith.mulf %add3A_256, %get3A_260 : vector<16xf32>
        %swap3A_262 = arith.index_cast %scan3A_166 : i32 to index
        %swap3A_263 = arith.constant 16 : index
        %swap3A_264 = tpu.vector_load %arg13[%swap3A_262, %swap3A_263] {strides = array<i32>} : memref<64x128xf32, #tpu.memory_space<vmem>>, vector<1x16xf32>,
        %swap3A_265 = vector.shape_cast %swap3A_264 : vector<1x16xf32> to vector<16xf32>
        %swap3A_266 = vector.shape_cast %mul3A_261 : vector<16xf32> to vector<1x16xf32>
        tpu.vector_store %arg13[%swap3A_262, %swap3A_263], %swap3A_266 {strides = array<i32>} : memref<64x128xf32, #tpu.memory_space<vmem>>, vector<1x16xf32>,
        %get3A_267 = arith.index_cast %mul3A_181 : i32 to index
        %get3A_268 = arith.constant 32 : index
        %get3A_269 = tpu.vector_load %arg9[%get3A_267, %get3A_268] {strides = array<i32>} : memref<256x128xf32, #tpu.memory_space<vmem>>, vector<1x16xf32>,
        %get3A_270 = vector.shape_cast %get3A_269 : vector<1x16xf32> to vector<16xf32>
        %mul3A_271 = vector.broadcast %squeeze3A : f32 to vector<16xf32>
        %mul3A_272 = arith.mulf %mul3A_271, %get3A_270 : vector<16xf32>
        %add3A_273 = arith.constant 1 : i32
        %add3A_274 = arith.addi %mul3A_181, %add3A_273 : i32
        %get3A_275 = arith.index_cast %add3A_274 : i32 to index
        %get3A_276 = arith.constant 32 : index
        %get3A_277 = tpu.vector_load %arg9[%get3A_275, %get3A_276] {strides = array<i32>} : memref<256x128xf32, #tpu.memory_space<vmem>>, vector<1x16xf32>,
        %get3A_278 = vector.shape_cast %get3A_277 : vector<1x16xf32> to vector<16xf32>
        %mul3A_279 = vector.broadcast %squeeze3A_175 : f32 to vector<16xf32>
        %mul3A_280 = arith.mulf %mul3A_279, %get3A_278 : vector<16xf32>
        %add3A_281 = arith.addf %mul3A_272, %mul3A_280 : vector<16xf32>
        %add3A_282 = arith.constant 2 : i32
        %add3A_283 = arith.addi %mul3A_181, %add3A_282 : i32
        %get3A_284 = arith.index_cast %add3A_283 : i32 to index
        %get3A_285 = arith.constant 32 : index
        %get3A_286 = tpu.vector_load %arg9[%get3A_284, %get3A_285] {strides = array<i32>} : memref<256x128xf32, #tpu.memory_space<vmem>>, vector<1x16xf32>,
        %get3A_287 = vector.shape_cast %get3A_286 : vector<1x16xf32> to vector<16xf32>
        %mul3A_288 = vector.broadcast %squeeze3A_177 : f32 to vector<16xf32>
        %mul3A_289 = arith.mulf %mul3A_288, %get3A_287 : vector<16xf32>
        %add3A_290 = arith.addf %add3A_281, %mul3A_289 : vector<16xf32>
        %add3A_291 = arith.constant 3 : i32
        %add3A_292 = arith.addi %mul3A_181, %add3A_291 : i32
        %get3A_293 = arith.index_cast %add3A_292 : i32 to index
        %get3A_294 = arith.constant 32 : index
        %get3A_295 = tpu.vector_load %arg9[%get3A_293, %get3A_294] {strides = array<i32>} : memref<256x128xf32, #tpu.memory_space<vmem>>, vector<1x16xf32>,
        %get3A_296 = vector.shape_cast %get3A_295 : vector<1x16xf32> to vector<16xf32>
        %mul3A_297 = vector.broadcast %squeeze3A_179 : f32 to vector<16xf32>
        %mul3A_298 = arith.mulf %mul3A_297, %get3A_296 : vector<16xf32>
        %add3A_299 = arith.addf %add3A_290, %mul3A_298 : vector<16xf32>
        %get3A_300 = arith.index_cast %scan3A_166 : i32 to index
        %get3A_301 = arith.constant 32 : index
        %get3A_302 = tpu.vector_load %arg11[%get3A_300, %get3A_301] {strides = array<i32>} : memref<64x128xf32, #tpu.memory_space<vmem>>, vector<1x16xf32>,
        %get3A_303 = vector.shape_cast %get3A_302 : vector<1x16xf32> to vector<16xf32>
        %mul3A_304 = arith.mulf %add3A_299, %get3A_303 : vector<16xf32>
        %swap3A_305 = arith.index_cast %scan3A_166 : i32 to index
        %swap3A_306 = arith.constant 32 : index
        %swap3A_307 = tpu.vector_load %arg13[%swap3A_305, %swap3A_306] {strides = array<i32>} : memref<64x128xf32, #tpu.memory_space<vmem>>, vector<1x16xf32>,
        %swap3A_308 = vector.shape_cast %swap3A_307 : vector<1x16xf32> to vector<16xf32>
        %swap3A_309 = vector.shape_cast %mul3A_304 : vector<16xf32> to vector<1x16xf32>
        tpu.vector_store %arg13[%swap3A_305, %swap3A_306], %swap3A_309 {strides = array<i32>} : memref<64x128xf32, #tpu.memory_space<vmem>>, vector<1x16xf32>,
        %get3A_310 = arith.index_cast %mul3A_181 : i32 to index
        %get3A_311 = arith.constant 48 : index
        %get3A_312 = tpu.vector_load %arg9[%get3A_310, %get3A_311] {strides = array<i32>} : memref<256x128xf32, #tpu.memory_space<vmem>>, vector<1x16xf32>,
        %get3A_313 = vector.shape_cast %get3A_312 : vector<1x16xf32> to vector<16xf32>
        %mul3A_314 = vector.broadcast %squeeze3A : f32 to vector<16xf32>
        %mul3A_315 = arith.mulf %mul3A_314, %get3A_313 : vector<16xf32>
        %add3A_316 = arith.constant 1 : i32
        %add3A_317 = arith.addi %mul3A_181, %add3A_316 : i32
        %get3A_318 = arith.index_cast %add3A_317 : i32 to index
        %get3A_319 = arith.constant 48 : index
        %get3A_320 = tpu.vector_load %arg9[%get3A_318, %get3A_319] {strides = array<i32>} : memref<256x128xf32, #tpu.memory_space<vmem>>, vector<1x16xf32>,
        %get3A_321 = vector.shape_cast %get3A_320 : vector<1x16xf32> to vector<16xf32>
        %mul3A_322 = vector.broadcast %squeeze3A_175 : f32 to vector<16xf32>
        %mul3A_323 = arith.mulf %mul3A_322, %get3A_321 : vector<16xf32>
        %add3A_324 = arith.addf %mul3A_315, %mul3A_323 : vector<16xf32>
        %add3A_325 = arith.constant 2 : i32
        %add3A_326 = arith.addi %mul3A_181, %add3A_325 : i32
        %get3A_327 = arith.index_cast %add3A_326 : i32 to index
        %get3A_328 = arith.constant 48 : index
        %get3A_329 = tpu.vector_load %arg9[%get3A_327, %get3A_328] {strides = array<i32>} : memref<256x128xf32, #tpu.memory_space<vmem>>, vector<1x16xf32>,
        %get3A_330 = vector.shape_cast %get3A_329 : vector<1x16xf32> to vector<16xf32>
        %mul3A_331 = vector.broadcast %squeeze3A_177 : f32 to vector<16xf32>
        %mul3A_332 = arith.mulf %mul3A_331, %get3A_330 : vector<16xf32>
        %add3A_333 = arith.addf %add3A_324, %mul3A_332 : vector<16xf32>
        %add3A_334 = arith.constant 3 : i32
        %add3A_335 = arith.addi %mul3A_181, %add3A_334 : i32
        %get3A_336 = arith.index_cast %add3A_335 : i32 to index
        %get3A_337 = arith.constant 48 : index
        %get3A_338 = tpu.vector_load %arg9[%get3A_336, %get3A_337] {strides = array<i32>} : memref<256x128xf32, #tpu.memory_space<vmem>>, vector<1x16xf32>,
        %get3A_339 = vector.shape_cast %get3A_338 : vector<1x16xf32> to vector<16xf32>
        %mul3A_340 = vector.broadcast %squeeze3A_179 : f32 to vector<16xf32>
        %mul3A_341 = arith.mulf %mul3A_340, %get3A_339 : vector<16xf32>
        %add3A_342 = arith.addf %add3A_333, %mul3A_341 : vector<16xf32>
        %get3A_343 = arith.index_cast %scan3A_166 : i32 to index
        %get3A_344 = arith.constant 48 : index
        %get3A_345 = tpu.vector_load %arg11[%get3A_343, %get3A_344] {strides = array<i32>} : memref<64x128xf32, #tpu.memory_space<vmem>>, vector<1x16xf32>,
        %get3A_346 = vector.shape_cast %get3A_345 : vector<1x16xf32> to vector<16xf32>
        %mul3A_347 = arith.mulf %add3A_342, %get3A_346 : vector<16xf32>
        %swap3A_348 = arith.index_cast %scan3A_166 : i32 to index
        %swap3A_349 = arith.constant 48 : index
        %swap3A_350 = tpu.vector_load %arg13[%swap3A_348, %swap3A_349] {strides = array<i32>} : memref<64x128xf32, #tpu.memory_space<vmem>>, vector<1x16xf32>,
        %swap3A_351 = vector.shape_cast %swap3A_350 : vector<1x16xf32> to vector<16xf32>
        %swap3A_352 = vector.shape_cast %mul3A_347 : vector<16xf32> to vector<1x16xf32>
        tpu.vector_store %arg13[%swap3A_348, %swap3A_349], %swap3A_352 {strides = array<i32>} : memref<64x128xf32, #tpu.memory_space<vmem>>, vector<1x16xf32>,
        %get3A_353 = arith.index_cast %mul3A_181 : i32 to index
        %get3A_354 = arith.constant 64 : index
        %get3A_355 = tpu.vector_load %arg9[%get3A_353, %get3A_354] {strides = array<i32>} : memref<256x128xf32, #tpu.memory_space<vmem>>, vector<1x16xf32>,
        %get3A_356 = vector.shape_cast %get3A_355 : vector<1x16xf32> to vector<16xf32>
        %mul3A_357 = vector.broadcast %squeeze3A : f32 to vector<16xf32>
        %mul3A_358 = arith.mulf %mul3A_357, %get3A_356 : vector<16xf32>
        %add3A_359 = arith.constant 1 : i32
        %add3A_360 = arith.addi %mul3A_181, %add3A_359 : i32
        %get3A_361 = arith.index_cast %add3A_360 : i32 to index
        %get3A_362 = arith.constant 64 : index
        %get3A_363 = tpu.vector_load %arg9[%get3A_361, %get3A_362] {strides = array<i32>} : memref<256x128xf32, #tpu.memory_space<vmem>>, vector<1x16xf32>,
        %get3A_364 = vector.shape_cast %get3A_363 : vector<1x16xf32> to vector<16xf32>
        %mul3A_365 = vector.broadcast %squeeze3A_175 : f32 to vector<16xf32>
        %mul3A_366 = arith.mulf %mul3A_365, %get3A_364 : vector<16xf32>
        %add3A_367 = arith.addf %mul3A_358, %mul3A_366 : vector<16xf32>
        %add3A_368 = arith.constant 2 : i32
        %add3A_369 = arith.addi %mul3A_181, %add3A_368 : i32
        %get3A_370 = arith.index_cast %add3A_369 : i32 to index
        %get3A_371 = arith.constant 64 : index
        %get3A_372 = tpu.vector_load %arg9[%get3A_370, %get3A_371] {strides = array<i32>} : memref<256x128xf32, #tpu.memory_space<vmem>>, vector<1x16xf32>,
        %get3A_373 = vector.shape_cast %get3A_372 : vector<1x16xf32> to vector<16xf32>
        %mul3A_374 = vector.broadcast %squeeze3A_177 : f32 to vector<16xf32>
        %mul3A_375 = arith.mulf %mul3A_374, %get3A_373 : vector<16xf32>
        %add3A_376 = arith.addf %add3A_367, %mul3A_375 : vector<16xf32>
        %add3A_377 = arith.constant 3 : i32
        %add3A_378 = arith.addi %mul3A_181, %add3A_377 : i32
        %get3A_379 = arith.index_cast %add3A_378 : i32 to index
        %get3A_380 = arith.constant 64 : index
        %get3A_381 = tpu.vector_load %arg9[%get3A_379, %get3A_380] {strides = array<i32>} : memref<256x128xf32, #tpu.memory_space<vmem>>, vector<1x16xf32>,
        %get3A_382 = vector.shape_cast %get3A_381 : vector<1x16xf32> to vector<16xf32>
        %mul3A_383 = vector.broadcast %squeeze3A_179 : f32 to vector<16xf32>
        %mul3A_384 = arith.mulf %mul3A_383, %get3A_382 : vector<16xf32>
        %add3A_385 = arith.addf %add3A_376, %mul3A_384 : vector<16xf32>
        %get3A_386 = arith.index_cast %scan3A_166 : i32 to index
        %get3A_387 = arith.constant 64 : index
        %get3A_388 = tpu.vector_load %arg11[%get3A_386, %get3A_387] {strides = array<i32>} : memref<64x128xf32, #tpu.memory_space<vmem>>, vector<1x16xf32>,
        %get3A_389 = vector.shape_cast %get3A_388 : vector<1x16xf32> to vector<16xf32>
        %mul3A_390 = arith.mulf %add3A_385, %get3A_389 : vector<16xf32>
        %swap3A_391 = arith.index_cast %scan3A_166 : i32 to index
        %swap3A_392 = arith.constant 64 : index
        %swap3A_393 = tpu.vector_load %arg13[%swap3A_391, %swap3A_392] {strides = array<i32>} : memref<64x128xf32, #tpu.memory_space<vmem>>, vector<1x16xf32>,
        %swap3A_394 = vector.shape_cast %swap3A_393 : vector<1x16xf32> to vector<16xf32>
        %swap3A_395 = vector.shape_cast %mul3A_390 : vector<16xf32> to vector<1x16xf32>
        tpu.vector_store %arg13[%swap3A_391, %swap3A_392], %swap3A_395 {strides = array<i32>} : memref<64x128xf32, #tpu.memory_space<vmem>>, vector<1x16xf32>,
        %get3A_396 = arith.index_cast %mul3A_181 : i32 to index
        %get3A_397 = arith.constant 80 : index
        %get3A_398 = tpu.vector_load %arg9[%get3A_396, %get3A_397] {strides = array<i32>} : memref<256x128xf32, #tpu.memory_space<vmem>>, vector<1x16xf32>,
        %get3A_399 = vector.shape_cast %get3A_398 : vector<1x16xf32> to vector<16xf32>
        %mul3A_400 = vector.broadcast %squeeze3A : f32 to vector<16xf32>
        %mul3A_401 = arith.mulf %mul3A_400, %get3A_399 : vector<16xf32>
        %add3A_402 = arith.constant 1 : i32
        %add3A_403 = arith.addi %mul3A_181, %add3A_402 : i32
        %get3A_404 = arith.index_cast %add3A_403 : i32 to index
        %get3A_405 = arith.constant 80 : index
        %get3A_406 = tpu.vector_load %arg9[%get3A_404, %get3A_405] {strides = array<i32>} : memref<256x128xf32, #tpu.memory_space<vmem>>, vector<1x16xf32>,
        %get3A_407 = vector.shape_cast %get3A_406 : vector<1x16xf32> to vector<16xf32>
        %mul3A_408 = vector.broadcast %squeeze3A_175 : f32 to vector<16xf32>
        %mul3A_409 = arith.mulf %mul3A_408, %get3A_407 : vector<16xf32>
        %add3A_410 = arith.addf %mul3A_401, %mul3A_409 : vector<16xf32>
        %add3A_411 = arith.constant 2 : i32
        %add3A_412 = arith.addi %mul3A_181, %add3A_411 : i32
        %get3A_413 = arith.index_cast %add3A_412 : i32 to index
        %get3A_414 = arith.constant 80 : index
        %get3A_415 = tpu.vector_load %arg9[%get3A_413, %get3A_414] {strides = array<i32>} : memref<256x128xf32, #tpu.memory_space<vmem>>, vector<1x16xf32>,
        %get3A_416 = vector.shape_cast %get3A_415 : vector<1x16xf32> to vector<16xf32>
        %mul3A_417 = vector.broadcast %squeeze3A_177 : f32 to vector<16xf32>
        %mul3A_418 = arith.mulf %mul3A_417, %get3A_416 : vector<16xf32>
        %add3A_419 = arith.addf %add3A_410, %mul3A_418 : vector<16xf32>
        %add3A_420 = arith.constant 3 : i32
        %add3A_421 = arith.addi %mul3A_181, %add3A_420 : i32
        %get3A_422 = arith.index_cast %add3A_421 : i32 to index
        %get3A_423 = arith.constant 80 : index
        %get3A_424 = tpu.vector_load %arg9[%get3A_422, %get3A_423] {strides = array<i32>} : memref<256x128xf32, #tpu.memory_space<vmem>>, vector<1x16xf32>,
        %get3A_425 = vector.shape_cast %get3A_424 : vector<1x16xf32> to vector<16xf32>
        %mul3A_426 = vector.broadcast %squeeze3A_179 : f32 to vector<16xf32>
        %mul3A_427 = arith.mulf %mul3A_426, %get3A_425 : vector<16xf32>
        %add3A_428 = arith.addf %add3A_419, %mul3A_427 : vector<16xf32>
        %get3A_429 = arith.index_cast %scan3A_166 : i32 to index
        %get3A_430 = arith.constant 80 : index
        %get3A_431 = tpu.vector_load %arg11[%get3A_429, %get3A_430] {strides = array<i32>} : memref<64x128xf32, #tpu.memory_space<vmem>>, vector<1x16xf32>,
        %get3A_432 = vector.shape_cast %get3A_431 : vector<1x16xf32> to vector<16xf32>
        %mul3A_433 = arith.mulf %add3A_428, %get3A_432 : vector<16xf32>
        %swap3A_434 = arith.index_cast %scan3A_166 : i32 to index
        %swap3A_435 = arith.constant 80 : index
        %swap3A_436 = tpu.vector_load %arg13[%swap3A_434, %swap3A_435] {strides = array<i32>} : memref<64x128xf32, #tpu.memory_space<vmem>>, vector<1x16xf32>,
        %swap3A_437 = vector.shape_cast %swap3A_436 : vector<1x16xf32> to vector<16xf32>
        %swap3A_438 = vector.shape_cast %mul3A_433 : vector<16xf32> to vector<1x16xf32>
        tpu.vector_store %arg13[%swap3A_434, %swap3A_435], %swap3A_438 {strides = array<i32>} : memref<64x128xf32, #tpu.memory_space<vmem>>, vector<1x16xf32>,
      }
      %scan3A_105 = arith.constant 64 : i32
      %mul3A_106 = arith.constant 64 : i32
      %mul3A_107 = arith.muli %add3A_67, %mul3A_106 : i32
      %add3A_108 = arith.addi %mul3A_2, %mul3A_107 : i32
      "tpu.region"() ({
        %run_scoped3A = tpu.sem_alloc : memref<!tpu.dma_semaphore, #tpu.memory_space<semaphore_mem>>
        %dma_start3A_166 = arith.constant 0 : i32
        %dma_start3A_167 = tpu.memref_slice %arg6[%add3A_108, %dma_start3A_166] : memref<8192x128xf32, #tpu.memory_space<hbm>> -> memref<64x128xf32, #tpu.memory_space<hbm>>
        %dma_start3A_168 = arith.constant 0 : i32
        %dma_start3A_169 = tpu.memref_slice %arg6[%add3A_108, %dma_start3A_168] : memref<8192x128xf32, #tpu.memory_space<hbm>> -> memref<64x128xf32, #tpu.memory_space<hbm>>
        tpu.enqueue_dma source(%arg13 : memref<64x128xf32, #tpu.memory_space<vmem>>) target(%dma_start3A_169 : memref<64x128xf32, #tpu.memory_space<hbm>>) target_semaphore(%run_scoped3A : memref<!tpu.dma_semaphore, #tpu.memory_space<semaphore_mem>>)
        %dma_wait3A_170 = arith.constant 0 : i32
        %dma_wait3A_171 = tpu.memref_slice %arg6[%add3A_108, %dma_wait3A_170] : memref<8192x128xf32, #tpu.memory_space<hbm>> -> memref<64x128xf32, #tpu.memory_space<hbm>>
        %dma_wait3A_172 = arith.constant 0 : i32
        %dma_wait3A_173 = tpu.memref_slice %arg6[%add3A_108, %dma_wait3A_172] : memref<8192x128xf32, #tpu.memory_space<hbm>> -> memref<64x128xf32, #tpu.memory_space<hbm>>
        tpu.wait_dma2 semaphore(%run_scoped3A : memref<!tpu.dma_semaphore, #tpu.memory_space<semaphore_mem>>) src(%arg13 : memref<64x128xf32, #tpu.memory_space<vmem>>) dst(%dma_wait3A_173 : memref<64x128xf32, #tpu.memory_space<hbm>>)
        tpu.yield
      }) : () -> ()
      %add3A_109 = arith.constant 2 : i32
      %add3A_110 = arith.addi %add3A_67, %add3A_109 : i32
      %lt3A = arith.constant 4 : i32
      %lt3A_111 = arith.cmpi slt, %add3A_110, %lt3A : i32
      %convert_element_type3A = arith.extui %lt3A_111 : i1 to i32
      %cond3A = arith.constant 0 : i32
      %cond3A_112 = arith.cmpi ne, %convert_element_type3A, %cond3A : i32
      scf.if %cond3A_112 {
        %add3A_166 = arith.constant 2 : i32
        %add3A_167 = arith.addi %add3A_67, %add3A_166 : i32
        %mul3A_168 = arith.constant 64 : i32
        %mul3A_169 = arith.muli %add3A_167, %mul3A_168 : i32
        %add3A_170 = arith.addi %mul3A_2, %mul3A_169 : i32
        %dma_start3A_171 = arith.constant 0 : i32
        %dma_start3A_172 = tpu.memref_slice %arg3[%add3A_170, %dma_start3A_171] : memref<8192x128xf32, #tpu.memory_space<hbm>> -> memref<64x128xf32, #tpu.memory_space<hbm>>
        %dma_start3A_173 = arith.constant 0 : i32
        %dma_start3A_174 = tpu.memref_slice %arg3[%add3A_170, %dma_start3A_173] : memref<8192x128xf32, #tpu.memory_space<hbm>> -> memref<64x128xf32, #tpu.memory_space<hbm>>
        tpu.enqueue_dma source(%dma_start3A_174 : memref<64x128xf32, #tpu.memory_space<hbm>>) target(%arg11 : memref<64x128xf32, #tpu.memory_space<vmem>>) target_semaphore(%arg14 : memref<!tpu.dma_semaphore, #tpu.memory_space<semaphore_mem>>)
        %mul3A_175 = arith.constant 2 : i32
        %mul3A_176 = arith.muli %add3A_167, %mul3A_175 : i32
        %add3A_177 = arith.constant 0 : i32
        %add3A_178 = arith.addi %mul3A_176, %add3A_177 : i32
        %dma_start3A_179 = arith.constant 0 : i32
        %dma_start3A_180 = arith.constant 0 : i32
        %dma_start3A_181 = tpu.memref_slice %arg9[%dma_start3A_179, %dma_start3A_180] : memref<256x128xf32, #tpu.memory_space<vmem>> -> memref<128x128xf32, #tpu.memory_space<vmem>>
        %dma_start3A_182 = arith.constant 0 : i32
        %dma_start3A_183 = tpu.memref_slice %arg7[%add3A_178, %dma_start3A_182] : memref<8x128xi32, #tpu.memory_space<vmem>> -> memref<1x128xi32, #tpu.memory_space<vmem>>
        %dma_start3A_184 = tpu.memref_squeeze %dma_start3A_183 : memref<1x128xi32, #tpu.memory_space<vmem>> -> memref<128xi32, #tpu.memory_space<vmem>>
        %dma_start3A_185 = arith.constant 0 : i32
        %dma_start3A_186 = arith.constant 0 : i32
        %dma_start3A_187 = tpu.memref_slice %arg2[%dma_start3A_185, %dma_start3A_186] : memref<8192x128xf32, #tpu.memory_space<hbm>> -> memref<8192x128xf32, #tpu.memory_space<hbm>>
        tpu.enqueue_indirect_dma source(%dma_start3A_187 : memref<8192x128xf32, #tpu.memory_space<hbm>>) target(%dma_start3A_181 : memref<128x128xf32, #tpu.memory_space<vmem>>) offsets(%dma_start3A_184 : memref<128xi32, #tpu.memory_space<vmem>>) semaphore(%arg14 : memref<!tpu.dma_semaphore, #tpu.memory_space<semaphore_mem>>)
        %mul3A_188 = arith.constant 2 : i32
        %mul3A_189 = arith.muli %add3A_167, %mul3A_188 : i32
        %add3A_190 = arith.constant 1 : i32
        %add3A_191 = arith.addi %mul3A_189, %add3A_190 : i32
        %dma_start3A_192 = arith.constant 128 : i32
        %dma_start3A_193 = arith.constant 0 : i32
        %dma_start3A_194 = tpu.memref_slice %arg9[%dma_start3A_192, %dma_start3A_193] : memref<256x128xf32, #tpu.memory_space<vmem>> -> memref<128x128xf32, #tpu.memory_space<vmem>>
        %dma_start3A_195 = arith.constant 0 : i32
        %dma_start3A_196 = tpu.memref_slice %arg7[%add3A_191, %dma_start3A_195] : memref<8x128xi32, #tpu.memory_space<vmem>> -> memref<1x128xi32, #tpu.memory_space<vmem>>
        %dma_start3A_197 = tpu.memref_squeeze %dma_start3A_196 : memref<1x128xi32, #tpu.memory_space<vmem>> -> memref<128xi32, #tpu.memory_space<vmem>>
        %dma_start3A_198 = arith.constant 0 : i32
        %dma_start3A_199 = arith.constant 0 : i32
        %dma_start3A_200 = tpu.memref_slice %arg2[%dma_start3A_198, %dma_start3A_199] : memref<8192x128xf32, #tpu.memory_space<hbm>> -> memref<8192x128xf32, #tpu.memory_space<hbm>>
        tpu.enqueue_indirect_dma source(%dma_start3A_200 : memref<8192x128xf32, #tpu.memory_space<hbm>>) target(%dma_start3A_194 : memref<128x128xf32, #tpu.memory_space<vmem>>) offsets(%dma_start3A_197 : memref<128xi32, #tpu.memory_space<vmem>>) semaphore(%arg14 : memref<!tpu.dma_semaphore, #tpu.memory_space<semaphore_mem>>)
      } else {
      }
      %mul3A_113 = arith.constant 2 : i32
      %mul3A_114 = arith.muli %mul3A_113, %scan3A_63 : i32
      %add3A_115 = arith.constant 1 : i32
      %add3A_116 = arith.addi %mul3A_114, %add3A_115 : i32
      %mul3A_117 = arith.constant 64 : i32
      %mul3A_118 = arith.muli %add3A_116, %mul3A_117 : i32
      %add3A_119 = arith.addi %mul3A_2, %mul3A_118 : i32
      %dma_wait3A_120 = arith.constant 0 : i32
      %dma_wait3A_121 = tpu.memref_slice %arg3[%add3A_119, %dma_wait3A_120] : memref<8192x128xf32, #tpu.memory_space<hbm>> -> memref<64x128xf32, #tpu.memory_space<hbm>>
      %dma_wait3A_122 = arith.constant 0 : i32
      %dma_wait3A_123 = tpu.memref_slice %arg3[%add3A_119, %dma_wait3A_122] : memref<8192x128xf32, #tpu.memory_space<hbm>> -> memref<64x128xf32, #tpu.memory_space<hbm>>
      tpu.wait_dma2 semaphore(%arg15 : memref<!tpu.dma_semaphore, #tpu.memory_space<semaphore_mem>>) src(%dma_wait3A_123 : memref<64x128xf32, #tpu.memory_space<hbm>>) dst(%arg12 : memref<64x128xf32, #tpu.memory_space<vmem>>)
      %mul3A_124 = arith.constant 2 : i32
      %mul3A_125 = arith.muli %add3A_116, %mul3A_124 : i32
      %add3A_126 = arith.constant 0 : i32
      %add3A_127 = arith.addi %mul3A_125, %add3A_126 : i32
      %dma_wait3A_128 = arith.constant 0 : i32
      %dma_wait3A_129 = arith.constant 0 : i32
      %dma_wait3A_130 = tpu.memref_slice %arg10[%dma_wait3A_128, %dma_wait3A_129] : memref<256x128xf32, #tpu.memory_space<vmem>> -> memref<128x128xf32, #tpu.memory_space<vmem>>
      %dma_wait3A_131 = arith.constant 0 : i32
      %dma_wait3A_132 = tpu.memref_slice %arg7[%add3A_127, %dma_wait3A_131] : memref<8x128xi32, #tpu.memory_space<vmem>> -> memref<1x128xi32, #tpu.memory_space<vmem>>
      %dma_wait3A_133 = tpu.memref_squeeze %dma_wait3A_132 : memref<1x128xi32, #tpu.memory_space<vmem>> -> memref<128xi32, #tpu.memory_space<vmem>>
      %dma_wait3A_134 = arith.constant 0 : i32
      %dma_wait3A_135 = arith.constant 0 : i32
      %dma_wait3A_136 = tpu.memref_slice %arg2[%dma_wait3A_134, %dma_wait3A_135] : memref<8192x128xf32, #tpu.memory_space<hbm>> -> memref<8192x128xf32, #tpu.memory_space<hbm>>
      tpu.wait_indirect_dma semaphore(%arg15 : memref<!tpu.dma_semaphore, #tpu.memory_space<semaphore_mem>>) src(%dma_wait3A_136 : memref<8192x128xf32, #tpu.memory_space<hbm>>) dst(%dma_wait3A_130 : memref<128x128xf32, #tpu.memory_space<vmem>>)
      %mul3A_137 = arith.constant 2 : i32
      %mul3A_138 = arith.muli %add3A_116, %mul3A_137 : i32
      %add3A_139 = arith.constant 1 : i32
      %add3A_140 = arith.addi %mul3A_138, %add3A_139 : i32
      %dma_wait3A_141 = arith.constant 128 : i32
      %dma_wait3A_142 = arith.constant 0 : i32
      %dma_wait3A_143 = tpu.memref_slice %arg10[%dma_wait3A_141, %dma_wait3A_142] : memref<256x128xf32, #tpu.memory_space<vmem>> -> memref<128x128xf32, #tpu.memory_space<vmem>>
      %dma_wait3A_144 = arith.constant 0 : i32
      %dma_wait3A_145 = tpu.memref_slice %arg7[%add3A_140, %dma_wait3A_144] : memref<8x128xi32, #tpu.memory_space<vmem>> -> memref<1x128xi32, #tpu.memory_space<vmem>>
      %dma_wait3A_146 = tpu.memref_squeeze %dma_wait3A_145 : memref<1x128xi32, #tpu.memory_space<vmem>> -> memref<128xi32, #tpu.memory_space<vmem>>
      %dma_wait3A_147 = arith.constant 0 : i32
      %dma_wait3A_148 = arith.constant 0 : i32
      %dma_wait3A_149 = tpu.memref_slice %arg2[%dma_wait3A_147, %dma_wait3A_148] : memref<8192x128xf32, #tpu.memory_space<hbm>> -> memref<8192x128xf32, #tpu.memory_space<hbm>>
      tpu.wait_indirect_dma semaphore(%arg15 : memref<!tpu.dma_semaphore, #tpu.memory_space<semaphore_mem>>) src(%dma_wait3A_149 : memref<8192x128xf32, #tpu.memory_space<hbm>>) dst(%dma_wait3A_143 : memref<128x128xf32, #tpu.memory_space<vmem>>)
      %scan3A_150 = arith.constant 0 : i32
      %scan3A_151 = arith.constant 0 : i32
      %scan3A_152 = arith.constant 64 : i32
      %scan3A_153 = arith.addi %scan3A_151, %scan3A_152 : i32
      %scan3A_154 = arith.constant 1 : i32
      scf.for %scan3A_166 = %scan3A_151 to %scan3A_153 step %scan3A_154  : i32 {
        %mul3A_167 = arith.constant 64 : i32
        %mul3A_168 = arith.muli %add3A_116, %mul3A_167 : i32
        %add3A_169 = arith.addi %mul3A_168, %scan3A_166 : i32
        %mul3A_170 = arith.constant 4 : i32
        %mul3A_171 = arith.muli %add3A_169, %mul3A_170 : i32
        %get3A = arith.index_cast %mul3A_171 : i32 to index
        %get3A_172 = tpu.vector_load %arg8[%get3A] {strides = array<i32>} : memref<1040xf32, #tpu.memory_space<vmem>>, vector<16xf32>,
        %get3A_173 = vector.shape_cast %get3A_172 : vector<16xf32> to vector<16xf32>
        %slice3A = vector.extract_strided_slice %get3A_173 {offsets = [0], sizes = [1], strides = [1]} : vector<16xf32> to vector<1xf32>
        %squeeze3A = vector.extract %slice3A[0] : f32 from vector<1xf32>
        %slice3A_174 = vector.extract_strided_slice %get3A_173 {offsets = [1], sizes = [1], strides = [1]} : vector<16xf32> to vector<1xf32>
        %squeeze3A_175 = vector.extract %slice3A_174[0] : f32 from vector<1xf32>
        %slice3A_176 = vector.extract_strided_slice %get3A_173 {offsets = [2], sizes = [1], strides = [1]} : vector<16xf32> to vector<1xf32>
        %squeeze3A_177 = vector.extract %slice3A_176[0] : f32 from vector<1xf32>
        %slice3A_178 = vector.extract_strided_slice %get3A_173 {offsets = [3], sizes = [1], strides = [1]} : vector<16xf32> to vector<1xf32>
        %squeeze3A_179 = vector.extract %slice3A_178[0] : f32 from vector<1xf32>
        %mul3A_180 = arith.constant 4 : i32
        %mul3A_181 = arith.muli %scan3A_166, %mul3A_180 : i32
        %get3A_182 = arith.index_cast %mul3A_181 : i32 to index
        %get3A_183 = arith.constant 0 : index
        %get3A_184 = tpu.vector_load %arg10[%get3A_182, %get3A_183] {strides = array<i32>} : memref<256x128xf32, #tpu.memory_space<vmem>>, vector<1x16xf32>,
        %get3A_185 = vector.shape_cast %get3A_184 : vector<1x16xf32> to vector<16xf32>
        %mul3A_186 = vector.broadcast %squeeze3A : f32 to vector<16xf32>
        %mul3A_187 = arith.mulf %mul3A_186, %get3A_185 : vector<16xf32>
        %add3A_188 = arith.constant 1 : i32
        %add3A_189 = arith.addi %mul3A_181, %add3A_188 : i32
        %get3A_190 = arith.index_cast %add3A_189 : i32 to index
        %get3A_191 = arith.constant 0 : index
        %get3A_192 = tpu.vector_load %arg10[%get3A_190, %get3A_191] {strides = array<i32>} : memref<256x128xf32, #tpu.memory_space<vmem>>, vector<1x16xf32>,
        %get3A_193 = vector.shape_cast %get3A_192 : vector<1x16xf32> to vector<16xf32>
        %mul3A_194 = vector.broadcast %squeeze3A_175 : f32 to vector<16xf32>
        %mul3A_195 = arith.mulf %mul3A_194, %get3A_193 : vector<16xf32>
        %add3A_196 = arith.addf %mul3A_187, %mul3A_195 : vector<16xf32>
        %add3A_197 = arith.constant 2 : i32
        %add3A_198 = arith.addi %mul3A_181, %add3A_197 : i32
        %get3A_199 = arith.index_cast %add3A_198 : i32 to index
        %get3A_200 = arith.constant 0 : index
        %get3A_201 = tpu.vector_load %arg10[%get3A_199, %get3A_200] {strides = array<i32>} : memref<256x128xf32, #tpu.memory_space<vmem>>, vector<1x16xf32>,
        %get3A_202 = vector.shape_cast %get3A_201 : vector<1x16xf32> to vector<16xf32>
        %mul3A_203 = vector.broadcast %squeeze3A_177 : f32 to vector<16xf32>
        %mul3A_204 = arith.mulf %mul3A_203, %get3A_202 : vector<16xf32>
        %add3A_205 = arith.addf %add3A_196, %mul3A_204 : vector<16xf32>
        %add3A_206 = arith.constant 3 : i32
        %add3A_207 = arith.addi %mul3A_181, %add3A_206 : i32
        %get3A_208 = arith.index_cast %add3A_207 : i32 to index
        %get3A_209 = arith.constant 0 : index
        %get3A_210 = tpu.vector_load %arg10[%get3A_208, %get3A_209] {strides = array<i32>} : memref<256x128xf32, #tpu.memory_space<vmem>>, vector<1x16xf32>,
        %get3A_211 = vector.shape_cast %get3A_210 : vector<1x16xf32> to vector<16xf32>
        %mul3A_212 = vector.broadcast %squeeze3A_179 : f32 to vector<16xf32>
        %mul3A_213 = arith.mulf %mul3A_212, %get3A_211 : vector<16xf32>
        %add3A_214 = arith.addf %add3A_205, %mul3A_213 : vector<16xf32>
        %get3A_215 = arith.index_cast %scan3A_166 : i32 to index
        %get3A_216 = arith.constant 0 : index
        %get3A_217 = tpu.vector_load %arg12[%get3A_215, %get3A_216] {strides = array<i32>} : memref<64x128xf32, #tpu.memory_space<vmem>>, vector<1x16xf32>,
        %get3A_218 = vector.shape_cast %get3A_217 : vector<1x16xf32> to vector<16xf32>
        %mul3A_219 = arith.mulf %add3A_214, %get3A_218 : vector<16xf32>
        %swap3A = arith.index_cast %scan3A_166 : i32 to index
        %swap3A_220 = arith.constant 0 : index
        %swap3A_221 = tpu.vector_load %arg13[%swap3A, %swap3A_220] {strides = array<i32>} : memref<64x128xf32, #tpu.memory_space<vmem>>, vector<1x16xf32>,
        %swap3A_222 = vector.shape_cast %swap3A_221 : vector<1x16xf32> to vector<16xf32>
        %swap3A_223 = vector.shape_cast %mul3A_219 : vector<16xf32> to vector<1x16xf32>
        tpu.vector_store %arg13[%swap3A, %swap3A_220], %swap3A_223 {strides = array<i32>} : memref<64x128xf32, #tpu.memory_space<vmem>>, vector<1x16xf32>,
        %get3A_224 = arith.index_cast %mul3A_181 : i32 to index
        %get3A_225 = arith.constant 16 : index
        %get3A_226 = tpu.vector_load %arg10[%get3A_224, %get3A_225] {strides = array<i32>} : memref<256x128xf32, #tpu.memory_space<vmem>>, vector<1x16xf32>,
        %get3A_227 = vector.shape_cast %get3A_226 : vector<1x16xf32> to vector<16xf32>
        %mul3A_228 = vector.broadcast %squeeze3A : f32 to vector<16xf32>
        %mul3A_229 = arith.mulf %mul3A_228, %get3A_227 : vector<16xf32>
        %add3A_230 = arith.constant 1 : i32
        %add3A_231 = arith.addi %mul3A_181, %add3A_230 : i32
        %get3A_232 = arith.index_cast %add3A_231 : i32 to index
        %get3A_233 = arith.constant 16 : index
        %get3A_234 = tpu.vector_load %arg10[%get3A_232, %get3A_233] {strides = array<i32>} : memref<256x128xf32, #tpu.memory_space<vmem>>, vector<1x16xf32>,
        %get3A_235 = vector.shape_cast %get3A_234 : vector<1x16xf32> to vector<16xf32>
        %mul3A_236 = vector.broadcast %squeeze3A_175 : f32 to vector<16xf32>
        %mul3A_237 = arith.mulf %mul3A_236, %get3A_235 : vector<16xf32>
        %add3A_238 = arith.addf %mul3A_229, %mul3A_237 : vector<16xf32>
        %add3A_239 = arith.constant 2 : i32
        %add3A_240 = arith.addi %mul3A_181, %add3A_239 : i32
        %get3A_241 = arith.index_cast %add3A_240 : i32 to index
        %get3A_242 = arith.constant 16 : index
        %get3A_243 = tpu.vector_load %arg10[%get3A_241, %get3A_242] {strides = array<i32>} : memref<256x128xf32, #tpu.memory_space<vmem>>, vector<1x16xf32>,
        %get3A_244 = vector.shape_cast %get3A_243 : vector<1x16xf32> to vector<16xf32>
        %mul3A_245 = vector.broadcast %squeeze3A_177 : f32 to vector<16xf32>
        %mul3A_246 = arith.mulf %mul3A_245, %get3A_244 : vector<16xf32>
        %add3A_247 = arith.addf %add3A_238, %mul3A_246 : vector<16xf32>
        %add3A_248 = arith.constant 3 : i32
        %add3A_249 = arith.addi %mul3A_181, %add3A_248 : i32
        %get3A_250 = arith.index_cast %add3A_249 : i32 to index
        %get3A_251 = arith.constant 16 : index
        %get3A_252 = tpu.vector_load %arg10[%get3A_250, %get3A_251] {strides = array<i32>} : memref<256x128xf32, #tpu.memory_space<vmem>>, vector<1x16xf32>,
        %get3A_253 = vector.shape_cast %get3A_252 : vector<1x16xf32> to vector<16xf32>
        %mul3A_254 = vector.broadcast %squeeze3A_179 : f32 to vector<16xf32>
        %mul3A_255 = arith.mulf %mul3A_254, %get3A_253 : vector<16xf32>
        %add3A_256 = arith.addf %add3A_247, %mul3A_255 : vector<16xf32>
        %get3A_257 = arith.index_cast %scan3A_166 : i32 to index
        %get3A_258 = arith.constant 16 : index
        %get3A_259 = tpu.vector_load %arg12[%get3A_257, %get3A_258] {strides = array<i32>} : memref<64x128xf32, #tpu.memory_space<vmem>>, vector<1x16xf32>,
        %get3A_260 = vector.shape_cast %get3A_259 : vector<1x16xf32> to vector<16xf32>
        %mul3A_261 = arith.mulf %add3A_256, %get3A_260 : vector<16xf32>
        %swap3A_262 = arith.index_cast %scan3A_166 : i32 to index
        %swap3A_263 = arith.constant 16 : index
        %swap3A_264 = tpu.vector_load %arg13[%swap3A_262, %swap3A_263] {strides = array<i32>} : memref<64x128xf32, #tpu.memory_space<vmem>>, vector<1x16xf32>,
        %swap3A_265 = vector.shape_cast %swap3A_264 : vector<1x16xf32> to vector<16xf32>
        %swap3A_266 = vector.shape_cast %mul3A_261 : vector<16xf32> to vector<1x16xf32>
        tpu.vector_store %arg13[%swap3A_262, %swap3A_263], %swap3A_266 {strides = array<i32>} : memref<64x128xf32, #tpu.memory_space<vmem>>, vector<1x16xf32>,
        %get3A_267 = arith.index_cast %mul3A_181 : i32 to index
        %get3A_268 = arith.constant 32 : index
        %get3A_269 = tpu.vector_load %arg10[%get3A_267, %get3A_268] {strides = array<i32>} : memref<256x128xf32, #tpu.memory_space<vmem>>, vector<1x16xf32>,
        %get3A_270 = vector.shape_cast %get3A_269 : vector<1x16xf32> to vector<16xf32>
        %mul3A_271 = vector.broadcast %squeeze3A : f32 to vector<16xf32>
        %mul3A_272 = arith.mulf %mul3A_271, %get3A_270 : vector<16xf32>
        %add3A_273 = arith.constant 1 : i32
        %add3A_274 = arith.addi %mul3A_181, %add3A_273 : i32
        %get3A_275 = arith.index_cast %add3A_274 : i32 to index
        %get3A_276 = arith.constant 32 : index
        %get3A_277 = tpu.vector_load %arg10[%get3A_275, %get3A_276] {strides = array<i32>} : memref<256x128xf32, #tpu.memory_space<vmem>>, vector<1x16xf32>,
        %get3A_278 = vector.shape_cast %get3A_277 : vector<1x16xf32> to vector<16xf32>
        %mul3A_279 = vector.broadcast %squeeze3A_175 : f32 to vector<16xf32>
        %mul3A_280 = arith.mulf %mul3A_279, %get3A_278 : vector<16xf32>
        %add3A_281 = arith.addf %mul3A_272, %mul3A_280 : vector<16xf32>
        %add3A_282 = arith.constant 2 : i32
        %add3A_283 = arith.addi %mul3A_181, %add3A_282 : i32
        %get3A_284 = arith.index_cast %add3A_283 : i32 to index
        %get3A_285 = arith.constant 32 : index
        %get3A_286 = tpu.vector_load %arg10[%get3A_284, %get3A_285] {strides = array<i32>} : memref<256x128xf32, #tpu.memory_space<vmem>>, vector<1x16xf32>,
        %get3A_287 = vector.shape_cast %get3A_286 : vector<1x16xf32> to vector<16xf32>
        %mul3A_288 = vector.broadcast %squeeze3A_177 : f32 to vector<16xf32>
        %mul3A_289 = arith.mulf %mul3A_288, %get3A_287 : vector<16xf32>
        %add3A_290 = arith.addf %add3A_281, %mul3A_289 : vector<16xf32>
        %add3A_291 = arith.constant 3 : i32
        %add3A_292 = arith.addi %mul3A_181, %add3A_291 : i32
        %get3A_293 = arith.index_cast %add3A_292 : i32 to index
        %get3A_294 = arith.constant 32 : index
        %get3A_295 = tpu.vector_load %arg10[%get3A_293, %get3A_294] {strides = array<i32>} : memref<256x128xf32, #tpu.memory_space<vmem>>, vector<1x16xf32>,
        %get3A_296 = vector.shape_cast %get3A_295 : vector<1x16xf32> to vector<16xf32>
        %mul3A_297 = vector.broadcast %squeeze3A_179 : f32 to vector<16xf32>
        %mul3A_298 = arith.mulf %mul3A_297, %get3A_296 : vector<16xf32>
        %add3A_299 = arith.addf %add3A_290, %mul3A_298 : vector<16xf32>
        %get3A_300 = arith.index_cast %scan3A_166 : i32 to index
        %get3A_301 = arith.constant 32 : index
        %get3A_302 = tpu.vector_load %arg12[%get3A_300, %get3A_301] {strides = array<i32>} : memref<64x128xf32, #tpu.memory_space<vmem>>, vector<1x16xf32>,
        %get3A_303 = vector.shape_cast %get3A_302 : vector<1x16xf32> to vector<16xf32>
        %mul3A_304 = arith.mulf %add3A_299, %get3A_303 : vector<16xf32>
        %swap3A_305 = arith.index_cast %scan3A_166 : i32 to index
        %swap3A_306 = arith.constant 32 : index
        %swap3A_307 = tpu.vector_load %arg13[%swap3A_305, %swap3A_306] {strides = array<i32>} : memref<64x128xf32, #tpu.memory_space<vmem>>, vector<1x16xf32>,
        %swap3A_308 = vector.shape_cast %swap3A_307 : vector<1x16xf32> to vector<16xf32>
        %swap3A_309 = vector.shape_cast %mul3A_304 : vector<16xf32> to vector<1x16xf32>
        tpu.vector_store %arg13[%swap3A_305, %swap3A_306], %swap3A_309 {strides = array<i32>} : memref<64x128xf32, #tpu.memory_space<vmem>>, vector<1x16xf32>,
        %get3A_310 = arith.index_cast %mul3A_181 : i32 to index
        %get3A_311 = arith.constant 48 : index
        %get3A_312 = tpu.vector_load %arg10[%get3A_310, %get3A_311] {strides = array<i32>} : memref<256x128xf32, #tpu.memory_space<vmem>>, vector<1x16xf32>,
        %get3A_313 = vector.shape_cast %get3A_312 : vector<1x16xf32> to vector<16xf32>
        %mul3A_314 = vector.broadcast %squeeze3A : f32 to vector<16xf32>
        %mul3A_315 = arith.mulf %mul3A_314, %get3A_313 : vector<16xf32>
        %add3A_316 = arith.constant 1 : i32
        %add3A_317 = arith.addi %mul3A_181, %add3A_316 : i32
        %get3A_318 = arith.index_cast %add3A_317 : i32 to index
        %get3A_319 = arith.constant 48 : index
        %get3A_320 = tpu.vector_load %arg10[%get3A_318, %get3A_319] {strides = array<i32>} : memref<256x128xf32, #tpu.memory_space<vmem>>, vector<1x16xf32>,
        %get3A_321 = vector.shape_cast %get3A_320 : vector<1x16xf32> to vector<16xf32>
        %mul3A_322 = vector.broadcast %squeeze3A_175 : f32 to vector<16xf32>
        %mul3A_323 = arith.mulf %mul3A_322, %get3A_321 : vector<16xf32>
        %add3A_324 = arith.addf %mul3A_315, %mul3A_323 : vector<16xf32>
        %add3A_325 = arith.constant 2 : i32
        %add3A_326 = arith.addi %mul3A_181, %add3A_325 : i32
        %get3A_327 = arith.index_cast %add3A_326 : i32 to index
        %get3A_328 = arith.constant 48 : index
        %get3A_329 = tpu.vector_load %arg10[%get3A_327, %get3A_328] {strides = array<i32>} : memref<256x128xf32, #tpu.memory_space<vmem>>, vector<1x16xf32>,
        %get3A_330 = vector.shape_cast %get3A_329 : vector<1x16xf32> to vector<16xf32>
        %mul3A_331 = vector.broadcast %squeeze3A_177 : f32 to vector<16xf32>
        %mul3A_332 = arith.mulf %mul3A_331, %get3A_330 : vector<16xf32>
        %add3A_333 = arith.addf %add3A_324, %mul3A_332 : vector<16xf32>
        %add3A_334 = arith.constant 3 : i32
        %add3A_335 = arith.addi %mul3A_181, %add3A_334 : i32
        %get3A_336 = arith.index_cast %add3A_335 : i32 to index
        %get3A_337 = arith.constant 48 : index
        %get3A_338 = tpu.vector_load %arg10[%get3A_336, %get3A_337] {strides = array<i32>} : memref<256x128xf32, #tpu.memory_space<vmem>>, vector<1x16xf32>,
        %get3A_339 = vector.shape_cast %get3A_338 : vector<1x16xf32> to vector<16xf32>
        %mul3A_340 = vector.broadcast %squeeze3A_179 : f32 to vector<16xf32>
        %mul3A_341 = arith.mulf %mul3A_340, %get3A_339 : vector<16xf32>
        %add3A_342 = arith.addf %add3A_333, %mul3A_341 : vector<16xf32>
        %get3A_343 = arith.index_cast %scan3A_166 : i32 to index
        %get3A_344 = arith.constant 48 : index
        %get3A_345 = tpu.vector_load %arg12[%get3A_343, %get3A_344] {strides = array<i32>} : memref<64x128xf32, #tpu.memory_space<vmem>>, vector<1x16xf32>,
        %get3A_346 = vector.shape_cast %get3A_345 : vector<1x16xf32> to vector<16xf32>
        %mul3A_347 = arith.mulf %add3A_342, %get3A_346 : vector<16xf32>
        %swap3A_348 = arith.index_cast %scan3A_166 : i32 to index
        %swap3A_349 = arith.constant 48 : index
        %swap3A_350 = tpu.vector_load %arg13[%swap3A_348, %swap3A_349] {strides = array<i32>} : memref<64x128xf32, #tpu.memory_space<vmem>>, vector<1x16xf32>,
        %swap3A_351 = vector.shape_cast %swap3A_350 : vector<1x16xf32> to vector<16xf32>
        %swap3A_352 = vector.shape_cast %mul3A_347 : vector<16xf32> to vector<1x16xf32>
        tpu.vector_store %arg13[%swap3A_348, %swap3A_349], %swap3A_352 {strides = array<i32>} : memref<64x128xf32, #tpu.memory_space<vmem>>, vector<1x16xf32>,
        %get3A_353 = arith.index_cast %mul3A_181 : i32 to index
        %get3A_354 = arith.constant 64 : index
        %get3A_355 = tpu.vector_load %arg10[%get3A_353, %get3A_354] {strides = array<i32>} : memref<256x128xf32, #tpu.memory_space<vmem>>, vector<1x16xf32>,
        %get3A_356 = vector.shape_cast %get3A_355 : vector<1x16xf32> to vector<16xf32>
        %mul3A_357 = vector.broadcast %squeeze3A : f32 to vector<16xf32>
        %mul3A_358 = arith.mulf %mul3A_357, %get3A_356 : vector<16xf32>
        %add3A_359 = arith.constant 1 : i32
        %add3A_360 = arith.addi %mul3A_181, %add3A_359 : i32
        %get3A_361 = arith.index_cast %add3A_360 : i32 to index
        %get3A_362 = arith.constant 64 : index
        %get3A_363 = tpu.vector_load %arg10[%get3A_361, %get3A_362] {strides = array<i32>} : memref<256x128xf32, #tpu.memory_space<vmem>>, vector<1x16xf32>,
        %get3A_364 = vector.shape_cast %get3A_363 : vector<1x16xf32> to vector<16xf32>
        %mul3A_365 = vector.broadcast %squeeze3A_175 : f32 to vector<16xf32>
        %mul3A_366 = arith.mulf %mul3A_365, %get3A_364 : vector<16xf32>
        %add3A_367 = arith.addf %mul3A_358, %mul3A_366 : vector<16xf32>
        %add3A_368 = arith.constant 2 : i32
        %add3A_369 = arith.addi %mul3A_181, %add3A_368 : i32
        %get3A_370 = arith.index_cast %add3A_369 : i32 to index
        %get3A_371 = arith.constant 64 : index
        %get3A_372 = tpu.vector_load %arg10[%get3A_370, %get3A_371] {strides = array<i32>} : memref<256x128xf32, #tpu.memory_space<vmem>>, vector<1x16xf32>,
        %get3A_373 = vector.shape_cast %get3A_372 : vector<1x16xf32> to vector<16xf32>
        %mul3A_374 = vector.broadcast %squeeze3A_177 : f32 to vector<16xf32>
        %mul3A_375 = arith.mulf %mul3A_374, %get3A_373 : vector<16xf32>
        %add3A_376 = arith.addf %add3A_367, %mul3A_375 : vector<16xf32>
        %add3A_377 = arith.constant 3 : i32
        %add3A_378 = arith.addi %mul3A_181, %add3A_377 : i32
        %get3A_379 = arith.index_cast %add3A_378 : i32 to index
        %get3A_380 = arith.constant 64 : index
        %get3A_381 = tpu.vector_load %arg10[%get3A_379, %get3A_380] {strides = array<i32>} : memref<256x128xf32, #tpu.memory_space<vmem>>, vector<1x16xf32>,
        %get3A_382 = vector.shape_cast %get3A_381 : vector<1x16xf32> to vector<16xf32>
        %mul3A_383 = vector.broadcast %squeeze3A_179 : f32 to vector<16xf32>
        %mul3A_384 = arith.mulf %mul3A_383, %get3A_382 : vector<16xf32>
        %add3A_385 = arith.addf %add3A_376, %mul3A_384 : vector<16xf32>
        %get3A_386 = arith.index_cast %scan3A_166 : i32 to index
        %get3A_387 = arith.constant 64 : index
        %get3A_388 = tpu.vector_load %arg12[%get3A_386, %get3A_387] {strides = array<i32>} : memref<64x128xf32, #tpu.memory_space<vmem>>, vector<1x16xf32>,
        %get3A_389 = vector.shape_cast %get3A_388 : vector<1x16xf32> to vector<16xf32>
        %mul3A_390 = arith.mulf %add3A_385, %get3A_389 : vector<16xf32>
        %swap3A_391 = arith.index_cast %scan3A_166 : i32 to index
        %swap3A_392 = arith.constant 64 : index
        %swap3A_393 = tpu.vector_load %arg13[%swap3A_391, %swap3A_392] {strides = array<i32>} : memref<64x128xf32, #tpu.memory_space<vmem>>, vector<1x16xf32>,
        %swap3A_394 = vector.shape_cast %swap3A_393 : vector<1x16xf32> to vector<16xf32>
        %swap3A_395 = vector.shape_cast %mul3A_390 : vector<16xf32> to vector<1x16xf32>
        tpu.vector_store %arg13[%swap3A_391, %swap3A_392], %swap3A_395 {strides = array<i32>} : memref<64x128xf32, #tpu.memory_space<vmem>>, vector<1x16xf32>,
        %get3A_396 = arith.index_cast %mul3A_181 : i32 to index
        %get3A_397 = arith.constant 80 : index
        %get3A_398 = tpu.vector_load %arg10[%get3A_396, %get3A_397] {strides = array<i32>} : memref<256x128xf32, #tpu.memory_space<vmem>>, vector<1x16xf32>,
        %get3A_399 = vector.shape_cast %get3A_398 : vector<1x16xf32> to vector<16xf32>
        %mul3A_400 = vector.broadcast %squeeze3A : f32 to vector<16xf32>
        %mul3A_401 = arith.mulf %mul3A_400, %get3A_399 : vector<16xf32>
        %add3A_402 = arith.constant 1 : i32
        %add3A_403 = arith.addi %mul3A_181, %add3A_402 : i32
        %get3A_404 = arith.index_cast %add3A_403 : i32 to index
        %get3A_405 = arith.constant 80 : index
        %get3A_406 = tpu.vector_load %arg10[%get3A_404, %get3A_405] {strides = array<i32>} : memref<256x128xf32, #tpu.memory_space<vmem>>, vector<1x16xf32>,
        %get3A_407 = vector.shape_cast %get3A_406 : vector<1x16xf32> to vector<16xf32>
        %mul3A_408 = vector.broadcast %squeeze3A_175 : f32 to vector<16xf32>
        %mul3A_409 = arith.mulf %mul3A_408, %get3A_407 : vector<16xf32>
        %add3A_410 = arith.addf %mul3A_401, %mul3A_409 : vector<16xf32>
        %add3A_411 = arith.constant 2 : i32
        %add3A_412 = arith.addi %mul3A_181, %add3A_411 : i32
        %get3A_413 = arith.index_cast %add3A_412 : i32 to index
        %get3A_414 = arith.constant 80 : index
        %get3A_415 = tpu.vector_load %arg10[%get3A_413, %get3A_414] {strides = array<i32>} : memref<256x128xf32, #tpu.memory_space<vmem>>, vector<1x16xf32>,
        %get3A_416 = vector.shape_cast %get3A_415 : vector<1x16xf32> to vector<16xf32>
        %mul3A_417 = vector.broadcast %squeeze3A_177 : f32 to vector<16xf32>
        %mul3A_418 = arith.mulf %mul3A_417, %get3A_416 : vector<16xf32>
        %add3A_419 = arith.addf %add3A_410, %mul3A_418 : vector<16xf32>
        %add3A_420 = arith.constant 3 : i32
        %add3A_421 = arith.addi %mul3A_181, %add3A_420 : i32
        %get3A_422 = arith.index_cast %add3A_421 : i32 to index
        %get3A_423 = arith.constant 80 : index
        %get3A_424 = tpu.vector_load %arg10[%get3A_422, %get3A_423] {strides = array<i32>} : memref<256x128xf32, #tpu.memory_space<vmem>>, vector<1x16xf32>,
        %get3A_425 = vector.shape_cast %get3A_424 : vector<1x16xf32> to vector<16xf32>
        %mul3A_426 = vector.broadcast %squeeze3A_179 : f32 to vector<16xf32>
        %mul3A_427 = arith.mulf %mul3A_426, %get3A_425 : vector<16xf32>
        %add3A_428 = arith.addf %add3A_419, %mul3A_427 : vector<16xf32>
        %get3A_429 = arith.index_cast %scan3A_166 : i32 to index
        %get3A_430 = arith.constant 80 : index
        %get3A_431 = tpu.vector_load %arg12[%get3A_429, %get3A_430] {strides = array<i32>} : memref<64x128xf32, #tpu.memory_space<vmem>>, vector<1x16xf32>,
        %get3A_432 = vector.shape_cast %get3A_431 : vector<1x16xf32> to vector<16xf32>
        %mul3A_433 = arith.mulf %add3A_428, %get3A_432 : vector<16xf32>
        %swap3A_434 = arith.index_cast %scan3A_166 : i32 to index
        %swap3A_435 = arith.constant 80 : index
        %swap3A_436 = tpu.vector_load %arg13[%swap3A_434, %swap3A_435] {strides = array<i32>} : memref<64x128xf32, #tpu.memory_space<vmem>>, vector<1x16xf32>,
        %swap3A_437 = vector.shape_cast %swap3A_436 : vector<1x16xf32> to vector<16xf32>
        %swap3A_438 = vector.shape_cast %mul3A_433 : vector<16xf32> to vector<1x16xf32>
        tpu.vector_store %arg13[%swap3A_434, %swap3A_435], %swap3A_438 {strides = array<i32>} : memref<64x128xf32, #tpu.memory_space<vmem>>, vector<1x16xf32>,
      }
      %scan3A_155 = arith.constant 64 : i32
      %mul3A_156 = arith.constant 64 : i32
      %mul3A_157 = arith.muli %add3A_116, %mul3A_156 : i32
      %add3A_158 = arith.addi %mul3A_2, %mul3A_157 : i32
      "tpu.region"() ({
        %run_scoped3A = tpu.sem_alloc : memref<!tpu.dma_semaphore, #tpu.memory_space<semaphore_mem>>
        %dma_start3A_166 = arith.constant 0 : i32
        %dma_start3A_167 = tpu.memref_slice %arg6[%add3A_158, %dma_start3A_166] : memref<8192x128xf32, #tpu.memory_space<hbm>> -> memref<64x128xf32, #tpu.memory_space<hbm>>
        %dma_start3A_168 = arith.constant 0 : i32
        %dma_start3A_169 = tpu.memref_slice %arg6[%add3A_158, %dma_start3A_168] : memref<8192x128xf32, #tpu.memory_space<hbm>> -> memref<64x128xf32, #tpu.memory_space<hbm>>
        tpu.enqueue_dma source(%arg13 : memref<64x128xf32, #tpu.memory_space<vmem>>) target(%dma_start3A_169 : memref<64x128xf32, #tpu.memory_space<hbm>>) target_semaphore(%run_scoped3A : memref<!tpu.dma_semaphore, #tpu.memory_space<semaphore_mem>>)
        %dma_wait3A_170 = arith.constant 0 : i32
        %dma_wait3A_171 = tpu.memref_slice %arg6[%add3A_158, %dma_wait3A_170] : memref<8192x128xf32, #tpu.memory_space<hbm>> -> memref<64x128xf32, #tpu.memory_space<hbm>>
        %dma_wait3A_172 = arith.constant 0 : i32
        %dma_wait3A_173 = tpu.memref_slice %arg6[%add3A_158, %dma_wait3A_172] : memref<8192x128xf32, #tpu.memory_space<hbm>> -> memref<64x128xf32, #tpu.memory_space<hbm>>
        tpu.wait_dma2 semaphore(%run_scoped3A : memref<!tpu.dma_semaphore, #tpu.memory_space<semaphore_mem>>) src(%arg13 : memref<64x128xf32, #tpu.memory_space<vmem>>) dst(%dma_wait3A_173 : memref<64x128xf32, #tpu.memory_space<hbm>>)
        tpu.yield
      }) : () -> ()
      %add3A_159 = arith.constant 2 : i32
      %add3A_160 = arith.addi %add3A_116, %add3A_159 : i32
      %lt3A_161 = arith.constant 4 : i32
      %lt3A_162 = arith.cmpi slt, %add3A_160, %lt3A_161 : i32
      %convert_element_type3A_163 = arith.extui %lt3A_162 : i1 to i32
      %cond3A_164 = arith.constant 0 : i32
      %cond3A_165 = arith.cmpi ne, %convert_element_type3A_163, %cond3A_164 : i32
      scf.if %cond3A_165 {
        %add3A_166 = arith.constant 2 : i32
        %add3A_167 = arith.addi %add3A_116, %add3A_166 : i32
        %mul3A_168 = arith.constant 64 : i32
        %mul3A_169 = arith.muli %add3A_167, %mul3A_168 : i32
        %add3A_170 = arith.addi %mul3A_2, %mul3A_169 : i32
        %dma_start3A_171 = arith.constant 0 : i32
        %dma_start3A_172 = tpu.memref_slice %arg3[%add3A_170, %dma_start3A_171] : memref<8192x128xf32, #tpu.memory_space<hbm>> -> memref<64x128xf32, #tpu.memory_space<hbm>>
        %dma_start3A_173 = arith.constant 0 : i32
        %dma_start3A_174 = tpu.memref_slice %arg3[%add3A_170, %dma_start3A_173] : memref<8192x128xf32, #tpu.memory_space<hbm>> -> memref<64x128xf32, #tpu.memory_space<hbm>>
        tpu.enqueue_dma source(%dma_start3A_174 : memref<64x128xf32, #tpu.memory_space<hbm>>) target(%arg12 : memref<64x128xf32, #tpu.memory_space<vmem>>) target_semaphore(%arg15 : memref<!tpu.dma_semaphore, #tpu.memory_space<semaphore_mem>>)
        %mul3A_175 = arith.constant 2 : i32
        %mul3A_176 = arith.muli %add3A_167, %mul3A_175 : i32
        %add3A_177 = arith.constant 0 : i32
        %add3A_178 = arith.addi %mul3A_176, %add3A_177 : i32
        %dma_start3A_179 = arith.constant 0 : i32
        %dma_start3A_180 = arith.constant 0 : i32
        %dma_start3A_181 = tpu.memref_slice %arg10[%dma_start3A_179, %dma_start3A_180] : memref<256x128xf32, #tpu.memory_space<vmem>> -> memref<128x128xf32, #tpu.memory_space<vmem>>
        %dma_start3A_182 = arith.constant 0 : i32
        %dma_start3A_183 = tpu.memref_slice %arg7[%add3A_178, %dma_start3A_182] : memref<8x128xi32, #tpu.memory_space<vmem>> -> memref<1x128xi32, #tpu.memory_space<vmem>>
        %dma_start3A_184 = tpu.memref_squeeze %dma_start3A_183 : memref<1x128xi32, #tpu.memory_space<vmem>> -> memref<128xi32, #tpu.memory_space<vmem>>
        %dma_start3A_185 = arith.constant 0 : i32
        %dma_start3A_186 = arith.constant 0 : i32
        %dma_start3A_187 = tpu.memref_slice %arg2[%dma_start3A_185, %dma_start3A_186] : memref<8192x128xf32, #tpu.memory_space<hbm>> -> memref<8192x128xf32, #tpu.memory_space<hbm>>
        tpu.enqueue_indirect_dma source(%dma_start3A_187 : memref<8192x128xf32, #tpu.memory_space<hbm>>) target(%dma_start3A_181 : memref<128x128xf32, #tpu.memory_space<vmem>>) offsets(%dma_start3A_184 : memref<128xi32, #tpu.memory_space<vmem>>) semaphore(%arg15 : memref<!tpu.dma_semaphore, #tpu.memory_space<semaphore_mem>>)
        %mul3A_188 = arith.constant 2 : i32
        %mul3A_189 = arith.muli %add3A_167, %mul3A_188 : i32
        %add3A_190 = arith.constant 1 : i32
        %add3A_191 = arith.addi %mul3A_189, %add3A_190 : i32
        %dma_start3A_192 = arith.constant 128 : i32
        %dma_start3A_193 = arith.constant 0 : i32
        %dma_start3A_194 = tpu.memref_slice %arg10[%dma_start3A_192, %dma_start3A_193] : memref<256x128xf32, #tpu.memory_space<vmem>> -> memref<128x128xf32, #tpu.memory_space<vmem>>
        %dma_start3A_195 = arith.constant 0 : i32
        %dma_start3A_196 = tpu.memref_slice %arg7[%add3A_191, %dma_start3A_195] : memref<8x128xi32, #tpu.memory_space<vmem>> -> memref<1x128xi32, #tpu.memory_space<vmem>>
        %dma_start3A_197 = tpu.memref_squeeze %dma_start3A_196 : memref<1x128xi32, #tpu.memory_space<vmem>> -> memref<128xi32, #tpu.memory_space<vmem>>
        %dma_start3A_198 = arith.constant 0 : i32
        %dma_start3A_199 = arith.constant 0 : i32
        %dma_start3A_200 = tpu.memref_slice %arg2[%dma_start3A_198, %dma_start3A_199] : memref<8192x128xf32, #tpu.memory_space<hbm>> -> memref<8192x128xf32, #tpu.memory_space<hbm>>
        tpu.enqueue_indirect_dma source(%dma_start3A_200 : memref<8192x128xf32, #tpu.memory_space<hbm>>) target(%dma_start3A_194 : memref<128x128xf32, #tpu.memory_space<vmem>>) offsets(%dma_start3A_197 : memref<128xi32, #tpu.memory_space<vmem>>) semaphore(%arg15 : memref<!tpu.dma_semaphore, #tpu.memory_space<semaphore_mem>>)
      } else {
      }
    }
    %scan3A_62 = arith.constant 2 : i32
    return
  }
}

module attributes {stable_mosaic.version = 14 : i64} {
  func.func @_tc_body(%arg0: i32, %arg1: i32, %arg2: memref<1x1024x768xf32, #tpu.memory_space<vmem>>, %arg3: memref<3x1x768x96xf32, #tpu.memory_space<vmem>>, %arg4: memref<3x1x1x96xf32, #tpu.memory_space<vmem>>, %arg5: memref<1x1x1024x128xf32, #tpu.memory_space<vmem>>, %arg6: memref<1x1x1024x128xf32, #tpu.memory_space<vmem>>, %arg7: memref<1x1x1024x4xf32, #tpu.memory_space<vmem>>, %arg8: memref<1x1x1024x4xi32, #tpu.memory_space<vmem>>) attributes {dimension_semantics = [#tpu.dimension_semantics<arbitrary>, #tpu.dimension_semantics<arbitrary>], iteration_bounds = array<i64: 1, 8>, scalar_prefetch = 0 : i64, scratch_operands = 0 : i64, tpu.core_type = #tpu.core_type<tc>, window_params = [{transform_indices = @transform_0, window_bounds = array<i64: 1, 1024, 768>}, {transform_indices = @transform_1, window_bounds = array<i64: 3, 1, 768, 96>}, {transform_indices = @transform_2, window_bounds = array<i64: 3, 1, 1, 96>}, {transform_indices = @transform_3, window_bounds = array<i64: 1, 1, 1024, 128>}, {transform_indices = @transform_4, window_bounds = array<i64: 1, 1, 1024, 128>}, {transform_indices = @transform_5, window_bounds = array<i64: 1, 1, 1024, 4>}, {transform_indices = @transform_6, window_bounds = array<i64: 1, 1, 1024, 4>}]} {
    %get3A = arith.constant 0 : index
    %get3A_0 = arith.constant 0 : index
    %get3A_1 = arith.constant 0 : index
    %get3A_2 = vector.load %arg2[%get3A, %get3A_0, %get3A_1] : memref<1x1024x768xf32, #tpu.memory_space<vmem>>, vector<1x1024x768xf32>
    %get3A_3 = vector.shape_cast %get3A_2 : vector<1x1024x768xf32> to vector<1024x768xf32>
    %get3A_4 = arith.constant 0 : index
    %get3A_5 = arith.constant 0 : index
    %get3A_6 = arith.constant 0 : index
    %get3A_7 = arith.constant 0 : index
    %get3A_8 = vector.load %arg3[%get3A_4, %get3A_5, %get3A_6, %get3A_7] : memref<3x1x768x96xf32, #tpu.memory_space<vmem>>, vector<1x1x768x96xf32>
    %get3A_9 = vector.shape_cast %get3A_8 : vector<1x1x768x96xf32> to vector<768x96xf32>
    %get3A_10 = arith.constant 0 : index
    %get3A_11 = arith.constant 0 : index
    %get3A_12 = arith.constant 0 : index
    %get3A_13 = arith.constant 0 : index
    %get3A_14 = vector.load %arg4[%get3A_10, %get3A_11, %get3A_12, %get3A_13] : memref<3x1x1x96xf32, #tpu.memory_space<vmem>>, vector<1x1x1x96xf32>
    %get3A_15 = vector.shape_cast %get3A_14 : vector<1x1x1x96xf32> to vector<1x96xf32>
    %dot_general3A = arith.constant dense<0.000000e+00> : vector<1024x96xf32>
    %dot_general3A_16 = tpu.matmul %get3A_3, %get3A_9, %dot_general3A {dimension_numbers = #tpu.dot_dimension_numbers<[1], [0], [0], [1], [0, 0, 1, 1], [], []>, transpose_lhs_hint = false} : vector<1024x768xf32>, vector<768x96xf32>, vector<1024x96xf32> -> vector<1024x96xf32>
    %add3A = vector.broadcast %get3A_15 : vector<1x96xf32> to vector<1024x96xf32>
    %add3A_17 = arith.addf %dot_general3A_16, %add3A : vector<1024x96xf32>
    %get3A_18 = arith.constant 1 : index
    %get3A_19 = arith.constant 0 : index
    %get3A_20 = arith.constant 0 : index
    %get3A_21 = arith.constant 0 : index
    %get3A_22 = vector.load %arg3[%get3A_18, %get3A_19, %get3A_20, %get3A_21] : memref<3x1x768x96xf32, #tpu.memory_space<vmem>>, vector<1x1x768x96xf32>
    %get3A_23 = vector.shape_cast %get3A_22 : vector<1x1x768x96xf32> to vector<768x96xf32>
    %get3A_24 = arith.constant 1 : index
    %get3A_25 = arith.constant 0 : index
    %get3A_26 = arith.constant 0 : index
    %get3A_27 = arith.constant 0 : index
    %get3A_28 = vector.load %arg4[%get3A_24, %get3A_25, %get3A_26, %get3A_27] : memref<3x1x1x96xf32, #tpu.memory_space<vmem>>, vector<1x1x1x96xf32>
    %get3A_29 = vector.shape_cast %get3A_28 : vector<1x1x1x96xf32> to vector<1x96xf32>
    %dot_general3A_30 = arith.constant dense<0.000000e+00> : vector<1024x96xf32>
    %dot_general3A_31 = tpu.matmul %get3A_3, %get3A_23, %dot_general3A_30 {dimension_numbers = #tpu.dot_dimension_numbers<[1], [0], [0], [1], [0, 0, 1, 1], [], []>, transpose_lhs_hint = false} : vector<1024x768xf32>, vector<768x96xf32>, vector<1024x96xf32> -> vector<1024x96xf32>
    %add3A_32 = vector.broadcast %get3A_29 : vector<1x96xf32> to vector<1024x96xf32>
    %add3A_33 = arith.addf %dot_general3A_31, %add3A_32 : vector<1024x96xf32>
    %get3A_34 = arith.constant 2 : index
    %get3A_35 = arith.constant 0 : index
    %get3A_36 = arith.constant 0 : index
    %get3A_37 = arith.constant 0 : index
    %get3A_38 = vector.load %arg3[%get3A_34, %get3A_35, %get3A_36, %get3A_37] : memref<3x1x768x96xf32, #tpu.memory_space<vmem>>, vector<1x1x768x96xf32>
    %get3A_39 = vector.shape_cast %get3A_38 : vector<1x1x768x96xf32> to vector<768x96xf32>
    %get3A_40 = arith.constant 2 : index
    %get3A_41 = arith.constant 0 : index
    %get3A_42 = arith.constant 0 : index
    %get3A_43 = arith.constant 0 : index
    %get3A_44 = vector.load %arg4[%get3A_40, %get3A_41, %get3A_42, %get3A_43] : memref<3x1x1x96xf32, #tpu.memory_space<vmem>>, vector<1x1x1x96xf32>
    %get3A_45 = vector.shape_cast %get3A_44 : vector<1x1x1x96xf32> to vector<1x96xf32>
    %dot_general3A_46 = arith.constant dense<0.000000e+00> : vector<1024x96xf32>
    %dot_general3A_47 = tpu.matmul %get3A_3, %get3A_39, %dot_general3A_46 {dimension_numbers = #tpu.dot_dimension_numbers<[1], [0], [0], [1], [0, 0, 1, 1], [], []>, transpose_lhs_hint = false} : vector<1024x768xf32>, vector<768x96xf32>, vector<1024x96xf32> -> vector<1024x96xf32>
    %add3A_48 = vector.broadcast %get3A_45 : vector<1x96xf32> to vector<1024x96xf32>
    %add3A_49 = arith.addf %dot_general3A_47, %add3A_48 : vector<1024x96xf32>
    %dot_general3A_50 = arith.constant dense<0.000000e+00> : vector<1024x1024xf32>
    %dot_general3A_51 = tpu.matmul %add3A_17, %add3A_33, %dot_general3A_50 {dimension_numbers = #tpu.dot_dimension_numbers<[1], [1], [0], [0], [0, 0, 1, 0], [], []>, transpose_lhs_hint = false} : vector<1024x96xf32>, vector<1024x96xf32>, vector<1024x1024xf32> -> vector<1024x1024xf32>
    %iota3A = tpu.iota {dimensions = array<i32: 1>} : vector<1x128xi32>
    %convert_element_type3A = arith.sitofp %iota3A : vector<1x128xi32> to vector<1x128xf32>
    %reduce_max3A = arith.constant dense<0xFF800000> : vector<1024xf32>
    %reduce_max3A_52 = vector.multi_reduction <maximumf>, %dot_general3A_51, %reduce_max3A [1] : vector<1024x1024xf32> to vector<1024xf32>
    %broadcast_in_dim3A = vector.shape_cast %reduce_max3A_52 : vector<1024xf32> to vector<1024x1xf32>
    %eq3A = vector.broadcast %broadcast_in_dim3A : vector<1024x1xf32> to vector<1024x1024xf32>
    %eq3A_53 = arith.cmpf oeq, %dot_general3A_51, %eq3A : vector<1024x1024xf32>
    %convert_element_type3A_54 = arith.extui %eq3A_53 : vector<1024x1024xi1> to vector<1024x1024xi32>
    %convert_element_type3A_55 = arith.sitofp %convert_element_type3A_54 : vector<1024x1024xi32> to vector<1024x1024xf32>
    %slice3A = vector.extract_strided_slice %convert_element_type3A_55 {offsets = [0, 0], sizes = [1024, 128], strides = [1, 1]} : vector<1024x1024xf32> to vector<1024x128xf32>
    %slice3A_56 = vector.extract_strided_slice %convert_element_type3A_55 {offsets = [0, 128], sizes = [1024, 128], strides = [1, 1]} : vector<1024x1024xf32> to vector<1024x128xf32>
    %slice3A_57 = vector.extract_strided_slice %convert_element_type3A_55 {offsets = [0, 256], sizes = [1024, 128], strides = [1, 1]} : vector<1024x1024xf32> to vector<1024x128xf32>
    %slice3A_58 = vector.extract_strided_slice %convert_element_type3A_55 {offsets = [0, 384], sizes = [1024, 128], strides = [1, 1]} : vector<1024x1024xf32> to vector<1024x128xf32>
    %slice3A_59 = vector.extract_strided_slice %convert_element_type3A_55 {offsets = [0, 512], sizes = [1024, 128], strides = [1, 1]} : vector<1024x1024xf32> to vector<1024x128xf32>
    %slice3A_60 = vector.extract_strided_slice %convert_element_type3A_55 {offsets = [0, 640], sizes = [1024, 128], strides = [1, 1]} : vector<1024x1024xf32> to vector<1024x128xf32>
    %slice3A_61 = vector.extract_strided_slice %convert_element_type3A_55 {offsets = [0, 768], sizes = [1024, 128], strides = [1, 1]} : vector<1024x1024xf32> to vector<1024x128xf32>
    %slice3A_62 = vector.extract_strided_slice %convert_element_type3A_55 {offsets = [0, 896], sizes = [1024, 128], strides = [1, 1]} : vector<1024x1024xf32> to vector<1024x128xf32>
    %broadcast_in_dim3A_63 = arith.constant 0.000000e+00 : f32
    %broadcast_in_dim3A_64 = vector.broadcast %broadcast_in_dim3A_63 : f32 to vector<1024x128xf32>
    %add3A_65 = arith.addf %slice3A, %slice3A_56 : vector<1024x128xf32>
    %mul3A = arith.constant 1.000000e+00 : f32
    %mul3A_66 = vector.broadcast %mul3A : f32 to vector<1024x128xf32>
    %mul3A_67 = arith.mulf %mul3A_66, %slice3A_56 : vector<1024x128xf32>
    %add3A_68 = arith.addf %broadcast_in_dim3A_64, %mul3A_67 : vector<1024x128xf32>
    %add3A_69 = arith.addf %add3A_65, %slice3A_57 : vector<1024x128xf32>
    %mul3A_70 = arith.constant 2.000000e+00 : f32
    %mul3A_71 = vector.broadcast %mul3A_70 : f32 to vector<1024x128xf32>
    %mul3A_72 = arith.mulf %mul3A_71, %slice3A_57 : vector<1024x128xf32>
    %add3A_73 = arith.addf %add3A_68, %mul3A_72 : vector<1024x128xf32>
    %add3A_74 = arith.addf %add3A_69, %slice3A_58 : vector<1024x128xf32>
    %mul3A_75 = arith.constant 3.000000e+00 : f32
    %mul3A_76 = vector.broadcast %mul3A_75 : f32 to vector<1024x128xf32>
    %mul3A_77 = arith.mulf %mul3A_76, %slice3A_58 : vector<1024x128xf32>
    %add3A_78 = arith.addf %add3A_73, %mul3A_77 : vector<1024x128xf32>
    %add3A_79 = arith.addf %add3A_74, %slice3A_59 : vector<1024x128xf32>
    %mul3A_80 = arith.constant 4.000000e+00 : f32
    %mul3A_81 = vector.broadcast %mul3A_80 : f32 to vector<1024x128xf32>
    %mul3A_82 = arith.mulf %mul3A_81, %slice3A_59 : vector<1024x128xf32>
    %add3A_83 = arith.addf %add3A_78, %mul3A_82 : vector<1024x128xf32>
    %add3A_84 = arith.addf %add3A_79, %slice3A_60 : vector<1024x128xf32>
    %mul3A_85 = arith.constant 5.000000e+00 : f32
    %mul3A_86 = vector.broadcast %mul3A_85 : f32 to vector<1024x128xf32>
    %mul3A_87 = arith.mulf %mul3A_86, %slice3A_60 : vector<1024x128xf32>
    %add3A_88 = arith.addf %add3A_83, %mul3A_87 : vector<1024x128xf32>
    %add3A_89 = arith.addf %add3A_84, %slice3A_61 : vector<1024x128xf32>
    %mul3A_90 = arith.constant 6.000000e+00 : f32
    %mul3A_91 = vector.broadcast %mul3A_90 : f32 to vector<1024x128xf32>
    %mul3A_92 = arith.mulf %mul3A_91, %slice3A_61 : vector<1024x128xf32>
    %add3A_93 = arith.addf %add3A_88, %mul3A_92 : vector<1024x128xf32>
    %add3A_94 = arith.addf %add3A_89, %slice3A_62 : vector<1024x128xf32>
    %mul3A_95 = arith.constant 7.000000e+00 : f32
    %mul3A_96 = vector.broadcast %mul3A_95 : f32 to vector<1024x128xf32>
    %mul3A_97 = arith.mulf %mul3A_96, %slice3A_62 : vector<1024x128xf32>
    %add3A_98 = arith.addf %add3A_93, %mul3A_97 : vector<1024x128xf32>
    %mul3A_99 = vector.broadcast %convert_element_type3A : vector<1x128xf32> to vector<1024x128xf32>
    %mul3A_100 = arith.mulf %add3A_94, %mul3A_99 : vector<1024x128xf32>
    %reduce_sum3A = arith.constant dense<0.000000e+00> : vector<1024xf32>
    %reduce_sum3A_101 = vector.multi_reduction <add>, %mul3A_100, %reduce_sum3A [1] : vector<1024x128xf32> to vector<1024xf32>
    %reduce_sum3A_102 = arith.constant dense<0.000000e+00> : vector<1024xf32>
    %reduce_sum3A_103 = vector.multi_reduction <add>, %add3A_98, %reduce_sum3A_102 [1] : vector<1024x128xf32> to vector<1024xf32>
    %mul3A_104 = arith.constant 1.280000e+02 : f32
    %mul3A_105 = vector.broadcast %mul3A_104 : f32 to vector<1024xf32>
    %mul3A_106 = arith.mulf %reduce_sum3A_103, %mul3A_105 : vector<1024xf32>
    %add3A_107 = arith.addf %mul3A_106, %reduce_sum3A_101 : vector<1024xf32>
    %mul3A_108 = arith.constant 3.40282347E+38 : f32
    %mul3A_109 = vector.broadcast %mul3A_108 : f32 to vector<1024x1024xf32>
    %mul3A_110 = arith.mulf %convert_element_type3A_55, %mul3A_109 : vector<1024x1024xf32>
    %sub3A = arith.subf %dot_general3A_51, %mul3A_110 : vector<1024x1024xf32>
    %reduce_max3A_111 = arith.constant dense<0xFF800000> : vector<1024xf32>
    %reduce_max3A_112 = vector.multi_reduction <maximumf>, %sub3A, %reduce_max3A_111 [1] : vector<1024x1024xf32> to vector<1024xf32>
    %broadcast_in_dim3A_113 = vector.shape_cast %reduce_max3A_112 : vector<1024xf32> to vector<1024x1xf32>
    %eq3A_114 = vector.broadcast %broadcast_in_dim3A_113 : vector<1024x1xf32> to vector<1024x1024xf32>
    %eq3A_115 = arith.cmpf oeq, %sub3A, %eq3A_114 : vector<1024x1024xf32>
    %convert_element_type3A_116 = arith.extui %eq3A_115 : vector<1024x1024xi1> to vector<1024x1024xi32>
    %convert_element_type3A_117 = arith.sitofp %convert_element_type3A_116 : vector<1024x1024xi32> to vector<1024x1024xf32>
    %slice3A_118 = vector.extract_strided_slice %convert_element_type3A_117 {offsets = [0, 0], sizes = [1024, 128], strides = [1, 1]} : vector<1024x1024xf32> to vector<1024x128xf32>
    %slice3A_119 = vector.extract_strided_slice %convert_element_type3A_117 {offsets = [0, 128], sizes = [1024, 128], strides = [1, 1]} : vector<1024x1024xf32> to vector<1024x128xf32>
    %slice3A_120 = vector.extract_strided_slice %convert_element_type3A_117 {offsets = [0, 256], sizes = [1024, 128], strides = [1, 1]} : vector<1024x1024xf32> to vector<1024x128xf32>
    %slice3A_121 = vector.extract_strided_slice %convert_element_type3A_117 {offsets = [0, 384], sizes = [1024, 128], strides = [1, 1]} : vector<1024x1024xf32> to vector<1024x128xf32>
    %slice3A_122 = vector.extract_strided_slice %convert_element_type3A_117 {offsets = [0, 512], sizes = [1024, 128], strides = [1, 1]} : vector<1024x1024xf32> to vector<1024x128xf32>
    %slice3A_123 = vector.extract_strided_slice %convert_element_type3A_117 {offsets = [0, 640], sizes = [1024, 128], strides = [1, 1]} : vector<1024x1024xf32> to vector<1024x128xf32>
    %slice3A_124 = vector.extract_strided_slice %convert_element_type3A_117 {offsets = [0, 768], sizes = [1024, 128], strides = [1, 1]} : vector<1024x1024xf32> to vector<1024x128xf32>
    %slice3A_125 = vector.extract_strided_slice %convert_element_type3A_117 {offsets = [0, 896], sizes = [1024, 128], strides = [1, 1]} : vector<1024x1024xf32> to vector<1024x128xf32>
    %broadcast_in_dim3A_126 = arith.constant 0.000000e+00 : f32
    %broadcast_in_dim3A_127 = vector.broadcast %broadcast_in_dim3A_126 : f32 to vector<1024x128xf32>
    %add3A_128 = arith.addf %slice3A_118, %slice3A_119 : vector<1024x128xf32>
    %mul3A_129 = arith.constant 1.000000e+00 : f32
    %mul3A_130 = vector.broadcast %mul3A_129 : f32 to vector<1024x128xf32>
    %mul3A_131 = arith.mulf %mul3A_130, %slice3A_119 : vector<1024x128xf32>
    %add3A_132 = arith.addf %broadcast_in_dim3A_127, %mul3A_131 : vector<1024x128xf32>
    %add3A_133 = arith.addf %add3A_128, %slice3A_120 : vector<1024x128xf32>
    %mul3A_134 = arith.constant 2.000000e+00 : f32
    %mul3A_135 = vector.broadcast %mul3A_134 : f32 to vector<1024x128xf32>
    %mul3A_136 = arith.mulf %mul3A_135, %slice3A_120 : vector<1024x128xf32>
    %add3A_137 = arith.addf %add3A_132, %mul3A_136 : vector<1024x128xf32>
    %add3A_138 = arith.addf %add3A_133, %slice3A_121 : vector<1024x128xf32>
    %mul3A_139 = arith.constant 3.000000e+00 : f32
    %mul3A_140 = vector.broadcast %mul3A_139 : f32 to vector<1024x128xf32>
    %mul3A_141 = arith.mulf %mul3A_140, %slice3A_121 : vector<1024x128xf32>
    %add3A_142 = arith.addf %add3A_137, %mul3A_141 : vector<1024x128xf32>
    %add3A_143 = arith.addf %add3A_138, %slice3A_122 : vector<1024x128xf32>
    %mul3A_144 = arith.constant 4.000000e+00 : f32
    %mul3A_145 = vector.broadcast %mul3A_144 : f32 to vector<1024x128xf32>
    %mul3A_146 = arith.mulf %mul3A_145, %slice3A_122 : vector<1024x128xf32>
    %add3A_147 = arith.addf %add3A_142, %mul3A_146 : vector<1024x128xf32>
    %add3A_148 = arith.addf %add3A_143, %slice3A_123 : vector<1024x128xf32>
    %mul3A_149 = arith.constant 5.000000e+00 : f32
    %mul3A_150 = vector.broadcast %mul3A_149 : f32 to vector<1024x128xf32>
    %mul3A_151 = arith.mulf %mul3A_150, %slice3A_123 : vector<1024x128xf32>
    %add3A_152 = arith.addf %add3A_147, %mul3A_151 : vector<1024x128xf32>
    %add3A_153 = arith.addf %add3A_148, %slice3A_124 : vector<1024x128xf32>
    %mul3A_154 = arith.constant 6.000000e+00 : f32
    %mul3A_155 = vector.broadcast %mul3A_154 : f32 to vector<1024x128xf32>
    %mul3A_156 = arith.mulf %mul3A_155, %slice3A_124 : vector<1024x128xf32>
    %add3A_157 = arith.addf %add3A_152, %mul3A_156 : vector<1024x128xf32>
    %add3A_158 = arith.addf %add3A_153, %slice3A_125 : vector<1024x128xf32>
    %mul3A_159 = arith.constant 7.000000e+00 : f32
    %mul3A_160 = vector.broadcast %mul3A_159 : f32 to vector<1024x128xf32>
    %mul3A_161 = arith.mulf %mul3A_160, %slice3A_125 : vector<1024x128xf32>
    %add3A_162 = arith.addf %add3A_157, %mul3A_161 : vector<1024x128xf32>
    %mul3A_163 = vector.broadcast %convert_element_type3A : vector<1x128xf32> to vector<1024x128xf32>
    %mul3A_164 = arith.mulf %add3A_158, %mul3A_163 : vector<1024x128xf32>
    %reduce_sum3A_165 = arith.constant dense<0.000000e+00> : vector<1024xf32>
    %reduce_sum3A_166 = vector.multi_reduction <add>, %mul3A_164, %reduce_sum3A_165 [1] : vector<1024x128xf32> to vector<1024xf32>
    %reduce_sum3A_167 = arith.constant dense<0.000000e+00> : vector<1024xf32>
    %reduce_sum3A_168 = vector.multi_reduction <add>, %add3A_162, %reduce_sum3A_167 [1] : vector<1024x128xf32> to vector<1024xf32>
    %mul3A_169 = arith.constant 1.280000e+02 : f32
    %mul3A_170 = vector.broadcast %mul3A_169 : f32 to vector<1024xf32>
    %mul3A_171 = arith.mulf %reduce_sum3A_168, %mul3A_170 : vector<1024xf32>
    %add3A_172 = arith.addf %mul3A_171, %reduce_sum3A_166 : vector<1024xf32>
    %mul3A_173 = arith.constant 3.40282347E+38 : f32
    %mul3A_174 = vector.broadcast %mul3A_173 : f32 to vector<1024x1024xf32>
    %mul3A_175 = arith.mulf %convert_element_type3A_117, %mul3A_174 : vector<1024x1024xf32>
    %sub3A_176 = arith.subf %sub3A, %mul3A_175 : vector<1024x1024xf32>
    %reduce_max3A_177 = arith.constant dense<0xFF800000> : vector<1024xf32>
    %reduce_max3A_178 = vector.multi_reduction <maximumf>, %sub3A_176, %reduce_max3A_177 [1] : vector<1024x1024xf32> to vector<1024xf32>
    %broadcast_in_dim3A_179 = vector.shape_cast %reduce_max3A_178 : vector<1024xf32> to vector<1024x1xf32>
    %eq3A_180 = vector.broadcast %broadcast_in_dim3A_179 : vector<1024x1xf32> to vector<1024x1024xf32>
    %eq3A_181 = arith.cmpf oeq, %sub3A_176, %eq3A_180 : vector<1024x1024xf32>
    %convert_element_type3A_182 = arith.extui %eq3A_181 : vector<1024x1024xi1> to vector<1024x1024xi32>
    %convert_element_type3A_183 = arith.sitofp %convert_element_type3A_182 : vector<1024x1024xi32> to vector<1024x1024xf32>
    %slice3A_184 = vector.extract_strided_slice %convert_element_type3A_183 {offsets = [0, 0], sizes = [1024, 128], strides = [1, 1]} : vector<1024x1024xf32> to vector<1024x128xf32>
    %slice3A_185 = vector.extract_strided_slice %convert_element_type3A_183 {offsets = [0, 128], sizes = [1024, 128], strides = [1, 1]} : vector<1024x1024xf32> to vector<1024x128xf32>
    %slice3A_186 = vector.extract_strided_slice %convert_element_type3A_183 {offsets = [0, 256], sizes = [1024, 128], strides = [1, 1]} : vector<1024x1024xf32> to vector<1024x128xf32>
    %slice3A_187 = vector.extract_strided_slice %convert_element_type3A_183 {offsets = [0, 384], sizes = [1024, 128], strides = [1, 1]} : vector<1024x1024xf32> to vector<1024x128xf32>
    %slice3A_188 = vector.extract_strided_slice %convert_element_type3A_183 {offsets = [0, 512], sizes = [1024, 128], strides = [1, 1]} : vector<1024x1024xf32> to vector<1024x128xf32>
    %slice3A_189 = vector.extract_strided_slice %convert_element_type3A_183 {offsets = [0, 640], sizes = [1024, 128], strides = [1, 1]} : vector<1024x1024xf32> to vector<1024x128xf32>
    %slice3A_190 = vector.extract_strided_slice %convert_element_type3A_183 {offsets = [0, 768], sizes = [1024, 128], strides = [1, 1]} : vector<1024x1024xf32> to vector<1024x128xf32>
    %slice3A_191 = vector.extract_strided_slice %convert_element_type3A_183 {offsets = [0, 896], sizes = [1024, 128], strides = [1, 1]} : vector<1024x1024xf32> to vector<1024x128xf32>
    %broadcast_in_dim3A_192 = arith.constant 0.000000e+00 : f32
    %broadcast_in_dim3A_193 = vector.broadcast %broadcast_in_dim3A_192 : f32 to vector<1024x128xf32>
    %add3A_194 = arith.addf %slice3A_184, %slice3A_185 : vector<1024x128xf32>
    %mul3A_195 = arith.constant 1.000000e+00 : f32
    %mul3A_196 = vector.broadcast %mul3A_195 : f32 to vector<1024x128xf32>
    %mul3A_197 = arith.mulf %mul3A_196, %slice3A_185 : vector<1024x128xf32>
    %add3A_198 = arith.addf %broadcast_in_dim3A_193, %mul3A_197 : vector<1024x128xf32>
    %add3A_199 = arith.addf %add3A_194, %slice3A_186 : vector<1024x128xf32>
    %mul3A_200 = arith.constant 2.000000e+00 : f32
    %mul3A_201 = vector.broadcast %mul3A_200 : f32 to vector<1024x128xf32>
    %mul3A_202 = arith.mulf %mul3A_201, %slice3A_186 : vector<1024x128xf32>
    %add3A_203 = arith.addf %add3A_198, %mul3A_202 : vector<1024x128xf32>
    %add3A_204 = arith.addf %add3A_199, %slice3A_187 : vector<1024x128xf32>
    %mul3A_205 = arith.constant 3.000000e+00 : f32
    %mul3A_206 = vector.broadcast %mul3A_205 : f32 to vector<1024x128xf32>
    %mul3A_207 = arith.mulf %mul3A_206, %slice3A_187 : vector<1024x128xf32>
    %add3A_208 = arith.addf %add3A_203, %mul3A_207 : vector<1024x128xf32>
    %add3A_209 = arith.addf %add3A_204, %slice3A_188 : vector<1024x128xf32>
    %mul3A_210 = arith.constant 4.000000e+00 : f32
    %mul3A_211 = vector.broadcast %mul3A_210 : f32 to vector<1024x128xf32>
    %mul3A_212 = arith.mulf %mul3A_211, %slice3A_188 : vector<1024x128xf32>
    %add3A_213 = arith.addf %add3A_208, %mul3A_212 : vector<1024x128xf32>
    %add3A_214 = arith.addf %add3A_209, %slice3A_189 : vector<1024x128xf32>
    %mul3A_215 = arith.constant 5.000000e+00 : f32
    %mul3A_216 = vector.broadcast %mul3A_215 : f32 to vector<1024x128xf32>
    %mul3A_217 = arith.mulf %mul3A_216, %slice3A_189 : vector<1024x128xf32>
    %add3A_218 = arith.addf %add3A_213, %mul3A_217 : vector<1024x128xf32>
    %add3A_219 = arith.addf %add3A_214, %slice3A_190 : vector<1024x128xf32>
    %mul3A_220 = arith.constant 6.000000e+00 : f32
    %mul3A_221 = vector.broadcast %mul3A_220 : f32 to vector<1024x128xf32>
    %mul3A_222 = arith.mulf %mul3A_221, %slice3A_190 : vector<1024x128xf32>
    %add3A_223 = arith.addf %add3A_218, %mul3A_222 : vector<1024x128xf32>
    %add3A_224 = arith.addf %add3A_219, %slice3A_191 : vector<1024x128xf32>
    %mul3A_225 = arith.constant 7.000000e+00 : f32
    %mul3A_226 = vector.broadcast %mul3A_225 : f32 to vector<1024x128xf32>
    %mul3A_227 = arith.mulf %mul3A_226, %slice3A_191 : vector<1024x128xf32>
    %add3A_228 = arith.addf %add3A_223, %mul3A_227 : vector<1024x128xf32>
    %mul3A_229 = vector.broadcast %convert_element_type3A : vector<1x128xf32> to vector<1024x128xf32>
    %mul3A_230 = arith.mulf %add3A_224, %mul3A_229 : vector<1024x128xf32>
    %reduce_sum3A_231 = arith.constant dense<0.000000e+00> : vector<1024xf32>
    %reduce_sum3A_232 = vector.multi_reduction <add>, %mul3A_230, %reduce_sum3A_231 [1] : vector<1024x128xf32> to vector<1024xf32>
    %reduce_sum3A_233 = arith.constant dense<0.000000e+00> : vector<1024xf32>
    %reduce_sum3A_234 = vector.multi_reduction <add>, %add3A_228, %reduce_sum3A_233 [1] : vector<1024x128xf32> to vector<1024xf32>
    %mul3A_235 = arith.constant 1.280000e+02 : f32
    %mul3A_236 = vector.broadcast %mul3A_235 : f32 to vector<1024xf32>
    %mul3A_237 = arith.mulf %reduce_sum3A_234, %mul3A_236 : vector<1024xf32>
    %add3A_238 = arith.addf %mul3A_237, %reduce_sum3A_232 : vector<1024xf32>
    %mul3A_239 = arith.constant 3.40282347E+38 : f32
    %mul3A_240 = vector.broadcast %mul3A_239 : f32 to vector<1024x1024xf32>
    %mul3A_241 = arith.mulf %convert_element_type3A_183, %mul3A_240 : vector<1024x1024xf32>
    %sub3A_242 = arith.subf %sub3A_176, %mul3A_241 : vector<1024x1024xf32>
    %reduce_max3A_243 = arith.constant dense<0xFF800000> : vector<1024xf32>
    %reduce_max3A_244 = vector.multi_reduction <maximumf>, %sub3A_242, %reduce_max3A_243 [1] : vector<1024x1024xf32> to vector<1024xf32>
    %broadcast_in_dim3A_245 = vector.shape_cast %reduce_max3A_244 : vector<1024xf32> to vector<1024x1xf32>
    %eq3A_246 = vector.broadcast %broadcast_in_dim3A_245 : vector<1024x1xf32> to vector<1024x1024xf32>
    %eq3A_247 = arith.cmpf oeq, %sub3A_242, %eq3A_246 : vector<1024x1024xf32>
    %convert_element_type3A_248 = arith.extui %eq3A_247 : vector<1024x1024xi1> to vector<1024x1024xi32>
    %convert_element_type3A_249 = arith.sitofp %convert_element_type3A_248 : vector<1024x1024xi32> to vector<1024x1024xf32>
    %slice3A_250 = vector.extract_strided_slice %convert_element_type3A_249 {offsets = [0, 0], sizes = [1024, 128], strides = [1, 1]} : vector<1024x1024xf32> to vector<1024x128xf32>
    %slice3A_251 = vector.extract_strided_slice %convert_element_type3A_249 {offsets = [0, 128], sizes = [1024, 128], strides = [1, 1]} : vector<1024x1024xf32> to vector<1024x128xf32>
    %slice3A_252 = vector.extract_strided_slice %convert_element_type3A_249 {offsets = [0, 256], sizes = [1024, 128], strides = [1, 1]} : vector<1024x1024xf32> to vector<1024x128xf32>
    %slice3A_253 = vector.extract_strided_slice %convert_element_type3A_249 {offsets = [0, 384], sizes = [1024, 128], strides = [1, 1]} : vector<1024x1024xf32> to vector<1024x128xf32>
    %slice3A_254 = vector.extract_strided_slice %convert_element_type3A_249 {offsets = [0, 512], sizes = [1024, 128], strides = [1, 1]} : vector<1024x1024xf32> to vector<1024x128xf32>
    %slice3A_255 = vector.extract_strided_slice %convert_element_type3A_249 {offsets = [0, 640], sizes = [1024, 128], strides = [1, 1]} : vector<1024x1024xf32> to vector<1024x128xf32>
    %slice3A_256 = vector.extract_strided_slice %convert_element_type3A_249 {offsets = [0, 768], sizes = [1024, 128], strides = [1, 1]} : vector<1024x1024xf32> to vector<1024x128xf32>
    %slice3A_257 = vector.extract_strided_slice %convert_element_type3A_249 {offsets = [0, 896], sizes = [1024, 128], strides = [1, 1]} : vector<1024x1024xf32> to vector<1024x128xf32>
    %broadcast_in_dim3A_258 = arith.constant 0.000000e+00 : f32
    %broadcast_in_dim3A_259 = vector.broadcast %broadcast_in_dim3A_258 : f32 to vector<1024x128xf32>
    %add3A_260 = arith.addf %slice3A_250, %slice3A_251 : vector<1024x128xf32>
    %mul3A_261 = arith.constant 1.000000e+00 : f32
    %mul3A_262 = vector.broadcast %mul3A_261 : f32 to vector<1024x128xf32>
    %mul3A_263 = arith.mulf %mul3A_262, %slice3A_251 : vector<1024x128xf32>
    %add3A_264 = arith.addf %broadcast_in_dim3A_259, %mul3A_263 : vector<1024x128xf32>
    %add3A_265 = arith.addf %add3A_260, %slice3A_252 : vector<1024x128xf32>
    %mul3A_266 = arith.constant 2.000000e+00 : f32
    %mul3A_267 = vector.broadcast %mul3A_266 : f32 to vector<1024x128xf32>
    %mul3A_268 = arith.mulf %mul3A_267, %slice3A_252 : vector<1024x128xf32>
    %add3A_269 = arith.addf %add3A_264, %mul3A_268 : vector<1024x128xf32>
    %add3A_270 = arith.addf %add3A_265, %slice3A_253 : vector<1024x128xf32>
    %mul3A_271 = arith.constant 3.000000e+00 : f32
    %mul3A_272 = vector.broadcast %mul3A_271 : f32 to vector<1024x128xf32>
    %mul3A_273 = arith.mulf %mul3A_272, %slice3A_253 : vector<1024x128xf32>
    %add3A_274 = arith.addf %add3A_269, %mul3A_273 : vector<1024x128xf32>
    %add3A_275 = arith.addf %add3A_270, %slice3A_254 : vector<1024x128xf32>
    %mul3A_276 = arith.constant 4.000000e+00 : f32
    %mul3A_277 = vector.broadcast %mul3A_276 : f32 to vector<1024x128xf32>
    %mul3A_278 = arith.mulf %mul3A_277, %slice3A_254 : vector<1024x128xf32>
    %add3A_279 = arith.addf %add3A_274, %mul3A_278 : vector<1024x128xf32>
    %add3A_280 = arith.addf %add3A_275, %slice3A_255 : vector<1024x128xf32>
    %mul3A_281 = arith.constant 5.000000e+00 : f32
    %mul3A_282 = vector.broadcast %mul3A_281 : f32 to vector<1024x128xf32>
    %mul3A_283 = arith.mulf %mul3A_282, %slice3A_255 : vector<1024x128xf32>
    %add3A_284 = arith.addf %add3A_279, %mul3A_283 : vector<1024x128xf32>
    %add3A_285 = arith.addf %add3A_280, %slice3A_256 : vector<1024x128xf32>
    %mul3A_286 = arith.constant 6.000000e+00 : f32
    %mul3A_287 = vector.broadcast %mul3A_286 : f32 to vector<1024x128xf32>
    %mul3A_288 = arith.mulf %mul3A_287, %slice3A_256 : vector<1024x128xf32>
    %add3A_289 = arith.addf %add3A_284, %mul3A_288 : vector<1024x128xf32>
    %add3A_290 = arith.addf %add3A_285, %slice3A_257 : vector<1024x128xf32>
    %mul3A_291 = arith.constant 7.000000e+00 : f32
    %mul3A_292 = vector.broadcast %mul3A_291 : f32 to vector<1024x128xf32>
    %mul3A_293 = arith.mulf %mul3A_292, %slice3A_257 : vector<1024x128xf32>
    %add3A_294 = arith.addf %add3A_289, %mul3A_293 : vector<1024x128xf32>
    %mul3A_295 = vector.broadcast %convert_element_type3A : vector<1x128xf32> to vector<1024x128xf32>
    %mul3A_296 = arith.mulf %add3A_290, %mul3A_295 : vector<1024x128xf32>
    %reduce_sum3A_297 = arith.constant dense<0.000000e+00> : vector<1024xf32>
    %reduce_sum3A_298 = vector.multi_reduction <add>, %mul3A_296, %reduce_sum3A_297 [1] : vector<1024x128xf32> to vector<1024xf32>
    %reduce_sum3A_299 = arith.constant dense<0.000000e+00> : vector<1024xf32>
    %reduce_sum3A_300 = vector.multi_reduction <add>, %add3A_294, %reduce_sum3A_299 [1] : vector<1024x128xf32> to vector<1024xf32>
    %mul3A_301 = arith.constant 1.280000e+02 : f32
    %mul3A_302 = vector.broadcast %mul3A_301 : f32 to vector<1024xf32>
    %mul3A_303 = arith.mulf %reduce_sum3A_300, %mul3A_302 : vector<1024xf32>
    %add3A_304 = arith.addf %mul3A_303, %reduce_sum3A_298 : vector<1024xf32>
    %sub3A_305 = arith.subf %reduce_max3A_52, %reduce_max3A_52 : vector<1024xf32>
    %exp3A = math.exp %sub3A_305 : vector<1024xf32>
    %sub3A_306 = arith.subf %reduce_max3A_112, %reduce_max3A_52 : vector<1024xf32>
    %exp3A_307 = math.exp %sub3A_306 : vector<1024xf32>
    %sub3A_308 = arith.subf %reduce_max3A_178, %reduce_max3A_52 : vector<1024xf32>
    %exp3A_309 = math.exp %sub3A_308 : vector<1024xf32>
    %sub3A_310 = arith.subf %reduce_max3A_244, %reduce_max3A_52 : vector<1024xf32>
    %exp3A_311 = math.exp %sub3A_310 : vector<1024xf32>
    %add3A_312 = arith.addf %exp3A, %exp3A_307 : vector<1024xf32>
    %add3A_313 = arith.addf %add3A_312, %exp3A_309 : vector<1024xf32>
    %add3A_314 = arith.addf %add3A_313, %exp3A_311 : vector<1024xf32>
    %div3A = arith.divf %exp3A, %add3A_314 : vector<1024xf32>
    %div3A_315 = arith.divf %exp3A_307, %add3A_314 : vector<1024xf32>
    %div3A_316 = arith.divf %exp3A_309, %add3A_314 : vector<1024xf32>
    %div3A_317 = arith.divf %exp3A_311, %add3A_314 : vector<1024xf32>
    %stack3A = vector.shape_cast %div3A : vector<1024xf32> to vector<1024x1xf32>
    %stack3A_318 = vector.shape_cast %div3A_315 : vector<1024xf32> to vector<1024x1xf32>
    %stack3A_319 = vector.shape_cast %div3A_316 : vector<1024xf32> to vector<1024x1xf32>
    %stack3A_320 = vector.shape_cast %div3A_317 : vector<1024xf32> to vector<1024x1xf32>
    %stack3A_321 = tpu.concatenate %stack3A, %stack3A_318, %stack3A_319, %stack3A_320 in 1 : vector<1024x1xf32>, vector<1024x1xf32>, vector<1024x1xf32>, vector<1024x1xf32> -> vector<1024x4xf32>
    %mul3A_322 = arith.constant 8 : i32
    %mul3A_323 = arith.muli %arg0, %mul3A_322 : i32
    %add3A_324 = arith.addi %mul3A_323, %arg1 : i32
    %mul3A_325 = arith.constant 1024 : i32
    %mul3A_326 = arith.muli %add3A_324, %mul3A_325 : i32
    %stack3A_327 = vector.shape_cast %add3A_107 : vector<1024xf32> to vector<1024x1xf32>
    %stack3A_328 = vector.shape_cast %add3A_172 : vector<1024xf32> to vector<1024x1xf32>
    %stack3A_329 = vector.shape_cast %add3A_238 : vector<1024xf32> to vector<1024x1xf32>
    %stack3A_330 = vector.shape_cast %add3A_304 : vector<1024xf32> to vector<1024x1xf32>
    %stack3A_331 = tpu.concatenate %stack3A_327, %stack3A_328, %stack3A_329, %stack3A_330 in 1 : vector<1024x1xf32>, vector<1024x1xf32>, vector<1024x1xf32>, vector<1024x1xf32> -> vector<1024x4xf32>
    %convert_element_type3A_332 = arith.fptosi %stack3A_331 : vector<1024x4xf32> to vector<1024x4xi32>
    %add3A_333 = vector.broadcast %mul3A_326 : i32 to vector<1024x4xi32>
    %add3A_334 = arith.addi %convert_element_type3A_332, %add3A_333 : vector<1024x4xi32>
    %broadcast_in_dim3A_335 = arith.constant 0.000000e+00 : f32
    %broadcast_in_dim3A_336 = vector.broadcast %broadcast_in_dim3A_335 : f32 to vector<1024x32xf32>
    %concatenate3A = tpu.concatenate %add3A_17, %broadcast_in_dim3A_336 in 1 : vector<1024x96xf32>, vector<1024x32xf32> -> vector<1024x128xf32>
    %swap3A = arith.constant 0 : index
    %swap3A_337 = arith.constant 0 : index
    %swap3A_338 = arith.constant 0 : index
    %swap3A_339 = arith.constant 0 : index
    %swap3A_340 = vector.load %arg5[%swap3A, %swap3A_337, %swap3A_338, %swap3A_339] : memref<1x1x1024x128xf32, #tpu.memory_space<vmem>>, vector<1x1x1024x128xf32>
    %swap3A_341 = vector.shape_cast %swap3A_340 : vector<1x1x1024x128xf32> to vector<1024x128xf32>
    %swap3A_342 = vector.shape_cast %concatenate3A : vector<1024x128xf32> to vector<1x1x1024x128xf32>
    tpu.vector_store %arg5[%swap3A, %swap3A_337, %swap3A_338, %swap3A_339], %swap3A_342 {strides = array<i32>} : memref<1x1x1024x128xf32, #tpu.memory_space<vmem>>, vector<1x1x1024x128xf32>,
    %concatenate3A_343 = tpu.concatenate %add3A_49, %broadcast_in_dim3A_336 in 1 : vector<1024x96xf32>, vector<1024x32xf32> -> vector<1024x128xf32>
    %swap3A_344 = arith.constant 0 : index
    %swap3A_345 = arith.constant 0 : index
    %swap3A_346 = arith.constant 0 : index
    %swap3A_347 = arith.constant 0 : index
    %swap3A_348 = vector.load %arg6[%swap3A_344, %swap3A_345, %swap3A_346, %swap3A_347] : memref<1x1x1024x128xf32, #tpu.memory_space<vmem>>, vector<1x1x1024x128xf32>
    %swap3A_349 = vector.shape_cast %swap3A_348 : vector<1x1x1024x128xf32> to vector<1024x128xf32>
    %swap3A_350 = vector.shape_cast %concatenate3A_343 : vector<1024x128xf32> to vector<1x1x1024x128xf32>
    tpu.vector_store %arg6[%swap3A_344, %swap3A_345, %swap3A_346, %swap3A_347], %swap3A_350 {strides = array<i32>} : memref<1x1x1024x128xf32, #tpu.memory_space<vmem>>, vector<1x1x1024x128xf32>,
    %swap3A_351 = arith.constant 0 : index
    %swap3A_352 = arith.constant 0 : index
    %swap3A_353 = arith.constant 0 : index
    %swap3A_354 = arith.constant 0 : index
    %swap3A_355 = vector.load %arg7[%swap3A_351, %swap3A_352, %swap3A_353, %swap3A_354] : memref<1x1x1024x4xf32, #tpu.memory_space<vmem>>, vector<1x1x1024x4xf32>
    %swap3A_356 = vector.shape_cast %swap3A_355 : vector<1x1x1024x4xf32> to vector<1024x4xf32>
    %swap3A_357 = vector.shape_cast %stack3A_321 : vector<1024x4xf32> to vector<1x1x1024x4xf32>
    tpu.vector_store %arg7[%swap3A_351, %swap3A_352, %swap3A_353, %swap3A_354], %swap3A_357 {strides = array<i32>} : memref<1x1x1024x4xf32, #tpu.memory_space<vmem>>, vector<1x1x1024x4xf32>,
    %swap3A_358 = arith.constant 0 : index
    %swap3A_359 = arith.constant 0 : index
    %swap3A_360 = arith.constant 0 : index
    %swap3A_361 = arith.constant 0 : index
    %swap3A_362 = vector.load %arg8[%swap3A_358, %swap3A_359, %swap3A_360, %swap3A_361] : memref<1x1x1024x4xi32, #tpu.memory_space<vmem>>, vector<1x1x1024x4xi32>
    %swap3A_363 = vector.shape_cast %swap3A_362 : vector<1x1x1024x4xi32> to vector<1024x4xi32>
    %swap3A_364 = vector.shape_cast %add3A_334 : vector<1024x4xi32> to vector<1x1x1024x4xi32>
    tpu.vector_store %arg8[%swap3A_358, %swap3A_359, %swap3A_360, %swap3A_361], %swap3A_364 {strides = array<i32>} : memref<1x1x1024x4xi32, #tpu.memory_space<vmem>>, vector<1x1x1024x4xi32>,
    return
  }
  func.func @transform_0(%arg0: i32, %arg1: i32) -> (i32, i32, i32) {
    %c0_i32 = arith.constant 0 : i32
    %c0_i32_0 = arith.constant 0 : i32
    %c0_i32_1 = arith.constant 0 : i32
    return %arg0, %c0_i32, %c0_i32_0 : i32, i32, i32
  }
  func.func @transform_1(%arg0: i32, %arg1: i32) -> (i32, i32, i32, i32) {
    %c0_i32 = arith.constant 0 : i32
    %c0_i32_0 = arith.constant 0 : i32
    %c0_i32_1 = arith.constant 0 : i32
    %c0_i32_2 = arith.constant 0 : i32
    return %c0_i32, %arg1, %c0_i32_0, %c0_i32_1 : i32, i32, i32, i32
  }
  func.func @transform_2(%arg0: i32, %arg1: i32) -> (i32, i32, i32, i32) {
    %c0_i32 = arith.constant 0 : i32
    %c0_i32_0 = arith.constant 0 : i32
    %c0_i32_1 = arith.constant 0 : i32
    %c0_i32_2 = arith.constant 0 : i32
    return %c0_i32, %arg1, %c0_i32_0, %c0_i32_1 : i32, i32, i32, i32
  }
  func.func @transform_3(%arg0: i32, %arg1: i32) -> (i32, i32, i32, i32) {
    %c0_i32 = arith.constant 0 : i32
    %c0_i32_0 = arith.constant 0 : i32
    %c0_i32_1 = arith.constant 0 : i32
    return %arg0, %arg1, %c0_i32, %c0_i32_0 : i32, i32, i32, i32
  }
  func.func @transform_4(%arg0: i32, %arg1: i32) -> (i32, i32, i32, i32) {
    %c0_i32 = arith.constant 0 : i32
    %c0_i32_0 = arith.constant 0 : i32
    %c0_i32_1 = arith.constant 0 : i32
    return %arg0, %arg1, %c0_i32, %c0_i32_0 : i32, i32, i32, i32
  }
  func.func @transform_5(%arg0: i32, %arg1: i32) -> (i32, i32, i32, i32) {
    %c0_i32 = arith.constant 0 : i32
    %c0_i32_0 = arith.constant 0 : i32
    %c0_i32_1 = arith.constant 0 : i32
    return %arg0, %arg1, %c0_i32, %c0_i32_0 : i32, i32, i32, i32
  }
  func.func @transform_6(%arg0: i32, %arg1: i32) -> (i32, i32, i32, i32) {
    %c0_i32 = arith.constant 0 : i32
    %c0_i32_0 = arith.constant 0 : i32
    %c0_i32_1 = arith.constant 0 : i32
    return %arg0, %arg1, %c0_i32, %c0_i32_0 : i32, i32, i32, i32
  }
}

</mosaic_0001>

<sc_bundles>
// kernel: kernel.10.cloned.1.call-start
scs
__scs_entry_jumppad:
0x0: {  	(pc) =	sbr.rel $0x88, $3  }
0x1: {  	(tag) =	ssettag $0x0;
	lr =	simm.s32 $0x1  }
0x2: {  	[smem:$0x3F9E] =	sst lr;
	_ =	strace $0xD0000000  }
0x3: {  	_ = 	snop  }
0x4: {  	_ = 	snop  }
0x5: {  	_ = 	snop  }
0x6: {  	_ = 	snop  }
0x7: {  	_ = 	snop  }
__scs_overlays_trampoline_lowered:
0x8: {  	[smem:$0x3FAD] =	sst s0  }
0x9: {  	[smem:$0x3FAE] =	sst s1  }
0xa: {  	[smem:$0x3FAF] =	sst s2  }
0xb: {  	[smem:$0x3FB0] =	sst s3  }
0xc: {  	[smem:$0x3FB1] =	sst s4  }
0xd: {  	[smem:$0x3FB2] =	sst s5  }
0xe: {  	[smem:$0x3FB3] =	sst s6  }
0xf: {  	[smem:$0x3FB4] =	sst s7  }
0x10: {  	[smem:$0x3FB5] =	sst s8  }
0x11: {  	[smem:$0x3FB6] =	sst s9;
	s0 =	simm.s32 @!p0 $0x0  }
0x12: {  	s1 =	sld [smem:$0x3F9C];
	s0 =	simm.s32 @p0 $0x1  }
0x13: {  	[smem:$0x3FB7] =	sst s0;
	s0 =	simm.s32 @!p1 $0x0  }
0x14: {  	s2 =	sld [smem:$0x3F9B];
	s0 =	simm.s32 @p1 $0x1  }
0x15: {  	[smem:$0x3FB8] =	sst s0;
	s0 =	simm.s32 @!p2 $0x0  }
0x16: {  	s3 =	sld [smem:$0x3FDB];
	s0 =	simm.s32 @p2 $0x1  }
0x17: {  	s4 =	simm.s32 $0x1BF5;
	[smem:$0x3FBA] =	sst s0  }
0x18: {  	s0 =	sld [smem:$0x3F9D];
	_ =	swait.ge [sflag:s4], $0x0  }
0x19: {  	s7 =	sld [smem:$0x3F9E]  }
0x1a: {  	s8 =	sadd.s32 $0xFFFFE003, lr  }
0x1b: {  	s9 =	sadd.s32 $0xFFFFFEF7, lr;
	s5 =	simm.s32 $0xFFFFFFFF;
	p2 =	slt.u32 s8, $0xFFFFF086  }
0x1c: {  	p1 =	slt.u32 s9, $0xF7A;
	s5 =	simm.s32 @!p2 $0x0  }
0x1d: {  	s5 =	simm.s32 @p1 $0x1;
	p0 =	seq.s32 s7, s2  }
0x1e: {  	s7 =	smul.u32 @!p0 $0xF7A, s2;
	p2 =	seq.s32 @!p0 s5, $0x0  }
0x1f: {  	s9 =	smul.u32 $0xF7A, s1;
	s8 =	simm.s32 @!p0 $0x1BF5;
	p2 =	por !p2, p0  }
0x20: {  	[sflag:s8] =	ssyncset.s32 @!p0 $0xFFFFF086;
	s6 =	sadd.s32 @!p0 s3, s7;
	s7 =	simm.s32 @!p0 $0x108  }
0x21: {  	s3 =	sadd.s32 s3, s9;
	s6 =	sadd.s32 @!p0 $0x88, s6;
	s7 =	simm.s32 @p2 $0x1082  }
0x22: {  	[simem:s7], [sflag:s8] =	dma.local @!p0 [hbm:s6], $0xF7A  }
0x23: {  	s9 =	sor.u32 $0xD0000000, s2;
	s6 =	simm.s32 $0x108;
	_ =	swait.ge @!p0 [sflag:s8], $0x0  }
0x24: {  	s3 =	sadd.s32 $0x88, s3;
	s6 =	simm.s32 @!p1 $0x1082;
	[sflag:s4] =	ssyncset.s32 $0xFFFFF086  }
0x25: {  	[simem:s6], [sflag:s4] =	dma.local [hbm:s3], $0xF7A  }
0x26: {  	[smem:$0x3F9E] =	sst s1;
	(tag) =	ssettag s2;
	_ =	strace s9  }
0x27: {  	s1 =	sld [smem:$0x3FAE]  }
0x28: {  	s2 =	sld [smem:$0x3FAF]  }
0x29: {  	s4 =	sld [smem:$0x3FB1]  }
0x2a: {  	p0 =	seq.s32 s5, $0x0;
	s5 =	sld [smem:$0x3FB2]  }
0x2b: {  	s6 =	sld [smem:$0x3FB3]  }
0x2c: {  	s7 =	sld [smem:$0x3FB4]  }
0x2d: {  	s3 =	simm.s32 $0x108;
	s8 =	sld [smem:$0x3FB5]  }
0x2e: {  	s3 =	simm.s32 @!p0 $0x1082;
	s9 =	sld [smem:$0x3FB6]  }
0x2f: {  	lr =	sadd.s32 s0, s3;
	s0 =	sld [smem:$0x3FAD]  }
0x30: {  	s3 =	sld [smem:$0x3FB0]  }
0x31: {  	[smem:$0x3FB9] =	sst s10  }
0x32: {  	s10 =	sld [smem:$0x3FB7];
	_ =	sdelay $0x3  }
0x33: {  	p0 =	seq.s32 s10, $0x1;
	s10 =	sld [smem:$0x3FB9];
	_ =	sdelay $0x3  }
0x34: {  	[smem:$0x3FB9] =	sst s10  }
0x35: {  	s10 =	sld [smem:$0x3FB8];
	_ =	sdelay $0x3  }
0x36: {  	p1 =	seq.s32 s10, $0x1;
	s10 =	sld [smem:$0x3FB9];
	_ =	sdelay $0x3  }
0x37: {  	[smem:$0x3FB9] =	sst s10  }
0x38: {  	s10 =	sld [smem:$0x3FBA]  }
0x39: {  	_ = 	snop;
	(pc) =	sbr.ind lr, $3  }
0x3a: {  	_ = 	snop  }
0x3b: {  	_ = 	snop  }
0x3c: {  	p2 =	seq.s32 s10, $0x1;
	s10 =	sld [smem:$0x3FB9]  }
0x3d: {  	_ =	shalt  }
0x3e: {  	_ =	shalt  }
0x3f: {  	_ =	shalt  }
0x40: {  	_ =	shalt  }
0x41: {  	_ =	shalt  }
0x42: {  	_ =	shalt  }
0x43: {  	_ =	shalt  }
0x44: {  	_ =	shalt  }
0x45: {  	_ =	shalt  }
0x46: {  	_ =	shalt  }
0x47: {  	_ =	shalt  }
0x48: {  	_ =	shalt  }
0x49: {  	_ =	shalt  }
0x4a: {  	_ =	shalt  }
0x4b: {  	_ =	shalt  }
0x4c: {  	_ =	shalt  }
0x4d: {  	_ =	shalt  }
0x4e: {  	_ =	shalt  }
0x4f: {  	_ =	shalt  }
0x50: {  	_ =	shalt  }
0x51: {  	_ =	shalt  }
0x52: {  	_ =	shalt  }
0x53: {  	_ =	shalt  }
0x54: {  	_ =	shalt  }
0x55: {  	_ =	shalt  }
0x56: {  	_ =	shalt  }
0x57: {  	_ =	shalt  }
0x58: {  	_ =	shalt  }
0x59: {  	_ =	shalt  }
0x5a: {  	_ =	shalt  }
0x5b: {  	_ =	shalt  }
0x5c: {  	_ =	shalt  }
0x5d: {  	_ =	shalt  }
0x5e: {  	_ =	shalt  }
0x5f: {  	_ =	shalt  }
0x60: {  	_ =	shalt  }
0x61: {  	_ =	shalt  }
0x62: {  	_ =	shalt  }
0x63: {  	_ =	shalt  }
0x64: {  	_ =	shalt  }
0x65: {  	_ =	shalt  }
0x66: {  	_ =	shalt  }
0x67: {  	_ =	shalt  }
0x68: {  	_ =	shalt  }
0x69: {  	_ =	shalt  }
0x6a: {  	_ =	shalt  }
0x6b: {  	_ =	shalt  }
0x6c: {  	_ =	shalt  }
0x6d: {  	_ =	shalt  }
0x6e: {  	_ =	shalt  }
0x6f: {  	_ =	shalt  }
0x70: {  	_ =	shalt  }
0x71: {  	_ =	shalt  }
0x72: {  	_ =	shalt  }
0x73: {  	_ =	shalt  }
0x74: {  	_ =	shalt  }
0x75: {  	_ =	shalt  }
0x76: {  	_ =	shalt  }
0x77: {  	_ =	shalt  }
0x78: {  	_ =	shalt  }
0x79: {  	_ =	shalt  }
0x7a: {  	_ =	shalt  }
0x7b: {  	_ =	shalt  }
0x7c: {  	_ =	shalt  }
0x7d: {  	_ =	shalt  }
0x7e: {  	_ =	shalt  }
0x7f: {  	_ =	shalt  }
0x80: {  	_ =	shalt  }
0x81: {  	_ =	shalt  }
0x82: {  	_ =	shalt  }
0x83: {  	_ =	shalt  }
0x84: {  	_ =	shalt  }
0x85: {  	_ =	shalt  }
0x86: {  	_ =	shalt  }
0x87: {  	_ =	shalt  }
.Lfunc_end0:
.L_simem_size_0:
called_computation_lowered:
.L_overlay_start_0:
0x88: {  	s2 =	sld [smem:$0x3FD9]  }
0x89: {  	s3 =	sld [smem:$0x3FFE];
	_ =	sdelay $0x1  }
0x8a: {  	s1 =	srdreg.scid  }
0x8b: {  	s0 =	sand.u32 $0x1, s1  }
0x8c: {  	s16 =	sshll.u32 s0, $0xA;
	s2 =	sadd.s32 s3, s2  }
0x8d: {  	s2 =	sadd.s32 s2, s16  }
0x8e: {  	[smem:$0x3FC5] =	sst s2  }
0x8f: {  	_ = 	snop  }
0x90: {  	(tm) =	ssettm $0x1  }
0x91: {  	s17 =	sld [smem:$0x3FFB];
	_ =	sdelay $0x3  }
0x92: {  	_ =	strace s17  }
0x93: {  	s2 =	sld [smem:$0x3FFC];
	_ =	sdelay $0x3  }
0x94: {  	_ =	strace s2  }
0x95: {  	s2 =	sld [smem:$0x3FFD];
	_ =	sdelay $0x3  }
0x96: {  	_ =	strace s2  }
0x97: {  	_ =	strace $0x8FFFFFFF  }
0x98: {  	s18 =	sld [smem:$0x3FDB];
	_ =	sdelay $0x1  }
0x99: {  	s19 =	simm.s32 $_scs_section_size  }
0x9a: {  	s4 =	simm.s32 $_size__tile_overlayer_lowered;
	s5 =	simm.s32 $_tile_overlayer_lowered  }
0x9b: {  	s22 =	simm.s32 $0x1BFF;
	s21 =	sshll.u32 s5, $0x1;
	s2 =	sadd.s32 s19, s18  }
0x9c: {  	s6 =	simm.s32 $0x0;
	s20 =	sshll.u32 s4, $0x1;
	s4 =	sadd.s32 s21, s2  }
0x9d: {  	[timem:s6], [sflag:s22] =	dma.local [hbm:s4], s20  }
0x9e: {  	_ =	swait.ge [sflag:s22], s20  }
0x9f: {  	s3 =	ssub.s32 $0x0, s20;
	[sflag:s22] =	ssyncset.done $0x0  }
0xa0: {  	[sflag:s22] =	ssyncadd.s32 s3;
	_ =	sdelay $0x1  }
0xa1: {  	s23 =	simm.s32 $0x1B8B  }
0xa2: {  	_ =	swait.ge [sflag:s23], $0x1  }
0xa3: {  	[sflag:s23] =	ssyncset.done $0x0  }
0xa4: {  	s25 =	simm.s32 $0x1B8E;
	s24 =	sld [smem:$0x3FFE];
	[sflag:s23] =	ssyncadd.s32 $0xFFFFFFFF  }
0xa5: {  	s26 =	simm.s32 $execute0_lowered;
	[smem:$0x3FD2] =	sst s25  }
0xa6: {  	s4 =	sshll.u32 s26, $0x1;
	_ =	strace $0x80000046;
	[dreg:$0x1] =	wrdreg $0xFFFFFFFF  }
0xa7: {  	s28 =	simm.s32 $_size_execute0_lowered;
	s2 =	sadd.s32 s2, s4;
	[dreg:$0x0] =	wrdreg $0x0  }
0xa8: {  	s4 =	sshll.u32 s28, $0x1;
	[dreg:$0x2] =	wrdreg s2  }
0xa9: {  	[dreg:$0x3] =	wrdreg s4  }
0xaa: {  	[dreg:$0x4] =	wrdreg $0xC0  }
0xab: {  	_ =	task [dreg:s6], $0x5FFFF  }
0xac: {  	[dreg:$0x1] =	wrdreg $0xFFFFFFFF  }
0xad: {  	[dreg:$0x0] =	wrdreg $0x60  }
0xae: {  	[dreg:$0x2] =	wrdreg s24  }
0xaf: {  	[dreg:$0x3] =	wrdreg $0x9  }
0xb0: {  	_ =	task.clear_ibuf [dreg:s6], $0x4FFFF;
	_ =	strace $0x90000046  }
0xb1: {  	s29 =	simm.s32 $0x9;
	_ =	strace $0x80000048  }
0xb2: {  	_ =	swait.ge [sflag:s29], $0x1  }
0xb3: {  	[sflag:s29] =	ssyncadd.s32 $0xFFFFFFFF  }
0xb4: {  	_ =	strace $0x90000048  }
0xb5: {  	_ =	sfence  }
0xb6: {  	s30 =	sld [smem:$0x0];
	_ =	sdelay $0x2  }
0xb7: {  	s31 =	sshll.u32 s1, $0xD;
	s1 =	sshrl.u32 s1, $0x2  }
0xb8: {  	s3 =	sand.u32 $0x4000, s31;
	s1 =	sadd.s32 s1, s30  }
0xb9: {  	s0 =	sor.u32 s3, s0;
	s1 =	sshll.u32 s1, $0x11  }
0xba: {  	s0 =	sor.u32 s1, s0  }
0xbb: {  	s0 =	sadd.s32 $0x8F2B, s0  }
0xbc: {  	[sflag:s0] =	ssyncadd.remote.s32 $0x1  }
0xbd: {  	_ =	sfence.sel $0xFFFF  }
0xbe: {  	[dreg:$0x0] =	wrdreg $0xFFFFFFFF;
	(pc) =	sbr.abs _section_cstart, $3  }
0xbf: {  	[dreg:$0x1] =	wrdreg $0xFFFFFFFF  }
0xc0: {  	_ =	task.clear_ibuf [dreg:s6], $0x2FFFF;
	_ =	strace $0x9FFFFFFF  }
0xc1: {  	(tm) =	ssettm $0x7FFFFFFF  }
tec
execute0_lowered:
.L_overlay_start_1:
0x0: {  	(tag) =	ssettag $0x1  }
0x1: {  	s0 =	rddreg [dreg:$0x0];
	s2 =	simm.s32 $0x0  }
0x2: {  	s1 =	srdreg.scid;
	s3 =	stileid.u32;
	s14 =	simm.s32 $0x3  }
0x3: {  	s16 =	simm.s32 $0x10880;
	s17 =	simm.s32 $0x80;
	s18 =	simm.s32 $0x880  }
0x4: {  	s19 =	simm.s32 $0x4880;
	s20 =	simm.s32 $0x12880;
	s21 =	simm.s32 $0x8880  }
0x5: {  	s22 =	simm.s32 $0xC880;
	s23 =	simm.s32 $0x1;
	s24 =	simm.s32 $0x14880  }
0x6: {  	s25 =	simm.s32 $0x2;
	s26 =	simm.s32 $0x0;
	[smem:$0x7FF] =	sst s2  }
0x7: {  	s1 =	sand.u32 $0x1, s1;
	s3 =	sshll.u32 s3, $0x1;
	s10 =	sadd.s32 $0x23C00, s0  }
0x8: {  	s12 =	sadd.s32 $0x24400, s0;
	_ =	strace $0x80000047;
	s6 =	sor.u32 s1, s3  }
0x9: {  	s3 =	sadd.s32 $0x3800, s0;
	s1 =	ssub.s32 $0x2, s1;
	s4 =	sshll.u32 s6, $0xC  }
0xa: {  	s5 =	sshll.u32 s6, $0x7;
	s7 =	sshrl.u32 s1, $0x1;
	s6 =	sshll.u32 s6, $0x8  }
0xb: {  	s11 =	sadd.s32 s4, s0;
	s8 =	sadd.s32 s5, s0;
	s5 =	sadd.s32 $0x45800, s0  }
0xc: {  	s1 =	ssub.s32 s1, s7;
	s7 =	sadd.s32 $0x44800, s8;
	s8 =	sadd.s32 $0x43800, s8  }
0xd: {  	s9 =	sadd.s32 $0x23800, s11;
	s11 =	sadd.s32 $0x24000, s11;
	s13 =	smax.u32 s1, $0x1  }
.LBB2_1:
0xe: {  	[tilespmem:s2], [sflag:$0x3] =	stream.linear.gather [hbm4b:s7+s2], $0x400, $0x38;
	[tilespmem:$0x16880] =	vst v63  }
0xf: {  	_ =	swait.ge [sflag:s14], $0x400  }
0x10: {  	[sflag:s14] =	ssyncset.done $0x0  }
0x11: {  	s0 =	simm.s32 $0x400;
	[sflag:s14] =	ssyncadd.s32 $0xFFFFFC00  }
0x12: {  	[tilespmem:s0], [sflag:$0x3] =	stream.linear.gather [hbm4b:s8+s2], $0x400, $0x38;
	[tilespmem:$0x16880] =	vst v63  }
0x13: {  	_ =	swait.ge [sflag:s14], $0x400  }
0x14: {  	[sflag:s14] =	ssyncset.done $0x0  }
0x15: {  	[sflag:s14] =	ssyncadd.s32 $0xFFFFFC00  }
0x16: {  	[tilespmem:s16], [sflag:$0x1] =	stream.linear.gather [hbm4b:s9+s2], $0x2000, $0x38;
	[tilespmem:$0x16880] =	vst v63  }
0x17: {  	p1 =	por $0x1, $0x1;
	s1 =	simm.s32 $0x100  }
0x18: {  	[tilespmem:s18], [sflag:$0x1] =	stream.indirect.gather [hbm4b:s3+s17], $0x80, s2, s17, $0xb8;
	[tilespmem:$0x16880] =	vst v63  }
0x19: {  	s29 =	smov.u32 s10;
	s28 =	simm.s32 $0x0;
	s0 =	simm.s32 $0x180  }
0x1a: {  	[tilespmem:s19], [sflag:$0x1] =	stream.indirect.gather [hbm4b:s3+s17], $0x80, s17, s17, $0xb8;
	[tilespmem:$0x16880] =	vst v63  }
.LBB2_2:
0x1b: {  	s29 =	sadd.s32 s4, s29;
	s30 =	simm.s32 $0x0  }
0x1c: {  	[tilespmem:s20], [sflag:$0x2] =	stream.linear.gather [hbm4b:s29+s30], $0x2000, $0x38;
	[tilespmem:$0x16880] =	vst v63  }
0x1d: {  	_ = 	snop  }
0x1e: {  	[tilespmem:s21], [sflag:$0x2] =	stream.indirect.gather [hbm4b:s3+s17], $0x80, s1, s17, $0xb8;
	[tilespmem:$0x16880] =	vst v63  }
0x1f: {  	_ = 	snop  }
0x20: {  	[tilespmem:s22], [sflag:$0x2] =	stream.indirect.gather [hbm4b:s3+s17], $0x80, s0, s17, $0xb8;
	[tilespmem:$0x16880] =	vst v63  }
0x21: {  	_ =	swait.ge [sflag:s23], $0x2000  }
0x22: {  	[sflag:s23] =	ssyncset.done $0x0  }
0x23: {  	[sflag:s23] =	ssyncadd.s32 $0xFFFFE000  }
0x24: {  	_ =	swait.ge [sflag:s23], $0x4000  }
0x25: {  	[sflag:s23] =	ssyncset.done $0x0  }
0x26: {  	[sflag:s23] =	ssyncadd.s32 $0xFFFFC000  }
0x27: {  	s15 =	sshll.u32 s28, $0x4;
	_ =	swait.ge [sflag:s23], $0x4000  }
0x28: {  	s29 =	sshra.s32 s15, $0x2;
	[sflag:s23] =	ssyncset.done $0x0  }
0x29: {  	s30 =	sadd.s32 $0x400, s29;
	[sflag:s23] =	ssyncadd.s32 $0xFFFFC000  }
0x2a: {  	s31 =	simm.s32 $0x980;
	v1 =	vld [tilespmem:s30+$0x0]  }
0x2b: {  	v4 =	vld [tilespmem:s31+$0xFFFFFF00]  }
0x2c: {  	v5 =	vld [tilespmem:s31+$0xFFFFFF80];
	_ =	sdelay $0x1  }
0x2d: {  	v6 =	vld [tilespmem:s31+$0x0]  }
0x2e: {  	v3 =	vbroadcast v1, $0x0;
	v2 =	vbroadcast v1, $0x1  }
0x2f: {  	v7 =	vld [tilespmem:s31+$0x80];
	v0 =	vbroadcast v1, $0x2  }
0x30: {  	v4 =	vmul.f32 v4, v3;
	v5 =	vmul.f32 v5, v2;
	_ =	sdelay $0x1  }
0x31: {  	s0 =	simm.s32 $0x0;
	v1 =	vbroadcast v1, $0x3;
	v4 =	vadd.f32 v5, v4;
	v5 =	vmul.f32 v6, v0  }
0x32: {  	v6 =	vld [tilespmem:s0+$0x10880]  }
0x33: {  	v4 =	vadd.f32 v5, v4;
	v5 =	vmul.f32 v7, v1;
	_ =	sdelay $0x1  }
0x34: {  	v4 =	vadd.f32 v5, v4;
	_ =	sdelay $0x1  }
0x35: {  	v4 =	vmul.f32 v4, v6;
	_ =	sdelay $0x1  }
0x36: {  	[tilespmem:s0+$0x14880] =	vst v4  }
0x37: {  	v4 =	vld [tilespmem:s31+$0xFFFFFF10]  }
0x38: {  	v5 =	vld [tilespmem:s31+$0xFFFFFF90];
	_ =	sdelay $0x1  }
0x39: {  	v6 =	vld [tilespmem:s31+$0x10];
	_ =	sdelay $0x1  }
0x3a: {  	v7 =	vld [tilespmem:s31+$0x90]  }
0x3b: {  	v4 =	vmul.f32 v4, v3;
	v5 =	vmul.f32 v5, v2;
	_ =	sdelay $0x1  }
0x3c: {  	v4 =	vadd.f32 v5, v4;
	v5 =	vmul.f32 v6, v0  }
0x3d: {  	v6 =	vld [tilespmem:s0+$0x10890]  }
0x3e: {  	v4 =	vadd.f32 v5, v4;
	v5 =	vmul.f32 v7, v1;
	_ =	sdelay $0x1  }
0x3f: {  	v4 =	vadd.f32 v5, v4;
	_ =	sdelay $0x1  }
0x40: {  	v4 =	vmul.f32 v4, v6;
	_ =	sdelay $0x1  }
0x41: {  	[tilespmem:s0+$0x14890] =	vst v4  }
0x42: {  	v4 =	vld [tilespmem:s31+$0xFFFFFF20]  }
0x43: {  	v5 =	vld [tilespmem:s31+$0xFFFFFFA0];
	_ =	sdelay $0x1  }
0x44: {  	v6 =	vld [tilespmem:s31+$0x20];
	_ =	sdelay $0x1  }
0x45: {  	v7 =	vld [tilespmem:s31+$0xA0]  }
0x46: {  	v4 =	vmul.f32 v4, v3;
	v5 =	vmul.f32 v5, v2;
	_ =	sdelay $0x1  }
0x47: {  	v4 =	vadd.f32 v5, v4;
	v5 =	vmul.f32 v6, v0  }
0x48: {  	v6 =	vld [tilespmem:s0+$0x108A0]  }
0x49: {  	v4 =	vadd.f32 v5, v4;
	v5 =	vmul.f32 v7, v1;
	_ =	sdelay $0x1  }
0x4a: {  	v4 =	vadd.f32 v5, v4;
	_ =	sdelay $0x1  }
0x4b: {  	v4 =	vmul.f32 v4, v6;
	_ =	sdelay $0x1  }
0x4c: {  	[tilespmem:s0+$0x148A0] =	vst v4  }
0x4d: {  	v4 =	vld [tilespmem:s31+$0xFFFFFFB0]  }
0x4e: {  	v5 =	vld [tilespmem:s31+$0xFFFFFF30];
	_ =	sdelay $0x1  }
0x4f: {  	v6 =	vld [tilespmem:s31+$0x30];
	_ =	sdelay $0x1  }
0x50: {  	v7 =	vld [tilespmem:s31+$0xB0]  }
0x51: {  	v4 =	vmul.f32 v4, v2;
	v5 =	vmul.f32 v5, v3;
	_ =	sdelay $0x1  }
0x52: {  	v4 =	vadd.f32 v4, v5;
	v5 =	vmul.f32 v6, v0  }
0x53: {  	v6 =	vld [tilespmem:s0+$0x108B0]  }
0x54: {  	v4 =	vadd.f32 v5, v4;
	v5 =	vmul.f32 v7, v1;
	_ =	sdelay $0x1  }
0x55: {  	v4 =	vadd.f32 v5, v4;
	_ =	sdelay $0x1  }
0x56: {  	v4 =	vmul.f32 v4, v6;
	_ =	sdelay $0x1  }
0x57: {  	[tilespmem:s0+$0x148B0] =	vst v4  }
0x58: {  	v4 =	vld [tilespmem:s31+$0xFFFFFFC0]  }
0x59: {  	v5 =	vld [tilespmem:s31+$0xFFFFFF40];
	_ =	sdelay $0x1  }
0x5a: {  	v6 =	vld [tilespmem:s31+$0x40];
	_ =	sdelay $0x1  }
0x5b: {  	v7 =	vld [tilespmem:s31+$0xC0]  }
0x5c: {  	v4 =	vmul.f32 v4, v2;
	v5 =	vmul.f32 v5, v3;
	_ =	sdelay $0x1  }
0x5d: {  	v6 =	vmul.f32 v6, v0;
	v4 =	vadd.f32 v4, v5  }
0x5e: {  	v5 =	vld [tilespmem:s0+$0x108C0]  }
0x5f: {  	v7 =	vmul.f32 v7, v1;
	v4 =	vadd.f32 v6, v4;
	_ =	sdelay $0x1  }
0x60: {  	v4 =	vadd.f32 v7, v4;
	_ =	sdelay $0x1  }
0x61: {  	v4 =	vmul.f32 v4, v5;
	_ =	sdelay $0x1  }
0x62: {  	[tilespmem:s0+$0x148C0] =	vst v4  }
0x63: {  	v7 =	vld [tilespmem:s31+$0xFFFFFF50]  }
0x64: {  	v6 =	vld [tilespmem:s31+$0xFFFFFFD0]  }
0x65: {  	v5 =	vld [tilespmem:s31+$0x50]  }
0x66: {  	p0 =	por p1, p1;
	s1 =	simm.s32 $0x200;
	v4 =	vld [tilespmem:s31+$0xD0]  }
.LBB2_3:
0x67: {  	_ = 	snop  }
0x68: {  	p1 =	sne.s32 s1, $0x7E00;
	s30 =	sadd.s32 $0x4, s30;
	s31 =	sadd.s32 $0x200, s31;
	v3 =	vmul.f32 v7, v3  }
0x69: {  	s15 =	smov.u32 s1;
	s1 =	sadd.s32 $0x200, s1;
	v2 =	vmul.f32 v6, v2  }
0x6a: {  	v0 =	vmul.f32 v5, v0  }
0x6b: {  	v2 =	vadd.f32 v2, v3;
	v1 =	vmul.f32 v4, v1;
	v3 =	vld [tilespmem:s0+$0x108D0];
	_ =	sdelay $0x1  }
0x6c: {  	v0 =	vadd.f32 v0, v2;
	_ =	sdelay $0x1  }
0x6d: {  	v0 =	vadd.f32 v1, v0;
	_ =	sdelay $0x1  }
0x6e: {  	v0 =	vmul.f32 v0, v3;
	_ =	sdelay $0x1  }
0x6f: {  	[tilespmem:s0+$0x148D0] =	vst v0  }
0x70: {  	v1 =	vld [tilespmem:s30+$0x0]  }
0x71: {  	v4 =	vld [tilespmem:s31+$0xFFFFFF00]  }
0x72: {  	v5 =	vld [tilespmem:s31+$0xFFFFFF80];
	_ =	sdelay $0x1  }
0x73: {  	v6 =	vld [tilespmem:s31+$0x0]  }
0x74: {  	v3 =	vbroadcast v1, $0x0;
	v2 =	vbroadcast v1, $0x1  }
0x75: {  	v0 =	vbroadcast v1, $0x2;
	v1 =	vbroadcast v1, $0x3;
	v7 =	vld [tilespmem:s31+$0x80]  }
0x76: {  	v4 =	vmul.f32 v4, v3;
	v5 =	vmul.f32 v5, v2;
	_ =	sdelay $0x1  }
0x77: {  	s0 =	sshra.s32 s15, $0x2;
	v4 =	vadd.f32 v5, v4;
	v5 =	vmul.f32 v6, v0  }
0x78: {  	v6 =	vld [tilespmem:s0+$0x10880]  }
0x79: {  	v4 =	vadd.f32 v5, v4;
	v5 =	vmul.f32 v7, v1;
	_ =	sdelay $0x1  }
0x7a: {  	v4 =	vadd.f32 v5, v4;
	_ =	sdelay $0x1  }
0x7b: {  	v4 =	vmul.f32 v4, v6;
	_ =	sdelay $0x1  }
0x7c: {  	[tilespmem:s0+$0x14880] =	vst v4  }
0x7d: {  	v4 =	vld [tilespmem:s31+$0xFFFFFF10]  }
0x7e: {  	v5 =	vld [tilespmem:s31+$0xFFFFFF90];
	_ =	sdelay $0x1  }
0x7f: {  	v6 =	vld [tilespmem:s31+$0x10];
	_ =	sdelay $0x1  }
0x80: {  	v4 =	vmul.f32 v4, v3;
	v7 =	vld [tilespmem:s31+$0x90]  }
0x81: {  	v5 =	vmul.f32 v5, v2;
	_ =	sdelay $0x1  }
0x82: {  	v4 =	vadd.f32 v5, v4;
	v5 =	vmul.f32 v6, v0  }
0x83: {  	v6 =	vld [tilespmem:s0+$0x10890]  }
0x84: {  	v4 =	vadd.f32 v5, v4;
	v5 =	vmul.f32 v7, v1;
	_ =	sdelay $0x1  }
0x85: {  	v4 =	vadd.f32 v5, v4;
	_ =	sdelay $0x1  }
0x86: {  	v4 =	vmul.f32 v4, v6;
	_ =	sdelay $0x1  }
0x87: {  	[tilespmem:s0+$0x14890] =	vst v4  }
0x88: {  	v4 =	vld [tilespmem:s31+$0xFFFFFF20]  }
0x89: {  	v5 =	vld [tilespmem:s31+$0xFFFFFFA0];
	_ =	sdelay $0x1  }
0x8a: {  	v6 =	vld [tilespmem:s31+$0x20];
	_ =	sdelay $0x1  }
0x8b: {  	v4 =	vmul.f32 v4, v3;
	v7 =	vld [tilespmem:s31+$0xA0]  }
0x8c: {  	v5 =	vmul.f32 v5, v2;
	_ =	sdelay $0x1  }
0x8d: {  	v4 =	vadd.f32 v5, v4;
	v5 =	vmul.f32 v6, v0  }
0x8e: {  	v6 =	vld [tilespmem:s0+$0x108A0]  }
0x8f: {  	v4 =	vadd.f32 v5, v4;
	v5 =	vmul.f32 v7, v1;
	_ =	sdelay $0x1  }
0x90: {  	v4 =	vadd.f32 v5, v4;
	_ =	sdelay $0x1  }
0x91: {  	v4 =	vmul.f32 v4, v6;
	_ =	sdelay $0x1  }
0x92: {  	[tilespmem:s0+$0x148A0] =	vst v4  }
0x93: {  	v4 =	vld [tilespmem:s31+$0xFFFFFFB0]  }
0x94: {  	v5 =	vld [tilespmem:s31+$0xFFFFFF30];
	_ =	sdelay $0x1  }
0x95: {  	v6 =	vld [tilespmem:s31+$0x30];
	_ =	sdelay $0x1  }
0x96: {  	v4 =	vmul.f32 v4, v2;
	v7 =	vld [tilespmem:s31+$0xB0]  }
0x97: {  	v5 =	vmul.f32 v5, v3;
	_ =	sdelay $0x1  }
0x98: {  	v4 =	vadd.f32 v4, v5;
	v5 =	vmul.f32 v6, v0  }
0x99: {  	v6 =	vld [tilespmem:s0+$0x108B0]  }
0x9a: {  	v4 =	vadd.f32 v5, v4;
	v5 =	vmul.f32 v7, v1;
	_ =	sdelay $0x1  }
0x9b: {  	v4 =	vadd.f32 v5, v4;
	_ =	sdelay $0x1  }
0x9c: {  	v4 =	vmul.f32 v4, v6;
	_ =	sdelay $0x1  }
0x9d: {  	[tilespmem:s0+$0x148B0] =	vst v4  }
0x9e: {  	v4 =	vld [tilespmem:s31+$0xFFFFFFC0]  }
0x9f: {  	v5 =	vld [tilespmem:s31+$0xFFFFFF40]  }
0xa0: {  	v6 =	vld [tilespmem:s31+$0x40]  }
0xa1: {  	v7 =	vld [tilespmem:s31+$0xC0];
	_ =	sdelay $0x1  }
0xa2: {  	v4 =	vmul.f32 v4, v2  }
0xa3: {  	v5 =	vmul.f32 v5, v3  }
0xa4: {  	v6 =	vmul.f32 v6, v0  }
0xa5: {  	v4 =	vadd.f32 v4, v5;
	v5 =	vmul.f32 v7, v1  }
0xa6: {  	v7 =	vld [tilespmem:s0+$0x108C0]  }
0xa7: {  	v4 =	vadd.f32 v6, v4;
	_ =	sdelay $0x1  }
0xa8: {  	v4 =	vadd.f32 v5, v4;
	_ =	sdelay $0x1  }
0xa9: {  	v4 =	vmul.f32 v4, v7;
	_ =	sdelay $0x1  }
.Ltmp0:
0xaa: {  	[tilespmem:s0+$0x148C0] =	vst v4;
	(pc) =	sbr.rel @p1 .LBB2_3-.Ltmp0, $4  }
0xab: {  	v7 =	vld [tilespmem:s31+$0xFFFFFF50]  }
0xac: {  	v6 =	vld [tilespmem:s31+$0xFFFFFFD0]  }
0xad: {  	v5 =	vld [tilespmem:s31+$0x50]  }
0xae: {  	v4 =	vld [tilespmem:s31+$0xD0]  }
0xaf: {  	_ =	sdelay $0x1  }
0xb0: {  	v3 =	vmul.f32 v7, v3;
	v2 =	vmul.f32 v6, v2;
	_ =	sdelay $0x1  }
0xb1: {  	v0 =	vmul.f32 v5, v0;
	v2 =	vadd.f32 v2, v3  }
0xb2: {  	v3 =	vld [tilespmem:s0+$0x108D0]  }
0xb3: {  	v1 =	vmul.f32 v4, v1;
	v0 =	vadd.f32 v0, v2;
	_ =	sdelay $0x1  }
0xb4: {  	v0 =	vadd.f32 v1, v0;
	_ =	sdelay $0x1  }
0xb5: {  	s1 =	sor.u32 s6, s28;
	v0 =	vmul.f32 v0, v3  }
0xb6: {  	s1 =	sshll.u32 s1, $0x4  }
0xb7: {  	s31 =	sadd.s32 s5, s1;
	[tilespmem:s0+$0x148D0] =	vst v0  }
0xb8: {  	[hbm4b:s31+s2] =	stream.linear.scatter [tilespmem:s24], [sflag:$0x3], $0x2000, $0x38;
	[tilespmem:$0x16880] =	vst v63  }
0xb9: {  	_ =	swait.ge [sflag:s14], $0x2000  }
0xba: {  	[sflag:s14] =	ssyncset.done $0x0  }
0xbb: {  	s1 =	simm.s32 @p0 $0x10880;
	s0 =	simm.s32 @p0 $0x0;
	[sflag:s14] =	ssyncadd.s32 $0xFFFFE000  }
0xbc: {  	[tilespmem:s1], [sflag:$0x1] =	stream.linear.gather @p0 [hbm4b:s11+s0], $0x2000, $0x38;
	[tilespmem:$0x16880] =	vst v63  }
0xbd: {  	s15 =	simm.s32 @p0 $0x880;
	s0 =	simm.s32 @p0 $0x80;
	s1 =	simm.s32 @p0 $0x200  }
0xbe: {  	[tilespmem:s15], [sflag:$0x1] =	stream.indirect.gather @p0 [hbm4b:s3+s0], $0x80, s1, s0, $0xb8;
	[tilespmem:$0x16880] =	vst v63  }
0xbf: {  	s1 =	simm.s32 @p0 $0x280;
	s15 =	simm.s32 @p0 $0x4880  }
0xc0: {  	[tilespmem:s15], [sflag:$0x1] =	stream.indirect.gather @p0 [hbm4b:s3+s0], $0x80, s1, s0, $0xb8;
	[tilespmem:$0x16880] =	vst v63  }
0xc1: {  	_ =	swait.ge [sflag:s25], $0x2000  }
0xc2: {  	[sflag:s25] =	ssyncset.done $0x0  }
0xc3: {  	[sflag:s25] =	ssyncadd.s32 $0xFFFFE000  }
0xc4: {  	_ =	swait.ge [sflag:s25], $0x4000  }
0xc5: {  	[sflag:s25] =	ssyncset.done $0x0  }
0xc6: {  	[sflag:s25] =	ssyncadd.s32 $0xFFFFC000  }
0xc7: {  	_ =	swait.ge [sflag:s25], $0x4000  }
0xc8: {  	[sflag:s25] =	ssyncset.done $0x0  }
0xc9: {  	s29 =	sadd.s32 $0x500, s29;
	[sflag:s25] =	ssyncadd.s32 $0xFFFFC000  }
0xca: {  	s30 =	simm.s32 $0x8980;
	v1 =	vld [tilespmem:s29+$0x0]  }
0xcb: {  	v4 =	vld [tilespmem:s30+$0xFFFFFF00]  }
0xcc: {  	v5 =	vld [tilespmem:s30+$0xFFFFFF80];
	_ =	sdelay $0x1  }
0xcd: {  	v6 =	vld [tilespmem:s30+$0x0]  }
0xce: {  	v3 =	vbroadcast v1, $0x0;
	v2 =	vbroadcast v1, $0x1  }
0xcf: {  	v7 =	vld [tilespmem:s30+$0x80];
	v0 =	vbroadcast v1, $0x2  }
0xd0: {  	v4 =	vmul.f32 v4, v3;
	v5 =	vmul.f32 v5, v2;
	_ =	sdelay $0x1  }
0xd1: {  	s0 =	simm.s32 $0x0;
	v1 =	vbroadcast v1, $0x3;
	v4 =	vadd.f32 v5, v4;
	v5 =	vmul.f32 v6, v0  }
0xd2: {  	v6 =	vld [tilespmem:s0+$0x12880]  }
0xd3: {  	v4 =	vadd.f32 v5, v4;
	v5 =	vmul.f32 v7, v1;
	_ =	sdelay $0x1  }
0xd4: {  	v4 =	vadd.f32 v5, v4;
	_ =	sdelay $0x1  }
0xd5: {  	v4 =	vmul.f32 v4, v6;
	_ =	sdelay $0x1  }
0xd6: {  	[tilespmem:s0+$0x14880] =	vst v4  }
0xd7: {  	v4 =	vld [tilespmem:s30+$0xFFFFFF10]  }
0xd8: {  	v5 =	vld [tilespmem:s30+$0xFFFFFF90];
	_ =	sdelay $0x1  }
0xd9: {  	v6 =	vld [tilespmem:s30+$0x10];
	_ =	sdelay $0x1  }
0xda: {  	v7 =	vld [tilespmem:s30+$0x90]  }
0xdb: {  	v4 =	vmul.f32 v4, v3;
	v5 =	vmul.f32 v5, v2;
	_ =	sdelay $0x1  }
0xdc: {  	v4 =	vadd.f32 v5, v4;
	v5 =	vmul.f32 v6, v0  }
0xdd: {  	v6 =	vld [tilespmem:s0+$0x12890]  }
0xde: {  	v4 =	vadd.f32 v5, v4;
	v5 =	vmul.f32 v7, v1;
	_ =	sdelay $0x1  }
0xdf: {  	v4 =	vadd.f32 v5, v4;
	_ =	sdelay $0x1  }
0xe0: {  	v4 =	vmul.f32 v4, v6;
	_ =	sdelay $0x1  }
0xe1: {  	[tilespmem:s0+$0x14890] =	vst v4  }
0xe2: {  	v4 =	vld [tilespmem:s30+$0xFFFFFF20]  }
0xe3: {  	v5 =	vld [tilespmem:s30+$0xFFFFFFA0];
	_ =	sdelay $0x1  }
0xe4: {  	v6 =	vld [tilespmem:s30+$0x20];
	_ =	sdelay $0x1  }
0xe5: {  	v7 =	vld [tilespmem:s30+$0xA0]  }
0xe6: {  	v4 =	vmul.f32 v4, v3;
	v5 =	vmul.f32 v5, v2;
	_ =	sdelay $0x1  }
0xe7: {  	v4 =	vadd.f32 v5, v4;
	v5 =	vmul.f32 v6, v0  }
0xe8: {  	v6 =	vld [tilespmem:s0+$0x128A0]  }
0xe9: {  	v4 =	vadd.f32 v5, v4;
	v5 =	vmul.f32 v7, v1;
	_ =	sdelay $0x1  }
0xea: {  	v4 =	vadd.f32 v5, v4;
	_ =	sdelay $0x1  }
0xeb: {  	v4 =	vmul.f32 v4, v6;
	_ =	sdelay $0x1  }
0xec: {  	[tilespmem:s0+$0x148A0] =	vst v4  }
0xed: {  	v4 =	vld [tilespmem:s30+$0xFFFFFFB0]  }
0xee: {  	v5 =	vld [tilespmem:s30+$0xFFFFFF30];
	_ =	sdelay $0x1  }
0xef: {  	v6 =	vld [tilespmem:s30+$0x30];
	_ =	sdelay $0x1  }
0xf0: {  	v7 =	vld [tilespmem:s30+$0xB0]  }
0xf1: {  	v4 =	vmul.f32 v4, v2;
	v5 =	vmul.f32 v5, v3;
	_ =	sdelay $0x1  }
0xf2: {  	v4 =	vadd.f32 v4, v5;
	v5 =	vmul.f32 v6, v0  }
0xf3: {  	v6 =	vld [tilespmem:s0+$0x128B0]  }
0xf4: {  	v4 =	vadd.f32 v5, v4;
	v5 =	vmul.f32 v7, v1;
	_ =	sdelay $0x1  }
0xf5: {  	v4 =	vadd.f32 v5, v4;
	_ =	sdelay $0x1  }
0xf6: {  	v4 =	vmul.f32 v4, v6;
	_ =	sdelay $0x1  }
0xf7: {  	[tilespmem:s0+$0x148B0] =	vst v4  }
0xf8: {  	v4 =	vld [tilespmem:s30+$0xFFFFFFC0]  }
0xf9: {  	v5 =	vld [tilespmem:s30+$0xFFFFFF40];
	_ =	sdelay $0x1  }
0xfa: {  	v6 =	vld [tilespmem:s30+$0x40];
	_ =	sdelay $0x1  }
0xfb: {  	v7 =	vld [tilespmem:s30+$0xC0]  }
0xfc: {  	v4 =	vmul.f32 v4, v2;
	v5 =	vmul.f32 v5, v3;
	_ =	sdelay $0x1  }
0xfd: {  	v6 =	vmul.f32 v6, v0;
	v4 =	vadd.f32 v4, v5  }
0xfe: {  	v5 =	vld [tilespmem:s0+$0x128C0]  }
0xff: {  	v7 =	vmul.f32 v7, v1;
	v4 =	vadd.f32 v6, v4;
	_ =	sdelay $0x1  }
0x100: {  	v4 =	vadd.f32 v7, v4;
	_ =	sdelay $0x1  }
0x101: {  	v4 =	vmul.f32 v4, v5;
	_ =	sdelay $0x1  }
0x102: {  	[tilespmem:s0+$0x148C0] =	vst v4  }
0x103: {  	v7 =	vld [tilespmem:s30+$0xFFFFFF50]  }
0x104: {  	v6 =	vld [tilespmem:s30+$0xFFFFFFD0]  }
0x105: {  	v5 =	vld [tilespmem:s30+$0x50]  }
0x106: {  	s28 =	sor.u32 $0x40, s28;
	s1 =	simm.s32 $0x200;
	v4 =	vld [tilespmem:s30+$0xD0]  }
.LBB2_5:
0x107: {  	_ = 	snop  }
0x108: {  	p1 =	sne.s32 s1, $0x7E00;
	s29 =	sadd.s32 $0x4, s29;
	s30 =	sadd.s32 $0x200, s30;
	v3 =	vmul.f32 v7, v3  }
0x109: {  	s15 =	smov.u32 s1;
	s1 =	sadd.s32 $0x200, s1;
	v2 =	vmul.f32 v6, v2  }
0x10a: {  	v0 =	vmul.f32 v5, v0  }
0x10b: {  	v2 =	vadd.f32 v2, v3;
	v1 =	vmul.f32 v4, v1;
	v3 =	vld [tilespmem:s0+$0x128D0];
	_ =	sdelay $0x1  }
0x10c: {  	v0 =	vadd.f32 v0, v2;
	_ =	sdelay $0x1  }
0x10d: {  	v0 =	vadd.f32 v1, v0;
	_ =	sdelay $0x1  }
0x10e: {  	v0 =	vmul.f32 v0, v3;
	_ =	sdelay $0x1  }
0x10f: {  	[tilespmem:s0+$0x148D0] =	vst v0  }
0x110: {  	v1 =	vld [tilespmem:s29+$0x0]  }
0x111: {  	v4 =	vld [tilespmem:s30+$0xFFFFFF00]  }
0x112: {  	v5 =	vld [tilespmem:s30+$0xFFFFFF80];
	_ =	sdelay $0x1  }
0x113: {  	v6 =	vld [tilespmem:s30+$0x0]  }
0x114: {  	v3 =	vbroadcast v1, $0x0;
	v2 =	vbroadcast v1, $0x1  }
0x115: {  	v0 =	vbroadcast v1, $0x2;
	v1 =	vbroadcast v1, $0x3;
	v7 =	vld [tilespmem:s30+$0x80]  }
0x116: {  	v4 =	vmul.f32 v4, v3;
	v5 =	vmul.f32 v5, v2;
	_ =	sdelay $0x1  }
0x117: {  	s0 =	sshra.s32 s15, $0x2;
	v4 =	vadd.f32 v5, v4;
	v5 =	vmul.f32 v6, v0  }
0x118: {  	v6 =	vld [tilespmem:s0+$0x12880]  }
0x119: {  	v4 =	vadd.f32 v5, v4;
	v5 =	vmul.f32 v7, v1;
	_ =	sdelay $0x1  }
0x11a: {  	v4 =	vadd.f32 v5, v4;
	_ =	sdelay $0x1  }
0x11b: {  	v4 =	vmul.f32 v4, v6;
	_ =	sdelay $0x1  }
0x11c: {  	[tilespmem:s0+$0x14880] =	vst v4  }
0x11d: {  	v4 =	vld [tilespmem:s30+$0xFFFFFF10]  }
0x11e: {  	v5 =	vld [tilespmem:s30+$0xFFFFFF90];
	_ =	sdelay $0x1  }
0x11f: {  	v6 =	vld [tilespmem:s30+$0x10];
	_ =	sdelay $0x1  }
0x120: {  	v4 =	vmul.f32 v4, v3;
	v7 =	vld [tilespmem:s30+$0x90]  }
0x121: {  	v5 =	vmul.f32 v5, v2;
	_ =	sdelay $0x1  }
0x122: {  	v4 =	vadd.f32 v5, v4;
	v5 =	vmul.f32 v6, v0  }
0x123: {  	v6 =	vld [tilespmem:s0+$0x12890]  }
0x124: {  	v4 =	vadd.f32 v5, v4;
	v5 =	vmul.f32 v7, v1;
	_ =	sdelay $0x1  }
0x125: {  	v4 =	vadd.f32 v5, v4;
	_ =	sdelay $0x1  }
0x126: {  	v4 =	vmul.f32 v4, v6;
	_ =	sdelay $0x1  }
0x127: {  	[tilespmem:s0+$0x14890] =	vst v4  }
0x128: {  	v4 =	vld [tilespmem:s30+$0xFFFFFF20]  }
0x129: {  	v5 =	vld [tilespmem:s30+$0xFFFFFFA0];
	_ =	sdelay $0x1  }
0x12a: {  	v6 =	vld [tilespmem:s30+$0x20];
	_ =	sdelay $0x1  }
0x12b: {  	v4 =	vmul.f32 v4, v3;
	v7 =	vld [tilespmem:s30+$0xA0]  }
0x12c: {  	v5 =	vmul.f32 v5, v2;
	_ =	sdelay $0x1  }
0x12d: {  	v4 =	vadd.f32 v5, v4;
	v5 =	vmul.f32 v6, v0  }
0x12e: {  	v6 =	vld [tilespmem:s0+$0x128A0]  }
0x12f: {  	v4 =	vadd.f32 v5, v4;
	v5 =	vmul.f32 v7, v1;
	_ =	sdelay $0x1  }
0x130: {  	v4 =	vadd.f32 v5, v4;
	_ =	sdelay $0x1  }
0x131: {  	v4 =	vmul.f32 v4, v6;
	_ =	sdelay $0x1  }
0x132: {  	[tilespmem:s0+$0x148A0] =	vst v4  }
0x133: {  	v4 =	vld [tilespmem:s30+$0xFFFFFFB0]  }
0x134: {  	v5 =	vld [tilespmem:s30+$0xFFFFFF30];
	_ =	sdelay $0x1  }
0x135: {  	v6 =	vld [tilespmem:s30+$0x30];
	_ =	sdelay $0x1  }
0x136: {  	v4 =	vmul.f32 v4, v2;
	v7 =	vld [tilespmem:s30+$0xB0]  }
0x137: {  	v5 =	vmul.f32 v5, v3;
	_ =	sdelay $0x1  }
0x138: {  	v4 =	vadd.f32 v4, v5;
	v5 =	vmul.f32 v6, v0  }
0x139: {  	v6 =	vld [tilespmem:s0+$0x128B0]  }
0x13a: {  	v4 =	vadd.f32 v5, v4;
	v5 =	vmul.f32 v7, v1;
	_ =	sdelay $0x1  }
0x13b: {  	v4 =	vadd.f32 v5, v4;
	_ =	sdelay $0x1  }
0x13c: {  	v4 =	vmul.f32 v4, v6;
	_ =	sdelay $0x1  }
0x13d: {  	[tilespmem:s0+$0x148B0] =	vst v4  }
0x13e: {  	v4 =	vld [tilespmem:s30+$0xFFFFFFC0]  }
0x13f: {  	v5 =	vld [tilespmem:s30+$0xFFFFFF40]  }
0x140: {  	v6 =	vld [tilespmem:s30+$0x40]  }
0x141: {  	v7 =	vld [tilespmem:s30+$0xC0];
	_ =	sdelay $0x1  }
0x142: {  	v4 =	vmul.f32 v4, v2  }
0x143: {  	v5 =	vmul.f32 v5, v3  }
0x144: {  	v6 =	vmul.f32 v6, v0  }
0x145: {  	v4 =	vadd.f32 v4, v5;
	v5 =	vmul.f32 v7, v1  }
0x146: {  	v7 =	vld [tilespmem:s0+$0x128C0]  }
0x147: {  	v4 =	vadd.f32 v6, v4;
	_ =	sdelay $0x1  }
0x148: {  	v4 =	vadd.f32 v5, v4;
	_ =	sdelay $0x1  }
0x149: {  	v4 =	vmul.f32 v4, v7;
	_ =	sdelay $0x1  }
.Ltmp1:
0x14a: {  	[tilespmem:s0+$0x148C0] =	vst v4;
	(pc) =	sbr.rel @p1 .LBB2_5-.Ltmp1, $4  }
0x14b: {  	v7 =	vld [tilespmem:s30+$0xFFFFFF50]  }
0x14c: {  	v6 =	vld [tilespmem:s30+$0xFFFFFFD0]  }
0x14d: {  	v5 =	vld [tilespmem:s30+$0x50]  }
0x14e: {  	v4 =	vld [tilespmem:s30+$0xD0]  }
0x14f: {  	_ =	sdelay $0x1  }
0x150: {  	v3 =	vmul.f32 v7, v3;
	v2 =	vmul.f32 v6, v2;
	_ =	sdelay $0x1  }
0x151: {  	v0 =	vmul.f32 v5, v0;
	v2 =	vadd.f32 v2, v3  }
0x152: {  	v63 =	vld [tilespmem:s0+$0x128D0]  }
0x153: {  	v1 =	vmul.f32 v4, v1;
	v0 =	vadd.f32 v0, v2;
	_ =	sdelay $0x1  }
0x154: {  	v0 =	vadd.f32 v1, v0;
	_ =	sdelay $0x1  }
0x155: {  	s1 =	sor.u32 s6, s28;
	v0 =	vmul.f32 v0, v63  }
0x156: {  	s1 =	sshll.u32 s1, $0x4  }
.Ltmp2:
0x157: {  	s31 =	sadd.s32 s5, s1;
	[tilespmem:s0+$0x148D0] =	vst v0;
	(pc) =	sbr.rel @p0 .LBB2_2-.Ltmp2, $4  }
0x158: {  	[hbm4b:s31+s2] =	stream.linear.scatter [tilespmem:s24], [sflag:$0x3], $0x2000, $0x38;
	[tilespmem:$0x16880] =	vst v63  }
0x159: {  	s28 =	simm.s32 $0x80;
	_ =	swait.ge [sflag:s14], $0x2000  }
0x15a: {  	p1 =	por $0x0, $0x0;
	s29 =	smov.u32 s12;
	[sflag:s14] =	ssyncset.done $0x0  }
0x15b: {  	s1 =	simm.s32 $0x300;
	s0 =	simm.s32 $0x380;
	[sflag:s14] =	ssyncadd.s32 $0xFFFFE000  }
0x15c: {  	s26 =	sadd.s32 $0x1, s26  }
0x15d: {  	p0 =	sne.s32 s26, s13  }
.Ltmp3:
0x15e: {  	_ = 	snop;
	(pc) =	sbr.rel @p0 .LBB2_1-.Ltmp3, $1  }
0x15f: {  	_ =	sdelay $0x3  }
0x160: {  	_ =	sfence.sel $0x180000  }
0x161: {  	[bflag:$0x0] =	sbarrier.arrive $0xFFFF  }
0x162: {  	_ =	strace $0x90000047  }
0x163: {  	s0 =	stileid.u32;
	[bflag:$0x2] =	sbarrier.arrive $0xFFFF  }
0x164: {  	p0 =	sne.s32 s0, $0x0;
	s0 =	rddreg [dreg:$0x1]  }
0x165: {  	s0 =	sadd.s32 @!p0 $0x100000, s0  }
0x166: {  	[sflag:s0] =	ssyncadd.tile.s32 @!p0 $0x1;
	_ =	shalt  }
.Lfunc_end2:
_tile_overlayer_lowered:
.L_overlay_start_2:
0x167: {  	(tag) =	ssettag $0x2  }
0x168: {  	s0 =	rddreg [dreg:$0x0];
	s2 =	stileid.u32  }
0x169: {  	s1 =	rddreg [dreg:$0x1];
	p0 =	sne.s32 s2, $0x0  }
0x16a: {  	s3 =	rddreg [dreg:$0x2];
	[bflag:$0x3] =	sbarrier.arrive $0xFFFF;
	s2 =	simm.s32 @!p0 $0x1C03  }
0x16b: {  	[timem:s3], [sflag:s2] =	dma.local @!p0 [hbm:s0], s1  }
0x16c: {  	s0 =	simm.s32 @!p0 $0x3  }
0x16d: {  	_ =	swait.ge @!p0 [sflag:s0], s1  }
0x16e: {  	s1 =	ssub.s32 @!p0 $0x0, s1;
	[sflag:s0] =	ssyncset.done @!p0 $0x0  }
0x16f: {  	[sflag:s0] =	ssyncadd.s32 @!p0 s1  }
0x170: {  	[bflag:$0x3] =	sbarrier.arrive $0xFFFF  }
0x171: {  	_ =	shalt  }

// kernel: kernel.13.cloned.1.call-start
scs
__scs_entry_jumppad:
0x0: {  	(pc) =	sbr.rel $0x88, $3  }
0x1: {  	(tag) =	ssettag $0x0;
	lr =	simm.s32 $0x1  }
0x2: {  	[smem:$0x3F9E] =	sst lr;
	_ =	strace $0xD0000000  }
0x3: {  	_ = 	snop  }
0x4: {  	_ = 	snop  }
0x5: {  	_ = 	snop  }
0x6: {  	_ = 	snop  }
0x7: {  	_ = 	snop  }
__scs_overlays_trampoline_lowered:
0x8: {  	[smem:$0x3FAD] =	sst s0  }
0x9: {  	[smem:$0x3FAE] =	sst s1  }
0xa: {  	[smem:$0x3FAF] =	sst s2  }
0xb: {  	[smem:$0x3FB0] =	sst s3  }
0xc: {  	[smem:$0x3FB1] =	sst s4  }
0xd: {  	[smem:$0x3FB2] =	sst s5  }
0xe: {  	[smem:$0x3FB3] =	sst s6  }
0xf: {  	[smem:$0x3FB4] =	sst s7  }
0x10: {  	[smem:$0x3FB5] =	sst s8  }
0x11: {  	[smem:$0x3FB6] =	sst s9;
	s0 =	simm.s32 @!p0 $0x0  }
0x12: {  	s1 =	sld [smem:$0x3F9C];
	s0 =	simm.s32 @p0 $0x1  }
0x13: {  	[smem:$0x3FB7] =	sst s0;
	s0 =	simm.s32 @!p1 $0x0  }
0x14: {  	s2 =	sld [smem:$0x3F9B];
	s0 =	simm.s32 @p1 $0x1  }
0x15: {  	[smem:$0x3FB8] =	sst s0;
	s0 =	simm.s32 @!p2 $0x0  }
0x16: {  	s3 =	sld [smem:$0x3FDB];
	s0 =	simm.s32 @p2 $0x1  }
0x17: {  	s4 =	simm.s32 $0x1BF5;
	[smem:$0x3FBA] =	sst s0  }
0x18: {  	s0 =	sld [smem:$0x3F9D];
	_ =	swait.ge [sflag:s4], $0x0  }
0x19: {  	s7 =	sld [smem:$0x3F9E]  }
0x1a: {  	s8 =	sadd.s32 $0xFFFFE003, lr  }
0x1b: {  	s9 =	sadd.s32 $0xFFFFFEF7, lr;
	s5 =	simm.s32 $0xFFFFFFFF;
	p2 =	slt.u32 s8, $0xFFFFF086  }
0x1c: {  	p1 =	slt.u32 s9, $0xF7A;
	s5 =	simm.s32 @!p2 $0x0  }
0x1d: {  	s5 =	simm.s32 @p1 $0x1;
	p0 =	seq.s32 s7, s2  }
0x1e: {  	s7 =	smul.u32 @!p0 $0xF7A, s2;
	p2 =	seq.s32 @!p0 s5, $0x0  }
0x1f: {  	s9 =	smul.u32 $0xF7A, s1;
	s8 =	simm.s32 @!p0 $0x1BF5;
	p2 =	por !p2, p0  }
0x20: {  	[sflag:s8] =	ssyncset.s32 @!p0 $0xFFFFF086;
	s6 =	sadd.s32 @!p0 s3, s7;
	s7 =	simm.s32 @!p0 $0x108  }
0x21: {  	s3 =	sadd.s32 s3, s9;
	s6 =	sadd.s32 @!p0 $0x88, s6;
	s7 =	simm.s32 @p2 $0x1082  }
0x22: {  	[simem:s7], [sflag:s8] =	dma.local @!p0 [hbm:s6], $0xF7A  }
0x23: {  	s9 =	sor.u32 $0xD0000000, s2;
	s6 =	simm.s32 $0x108;
	_ =	swait.ge @!p0 [sflag:s8], $0x0  }
0x24: {  	s3 =	sadd.s32 $0x88, s3;
	s6 =	simm.s32 @!p1 $0x1082;
	[sflag:s4] =	ssyncset.s32 $0xFFFFF086  }
0x25: {  	[simem:s6], [sflag:s4] =	dma.local [hbm:s3], $0xF7A  }
0x26: {  	[smem:$0x3F9E] =	sst s1;
	(tag) =	ssettag s2;
	_ =	strace s9  }
0x27: {  	s1 =	sld [smem:$0x3FAE]  }
0x28: {  	s2 =	sld [smem:$0x3FAF]  }
0x29: {  	s4 =	sld [smem:$0x3FB1]  }
0x2a: {  	p0 =	seq.s32 s5, $0x0;
	s5 =	sld [smem:$0x3FB2]  }
0x2b: {  	s6 =	sld [smem:$0x3FB3]  }
0x2c: {  	s7 =	sld [smem:$0x3FB4]  }
0x2d: {  	s3 =	simm.s32 $0x108;
	s8 =	sld [smem:$0x3FB5]  }
0x2e: {  	s3 =	simm.s32 @!p0 $0x1082;
	s9 =	sld [smem:$0x3FB6]  }
0x2f: {  	lr =	sadd.s32 s0, s3;
	s0 =	sld [smem:$0x3FAD]  }
0x30: {  	s3 =	sld [smem:$0x3FB0]  }
0x31: {  	[smem:$0x3FB9] =	sst s10  }
0x32: {  	s10 =	sld [smem:$0x3FB7];
	_ =	sdelay $0x3  }
0x33: {  	p0 =	seq.s32 s10, $0x1;
	s10 =	sld [smem:$0x3FB9];
	_ =	sdelay $0x3  }
0x34: {  	[smem:$0x3FB9] =	sst s10  }
0x35: {  	s10 =	sld [smem:$0x3FB8];
	_ =	sdelay $0x3  }
0x36: {  	p1 =	seq.s32 s10, $0x1;
	s10 =	sld [smem:$0x3FB9];
	_ =	sdelay $0x3  }
0x37: {  	[smem:$0x3FB9] =	sst s10  }
0x38: {  	s10 =	sld [smem:$0x3FBA]  }
0x39: {  	_ = 	snop;
	(pc) =	sbr.ind lr, $3  }
0x3a: {  	_ = 	snop  }
0x3b: {  	_ = 	snop  }
0x3c: {  	p2 =	seq.s32 s10, $0x1;
	s10 =	sld [smem:$0x3FB9]  }
0x3d: {  	_ =	shalt  }
0x3e: {  	_ =	shalt  }
0x3f: {  	_ =	shalt  }
0x40: {  	_ =	shalt  }
0x41: {  	_ =	shalt  }
0x42: {  	_ =	shalt  }
0x43: {  	_ =	shalt  }
0x44: {  	_ =	shalt  }
0x45: {  	_ =	shalt  }
0x46: {  	_ =	shalt  }
0x47: {  	_ =	shalt  }
0x48: {  	_ =	shalt  }
0x49: {  	_ =	shalt  }
0x4a: {  	_ =	shalt  }
0x4b: {  	_ =	shalt  }
0x4c: {  	_ =	shalt  }
0x4d: {  	_ =	shalt  }
0x4e: {  	_ =	shalt  }
0x4f: {  	_ =	shalt  }
0x50: {  	_ =	shalt  }
0x51: {  	_ =	shalt  }
0x52: {  	_ =	shalt  }
0x53: {  	_ =	shalt  }
0x54: {  	_ =	shalt  }
0x55: {  	_ =	shalt  }
0x56: {  	_ =	shalt  }
0x57: {  	_ =	shalt  }
0x58: {  	_ =	shalt  }
0x59: {  	_ =	shalt  }
0x5a: {  	_ =	shalt  }
0x5b: {  	_ =	shalt  }
0x5c: {  	_ =	shalt  }
0x5d: {  	_ =	shalt  }
0x5e: {  	_ =	shalt  }
0x5f: {  	_ =	shalt  }
0x60: {  	_ =	shalt  }
0x61: {  	_ =	shalt  }
0x62: {  	_ =	shalt  }
0x63: {  	_ =	shalt  }
0x64: {  	_ =	shalt  }
0x65: {  	_ =	shalt  }
0x66: {  	_ =	shalt  }
0x67: {  	_ =	shalt  }
0x68: {  	_ =	shalt  }
0x69: {  	_ =	shalt  }
0x6a: {  	_ =	shalt  }
0x6b: {  	_ =	shalt  }
0x6c: {  	_ =	shalt  }
0x6d: {  	_ =	shalt  }
0x6e: {  	_ =	shalt  }
0x6f: {  	_ =	shalt  }
0x70: {  	_ =	shalt  }
0x71: {  	_ =	shalt  }
0x72: {  	_ =	shalt  }
0x73: {  	_ =	shalt  }
0x74: {  	_ =	shalt  }
0x75: {  	_ =	shalt  }
0x76: {  	_ =	shalt  }
0x77: {  	_ =	shalt  }
0x78: {  	_ =	shalt  }
0x79: {  	_ =	shalt  }
0x7a: {  	_ =	shalt  }
0x7b: {  	_ =	shalt  }
0x7c: {  	_ =	shalt  }
0x7d: {  	_ =	shalt  }
0x7e: {  	_ =	shalt  }
0x7f: {  	_ =	shalt  }
0x80: {  	_ =	shalt  }
0x81: {  	_ =	shalt  }
0x82: {  	_ =	shalt  }
0x83: {  	_ =	shalt  }
0x84: {  	_ =	shalt  }
0x85: {  	_ =	shalt  }
0x86: {  	_ =	shalt  }
0x87: {  	_ =	shalt  }
.Lfunc_end0:
.L_simem_size_0:
called_computation.1_lowered:
.L_overlay_start_0:
0x88: {  	s2 =	sld [smem:$0x3FD9]  }
0x89: {  	s3 =	sld [smem:$0x3FFE];
	_ =	sdelay $0x1  }
0x8a: {  	s1 =	srdreg.scid  }
0x8b: {  	s0 =	sand.u32 $0x1, s1  }
0x8c: {  	s17 =	sshll.u32 s0, $0xA;
	s2 =	sadd.s32 s3, s2  }
0x8d: {  	s2 =	sadd.s32 s2, s17  }
0x8e: {  	[smem:$0x3FC5] =	sst s2  }
0x8f: {  	_ = 	snop  }
0x90: {  	(tm) =	ssettm $0x1  }
0x91: {  	s18 =	sld [smem:$0x3FFB];
	_ =	sdelay $0x3  }
0x92: {  	_ =	strace s18  }
0x93: {  	s2 =	sld [smem:$0x3FFC];
	_ =	sdelay $0x3  }
0x94: {  	_ =	strace s2  }
0x95: {  	s2 =	sld [smem:$0x3FFD];
	_ =	sdelay $0x3  }
0x96: {  	_ =	strace s2  }
0x97: {  	_ =	strace $0x8FFFFFFF  }
0x98: {  	s19 =	sld [smem:$0x3FDB];
	_ =	sdelay $0x1  }
0x99: {  	s20 =	simm.s32 $_scs_section_size  }
0x9a: {  	s4 =	simm.s32 $_size__tile_overlayer_lowered;
	s5 =	simm.s32 $_tile_overlayer_lowered  }
0x9b: {  	s6 =	simm.s32 $0x1BFF;
	s21 =	sshll.u32 s5, $0x1;
	s3 =	sadd.s32 s20, s19  }
0x9c: {  	s22 =	simm.s32 $0x0;
	s4 =	sshll.u32 s4, $0x1;
	s5 =	sadd.s32 s21, s3  }
0x9d: {  	[timem:s22], [sflag:s6] =	dma.local [hbm:s5], s4  }
0x9e: {  	_ =	swait.ge [sflag:s6], s4  }
0x9f: {  	s4 =	ssub.s32 $0x0, s4;
	[sflag:s6] =	ssyncset.done $0x0  }
0xa0: {  	[sflag:s6] =	ssyncadd.s32 s4;
	_ =	sdelay $0x1  }
0xa1: {  	s23 =	simm.s32 $0x1B8B  }
0xa2: {  	_ =	swait.ge [sflag:s23], $0x1  }
0xa3: {  	[sflag:s23] =	ssyncset.done $0x0  }
0xa4: {  	[sflag:s23] =	ssyncadd.s32 $0xFFFFFFFF  }
0xa5: {  	s4 =	sld [smem:$0x0]  }
0xa6: {  	s5 =	sand.u32 $0xFFFFFFFE, s1  }
0xa7: {  	p0 =	sne.s32 s1, s5  }
0xa8: {  	s5 =	sshll.u32 @p0 s5, $0xE  }
0xa9: {  	s5 =	sadd.s32 @p0 $0x11B8D, s5;
	s6 =	sshll.u32 @p0 s4, $0x11  }
0xaa: {  	s5 =	sor.u32 @p0 s6, s5  }
0xab: {  	[sflag:s5] =	ssyncadd.remote.s32 @p0 $0x1;
	_ =	sdelay $0x1  }
0xac: {  	s5 =	simm.s32 @p0 $0x1B8D  }
0xad: {  	_ =	swait.eq @p0 [sflag:s5], $0x1  }
0xae: {  	[sflag:s5] =	ssyncadd.s32 @p0 $0xFFFFFFFF  }
0xaf: {  	s6 =	sshll.u32 @!p0 s1, $0xE  }
0xb0: {  	s6 =	sor.u32 @!p0 $0x4000, s6;
	s5 =	simm.s32 @!p0 $0x1B8D  }
0xb1: {  	s4 =	sshll.u32 @!p0 s4, $0x11;
	s6 =	sadd.s32 @!p0 $0x11B8D, s6;
	_ =	swait.eq @!p0 [sflag:s5], $0x1  }
0xb2: {  	s4 =	sor.u32 @!p0 s4, s6;
	[sflag:s5] =	ssyncadd.s32 @!p0 $0xFFFFFFFF  }
0xb3: {  	s25 =	simm.s32 $0x1B8E;
	s24 =	sld [smem:$0x3FFE];
	[sflag:s4] =	ssyncadd.remote.s32 @!p0 $0x1  }
0xb4: {  	s26 =	simm.s32 $execute0_lowered;
	[smem:$0x3FD2] =	sst s25  }
0xb5: {  	s5 =	sshll.u32 s26, $0x1;
	_ =	strace $0x80000049;
	[dreg:$0x1] =	wrdreg $0xFFFFFFFF  }
0xb6: {  	s28 =	simm.s32 $_size_execute0_lowered;
	s3 =	sadd.s32 s3, s5;
	[dreg:$0x0] =	wrdreg $0x0  }
0xb7: {  	s5 =	sshll.u32 s28, $0x1;
	[dreg:$0x2] =	wrdreg s3  }
0xb8: {  	[dreg:$0x3] =	wrdreg s5  }
0xb9: {  	[dreg:$0x4] =	wrdreg $0xC0  }
0xba: {  	_ =	task [dreg:s22], $0x5FFFF  }
0xbb: {  	[dreg:$0x1] =	wrdreg $0xFFFFFFFF  }
0xbc: {  	[dreg:$0x0] =	wrdreg $0x60  }
0xbd: {  	[dreg:$0x2] =	wrdreg s24  }
0xbe: {  	[dreg:$0x3] =	wrdreg $0xA  }
0xbf: {  	_ =	task.clear_ibuf [dreg:s22], $0x4FFFF;
	_ =	strace $0x90000049  }
0xc0: {  	s29 =	simm.s32 $0xA;
	_ =	strace $0x8000004B  }
0xc1: {  	_ =	swait.ge [sflag:s29], $0x1  }
0xc2: {  	[sflag:s29] =	ssyncadd.s32 $0xFFFFFFFF  }
0xc3: {  	_ =	strace $0x9000004B  }
0xc4: {  	_ =	sfence  }
0xc5: {  	s30 =	sld [smem:$0x0];
	_ =	sdelay $0x2  }
0xc6: {  	s31 =	sshll.u32 s1, $0xD;
	s1 =	sshrl.u32 s1, $0x2  }
0xc7: {  	s4 =	sand.u32 $0x4000, s31;
	s1 =	sadd.s32 s1, s30  }
0xc8: {  	s0 =	sor.u32 s4, s0;
	s1 =	sshll.u32 s1, $0x11  }
0xc9: {  	s0 =	sor.u32 s1, s0  }
0xca: {  	s0 =	sadd.s32 $0x8F2B, s0  }
0xcb: {  	[sflag:s0] =	ssyncadd.remote.s32 $0x1  }
0xcc: {  	_ =	sfence.sel $0xFFFF  }
0xcd: {  	[dreg:$0x0] =	wrdreg $0xFFFFFFFF;
	(pc) =	sbr.abs _section_cstart, $3  }
0xce: {  	[dreg:$0x1] =	wrdreg $0xFFFFFFFF  }
0xcf: {  	_ =	task.clear_ibuf [dreg:s22], $0x2FFFF;
	_ =	strace $0x9FFFFFFF  }
0xd0: {  	(tm) =	ssettm $0x7FFFFFFF  }
0xd1: {  	_ =	shalt  }
tec
execute0_lowered:
.L_overlay_start_1:
0x0: {  	(tag) =	ssettag $0x1  }
0x1: {  	s0 =	rddreg [dreg:$0x0];
	s2 =	simm.s32 $0x0  }
0x2: {  	s1 =	srdreg.scid;
	s3 =	stileid.u32;
	s14 =	simm.s32 $0x3  }
0x3: {  	s16 =	simm.s32 $0x10880;
	s17 =	simm.s32 $0x80;
	s18 =	simm.s32 $0x880  }
0x4: {  	s19 =	simm.s32 $0x4880;
	s20 =	simm.s32 $0x12880;
	s21 =	simm.s32 $0x8880  }
0x5: {  	s22 =	simm.s32 $0xC880;
	s23 =	simm.s32 $0x1;
	s24 =	simm.s32 $0x14880  }
0x6: {  	s25 =	simm.s32 $0x2;
	s26 =	simm.s32 $0x0;
	[smem:$0x7FF] =	sst s2  }
0x7: {  	s1 =	sand.u32 $0x1, s1;
	s3 =	sshll.u32 s3, $0x1;
	s10 =	sadd.s32 $0x85C00, s0  }
0x8: {  	s12 =	sadd.s32 $0x86400, s0;
	_ =	strace $0x8000004A;
	s6 =	sor.u32 s1, s3  }
0x9: {  	s3 =	sadd.s32 $0x65800, s0;
	s1 =	ssub.s32 $0x2, s1;
	s4 =	sshll.u32 s6, $0xC  }
0xa: {  	s5 =	sshll.u32 s6, $0x7;
	s7 =	sshrl.u32 s1, $0x1;
	s6 =	sshll.u32 s6, $0x8  }
0xb: {  	s11 =	sadd.s32 s4, s0;
	s8 =	sadd.s32 s5, s0;
	s5 =	sadd.s32 $0xA7800, s0  }
0xc: {  	s1 =	ssub.s32 s1, s7;
	s7 =	sadd.s32 $0xA6800, s8;
	s8 =	sadd.s32 $0xA5800, s8  }
0xd: {  	s9 =	sadd.s32 $0x85800, s11;
	s11 =	sadd.s32 $0x86000, s11;
	s13 =	smax.u32 s1, $0x1  }
.LBB2_1:
0xe: {  	[tilespmem:s2], [sflag:$0x3] =	stream.linear.gather [hbm4b:s7+s2], $0x400, $0x38;
	[tilespmem:$0x16880] =	vst v63  }
0xf: {  	_ =	swait.ge [sflag:s14], $0x400  }
0x10: {  	[sflag:s14] =	ssyncset.done $0x0  }
0x11: {  	s0 =	simm.s32 $0x400;
	[sflag:s14] =	ssyncadd.s32 $0xFFFFFC00  }
0x12: {  	[tilespmem:s0], [sflag:$0x3] =	stream.linear.gather [hbm4b:s8+s2], $0x400, $0x38;
	[tilespmem:$0x16880] =	vst v63  }
0x13: {  	_ =	swait.ge [sflag:s14], $0x400  }
0x14: {  	[sflag:s14] =	ssyncset.done $0x0  }
0x15: {  	[sflag:s14] =	ssyncadd.s32 $0xFFFFFC00  }
0x16: {  	[tilespmem:s16], [sflag:$0x1] =	stream.linear.gather [hbm4b:s9+s2], $0x2000, $0x38;
	[tilespmem:$0x16880] =	vst v63  }
0x17: {  	p1 =	por $0x1, $0x1;
	s1 =	simm.s32 $0x100  }
0x18: {  	[tilespmem:s18], [sflag:$0x1] =	stream.indirect.gather [hbm4b:s3+s17], $0x80, s2, s17, $0xb8;
	[tilespmem:$0x16880] =	vst v63  }
0x19: {  	s29 =	smov.u32 s10;
	s28 =	simm.s32 $0x0;
	s0 =	simm.s32 $0x180  }
0x1a: {  	[tilespmem:s19], [sflag:$0x1] =	stream.indirect.gather [hbm4b:s3+s17], $0x80, s17, s17, $0xb8;
	[tilespmem:$0x16880] =	vst v63  }
.LBB2_2:
0x1b: {  	s29 =	sadd.s32 s4, s29;
	s30 =	simm.s32 $0x0  }
0x1c: {  	[tilespmem:s20], [sflag:$0x2] =	stream.linear.gather [hbm4b:s29+s30], $0x2000, $0x38;
	[tilespmem:$0x16880] =	vst v63  }
0x1d: {  	_ = 	snop  }
0x1e: {  	[tilespmem:s21], [sflag:$0x2] =	stream.indirect.gather [hbm4b:s3+s17], $0x80, s1, s17, $0xb8;
	[tilespmem:$0x16880] =	vst v63  }
0x1f: {  	_ = 	snop  }
0x20: {  	[tilespmem:s22], [sflag:$0x2] =	stream.indirect.gather [hbm4b:s3+s17], $0x80, s0, s17, $0xb8;
	[tilespmem:$0x16880] =	vst v63  }
0x21: {  	_ =	swait.ge [sflag:s23], $0x2000  }
0x22: {  	[sflag:s23] =	ssyncset.done $0x0  }
0x23: {  	[sflag:s23] =	ssyncadd.s32 $0xFFFFE000  }
0x24: {  	_ =	swait.ge [sflag:s23], $0x4000  }
0x25: {  	[sflag:s23] =	ssyncset.done $0x0  }
0x26: {  	[sflag:s23] =	ssyncadd.s32 $0xFFFFC000  }
0x27: {  	s15 =	sshll.u32 s28, $0x4;
	_ =	swait.ge [sflag:s23], $0x4000  }
0x28: {  	s29 =	sshra.s32 s15, $0x2;
	[sflag:s23] =	ssyncset.done $0x0  }
0x29: {  	s30 =	sadd.s32 $0x400, s29;
	[sflag:s23] =	ssyncadd.s32 $0xFFFFC000  }
0x2a: {  	s31 =	simm.s32 $0x980;
	v1 =	vld [tilespmem:s30+$0x0]  }
0x2b: {  	v4 =	vld [tilespmem:s31+$0xFFFFFF00]  }
0x2c: {  	v5 =	vld [tilespmem:s31+$0xFFFFFF80];
	_ =	sdelay $0x1  }
0x2d: {  	v6 =	vld [tilespmem:s31+$0x0]  }
0x2e: {  	v3 =	vbroadcast v1, $0x0;
	v2 =	vbroadcast v1, $0x1  }
0x2f: {  	v7 =	vld [tilespmem:s31+$0x80];
	v0 =	vbroadcast v1, $0x2  }
0x30: {  	v4 =	vmul.f32 v4, v3;
	v5 =	vmul.f32 v5, v2;
	_ =	sdelay $0x1  }
0x31: {  	s0 =	simm.s32 $0x0;
	v1 =	vbroadcast v1, $0x3;
	v4 =	vadd.f32 v5, v4;
	v5 =	vmul.f32 v6, v0  }
0x32: {  	v6 =	vld [tilespmem:s0+$0x10880]  }
0x33: {  	v4 =	vadd.f32 v5, v4;
	v5 =	vmul.f32 v7, v1;
	_ =	sdelay $0x1  }
0x34: {  	v4 =	vadd.f32 v5, v4;
	_ =	sdelay $0x1  }
0x35: {  	v4 =	vmul.f32 v4, v6;
	_ =	sdelay $0x1  }
0x36: {  	[tilespmem:s0+$0x14880] =	vst v4  }
0x37: {  	v4 =	vld [tilespmem:s31+$0xFFFFFF10]  }
0x38: {  	v5 =	vld [tilespmem:s31+$0xFFFFFF90];
	_ =	sdelay $0x1  }
0x39: {  	v6 =	vld [tilespmem:s31+$0x10];
	_ =	sdelay $0x1  }
0x3a: {  	v7 =	vld [tilespmem:s31+$0x90]  }
0x3b: {  	v4 =	vmul.f32 v4, v3;
	v5 =	vmul.f32 v5, v2;
	_ =	sdelay $0x1  }
0x3c: {  	v4 =	vadd.f32 v5, v4;
	v5 =	vmul.f32 v6, v0  }
0x3d: {  	v6 =	vld [tilespmem:s0+$0x10890]  }
0x3e: {  	v4 =	vadd.f32 v5, v4;
	v5 =	vmul.f32 v7, v1;
	_ =	sdelay $0x1  }
0x3f: {  	v4 =	vadd.f32 v5, v4;
	_ =	sdelay $0x1  }
0x40: {  	v4 =	vmul.f32 v4, v6;
	_ =	sdelay $0x1  }
0x41: {  	[tilespmem:s0+$0x14890] =	vst v4  }
0x42: {  	v4 =	vld [tilespmem:s31+$0xFFFFFF20]  }
0x43: {  	v5 =	vld [tilespmem:s31+$0xFFFFFFA0];
	_ =	sdelay $0x1  }
0x44: {  	v6 =	vld [tilespmem:s31+$0x20];
	_ =	sdelay $0x1  }
0x45: {  	v7 =	vld [tilespmem:s31+$0xA0]  }
0x46: {  	v4 =	vmul.f32 v4, v3;
	v5 =	vmul.f32 v5, v2;
	_ =	sdelay $0x1  }
0x47: {  	v4 =	vadd.f32 v5, v4;
	v5 =	vmul.f32 v6, v0  }
0x48: {  	v6 =	vld [tilespmem:s0+$0x108A0]  }
0x49: {  	v4 =	vadd.f32 v5, v4;
	v5 =	vmul.f32 v7, v1;
	_ =	sdelay $0x1  }
0x4a: {  	v4 =	vadd.f32 v5, v4;
	_ =	sdelay $0x1  }
0x4b: {  	v4 =	vmul.f32 v4, v6;
	_ =	sdelay $0x1  }
0x4c: {  	[tilespmem:s0+$0x148A0] =	vst v4  }
0x4d: {  	v4 =	vld [tilespmem:s31+$0xFFFFFFB0]  }
0x4e: {  	v5 =	vld [tilespmem:s31+$0xFFFFFF30];
	_ =	sdelay $0x1  }
0x4f: {  	v6 =	vld [tilespmem:s31+$0x30];
	_ =	sdelay $0x1  }
0x50: {  	v7 =	vld [tilespmem:s31+$0xB0]  }
0x51: {  	v4 =	vmul.f32 v4, v2;
	v5 =	vmul.f32 v5, v3;
	_ =	sdelay $0x1  }
0x52: {  	v4 =	vadd.f32 v4, v5;
	v5 =	vmul.f32 v6, v0  }
0x53: {  	v6 =	vld [tilespmem:s0+$0x108B0]  }
0x54: {  	v4 =	vadd.f32 v5, v4;
	v5 =	vmul.f32 v7, v1;
	_ =	sdelay $0x1  }
0x55: {  	v4 =	vadd.f32 v5, v4;
	_ =	sdelay $0x1  }
0x56: {  	v4 =	vmul.f32 v4, v6;
	_ =	sdelay $0x1  }
0x57: {  	[tilespmem:s0+$0x148B0] =	vst v4  }
0x58: {  	v4 =	vld [tilespmem:s31+$0xFFFFFFC0]  }
0x59: {  	v5 =	vld [tilespmem:s31+$0xFFFFFF40];
	_ =	sdelay $0x1  }
0x5a: {  	v6 =	vld [tilespmem:s31+$0x40];
	_ =	sdelay $0x1  }
0x5b: {  	v7 =	vld [tilespmem:s31+$0xC0]  }
0x5c: {  	v4 =	vmul.f32 v4, v2;
	v5 =	vmul.f32 v5, v3;
	_ =	sdelay $0x1  }
0x5d: {  	v6 =	vmul.f32 v6, v0;
	v4 =	vadd.f32 v4, v5  }
0x5e: {  	v5 =	vld [tilespmem:s0+$0x108C0]  }
0x5f: {  	v7 =	vmul.f32 v7, v1;
	v4 =	vadd.f32 v6, v4;
	_ =	sdelay $0x1  }
0x60: {  	v4 =	vadd.f32 v7, v4;
	_ =	sdelay $0x1  }
0x61: {  	v4 =	vmul.f32 v4, v5;
	_ =	sdelay $0x1  }
0x62: {  	[tilespmem:s0+$0x148C0] =	vst v4  }
0x63: {  	v7 =	vld [tilespmem:s31+$0xFFFFFF50]  }
0x64: {  	v6 =	vld [tilespmem:s31+$0xFFFFFFD0]  }
0x65: {  	v5 =	vld [tilespmem:s31+$0x50]  }
0x66: {  	p0 =	por p1, p1;
	s1 =	simm.s32 $0x200;
	v4 =	vld [tilespmem:s31+$0xD0]  }
.LBB2_3:
0x67: {  	_ = 	snop  }
0x68: {  	p1 =	sne.s32 s1, $0x7E00;
	s30 =	sadd.s32 $0x4, s30;
	s31 =	sadd.s32 $0x200, s31;
	v3 =	vmul.f32 v7, v3  }
0x69: {  	s15 =	smov.u32 s1;
	s1 =	sadd.s32 $0x200, s1;
	v2 =	vmul.f32 v6, v2  }
0x6a: {  	v0 =	vmul.f32 v5, v0  }
0x6b: {  	v2 =	vadd.f32 v2, v3;
	v1 =	vmul.f32 v4, v1;
	v3 =	vld [tilespmem:s0+$0x108D0];
	_ =	sdelay $0x1  }
0x6c: {  	v0 =	vadd.f32 v0, v2;
	_ =	sdelay $0x1  }
0x6d: {  	v0 =	vadd.f32 v1, v0;
	_ =	sdelay $0x1  }
0x6e: {  	v0 =	vmul.f32 v0, v3;
	_ =	sdelay $0x1  }
0x6f: {  	[tilespmem:s0+$0x148D0] =	vst v0  }
0x70: {  	v1 =	vld [tilespmem:s30+$0x0]  }
0x71: {  	v4 =	vld [tilespmem:s31+$0xFFFFFF00]  }
0x72: {  	v5 =	vld [tilespmem:s31+$0xFFFFFF80];
	_ =	sdelay $0x1  }
0x73: {  	v6 =	vld [tilespmem:s31+$0x0]  }
0x74: {  	v3 =	vbroadcast v1, $0x0;
	v2 =	vbroadcast v1, $0x1  }
0x75: {  	v0 =	vbroadcast v1, $0x2;
	v1 =	vbroadcast v1, $0x3;
	v7 =	vld [tilespmem:s31+$0x80]  }
0x76: {  	v4 =	vmul.f32 v4, v3;
	v5 =	vmul.f32 v5, v2;
	_ =	sdelay $0x1  }
0x77: {  	s0 =	sshra.s32 s15, $0x2;
	v4 =	vadd.f32 v5, v4;
	v5 =	vmul.f32 v6, v0  }
0x78: {  	v6 =	vld [tilespmem:s0+$0x10880]  }
0x79: {  	v4 =	vadd.f32 v5, v4;
	v5 =	vmul.f32 v7, v1;
	_ =	sdelay $0x1  }
0x7a: {  	v4 =	vadd.f32 v5, v4;
	_ =	sdelay $0x1  }
0x7b: {  	v4 =	vmul.f32 v4, v6;
	_ =	sdelay $0x1  }
0x7c: {  	[tilespmem:s0+$0x14880] =	vst v4  }
0x7d: {  	v4 =	vld [tilespmem:s31+$0xFFFFFF10]  }
0x7e: {  	v5 =	vld [tilespmem:s31+$0xFFFFFF90];
	_ =	sdelay $0x1  }
0x7f: {  	v6 =	vld [tilespmem:s31+$0x10];
	_ =	sdelay $0x1  }
0x80: {  	v4 =	vmul.f32 v4, v3;
	v7 =	vld [tilespmem:s31+$0x90]  }
0x81: {  	v5 =	vmul.f32 v5, v2;
	_ =	sdelay $0x1  }
0x82: {  	v4 =	vadd.f32 v5, v4;
	v5 =	vmul.f32 v6, v0  }
0x83: {  	v6 =	vld [tilespmem:s0+$0x10890]  }
0x84: {  	v4 =	vadd.f32 v5, v4;
	v5 =	vmul.f32 v7, v1;
	_ =	sdelay $0x1  }
0x85: {  	v4 =	vadd.f32 v5, v4;
	_ =	sdelay $0x1  }
0x86: {  	v4 =	vmul.f32 v4, v6;
	_ =	sdelay $0x1  }
0x87: {  	[tilespmem:s0+$0x14890] =	vst v4  }
0x88: {  	v4 =	vld [tilespmem:s31+$0xFFFFFF20]  }
0x89: {  	v5 =	vld [tilespmem:s31+$0xFFFFFFA0];
	_ =	sdelay $0x1  }
0x8a: {  	v6 =	vld [tilespmem:s31+$0x20];
	_ =	sdelay $0x1  }
0x8b: {  	v4 =	vmul.f32 v4, v3;
	v7 =	vld [tilespmem:s31+$0xA0]  }
0x8c: {  	v5 =	vmul.f32 v5, v2;
	_ =	sdelay $0x1  }
0x8d: {  	v4 =	vadd.f32 v5, v4;
	v5 =	vmul.f32 v6, v0  }
0x8e: {  	v6 =	vld [tilespmem:s0+$0x108A0]  }
0x8f: {  	v4 =	vadd.f32 v5, v4;
	v5 =	vmul.f32 v7, v1;
	_ =	sdelay $0x1  }
0x90: {  	v4 =	vadd.f32 v5, v4;
	_ =	sdelay $0x1  }
0x91: {  	v4 =	vmul.f32 v4, v6;
	_ =	sdelay $0x1  }
0x92: {  	[tilespmem:s0+$0x148A0] =	vst v4  }
0x93: {  	v4 =	vld [tilespmem:s31+$0xFFFFFFB0]  }
0x94: {  	v5 =	vld [tilespmem:s31+$0xFFFFFF30];
	_ =	sdelay $0x1  }
0x95: {  	v6 =	vld [tilespmem:s31+$0x30];
	_ =	sdelay $0x1  }
0x96: {  	v4 =	vmul.f32 v4, v2;
	v7 =	vld [tilespmem:s31+$0xB0]  }
0x97: {  	v5 =	vmul.f32 v5, v3;
	_ =	sdelay $0x1  }
0x98: {  	v4 =	vadd.f32 v4, v5;
	v5 =	vmul.f32 v6, v0  }
0x99: {  	v6 =	vld [tilespmem:s0+$0x108B0]  }
0x9a: {  	v4 =	vadd.f32 v5, v4;
	v5 =	vmul.f32 v7, v1;
	_ =	sdelay $0x1  }
0x9b: {  	v4 =	vadd.f32 v5, v4;
	_ =	sdelay $0x1  }
0x9c: {  	v4 =	vmul.f32 v4, v6;
	_ =	sdelay $0x1  }
0x9d: {  	[tilespmem:s0+$0x148B0] =	vst v4  }
0x9e: {  	v4 =	vld [tilespmem:s31+$0xFFFFFFC0]  }
0x9f: {  	v5 =	vld [tilespmem:s31+$0xFFFFFF40]  }
0xa0: {  	v6 =	vld [tilespmem:s31+$0x40]  }
0xa1: {  	v7 =	vld [tilespmem:s31+$0xC0];
	_ =	sdelay $0x1  }
0xa2: {  	v4 =	vmul.f32 v4, v2  }
0xa3: {  	v5 =	vmul.f32 v5, v3  }
0xa4: {  	v6 =	vmul.f32 v6, v0  }
0xa5: {  	v4 =	vadd.f32 v4, v5;
	v5 =	vmul.f32 v7, v1  }
0xa6: {  	v7 =	vld [tilespmem:s0+$0x108C0]  }
0xa7: {  	v4 =	vadd.f32 v6, v4;
	_ =	sdelay $0x1  }
0xa8: {  	v4 =	vadd.f32 v5, v4;
	_ =	sdelay $0x1  }
0xa9: {  	v4 =	vmul.f32 v4, v7;
	_ =	sdelay $0x1  }
.Ltmp0:
0xaa: {  	[tilespmem:s0+$0x148C0] =	vst v4;
	(pc) =	sbr.rel @p1 .LBB2_3-.Ltmp0, $4  }
0xab: {  	v7 =	vld [tilespmem:s31+$0xFFFFFF50]  }
0xac: {  	v6 =	vld [tilespmem:s31+$0xFFFFFFD0]  }
0xad: {  	v5 =	vld [tilespmem:s31+$0x50]  }
0xae: {  	v4 =	vld [tilespmem:s31+$0xD0]  }
0xaf: {  	_ =	sdelay $0x1  }
0xb0: {  	v3 =	vmul.f32 v7, v3;
	v2 =	vmul.f32 v6, v2;
	_ =	sdelay $0x1  }
0xb1: {  	v0 =	vmul.f32 v5, v0;
	v2 =	vadd.f32 v2, v3  }
0xb2: {  	v3 =	vld [tilespmem:s0+$0x108D0]  }
0xb3: {  	v1 =	vmul.f32 v4, v1;
	v0 =	vadd.f32 v0, v2;
	_ =	sdelay $0x1  }
0xb4: {  	v0 =	vadd.f32 v1, v0;
	_ =	sdelay $0x1  }
0xb5: {  	s1 =	sor.u32 s6, s28;
	v0 =	vmul.f32 v0, v3  }
0xb6: {  	s1 =	sshll.u32 s1, $0x4  }
0xb7: {  	s31 =	sadd.s32 s5, s1;
	[tilespmem:s0+$0x148D0] =	vst v0  }
0xb8: {  	[hbm4b:s31+s2] =	stream.linear.scatter [tilespmem:s24], [sflag:$0x3], $0x2000, $0x38;
	[tilespmem:$0x16880] =	vst v63  }
0xb9: {  	_ =	swait.ge [sflag:s14], $0x2000  }
0xba: {  	[sflag:s14] =	ssyncset.done $0x0  }
0xbb: {  	s1 =	simm.s32 @p0 $0x10880;
	s0 =	simm.s32 @p0 $0x0;
	[sflag:s14] =	ssyncadd.s32 $0xFFFFE000  }
0xbc: {  	[tilespmem:s1], [sflag:$0x1] =	stream.linear.gather @p0 [hbm4b:s11+s0], $0x2000, $0x38;
	[tilespmem:$0x16880] =	vst v63  }
0xbd: {  	s15 =	simm.s32 @p0 $0x880;
	s0 =	simm.s32 @p0 $0x80;
	s1 =	simm.s32 @p0 $0x200  }
0xbe: {  	[tilespmem:s15], [sflag:$0x1] =	stream.indirect.gather @p0 [hbm4b:s3+s0], $0x80, s1, s0, $0xb8;
	[tilespmem:$0x16880] =	vst v63  }
0xbf: {  	s1 =	simm.s32 @p0 $0x280;
	s15 =	simm.s32 @p0 $0x4880  }
0xc0: {  	[tilespmem:s15], [sflag:$0x1] =	stream.indirect.gather @p0 [hbm4b:s3+s0], $0x80, s1, s0, $0xb8;
	[tilespmem:$0x16880] =	vst v63  }
0xc1: {  	_ =	swait.ge [sflag:s25], $0x2000  }
0xc2: {  	[sflag:s25] =	ssyncset.done $0x0  }
0xc3: {  	[sflag:s25] =	ssyncadd.s32 $0xFFFFE000  }
0xc4: {  	_ =	swait.ge [sflag:s25], $0x4000  }
0xc5: {  	[sflag:s25] =	ssyncset.done $0x0  }
0xc6: {  	[sflag:s25] =	ssyncadd.s32 $0xFFFFC000  }
0xc7: {  	_ =	swait.ge [sflag:s25], $0x4000  }
0xc8: {  	[sflag:s25] =	ssyncset.done $0x0  }
0xc9: {  	s29 =	sadd.s32 $0x500, s29;
	[sflag:s25] =	ssyncadd.s32 $0xFFFFC000  }
0xca: {  	s30 =	simm.s32 $0x8980;
	v1 =	vld [tilespmem:s29+$0x0]  }
0xcb: {  	v4 =	vld [tilespmem:s30+$0xFFFFFF00]  }
0xcc: {  	v5 =	vld [tilespmem:s30+$0xFFFFFF80];
	_ =	sdelay $0x1  }
0xcd: {  	v6 =	vld [tilespmem:s30+$0x0]  }
0xce: {  	v3 =	vbroadcast v1, $0x0;
	v2 =	vbroadcast v1, $0x1  }
0xcf: {  	v7 =	vld [tilespmem:s30+$0x80];
	v0 =	vbroadcast v1, $0x2  }
0xd0: {  	v4 =	vmul.f32 v4, v3;
	v5 =	vmul.f32 v5, v2;
	_ =	sdelay $0x1  }
0xd1: {  	s0 =	simm.s32 $0x0;
	v1 =	vbroadcast v1, $0x3;
	v4 =	vadd.f32 v5, v4;
	v5 =	vmul.f32 v6, v0  }
0xd2: {  	v6 =	vld [tilespmem:s0+$0x12880]  }
0xd3: {  	v4 =	vadd.f32 v5, v4;
	v5 =	vmul.f32 v7, v1;
	_ =	sdelay $0x1  }
0xd4: {  	v4 =	vadd.f32 v5, v4;
	_ =	sdelay $0x1  }
0xd5: {  	v4 =	vmul.f32 v4, v6;
	_ =	sdelay $0x1  }
0xd6: {  	[tilespmem:s0+$0x14880] =	vst v4  }
0xd7: {  	v4 =	vld [tilespmem:s30+$0xFFFFFF10]  }
0xd8: {  	v5 =	vld [tilespmem:s30+$0xFFFFFF90];
	_ =	sdelay $0x1  }
0xd9: {  	v6 =	vld [tilespmem:s30+$0x10];
	_ =	sdelay $0x1  }
0xda: {  	v7 =	vld [tilespmem:s30+$0x90]  }
0xdb: {  	v4 =	vmul.f32 v4, v3;
	v5 =	vmul.f32 v5, v2;
	_ =	sdelay $0x1  }
0xdc: {  	v4 =	vadd.f32 v5, v4;
	v5 =	vmul.f32 v6, v0  }
0xdd: {  	v6 =	vld [tilespmem:s0+$0x12890]  }
0xde: {  	v4 =	vadd.f32 v5, v4;
	v5 =	vmul.f32 v7, v1;
	_ =	sdelay $0x1  }
0xdf: {  	v4 =	vadd.f32 v5, v4;
	_ =	sdelay $0x1  }
0xe0: {  	v4 =	vmul.f32 v4, v6;
	_ =	sdelay $0x1  }
0xe1: {  	[tilespmem:s0+$0x14890] =	vst v4  }
0xe2: {  	v4 =	vld [tilespmem:s30+$0xFFFFFF20]  }
0xe3: {  	v5 =	vld [tilespmem:s30+$0xFFFFFFA0];
	_ =	sdelay $0x1  }
0xe4: {  	v6 =	vld [tilespmem:s30+$0x20];
	_ =	sdelay $0x1  }
0xe5: {  	v7 =	vld [tilespmem:s30+$0xA0]  }
0xe6: {  	v4 =	vmul.f32 v4, v3;
	v5 =	vmul.f32 v5, v2;
	_ =	sdelay $0x1  }
0xe7: {  	v4 =	vadd.f32 v5, v4;
	v5 =	vmul.f32 v6, v0  }
0xe8: {  	v6 =	vld [tilespmem:s0+$0x128A0]  }
0xe9: {  	v4 =	vadd.f32 v5, v4;
	v5 =	vmul.f32 v7, v1;
	_ =	sdelay $0x1  }
0xea: {  	v4 =	vadd.f32 v5, v4;
	_ =	sdelay $0x1  }
0xeb: {  	v4 =	vmul.f32 v4, v6;
	_ =	sdelay $0x1  }
0xec: {  	[tilespmem:s0+$0x148A0] =	vst v4  }
0xed: {  	v4 =	vld [tilespmem:s30+$0xFFFFFFB0]  }
0xee: {  	v5 =	vld [tilespmem:s30+$0xFFFFFF30];
	_ =	sdelay $0x1  }
0xef: {  	v6 =	vld [tilespmem:s30+$0x30];
	_ =	sdelay $0x1  }
0xf0: {  	v7 =	vld [tilespmem:s30+$0xB0]  }
0xf1: {  	v4 =	vmul.f32 v4, v2;
	v5 =	vmul.f32 v5, v3;
	_ =	sdelay $0x1  }
0xf2: {  	v4 =	vadd.f32 v4, v5;
	v5 =	vmul.f32 v6, v0  }
0xf3: {  	v6 =	vld [tilespmem:s0+$0x128B0]  }
0xf4: {  	v4 =	vadd.f32 v5, v4;
	v5 =	vmul.f32 v7, v1;
	_ =	sdelay $0x1  }
0xf5: {  	v4 =	vadd.f32 v5, v4;
	_ =	sdelay $0x1  }
0xf6: {  	v4 =	vmul.f32 v4, v6;
	_ =	sdelay $0x1  }
0xf7: {  	[tilespmem:s0+$0x148B0] =	vst v4  }
0xf8: {  	v4 =	vld [tilespmem:s30+$0xFFFFFFC0]  }
0xf9: {  	v5 =	vld [tilespmem:s30+$0xFFFFFF40];
	_ =	sdelay $0x1  }
0xfa: {  	v6 =	vld [tilespmem:s30+$0x40];
	_ =	sdelay $0x1  }
0xfb: {  	v7 =	vld [tilespmem:s30+$0xC0]  }
0xfc: {  	v4 =	vmul.f32 v4, v2;
	v5 =	vmul.f32 v5, v3;
	_ =	sdelay $0x1  }
0xfd: {  	v6 =	vmul.f32 v6, v0;
	v4 =	vadd.f32 v4, v5  }
0xfe: {  	v5 =	vld [tilespmem:s0+$0x128C0]  }
0xff: {  	v7 =	vmul.f32 v7, v1;
	v4 =	vadd.f32 v6, v4;
	_ =	sdelay $0x1  }
0x100: {  	v4 =	vadd.f32 v7, v4;
	_ =	sdelay $0x1  }
0x101: {  	v4 =	vmul.f32 v4, v5;
	_ =	sdelay $0x1  }
0x102: {  	[tilespmem:s0+$0x148C0] =	vst v4  }
0x103: {  	v7 =	vld [tilespmem:s30+$0xFFFFFF50]  }
0x104: {  	v6 =	vld [tilespmem:s30+$0xFFFFFFD0]  }
0x105: {  	v5 =	vld [tilespmem:s30+$0x50]  }
0x106: {  	s28 =	sor.u32 $0x40, s28;
	s1 =	simm.s32 $0x200;
	v4 =	vld [tilespmem:s30+$0xD0]  }
.LBB2_5:
0x107: {  	_ = 	snop  }
0x108: {  	p1 =	sne.s32 s1, $0x7E00;
	s29 =	sadd.s32 $0x4, s29;
	s30 =	sadd.s32 $0x200, s30;
	v3 =	vmul.f32 v7, v3  }
0x109: {  	s15 =	smov.u32 s1;
	s1 =	sadd.s32 $0x200, s1;
	v2 =	vmul.f32 v6, v2  }
0x10a: {  	v0 =	vmul.f32 v5, v0  }
0x10b: {  	v2 =	vadd.f32 v2, v3;
	v1 =	vmul.f32 v4, v1;
	v3 =	vld [tilespmem:s0+$0x128D0];
	_ =	sdelay $0x1  }
0x10c: {  	v0 =	vadd.f32 v0, v2;
	_ =	sdelay $0x1  }
0x10d: {  	v0 =	vadd.f32 v1, v0;
	_ =	sdelay $0x1  }
0x10e: {  	v0 =	vmul.f32 v0, v3;
	_ =	sdelay $0x1  }
0x10f: {  	[tilespmem:s0+$0x148D0] =	vst v0  }
0x110: {  	v1 =	vld [tilespmem:s29+$0x0]  }
0x111: {  	v4 =	vld [tilespmem:s30+$0xFFFFFF00]  }
0x112: {  	v5 =	vld [tilespmem:s30+$0xFFFFFF80];
	_ =	sdelay $0x1  }
0x113: {  	v6 =	vld [tilespmem:s30+$0x0]  }
0x114: {  	v3 =	vbroadcast v1, $0x0;
	v2 =	vbroadcast v1, $0x1  }
0x115: {  	v0 =	vbroadcast v1, $0x2;
	v1 =	vbroadcast v1, $0x3;
	v7 =	vld [tilespmem:s30+$0x80]  }
0x116: {  	v4 =	vmul.f32 v4, v3;
	v5 =	vmul.f32 v5, v2;
	_ =	sdelay $0x1  }
0x117: {  	s0 =	sshra.s32 s15, $0x2;
	v4 =	vadd.f32 v5, v4;
	v5 =	vmul.f32 v6, v0  }
0x118: {  	v6 =	vld [tilespmem:s0+$0x12880]  }
0x119: {  	v4 =	vadd.f32 v5, v4;
	v5 =	vmul.f32 v7, v1;
	_ =	sdelay $0x1  }
0x11a: {  	v4 =	vadd.f32 v5, v4;
	_ =	sdelay $0x1  }
0x11b: {  	v4 =	vmul.f32 v4, v6;
	_ =	sdelay $0x1  }
0x11c: {  	[tilespmem:s0+$0x14880] =	vst v4  }
0x11d: {  	v4 =	vld [tilespmem:s30+$0xFFFFFF10]  }
0x11e: {  	v5 =	vld [tilespmem:s30+$0xFFFFFF90];
	_ =	sdelay $0x1  }
0x11f: {  	v6 =	vld [tilespmem:s30+$0x10];
	_ =	sdelay $0x1  }
0x120: {  	v4 =	vmul.f32 v4, v3;
	v7 =	vld [tilespmem:s30+$0x90]  }
0x121: {  	v5 =	vmul.f32 v5, v2;
	_ =	sdelay $0x1  }
0x122: {  	v4 =	vadd.f32 v5, v4;
	v5 =	vmul.f32 v6, v0  }
0x123: {  	v6 =	vld [tilespmem:s0+$0x12890]  }
0x124: {  	v4 =	vadd.f32 v5, v4;
	v5 =	vmul.f32 v7, v1;
	_ =	sdelay $0x1  }
0x125: {  	v4 =	vadd.f32 v5, v4;
	_ =	sdelay $0x1  }
0x126: {  	v4 =	vmul.f32 v4, v6;
	_ =	sdelay $0x1  }
0x127: {  	[tilespmem:s0+$0x14890] =	vst v4  }
0x128: {  	v4 =	vld [tilespmem:s30+$0xFFFFFF20]  }
0x129: {  	v5 =	vld [tilespmem:s30+$0xFFFFFFA0];
	_ =	sdelay $0x1  }
0x12a: {  	v6 =	vld [tilespmem:s30+$0x20];
	_ =	sdelay $0x1  }
0x12b: {  	v4 =	vmul.f32 v4, v3;
	v7 =	vld [tilespmem:s30+$0xA0]  }
0x12c: {  	v5 =	vmul.f32 v5, v2;
	_ =	sdelay $0x1  }
0x12d: {  	v4 =	vadd.f32 v5, v4;
	v5 =	vmul.f32 v6, v0  }
0x12e: {  	v6 =	vld [tilespmem:s0+$0x128A0]  }
0x12f: {  	v4 =	vadd.f32 v5, v4;
	v5 =	vmul.f32 v7, v1;
	_ =	sdelay $0x1  }
0x130: {  	v4 =	vadd.f32 v5, v4;
	_ =	sdelay $0x1  }
0x131: {  	v4 =	vmul.f32 v4, v6;
	_ =	sdelay $0x1  }
0x132: {  	[tilespmem:s0+$0x148A0] =	vst v4  }
0x133: {  	v4 =	vld [tilespmem:s30+$0xFFFFFFB0]  }
0x134: {  	v5 =	vld [tilespmem:s30+$0xFFFFFF30];
	_ =	sdelay $0x1  }
0x135: {  	v6 =	vld [tilespmem:s30+$0x30];
	_ =	sdelay $0x1  }
0x136: {  	v4 =	vmul.f32 v4, v2;
	v7 =	vld [tilespmem:s30+$0xB0]  }
0x137: {  	v5 =	vmul.f32 v5, v3;
	_ =	sdelay $0x1  }
0x138: {  	v4 =	vadd.f32 v4, v5;
	v5 =	vmul.f32 v6, v0  }
0x139: {  	v6 =	vld [tilespmem:s0+$0x128B0]  }
0x13a: {  	v4 =	vadd.f32 v5, v4;
	v5 =	vmul.f32 v7, v1;
	_ =	sdelay $0x1  }
0x13b: {  	v4 =	vadd.f32 v5, v4;
	_ =	sdelay $0x1  }
0x13c: {  	v4 =	vmul.f32 v4, v6;
	_ =	sdelay $0x1  }
0x13d: {  	[tilespmem:s0+$0x148B0] =	vst v4  }
0x13e: {  	v4 =	vld [tilespmem:s30+$0xFFFFFFC0]  }
0x13f: {  	v5 =	vld [tilespmem:s30+$0xFFFFFF40]  }
0x140: {  	v6 =	vld [tilespmem:s30+$0x40]  }
0x141: {  	v7 =	vld [tilespmem:s30+$0xC0];
	_ =	sdelay $0x1  }
0x142: {  	v4 =	vmul.f32 v4, v2  }
0x143: {  	v5 =	vmul.f32 v5, v3  }
0x144: {  	v6 =	vmul.f32 v6, v0  }
0x145: {  	v4 =	vadd.f32 v4, v5;
	v5 =	vmul.f32 v7, v1  }
0x146: {  	v7 =	vld [tilespmem:s0+$0x128C0]  }
0x147: {  	v4 =	vadd.f32 v6, v4;
	_ =	sdelay $0x1  }
0x148: {  	v4 =	vadd.f32 v5, v4;
	_ =	sdelay $0x1  }
0x149: {  	v4 =	vmul.f32 v4, v7;
	_ =	sdelay $0x1  }
.Ltmp1:
0x14a: {  	[tilespmem:s0+$0x148C0] =	vst v4;
	(pc) =	sbr.rel @p1 .LBB2_5-.Ltmp1, $4  }
0x14b: {  	v7 =	vld [tilespmem:s30+$0xFFFFFF50]  }
0x14c: {  	v6 =	vld [tilespmem:s30+$0xFFFFFFD0]  }
0x14d: {  	v5 =	vld [tilespmem:s30+$0x50]  }
0x14e: {  	v4 =	vld [tilespmem:s30+$0xD0]  }
0x14f: {  	_ =	sdelay $0x1  }
0x150: {  	v3 =	vmul.f32 v7, v3;
	v2 =	vmul.f32 v6, v2;
	_ =	sdelay $0x1  }
0x151: {  	v0 =	vmul.f32 v5, v0;
	v2 =	vadd.f32 v2, v3  }
0x152: {  	v63 =	vld [tilespmem:s0+$0x128D0]  }
0x153: {  	v1 =	vmul.f32 v4, v1;
	v0 =	vadd.f32 v0, v2;
	_ =	sdelay $0x1  }
0x154: {  	v0 =	vadd.f32 v1, v0;
	_ =	sdelay $0x1  }
0x155: {  	s1 =	sor.u32 s6, s28;
	v0 =	vmul.f32 v0, v63  }
0x156: {  	s1 =	sshll.u32 s1, $0x4  }
.Ltmp2:
0x157: {  	s31 =	sadd.s32 s5, s1;
	[tilespmem:s0+$0x148D0] =	vst v0;
	(pc) =	sbr.rel @p0 .LBB2_2-.Ltmp2, $4  }
0x158: {  	[hbm4b:s31+s2] =	stream.linear.scatter [tilespmem:s24], [sflag:$0x3], $0x2000, $0x38;
	[tilespmem:$0x16880] =	vst v63  }
0x159: {  	s28 =	simm.s32 $0x80;
	_ =	swait.ge [sflag:s14], $0x2000  }
0x15a: {  	p1 =	por $0x0, $0x0;
	s29 =	smov.u32 s12;
	[sflag:s14] =	ssyncset.done $0x0  }
0x15b: {  	s1 =	simm.s32 $0x300;
	s0 =	simm.s32 $0x380;
	[sflag:s14] =	ssyncadd.s32 $0xFFFFE000  }
0x15c: {  	s26 =	sadd.s32 $0x1, s26  }
0x15d: {  	p0 =	sne.s32 s26, s13  }
.Ltmp3:
0x15e: {  	_ = 	snop;
	(pc) =	sbr.rel @p0 .LBB2_1-.Ltmp3, $1  }
0x15f: {  	_ =	sdelay $0x3  }
0x160: {  	_ =	sfence.sel $0x180000  }
0x161: {  	[bflag:$0x0] =	sbarrier.arrive $0xFFFF  }
0x162: {  	_ =	strace $0x9000004A  }
0x163: {  	s0 =	stileid.u32;
	[bflag:$0x2] =	sbarrier.arrive $0xFFFF  }
0x164: {  	p0 =	sne.s32 s0, $0x0;
	s0 =	rddreg [dreg:$0x1]  }
0x165: {  	s0 =	sadd.s32 @!p0 $0x100000, s0  }
0x166: {  	[sflag:s0] =	ssyncadd.tile.s32 @!p0 $0x1;
	_ =	shalt  }
.Lfunc_end2:
_tile_overlayer_lowered:
.L_overlay_start_2:
0x167: {  	(tag) =	ssettag $0x2  }
0x168: {  	s0 =	rddreg [dreg:$0x0];
	s2 =	stileid.u32  }
0x169: {  	s1 =	rddreg [dreg:$0x1];
	p0 =	sne.s32 s2, $0x0  }
0x16a: {  	s3 =	rddreg [dreg:$0x2];
	[bflag:$0x3] =	sbarrier.arrive $0xFFFF;
	s2 =	simm.s32 @!p0 $0x1C03  }
0x16b: {  	[timem:s3], [sflag:s2] =	dma.local @!p0 [hbm:s0], s1  }
0x16c: {  	s0 =	simm.s32 @!p0 $0x3  }
0x16d: {  	_ =	swait.ge @!p0 [sflag:s0], s1  }
0x16e: {  	s1 =	ssub.s32 @!p0 $0x0, s1;
	[sflag:s0] =	ssyncset.done @!p0 $0x0  }
0x16f: {  	[sflag:s0] =	ssyncadd.s32 @!p0 s1  }
0x170: {  	[bflag:$0x3] =	sbarrier.arrive $0xFFFF  }
0x171: {  	_ =	shalt  }

// kernel: kernel.16.cloned.1.call-start
scs
__scs_entry_jumppad:
0x0: {  	(pc) =	sbr.rel $0x88, $3  }
0x1: {  	(tag) =	ssettag $0x0;
	lr =	simm.s32 $0x1  }
0x2: {  	[smem:$0x3F9E] =	sst lr;
	_ =	strace $0xD0000000  }
0x3: {  	_ = 	snop  }
0x4: {  	_ = 	snop  }
0x5: {  	_ = 	snop  }
0x6: {  	_ = 	snop  }
0x7: {  	_ = 	snop  }
__scs_overlays_trampoline_lowered:
0x8: {  	[smem:$0x3FAD] =	sst s0  }
0x9: {  	[smem:$0x3FAE] =	sst s1  }
0xa: {  	[smem:$0x3FAF] =	sst s2  }
0xb: {  	[smem:$0x3FB0] =	sst s3  }
0xc: {  	[smem:$0x3FB1] =	sst s4  }
0xd: {  	[smem:$0x3FB2] =	sst s5  }
0xe: {  	[smem:$0x3FB3] =	sst s6  }
0xf: {  	[smem:$0x3FB4] =	sst s7  }
0x10: {  	[smem:$0x3FB5] =	sst s8  }
0x11: {  	[smem:$0x3FB6] =	sst s9;
	s0 =	simm.s32 @!p0 $0x0  }
0x12: {  	s1 =	sld [smem:$0x3F9C];
	s0 =	simm.s32 @p0 $0x1  }
0x13: {  	[smem:$0x3FB7] =	sst s0;
	s0 =	simm.s32 @!p1 $0x0  }
0x14: {  	s2 =	sld [smem:$0x3F9B];
	s0 =	simm.s32 @p1 $0x1  }
0x15: {  	[smem:$0x3FB8] =	sst s0;
	s0 =	simm.s32 @!p2 $0x0  }
0x16: {  	s3 =	sld [smem:$0x3FDB];
	s0 =	simm.s32 @p2 $0x1  }
0x17: {  	s4 =	simm.s32 $0x1BF5;
	[smem:$0x3FBA] =	sst s0  }
0x18: {  	s0 =	sld [smem:$0x3F9D];
	_ =	swait.ge [sflag:s4], $0x0  }
0x19: {  	s7 =	sld [smem:$0x3F9E]  }
0x1a: {  	s8 =	sadd.s32 $0xFFFFE003, lr  }
0x1b: {  	s9 =	sadd.s32 $0xFFFFFEF7, lr;
	s5 =	simm.s32 $0xFFFFFFFF;
	p2 =	slt.u32 s8, $0xFFFFF086  }
0x1c: {  	p1 =	slt.u32 s9, $0xF7A;
	s5 =	simm.s32 @!p2 $0x0  }
0x1d: {  	s5 =	simm.s32 @p1 $0x1;
	p0 =	seq.s32 s7, s2  }
0x1e: {  	s7 =	smul.u32 @!p0 $0xF7A, s2;
	p2 =	seq.s32 @!p0 s5, $0x0  }
0x1f: {  	s9 =	smul.u32 $0xF7A, s1;
	s8 =	simm.s32 @!p0 $0x1BF5;
	p2 =	por !p2, p0  }
0x20: {  	[sflag:s8] =	ssyncset.s32 @!p0 $0xFFFFF086;
	s6 =	sadd.s32 @!p0 s3, s7;
	s7 =	simm.s32 @!p0 $0x108  }
0x21: {  	s3 =	sadd.s32 s3, s9;
	s6 =	sadd.s32 @!p0 $0x88, s6;
	s7 =	simm.s32 @p2 $0x1082  }
0x22: {  	[simem:s7], [sflag:s8] =	dma.local @!p0 [hbm:s6], $0xF7A  }
0x23: {  	s9 =	sor.u32 $0xD0000000, s2;
	s6 =	simm.s32 $0x108;
	_ =	swait.ge @!p0 [sflag:s8], $0x0  }
0x24: {  	s3 =	sadd.s32 $0x88, s3;
	s6 =	simm.s32 @!p1 $0x1082;
	[sflag:s4] =	ssyncset.s32 $0xFFFFF086  }
0x25: {  	[simem:s6], [sflag:s4] =	dma.local [hbm:s3], $0xF7A  }
0x26: {  	[smem:$0x3F9E] =	sst s1;
	(tag) =	ssettag s2;
	_ =	strace s9  }
0x27: {  	s1 =	sld [smem:$0x3FAE]  }
0x28: {  	s2 =	sld [smem:$0x3FAF]  }
0x29: {  	s4 =	sld [smem:$0x3FB1]  }
0x2a: {  	p0 =	seq.s32 s5, $0x0;
	s5 =	sld [smem:$0x3FB2]  }
0x2b: {  	s6 =	sld [smem:$0x3FB3]  }
0x2c: {  	s7 =	sld [smem:$0x3FB4]  }
0x2d: {  	s3 =	simm.s32 $0x108;
	s8 =	sld [smem:$0x3FB5]  }
0x2e: {  	s3 =	simm.s32 @!p0 $0x1082;
	s9 =	sld [smem:$0x3FB6]  }
0x2f: {  	lr =	sadd.s32 s0, s3;
	s0 =	sld [smem:$0x3FAD]  }
0x30: {  	s3 =	sld [smem:$0x3FB0]  }
0x31: {  	[smem:$0x3FB9] =	sst s10  }
0x32: {  	s10 =	sld [smem:$0x3FB7];
	_ =	sdelay $0x3  }
0x33: {  	p0 =	seq.s32 s10, $0x1;
	s10 =	sld [smem:$0x3FB9];
	_ =	sdelay $0x3  }
0x34: {  	[smem:$0x3FB9] =	sst s10  }
0x35: {  	s10 =	sld [smem:$0x3FB8];
	_ =	sdelay $0x3  }
0x36: {  	p1 =	seq.s32 s10, $0x1;
	s10 =	sld [smem:$0x3FB9];
	_ =	sdelay $0x3  }
0x37: {  	[smem:$0x3FB9] =	sst s10  }
0x38: {  	s10 =	sld [smem:$0x3FBA]  }
0x39: {  	_ = 	snop;
	(pc) =	sbr.ind lr, $3  }
0x3a: {  	_ = 	snop  }
0x3b: {  	_ = 	snop  }
0x3c: {  	p2 =	seq.s32 s10, $0x1;
	s10 =	sld [smem:$0x3FB9]  }
0x3d: {  	_ =	shalt  }
0x3e: {  	_ =	shalt  }
0x3f: {  	_ =	shalt  }
0x40: {  	_ =	shalt  }
0x41: {  	_ =	shalt  }
0x42: {  	_ =	shalt  }
0x43: {  	_ =	shalt  }
0x44: {  	_ =	shalt  }
0x45: {  	_ =	shalt  }
0x46: {  	_ =	shalt  }
0x47: {  	_ =	shalt  }
0x48: {  	_ =	shalt  }
0x49: {  	_ =	shalt  }
0x4a: {  	_ =	shalt  }
0x4b: {  	_ =	shalt  }
0x4c: {  	_ =	shalt  }
0x4d: {  	_ =	shalt  }
0x4e: {  	_ =	shalt  }
0x4f: {  	_ =	shalt  }
0x50: {  	_ =	shalt  }
0x51: {  	_ =	shalt  }
0x52: {  	_ =	shalt  }
0x53: {  	_ =	shalt  }
0x54: {  	_ =	shalt  }
0x55: {  	_ =	shalt  }
0x56: {  	_ =	shalt  }
0x57: {  	_ =	shalt  }
0x58: {  	_ =	shalt  }
0x59: {  	_ =	shalt  }
0x5a: {  	_ =	shalt  }
0x5b: {  	_ =	shalt  }
0x5c: {  	_ =	shalt  }
0x5d: {  	_ =	shalt  }
0x5e: {  	_ =	shalt  }
0x5f: {  	_ =	shalt  }
0x60: {  	_ =	shalt  }
0x61: {  	_ =	shalt  }
0x62: {  	_ =	shalt  }
0x63: {  	_ =	shalt  }
0x64: {  	_ =	shalt  }
0x65: {  	_ =	shalt  }
0x66: {  	_ =	shalt  }
0x67: {  	_ =	shalt  }
0x68: {  	_ =	shalt  }
0x69: {  	_ =	shalt  }
0x6a: {  	_ =	shalt  }
0x6b: {  	_ =	shalt  }
0x6c: {  	_ =	shalt  }
0x6d: {  	_ =	shalt  }
0x6e: {  	_ =	shalt  }
0x6f: {  	_ =	shalt  }
0x70: {  	_ =	shalt  }
0x71: {  	_ =	shalt  }
0x72: {  	_ =	shalt  }
0x73: {  	_ =	shalt  }
0x74: {  	_ =	shalt  }
0x75: {  	_ =	shalt  }
0x76: {  	_ =	shalt  }
0x77: {  	_ =	shalt  }
0x78: {  	_ =	shalt  }
0x79: {  	_ =	shalt  }
0x7a: {  	_ =	shalt  }
0x7b: {  	_ =	shalt  }
0x7c: {  	_ =	shalt  }
0x7d: {  	_ =	shalt  }
0x7e: {  	_ =	shalt  }
0x7f: {  	_ =	shalt  }
0x80: {  	_ =	shalt  }
0x81: {  	_ =	shalt  }
0x82: {  	_ =	shalt  }
0x83: {  	_ =	shalt  }
0x84: {  	_ =	shalt  }
0x85: {  	_ =	shalt  }
0x86: {  	_ =	shalt  }
0x87: {  	_ =	shalt  }
.Lfunc_end0:
.L_simem_size_0:
called_computation.2_lowered:
.L_overlay_start_0:
0x88: {  	s2 =	sld [smem:$0x3FD9]  }
0x89: {  	s3 =	sld [smem:$0x3FFE];
	_ =	sdelay $0x1  }
0x8a: {  	s1 =	srdreg.scid  }
0x8b: {  	s0 =	sand.u32 $0x1, s1  }
0x8c: {  	s17 =	sshll.u32 s0, $0xA;
	s2 =	sadd.s32 s3, s2  }
0x8d: {  	s2 =	sadd.s32 s2, s17  }
0x8e: {  	[smem:$0x3FC5] =	sst s2  }
0x8f: {  	_ = 	snop  }
0x90: {  	(tm) =	ssettm $0x1  }
0x91: {  	s18 =	sld [smem:$0x3FFB];
	_ =	sdelay $0x3  }
0x92: {  	_ =	strace s18  }
0x93: {  	s2 =	sld [smem:$0x3FFC];
	_ =	sdelay $0x3  }
0x94: {  	_ =	strace s2  }
0x95: {  	s2 =	sld [smem:$0x3FFD];
	_ =	sdelay $0x3  }
0x96: {  	_ =	strace s2  }
0x97: {  	_ =	strace $0x8FFFFFFF  }
0x98: {  	s19 =	sld [smem:$0x3FDB];
	_ =	sdelay $0x1  }
0x99: {  	s20 =	simm.s32 $_scs_section_size  }
0x9a: {  	s4 =	simm.s32 $_size__tile_overlayer_lowered;
	s5 =	simm.s32 $_tile_overlayer_lowered  }
0x9b: {  	s6 =	simm.s32 $0x1BFF;
	s21 =	sshll.u32 s5, $0x1;
	s3 =	sadd.s32 s20, s19  }
0x9c: {  	s22 =	simm.s32 $0x0;
	s4 =	sshll.u32 s4, $0x1;
	s5 =	sadd.s32 s21, s3  }
0x9d: {  	[timem:s22], [sflag:s6] =	dma.local [hbm:s5], s4  }
0x9e: {  	_ =	swait.ge [sflag:s6], s4  }
0x9f: {  	s4 =	ssub.s32 $0x0, s4;
	[sflag:s6] =	ssyncset.done $0x0  }
0xa0: {  	[sflag:s6] =	ssyncadd.s32 s4;
	_ =	sdelay $0x1  }
0xa1: {  	s23 =	simm.s32 $0x1B8B  }
0xa2: {  	_ =	swait.ge [sflag:s23], $0x1  }
0xa3: {  	[sflag:s23] =	ssyncset.done $0x0  }
0xa4: {  	[sflag:s23] =	ssyncadd.s32 $0xFFFFFFFF  }
0xa5: {  	s4 =	sld [smem:$0x0]  }
0xa6: {  	s5 =	sand.u32 $0xFFFFFFFE, s1  }
0xa7: {  	p0 =	sne.s32 s1, s5  }
0xa8: {  	s5 =	sshll.u32 @p0 s5, $0xE  }
0xa9: {  	s5 =	sadd.s32 @p0 $0x11B8D, s5;
	s6 =	sshll.u32 @p0 s4, $0x11  }
0xaa: {  	s5 =	sor.u32 @p0 s6, s5  }
0xab: {  	[sflag:s5] =	ssyncadd.remote.s32 @p0 $0x1;
	_ =	sdelay $0x1  }
0xac: {  	s5 =	simm.s32 @p0 $0x1B8D  }
0xad: {  	_ =	swait.eq @p0 [sflag:s5], $0x1  }
0xae: {  	[sflag:s5] =	ssyncadd.s32 @p0 $0xFFFFFFFF  }
0xaf: {  	s6 =	sshll.u32 @!p0 s1, $0xE  }
0xb0: {  	s6 =	sor.u32 @!p0 $0x4000, s6;
	s5 =	simm.s32 @!p0 $0x1B8D  }
0xb1: {  	s4 =	sshll.u32 @!p0 s4, $0x11;
	s6 =	sadd.s32 @!p0 $0x11B8D, s6;
	_ =	swait.eq @!p0 [sflag:s5], $0x1  }
0xb2: {  	s4 =	sor.u32 @!p0 s4, s6;
	[sflag:s5] =	ssyncadd.s32 @!p0 $0xFFFFFFFF  }
0xb3: {  	s25 =	simm.s32 $0x1B8E;
	s24 =	sld [smem:$0x3FFE];
	[sflag:s4] =	ssyncadd.remote.s32 @!p0 $0x1  }
0xb4: {  	s26 =	simm.s32 $execute0_lowered;
	[smem:$0x3FD2] =	sst s25  }
0xb5: {  	s5 =	sshll.u32 s26, $0x1;
	_ =	strace $0x8000004C;
	[dreg:$0x1] =	wrdreg $0xFFFFFFFF  }
0xb6: {  	s28 =	simm.s32 $_size_execute0_lowered;
	s3 =	sadd.s32 s3, s5;
	[dreg:$0x0] =	wrdreg $0x0  }
0xb7: {  	s5 =	sshll.u32 s28, $0x1;
	[dreg:$0x2] =	wrdreg s3  }
0xb8: {  	[dreg:$0x3] =	wrdreg s5  }
0xb9: {  	[dreg:$0x4] =	wrdreg $0xC0  }
0xba: {  	_ =	task [dreg:s22], $0x5FFFF  }
0xbb: {  	[dreg:$0x1] =	wrdreg $0xFFFFFFFF  }
0xbc: {  	[dreg:$0x0] =	wrdreg $0x60  }
0xbd: {  	[dreg:$0x2] =	wrdreg s24  }
0xbe: {  	[dreg:$0x3] =	wrdreg $0xB  }
0xbf: {  	_ =	task.clear_ibuf [dreg:s22], $0x4FFFF;
	_ =	strace $0x9000004C  }
0xc0: {  	s29 =	simm.s32 $0xB;
	_ =	strace $0x8000004E  }
0xc1: {  	_ =	swait.ge [sflag:s29], $0x1  }
0xc2: {  	[sflag:s29] =	ssyncadd.s32 $0xFFFFFFFF  }
0xc3: {  	_ =	strace $0x9000004E  }
0xc4: {  	_ =	sfence  }
0xc5: {  	s30 =	sld [smem:$0x0];
	_ =	sdelay $0x2  }
0xc6: {  	s31 =	sshll.u32 s1, $0xD;
	s1 =	sshrl.u32 s1, $0x2  }
0xc7: {  	s4 =	sand.u32 $0x4000, s31;
	s1 =	sadd.s32 s1, s30  }
0xc8: {  	s0 =	sor.u32 s4, s0;
	s1 =	sshll.u32 s1, $0x11  }
0xc9: {  	s0 =	sor.u32 s1, s0  }
0xca: {  	s0 =	sadd.s32 $0x8F2B, s0  }
0xcb: {  	[sflag:s0] =	ssyncadd.remote.s32 $0x1  }
0xcc: {  	_ =	sfence.sel $0xFFFF  }
0xcd: {  	[dreg:$0x0] =	wrdreg $0xFFFFFFFF;
	(pc) =	sbr.abs _section_cstart, $3  }
0xce: {  	[dreg:$0x1] =	wrdreg $0xFFFFFFFF  }
0xcf: {  	_ =	task.clear_ibuf [dreg:s22], $0x2FFFF;
	_ =	strace $0x9FFFFFFF  }
0xd0: {  	(tm) =	ssettm $0x7FFFFFFF  }
0xd1: {  	_ =	shalt  }
tec
execute0_lowered:
.L_overlay_start_1:
0x0: {  	(tag) =	ssettag $0x1  }
0x1: {  	s0 =	rddreg [dreg:$0x0];
	s2 =	simm.s32 $0x0  }
0x2: {  	s1 =	srdreg.scid;
	s3 =	stileid.u32;
	s14 =	simm.s32 $0x3  }
0x3: {  	s16 =	simm.s32 $0x10880;
	s17 =	simm.s32 $0x80;
	s18 =	simm.s32 $0x880  }
0x4: {  	s19 =	simm.s32 $0x4880;
	s20 =	simm.s32 $0x12880;
	s21 =	simm.s32 $0x8880  }
0x5: {  	s22 =	simm.s32 $0xC880;
	s23 =	simm.s32 $0x1;
	s24 =	simm.s32 $0x14880  }
0x6: {  	s25 =	simm.s32 $0x2;
	s26 =	simm.s32 $0x0;
	[smem:$0x7FF] =	sst s2  }
0x7: {  	s1 =	sand.u32 $0x1, s1;
	s3 =	sshll.u32 s3, $0x1;
	s10 =	sadd.s32 $0xE7C00, s0  }
0x8: {  	s12 =	sadd.s32 $0xE8400, s0;
	_ =	strace $0x8000004D;
	s6 =	sor.u32 s1, s3  }
0x9: {  	s3 =	sadd.s32 $0xC7800, s0;
	s1 =	ssub.s32 $0x2, s1;
	s4 =	sshll.u32 s6, $0xC  }
0xa: {  	s5 =	sshll.u32 s6, $0x7;
	s7 =	sshrl.u32 s1, $0x1;
	s6 =	sshll.u32 s6, $0x8  }
0xb: {  	s11 =	sadd.s32 s4, s0;
	s8 =	sadd.s32 s5, s0;
	s5 =	sadd.s32 $0x109800, s0  }
0xc: {  	s1 =	ssub.s32 s1, s7;
	s7 =	sadd.s32 $0x108800, s8;
	s8 =	sadd.s32 $0x107800, s8  }
0xd: {  	s9 =	sadd.s32 $0xE7800, s11;
	s11 =	sadd.s32 $0xE8000, s11;
	s13 =	smax.u32 s1, $0x1  }
.LBB2_1:
0xe: {  	[tilespmem:s2], [sflag:$0x3] =	stream.linear.gather [hbm4b:s7+s2], $0x400, $0x38;
	[tilespmem:$0x16880] =	vst v63  }
0xf: {  	_ =	swait.ge [sflag:s14], $0x400  }
0x10: {  	[sflag:s14] =	ssyncset.done $0x0  }
0x11: {  	s0 =	simm.s32 $0x400;
	[sflag:s14] =	ssyncadd.s32 $0xFFFFFC00  }
0x12: {  	[tilespmem:s0], [sflag:$0x3] =	stream.linear.gather [hbm4b:s8+s2], $0x400, $0x38;
	[tilespmem:$0x16880] =	vst v63  }
0x13: {  	_ =	swait.ge [sflag:s14], $0x400  }
0x14: {  	[sflag:s14] =	ssyncset.done $0x0  }
0x15: {  	[sflag:s14] =	ssyncadd.s32 $0xFFFFFC00  }
0x16: {  	[tilespmem:s16], [sflag:$0x1] =	stream.linear.gather [hbm4b:s9+s2], $0x2000, $0x38;
	[tilespmem:$0x16880] =	vst v63  }
0x17: {  	p1 =	por $0x1, $0x1;
	s1 =	simm.s32 $0x100  }
0x18: {  	[tilespmem:s18], [sflag:$0x1] =	stream.indirect.gather [hbm4b:s3+s17], $0x80, s2, s17, $0xb8;
	[tilespmem:$0x16880] =	vst v63  }
0x19: {  	s29 =	smov.u32 s10;
	s28 =	simm.s32 $0x0;
	s0 =	simm.s32 $0x180  }
0x1a: {  	[tilespmem:s19], [sflag:$0x1] =	stream.indirect.gather [hbm4b:s3+s17], $0x80, s17, s17, $0xb8;
	[tilespmem:$0x16880] =	vst v63  }
.LBB2_2:
0x1b: {  	s29 =	sadd.s32 s4, s29;
	s30 =	simm.s32 $0x0  }
0x1c: {  	[tilespmem:s20], [sflag:$0x2] =	stream.linear.gather [hbm4b:s29+s30], $0x2000, $0x38;
	[tilespmem:$0x16880] =	vst v63  }
0x1d: {  	_ = 	snop  }
0x1e: {  	[tilespmem:s21], [sflag:$0x2] =	stream.indirect.gather [hbm4b:s3+s17], $0x80, s1, s17, $0xb8;
	[tilespmem:$0x16880] =	vst v63  }
0x1f: {  	_ = 	snop  }
0x20: {  	[tilespmem:s22], [sflag:$0x2] =	stream.indirect.gather [hbm4b:s3+s17], $0x80, s0, s17, $0xb8;
	[tilespmem:$0x16880] =	vst v63  }
0x21: {  	_ =	swait.ge [sflag:s23], $0x2000  }
0x22: {  	[sflag:s23] =	ssyncset.done $0x0  }
0x23: {  	[sflag:s23] =	ssyncadd.s32 $0xFFFFE000  }
0x24: {  	_ =	swait.ge [sflag:s23], $0x4000  }
0x25: {  	[sflag:s23] =	ssyncset.done $0x0  }
0x26: {  	[sflag:s23] =	ssyncadd.s32 $0xFFFFC000  }
0x27: {  	s15 =	sshll.u32 s28, $0x4;
	_ =	swait.ge [sflag:s23], $0x4000  }
0x28: {  	s29 =	sshra.s32 s15, $0x2;
	[sflag:s23] =	ssyncset.done $0x0  }
0x29: {  	s30 =	sadd.s32 $0x400, s29;
	[sflag:s23] =	ssyncadd.s32 $0xFFFFC000  }
0x2a: {  	s31 =	simm.s32 $0x980;
	v1 =	vld [tilespmem:s30+$0x0]  }
0x2b: {  	v4 =	vld [tilespmem:s31+$0xFFFFFF00]  }
0x2c: {  	v5 =	vld [tilespmem:s31+$0xFFFFFF80];
	_ =	sdelay $0x1  }
0x2d: {  	v6 =	vld [tilespmem:s31+$0x0]  }
0x2e: {  	v3 =	vbroadcast v1, $0x0;
	v2 =	vbroadcast v1, $0x1  }
0x2f: {  	v7 =	vld [tilespmem:s31+$0x80];
	v0 =	vbroadcast v1, $0x2  }
0x30: {  	v4 =	vmul.f32 v4, v3;
	v5 =	vmul.f32 v5, v2;
	_ =	sdelay $0x1  }
0x31: {  	s0 =	simm.s32 $0x0;
	v1 =	vbroadcast v1, $0x3;
	v4 =	vadd.f32 v5, v4;
	v5 =	vmul.f32 v6, v0  }
0x32: {  	v6 =	vld [tilespmem:s0+$0x10880]  }
0x33: {  	v4 =	vadd.f32 v5, v4;
	v5 =	vmul.f32 v7, v1;
	_ =	sdelay $0x1  }
0x34: {  	v4 =	vadd.f32 v5, v4;
	_ =	sdelay $0x1  }
0x35: {  	v4 =	vmul.f32 v4, v6;
	_ =	sdelay $0x1  }
0x36: {  	[tilespmem:s0+$0x14880] =	vst v4  }
0x37: {  	v4 =	vld [tilespmem:s31+$0xFFFFFF10]  }
0x38: {  	v5 =	vld [tilespmem:s31+$0xFFFFFF90];
	_ =	sdelay $0x1  }
0x39: {  	v6 =	vld [tilespmem:s31+$0x10];
	_ =	sdelay $0x1  }
0x3a: {  	v7 =	vld [tilespmem:s31+$0x90]  }
0x3b: {  	v4 =	vmul.f32 v4, v3;
	v5 =	vmul.f32 v5, v2;
	_ =	sdelay $0x1  }
0x3c: {  	v4 =	vadd.f32 v5, v4;
	v5 =	vmul.f32 v6, v0  }
0x3d: {  	v6 =	vld [tilespmem:s0+$0x10890]  }
0x3e: {  	v4 =	vadd.f32 v5, v4;
	v5 =	vmul.f32 v7, v1;
	_ =	sdelay $0x1  }
0x3f: {  	v4 =	vadd.f32 v5, v4;
	_ =	sdelay $0x1  }
0x40: {  	v4 =	vmul.f32 v4, v6;
	_ =	sdelay $0x1  }
0x41: {  	[tilespmem:s0+$0x14890] =	vst v4  }
0x42: {  	v4 =	vld [tilespmem:s31+$0xFFFFFF20]  }
0x43: {  	v5 =	vld [tilespmem:s31+$0xFFFFFFA0];
	_ =	sdelay $0x1  }
0x44: {  	v6 =	vld [tilespmem:s31+$0x20];
	_ =	sdelay $0x1  }
0x45: {  	v7 =	vld [tilespmem:s31+$0xA0]  }
0x46: {  	v4 =	vmul.f32 v4, v3;
	v5 =	vmul.f32 v5, v2;
	_ =	sdelay $0x1  }
0x47: {  	v4 =	vadd.f32 v5, v4;
	v5 =	vmul.f32 v6, v0  }
0x48: {  	v6 =	vld [tilespmem:s0+$0x108A0]  }
0x49: {  	v4 =	vadd.f32 v5, v4;
	v5 =	vmul.f32 v7, v1;
	_ =	sdelay $0x1  }
0x4a: {  	v4 =	vadd.f32 v5, v4;
	_ =	sdelay $0x1  }
0x4b: {  	v4 =	vmul.f32 v4, v6;
	_ =	sdelay $0x1  }
0x4c: {  	[tilespmem:s0+$0x148A0] =	vst v4  }
0x4d: {  	v4 =	vld [tilespmem:s31+$0xFFFFFFB0]  }
0x4e: {  	v5 =	vld [tilespmem:s31+$0xFFFFFF30];
	_ =	sdelay $0x1  }
0x4f: {  	v6 =	vld [tilespmem:s31+$0x30];
	_ =	sdelay $0x1  }
0x50: {  	v7 =	vld [tilespmem:s31+$0xB0]  }
0x51: {  	v4 =	vmul.f32 v4, v2;
	v5 =	vmul.f32 v5, v3;
	_ =	sdelay $0x1  }
0x52: {  	v4 =	vadd.f32 v4, v5;
	v5 =	vmul.f32 v6, v0  }
0x53: {  	v6 =	vld [tilespmem:s0+$0x108B0]  }
0x54: {  	v4 =	vadd.f32 v5, v4;
	v5 =	vmul.f32 v7, v1;
	_ =	sdelay $0x1  }
0x55: {  	v4 =	vadd.f32 v5, v4;
	_ =	sdelay $0x1  }
0x56: {  	v4 =	vmul.f32 v4, v6;
	_ =	sdelay $0x1  }
0x57: {  	[tilespmem:s0+$0x148B0] =	vst v4  }
0x58: {  	v4 =	vld [tilespmem:s31+$0xFFFFFFC0]  }
0x59: {  	v5 =	vld [tilespmem:s31+$0xFFFFFF40];
	_ =	sdelay $0x1  }
0x5a: {  	v6 =	vld [tilespmem:s31+$0x40];
	_ =	sdelay $0x1  }
0x5b: {  	v7 =	vld [tilespmem:s31+$0xC0]  }
0x5c: {  	v4 =	vmul.f32 v4, v2;
	v5 =	vmul.f32 v5, v3;
	_ =	sdelay $0x1  }
0x5d: {  	v6 =	vmul.f32 v6, v0;
	v4 =	vadd.f32 v4, v5  }
0x5e: {  	v5 =	vld [tilespmem:s0+$0x108C0]  }
0x5f: {  	v7 =	vmul.f32 v7, v1;
	v4 =	vadd.f32 v6, v4;
	_ =	sdelay $0x1  }
0x60: {  	v4 =	vadd.f32 v7, v4;
	_ =	sdelay $0x1  }
0x61: {  	v4 =	vmul.f32 v4, v5;
	_ =	sdelay $0x1  }
0x62: {  	[tilespmem:s0+$0x148C0] =	vst v4  }
0x63: {  	v7 =	vld [tilespmem:s31+$0xFFFFFF50]  }
0x64: {  	v6 =	vld [tilespmem:s31+$0xFFFFFFD0]  }
0x65: {  	v5 =	vld [tilespmem:s31+$0x50]  }
0x66: {  	p0 =	por p1, p1;
	s1 =	simm.s32 $0x200;
	v4 =	vld [tilespmem:s31+$0xD0]  }
.LBB2_3:
0x67: {  	_ = 	snop  }
0x68: {  	p1 =	sne.s32 s1, $0x7E00;
	s30 =	sadd.s32 $0x4, s30;
	s31 =	sadd.s32 $0x200, s31;
	v3 =	vmul.f32 v7, v3  }
0x69: {  	s15 =	smov.u32 s1;
	s1 =	sadd.s32 $0x200, s1;
	v2 =	vmul.f32 v6, v2  }
0x6a: {  	v0 =	vmul.f32 v5, v0  }
0x6b: {  	v2 =	vadd.f32 v2, v3;
	v1 =	vmul.f32 v4, v1;
	v3 =	vld [tilespmem:s0+$0x108D0];
	_ =	sdelay $0x1  }
0x6c: {  	v0 =	vadd.f32 v0, v2;
	_ =	sdelay $0x1  }
0x6d: {  	v0 =	vadd.f32 v1, v0;
	_ =	sdelay $0x1  }
0x6e: {  	v0 =	vmul.f32 v0, v3;
	_ =	sdelay $0x1  }
0x6f: {  	[tilespmem:s0+$0x148D0] =	vst v0  }
0x70: {  	v1 =	vld [tilespmem:s30+$0x0]  }
0x71: {  	v4 =	vld [tilespmem:s31+$0xFFFFFF00]  }
0x72: {  	v5 =	vld [tilespmem:s31+$0xFFFFFF80];
	_ =	sdelay $0x1  }
0x73: {  	v6 =	vld [tilespmem:s31+$0x0]  }
0x74: {  	v3 =	vbroadcast v1, $0x0;
	v2 =	vbroadcast v1, $0x1  }
0x75: {  	v0 =	vbroadcast v1, $0x2;
	v1 =	vbroadcast v1, $0x3;
	v7 =	vld [tilespmem:s31+$0x80]  }
0x76: {  	v4 =	vmul.f32 v4, v3;
	v5 =	vmul.f32 v5, v2;
	_ =	sdelay $0x1  }
0x77: {  	s0 =	sshra.s32 s15, $0x2;
	v4 =	vadd.f32 v5, v4;
	v5 =	vmul.f32 v6, v0  }
0x78: {  	v6 =	vld [tilespmem:s0+$0x10880]  }
0x79: {  	v4 =	vadd.f32 v5, v4;
	v5 =	vmul.f32 v7, v1;
	_ =	sdelay $0x1  }
0x7a: {  	v4 =	vadd.f32 v5, v4;
	_ =	sdelay $0x1  }
0x7b: {  	v4 =	vmul.f32 v4, v6;
	_ =	sdelay $0x1  }
0x7c: {  	[tilespmem:s0+$0x14880] =	vst v4  }
0x7d: {  	v4 =	vld [tilespmem:s31+$0xFFFFFF10]  }
0x7e: {  	v5 =	vld [tilespmem:s31+$0xFFFFFF90];
	_ =	sdelay $0x1  }
0x7f: {  	v6 =	vld [tilespmem:s31+$0x10];
	_ =	sdelay $0x1  }
0x80: {  	v4 =	vmul.f32 v4, v3;
	v7 =	vld [tilespmem:s31+$0x90]  }
0x81: {  	v5 =	vmul.f32 v5, v2;
	_ =	sdelay $0x1  }
0x82: {  	v4 =	vadd.f32 v5, v4;
	v5 =	vmul.f32 v6, v0  }
0x83: {  	v6 =	vld [tilespmem:s0+$0x10890]  }
0x84: {  	v4 =	vadd.f32 v5, v4;
	v5 =	vmul.f32 v7, v1;
	_ =	sdelay $0x1  }
0x85: {  	v4 =	vadd.f32 v5, v4;
	_ =	sdelay $0x1  }
0x86: {  	v4 =	vmul.f32 v4, v6;
	_ =	sdelay $0x1  }
0x87: {  	[tilespmem:s0+$0x14890] =	vst v4  }
0x88: {  	v4 =	vld [tilespmem:s31+$0xFFFFFF20]  }
0x89: {  	v5 =	vld [tilespmem:s31+$0xFFFFFFA0];
	_ =	sdelay $0x1  }
0x8a: {  	v6 =	vld [tilespmem:s31+$0x20];
	_ =	sdelay $0x1  }
0x8b: {  	v4 =	vmul.f32 v4, v3;
	v7 =	vld [tilespmem:s31+$0xA0]  }
0x8c: {  	v5 =	vmul.f32 v5, v2;
	_ =	sdelay $0x1  }
0x8d: {  	v4 =	vadd.f32 v5, v4;
	v5 =	vmul.f32 v6, v0  }
0x8e: {  	v6 =	vld [tilespmem:s0+$0x108A0]  }
0x8f: {  	v4 =	vadd.f32 v5, v4;
	v5 =	vmul.f32 v7, v1;
	_ =	sdelay $0x1  }
0x90: {  	v4 =	vadd.f32 v5, v4;
	_ =	sdelay $0x1  }
0x91: {  	v4 =	vmul.f32 v4, v6;
	_ =	sdelay $0x1  }
0x92: {  	[tilespmem:s0+$0x148A0] =	vst v4  }
0x93: {  	v4 =	vld [tilespmem:s31+$0xFFFFFFB0]  }
0x94: {  	v5 =	vld [tilespmem:s31+$0xFFFFFF30];
	_ =	sdelay $0x1  }
0x95: {  	v6 =	vld [tilespmem:s31+$0x30];
	_ =	sdelay $0x1  }
0x96: {  	v4 =	vmul.f32 v4, v2;
	v7 =	vld [tilespmem:s31+$0xB0]  }
0x97: {  	v5 =	vmul.f32 v5, v3;
	_ =	sdelay $0x1  }
0x98: {  	v4 =	vadd.f32 v4, v5;
	v5 =	vmul.f32 v6, v0  }
0x99: {  	v6 =	vld [tilespmem:s0+$0x108B0]  }
0x9a: {  	v4 =	vadd.f32 v5, v4;
	v5 =	vmul.f32 v7, v1;
	_ =	sdelay $0x1  }
0x9b: {  	v4 =	vadd.f32 v5, v4;
	_ =	sdelay $0x1  }
0x9c: {  	v4 =	vmul.f32 v4, v6;
	_ =	sdelay $0x1  }
0x9d: {  	[tilespmem:s0+$0x148B0] =	vst v4  }
0x9e: {  	v4 =	vld [tilespmem:s31+$0xFFFFFFC0]  }
0x9f: {  	v5 =	vld [tilespmem:s31+$0xFFFFFF40]  }
0xa0: {  	v6 =	vld [tilespmem:s31+$0x40]  }
0xa1: {  	v7 =	vld [tilespmem:s31+$0xC0];
	_ =	sdelay $0x1  }
0xa2: {  	v4 =	vmul.f32 v4, v2  }
0xa3: {  	v5 =	vmul.f32 v5, v3  }
0xa4: {  	v6 =	vmul.f32 v6, v0  }
0xa5: {  	v4 =	vadd.f32 v4, v5;
	v5 =	vmul.f32 v7, v1  }
0xa6: {  	v7 =	vld [tilespmem:s0+$0x108C0]  }
0xa7: {  	v4 =	vadd.f32 v6, v4;
	_ =	sdelay $0x1  }
0xa8: {  	v4 =	vadd.f32 v5, v4;
	_ =	sdelay $0x1  }
0xa9: {  	v4 =	vmul.f32 v4, v7;
	_ =	sdelay $0x1  }
.Ltmp0:
0xaa: {  	[tilespmem:s0+$0x148C0] =	vst v4;
	(pc) =	sbr.rel @p1 .LBB2_3-.Ltmp0, $4  }
0xab: {  	v7 =	vld [tilespmem:s31+$0xFFFFFF50]  }
0xac: {  	v6 =	vld [tilespmem:s31+$0xFFFFFFD0]  }
0xad: {  	v5 =	vld [tilespmem:s31+$0x50]  }
0xae: {  	v4 =	vld [tilespmem:s31+$0xD0]  }
0xaf: {  	_ =	sdelay $0x1  }
0xb0: {  	v3 =	vmul.f32 v7, v3;
	v2 =	vmul.f32 v6, v2;
	_ =	sdelay $0x1  }
0xb1: {  	v0 =	vmul.f32 v5, v0;
	v2 =	vadd.f32 v2, v3  }
0xb2: {  	v3 =	vld [tilespmem:s0+$0x108D0]  }
0xb3: {  	v1 =	vmul.f32 v4, v1;
	v0 =	vadd.f32 v0, v2;
	_ =	sdelay $0x1  }
0xb4: {  	v0 =	vadd.f32 v1, v0;
	_ =	sdelay $0x1  }
0xb5: {  	s1 =	sor.u32 s6, s28;
	v0 =	vmul.f32 v0, v3  }
0xb6: {  	s1 =	sshll.u32 s1, $0x4  }
0xb7: {  	s31 =	sadd.s32 s5, s1;
	[tilespmem:s0+$0x148D0] =	vst v0  }
0xb8: {  	[hbm4b:s31+s2] =	stream.linear.scatter [tilespmem:s24], [sflag:$0x3], $0x2000, $0x38;
	[tilespmem:$0x16880] =	vst v63  }
0xb9: {  	_ =	swait.ge [sflag:s14], $0x2000  }
0xba: {  	[sflag:s14] =	ssyncset.done $0x0  }
0xbb: {  	s1 =	simm.s32 @p0 $0x10880;
	s0 =	simm.s32 @p0 $0x0;
	[sflag:s14] =	ssyncadd.s32 $0xFFFFE000  }
0xbc: {  	[tilespmem:s1], [sflag:$0x1] =	stream.linear.gather @p0 [hbm4b:s11+s0], $0x2000, $0x38;
	[tilespmem:$0x16880] =	vst v63  }
0xbd: {  	s15 =	simm.s32 @p0 $0x880;
	s0 =	simm.s32 @p0 $0x80;
	s1 =	simm.s32 @p0 $0x200  }
0xbe: {  	[tilespmem:s15], [sflag:$0x1] =	stream.indirect.gather @p0 [hbm4b:s3+s0], $0x80, s1, s0, $0xb8;
	[tilespmem:$0x16880] =	vst v63  }
0xbf: {  	s1 =	simm.s32 @p0 $0x280;
	s15 =	simm.s32 @p0 $0x4880  }
0xc0: {  	[tilespmem:s15], [sflag:$0x1] =	stream.indirect.gather @p0 [hbm4b:s3+s0], $0x80, s1, s0, $0xb8;
	[tilespmem:$0x16880] =	vst v63  }
0xc1: {  	_ =	swait.ge [sflag:s25], $0x2000  }
0xc2: {  	[sflag:s25] =	ssyncset.done $0x0  }
0xc3: {  	[sflag:s25] =	ssyncadd.s32 $0xFFFFE000  }
0xc4: {  	_ =	swait.ge [sflag:s25], $0x4000  }
0xc5: {  	[sflag:s25] =	ssyncset.done $0x0  }
0xc6: {  	[sflag:s25] =	ssyncadd.s32 $0xFFFFC000  }
0xc7: {  	_ =	swait.ge [sflag:s25], $0x4000  }
0xc8: {  	[sflag:s25] =	ssyncset.done $0x0  }
0xc9: {  	s29 =	sadd.s32 $0x500, s29;
	[sflag:s25] =	ssyncadd.s32 $0xFFFFC000  }
0xca: {  	s30 =	simm.s32 $0x8980;
	v1 =	vld [tilespmem:s29+$0x0]  }
0xcb: {  	v4 =	vld [tilespmem:s30+$0xFFFFFF00]  }
0xcc: {  	v5 =	vld [tilespmem:s30+$0xFFFFFF80];
	_ =	sdelay $0x1  }
0xcd: {  	v6 =	vld [tilespmem:s30+$0x0]  }
0xce: {  	v3 =	vbroadcast v1, $0x0;
	v2 =	vbroadcast v1, $0x1  }
0xcf: {  	v7 =	vld [tilespmem:s30+$0x80];
	v0 =	vbroadcast v1, $0x2  }
0xd0: {  	v4 =	vmul.f32 v4, v3;
	v5 =	vmul.f32 v5, v2;
	_ =	sdelay $0x1  }
0xd1: {  	s0 =	simm.s32 $0x0;
	v1 =	vbroadcast v1, $0x3;
	v4 =	vadd.f32 v5, v4;
	v5 =	vmul.f32 v6, v0  }
0xd2: {  	v6 =	vld [tilespmem:s0+$0x12880]  }
0xd3: {  	v4 =	vadd.f32 v5, v4;
	v5 =	vmul.f32 v7, v1;
	_ =	sdelay $0x1  }
0xd4: {  	v4 =	vadd.f32 v5, v4;
	_ =	sdelay $0x1  }
0xd5: {  	v4 =	vmul.f32 v4, v6;
	_ =	sdelay $0x1  }
0xd6: {  	[tilespmem:s0+$0x14880] =	vst v4  }
0xd7: {  	v4 =	vld [tilespmem:s30+$0xFFFFFF10]  }
0xd8: {  	v5 =	vld [tilespmem:s30+$0xFFFFFF90];
	_ =	sdelay $0x1  }
0xd9: {  	v6 =	vld [tilespmem:s30+$0x10];
	_ =	sdelay $0x1  }
0xda: {  	v7 =	vld [tilespmem:s30+$0x90]  }
0xdb: {  	v4 =	vmul.f32 v4, v3;
	v5 =	vmul.f32 v5, v2;
	_ =	sdelay $0x1  }
0xdc: {  	v4 =	vadd.f32 v5, v4;
	v5 =	vmul.f32 v6, v0  }
0xdd: {  	v6 =	vld [tilespmem:s0+$0x12890]  }
0xde: {  	v4 =	vadd.f32 v5, v4;
	v5 =	vmul.f32 v7, v1;
	_ =	sdelay $0x1  }
0xdf: {  	v4 =	vadd.f32 v5, v4;
	_ =	sdelay $0x1  }
0xe0: {  	v4 =	vmul.f32 v4, v6;
	_ =	sdelay $0x1  }
0xe1: {  	[tilespmem:s0+$0x14890] =	vst v4  }
0xe2: {  	v4 =	vld [tilespmem:s30+$0xFFFFFF20]  }
0xe3: {  	v5 =	vld [tilespmem:s30+$0xFFFFFFA0];
	_ =	sdelay $0x1  }
0xe4: {  	v6 =	vld [tilespmem:s30+$0x20];
	_ =	sdelay $0x1  }
0xe5: {  	v7 =	vld [tilespmem:s30+$0xA0]  }
0xe6: {  	v4 =	vmul.f32 v4, v3;
	v5 =	vmul.f32 v5, v2;
	_ =	sdelay $0x1  }
0xe7: {  	v4 =	vadd.f32 v5, v4;
	v5 =	vmul.f32 v6, v0  }
0xe8: {  	v6 =	vld [tilespmem:s0+$0x128A0]  }
0xe9: {  	v4 =	vadd.f32 v5, v4;
	v5 =	vmul.f32 v7, v1;
	_ =	sdelay $0x1  }
0xea: {  	v4 =	vadd.f32 v5, v4;
	_ =	sdelay $0x1  }
0xeb: {  	v4 =	vmul.f32 v4, v6;
	_ =	sdelay $0x1  }
0xec: {  	[tilespmem:s0+$0x148A0] =	vst v4  }
0xed: {  	v4 =	vld [tilespmem:s30+$0xFFFFFFB0]  }
0xee: {  	v5 =	vld [tilespmem:s30+$0xFFFFFF30];
	_ =	sdelay $0x1  }
0xef: {  	v6 =	vld [tilespmem:s30+$0x30];
	_ =	sdelay $0x1  }
0xf0: {  	v7 =	vld [tilespmem:s30+$0xB0]  }
0xf1: {  	v4 =	vmul.f32 v4, v2;
	v5 =	vmul.f32 v5, v3;
	_ =	sdelay $0x1  }
0xf2: {  	v4 =	vadd.f32 v4, v5;
	v5 =	vmul.f32 v6, v0  }
0xf3: {  	v6 =	vld [tilespmem:s0+$0x128B0]  }
0xf4: {  	v4 =	vadd.f32 v5, v4;
	v5 =	vmul.f32 v7, v1;
	_ =	sdelay $0x1  }
0xf5: {  	v4 =	vadd.f32 v5, v4;
	_ =	sdelay $0x1  }
0xf6: {  	v4 =	vmul.f32 v4, v6;
	_ =	sdelay $0x1  }
0xf7: {  	[tilespmem:s0+$0x148B0] =	vst v4  }
0xf8: {  	v4 =	vld [tilespmem:s30+$0xFFFFFFC0]  }
0xf9: {  	v5 =	vld [tilespmem:s30+$0xFFFFFF40];
	_ =	sdelay $0x1  }
0xfa: {  	v6 =	vld [tilespmem:s30+$0x40];
	_ =	sdelay $0x1  }
0xfb: {  	v7 =	vld [tilespmem:s30+$0xC0]  }
0xfc: {  	v4 =	vmul.f32 v4, v2;
	v5 =	vmul.f32 v5, v3;
	_ =	sdelay $0x1  }
0xfd: {  	v6 =	vmul.f32 v6, v0;
	v4 =	vadd.f32 v4, v5  }
0xfe: {  	v5 =	vld [tilespmem:s0+$0x128C0]  }
0xff: {  	v7 =	vmul.f32 v7, v1;
	v4 =	vadd.f32 v6, v4;
	_ =	sdelay $0x1  }
0x100: {  	v4 =	vadd.f32 v7, v4;
	_ =	sdelay $0x1  }
0x101: {  	v4 =	vmul.f32 v4, v5;
	_ =	sdelay $0x1  }
0x102: {  	[tilespmem:s0+$0x148C0] =	vst v4  }
0x103: {  	v7 =	vld [tilespmem:s30+$0xFFFFFF50]  }
0x104: {  	v6 =	vld [tilespmem:s30+$0xFFFFFFD0]  }
0x105: {  	v5 =	vld [tilespmem:s30+$0x50]  }
0x106: {  	s28 =	sor.u32 $0x40, s28;
	s1 =	simm.s32 $0x200;
	v4 =	vld [tilespmem:s30+$0xD0]  }
.LBB2_5:
0x107: {  	_ = 	snop  }
0x108: {  	p1 =	sne.s32 s1, $0x7E00;
	s29 =	sadd.s32 $0x4, s29;
	s30 =	sadd.s32 $0x200, s30;
	v3 =	vmul.f32 v7, v3  }
0x109: {  	s15 =	smov.u32 s1;
	s1 =	sadd.s32 $0x200, s1;
	v2 =	vmul.f32 v6, v2  }
0x10a: {  	v0 =	vmul.f32 v5, v0  }
0x10b: {  	v2 =	vadd.f32 v2, v3;
	v1 =	vmul.f32 v4, v1;
	v3 =	vld [tilespmem:s0+$0x128D0];
	_ =	sdelay $0x1  }
0x10c: {  	v0 =	vadd.f32 v0, v2;
	_ =	sdelay $0x1  }
0x10d: {  	v0 =	vadd.f32 v1, v0;
	_ =	sdelay $0x1  }
0x10e: {  	v0 =	vmul.f32 v0, v3;
	_ =	sdelay $0x1  }
0x10f: {  	[tilespmem:s0+$0x148D0] =	vst v0  }
0x110: {  	v1 =	vld [tilespmem:s29+$0x0]  }
0x111: {  	v4 =	vld [tilespmem:s30+$0xFFFFFF00]  }
0x112: {  	v5 =	vld [tilespmem:s30+$0xFFFFFF80];
	_ =	sdelay $0x1  }
0x113: {  	v6 =	vld [tilespmem:s30+$0x0]  }
0x114: {  	v3 =	vbroadcast v1, $0x0;
	v2 =	vbroadcast v1, $0x1  }
0x115: {  	v0 =	vbroadcast v1, $0x2;
	v1 =	vbroadcast v1, $0x3;
	v7 =	vld [tilespmem:s30+$0x80]  }
0x116: {  	v4 =	vmul.f32 v4, v3;
	v5 =	vmul.f32 v5, v2;
	_ =	sdelay $0x1  }
0x117: {  	s0 =	sshra.s32 s15, $0x2;
	v4 =	vadd.f32 v5, v4;
	v5 =	vmul.f32 v6, v0  }
0x118: {  	v6 =	vld [tilespmem:s0+$0x12880]  }
0x119: {  	v4 =	vadd.f32 v5, v4;
	v5 =	vmul.f32 v7, v1;
	_ =	sdelay $0x1  }
0x11a: {  	v4 =	vadd.f32 v5, v4;
	_ =	sdelay $0x1  }
0x11b: {  	v4 =	vmul.f32 v4, v6;
	_ =	sdelay $0x1  }
0x11c: {  	[tilespmem:s0+$0x14880] =	vst v4  }
0x11d: {  	v4 =	vld [tilespmem:s30+$0xFFFFFF10]  }
0x11e: {  	v5 =	vld [tilespmem:s30+$0xFFFFFF90];
	_ =	sdelay $0x1  }
0x11f: {  	v6 =	vld [tilespmem:s30+$0x10];
	_ =	sdelay $0x1  }
0x120: {  	v4 =	vmul.f32 v4, v3;
	v7 =	vld [tilespmem:s30+$0x90]  }
0x121: {  	v5 =	vmul.f32 v5, v2;
	_ =	sdelay $0x1  }
0x122: {  	v4 =	vadd.f32 v5, v4;
	v5 =	vmul.f32 v6, v0  }
0x123: {  	v6 =	vld [tilespmem:s0+$0x12890]  }
0x124: {  	v4 =	vadd.f32 v5, v4;
	v5 =	vmul.f32 v7, v1;
	_ =	sdelay $0x1  }
0x125: {  	v4 =	vadd.f32 v5, v4;
	_ =	sdelay $0x1  }
0x126: {  	v4 =	vmul.f32 v4, v6;
	_ =	sdelay $0x1  }
0x127: {  	[tilespmem:s0+$0x14890] =	vst v4  }
0x128: {  	v4 =	vld [tilespmem:s30+$0xFFFFFF20]  }
0x129: {  	v5 =	vld [tilespmem:s30+$0xFFFFFFA0];
	_ =	sdelay $0x1  }
0x12a: {  	v6 =	vld [tilespmem:s30+$0x20];
	_ =	sdelay $0x1  }
0x12b: {  	v4 =	vmul.f32 v4, v3;
	v7 =	vld [tilespmem:s30+$0xA0]  }
0x12c: {  	v5 =	vmul.f32 v5, v2;
	_ =	sdelay $0x1  }
0x12d: {  	v4 =	vadd.f32 v5, v4;
	v5 =	vmul.f32 v6, v0  }
0x12e: {  	v6 =	vld [tilespmem:s0+$0x128A0]  }
0x12f: {  	v4 =	vadd.f32 v5, v4;
	v5 =	vmul.f32 v7, v1;
	_ =	sdelay $0x1  }
0x130: {  	v4 =	vadd.f32 v5, v4;
	_ =	sdelay $0x1  }
0x131: {  	v4 =	vmul.f32 v4, v6;
	_ =	sdelay $0x1  }
0x132: {  	[tilespmem:s0+$0x148A0] =	vst v4  }
0x133: {  	v4 =	vld [tilespmem:s30+$0xFFFFFFB0]  }
0x134: {  	v5 =	vld [tilespmem:s30+$0xFFFFFF30];
	_ =	sdelay $0x1  }
0x135: {  	v6 =	vld [tilespmem:s30+$0x30];
	_ =	sdelay $0x1  }
0x136: {  	v4 =	vmul.f32 v4, v2;
	v7 =	vld [tilespmem:s30+$0xB0]  }
0x137: {  	v5 =	vmul.f32 v5, v3;
	_ =	sdelay $0x1  }
0x138: {  	v4 =	vadd.f32 v4, v5;
	v5 =	vmul.f32 v6, v0  }
0x139: {  	v6 =	vld [tilespmem:s0+$0x128B0]  }
0x13a: {  	v4 =	vadd.f32 v5, v4;
	v5 =	vmul.f32 v7, v1;
	_ =	sdelay $0x1  }
0x13b: {  	v4 =	vadd.f32 v5, v4;
	_ =	sdelay $0x1  }
0x13c: {  	v4 =	vmul.f32 v4, v6;
	_ =	sdelay $0x1  }
0x13d: {  	[tilespmem:s0+$0x148B0] =	vst v4  }
0x13e: {  	v4 =	vld [tilespmem:s30+$0xFFFFFFC0]  }
0x13f: {  	v5 =	vld [tilespmem:s30+$0xFFFFFF40]  }
0x140: {  	v6 =	vld [tilespmem:s30+$0x40]  }
0x141: {  	v7 =	vld [tilespmem:s30+$0xC0];
	_ =	sdelay $0x1  }
0x142: {  	v4 =	vmul.f32 v4, v2  }
0x143: {  	v5 =	vmul.f32 v5, v3  }
0x144: {  	v6 =	vmul.f32 v6, v0  }
0x145: {  	v4 =	vadd.f32 v4, v5;
	v5 =	vmul.f32 v7, v1  }
0x146: {  	v7 =	vld [tilespmem:s0+$0x128C0]  }
0x147: {  	v4 =	vadd.f32 v6, v4;
	_ =	sdelay $0x1  }
0x148: {  	v4 =	vadd.f32 v5, v4;
	_ =	sdelay $0x1  }
0x149: {  	v4 =	vmul.f32 v4, v7;
	_ =	sdelay $0x1  }
.Ltmp1:
0x14a: {  	[tilespmem:s0+$0x148C0] =	vst v4;
	(pc) =	sbr.rel @p1 .LBB2_5-.Ltmp1, $4  }
0x14b: {  	v7 =	vld [tilespmem:s30+$0xFFFFFF50]  }
0x14c: {  	v6 =	vld [tilespmem:s30+$0xFFFFFFD0]  }
0x14d: {  	v5 =	vld [tilespmem:s30+$0x50]  }
0x14e: {  	v4 =	vld [tilespmem:s30+$0xD0]  }
0x14f: {  	_ =	sdelay $0x1  }
0x150: {  	v3 =	vmul.f32 v7, v3;
	v2 =	vmul.f32 v6, v2;
	_ =	sdelay $0x1  }
0x151: {  	v0 =	vmul.f32 v5, v0;
	v2 =	vadd.f32 v2, v3  }
0x152: {  	v63 =	vld [tilespmem:s0+$0x128D0]  }
0x153: {  	v1 =	vmul.f32 v4, v1;
	v0 =	vadd.f32 v0, v2;
	_ =	sdelay $0x1  }
0x154: {  	v0 =	vadd.f32 v1, v0;
	_ =	sdelay $0x1  }
0x155: {  	s1 =	sor.u32 s6, s28;
	v0 =	vmul.f32 v0, v63  }
0x156: {  	s1 =	sshll.u32 s1, $0x4  }
.Ltmp2:
0x157: {  	s31 =	sadd.s32 s5, s1;
	[tilespmem:s0+$0x148D0] =	vst v0;
	(pc) =	sbr.rel @p0 .LBB2_2-.Ltmp2, $4  }
0x158: {  	[hbm4b:s31+s2] =	stream.linear.scatter [tilespmem:s24], [sflag:$0x3], $0x2000, $0x38;
	[tilespmem:$0x16880] =	vst v63  }
0x159: {  	s28 =	simm.s32 $0x80;
	_ =	swait.ge [sflag:s14], $0x2000  }
0x15a: {  	p1 =	por $0x0, $0x0;
	s29 =	smov.u32 s12;
	[sflag:s14] =	ssyncset.done $0x0  }
0x15b: {  	s1 =	simm.s32 $0x300;
	s0 =	simm.s32 $0x380;
	[sflag:s14] =	ssyncadd.s32 $0xFFFFE000  }
0x15c: {  	s26 =	sadd.s32 $0x1, s26  }
0x15d: {  	p0 =	sne.s32 s26, s13  }
.Ltmp3:
0x15e: {  	_ = 	snop;
	(pc) =	sbr.rel @p0 .LBB2_1-.Ltmp3, $1  }
0x15f: {  	_ =	sdelay $0x3  }
0x160: {  	_ =	sfence.sel $0x180000  }
0x161: {  	[bflag:$0x0] =	sbarrier.arrive $0xFFFF  }
0x162: {  	_ =	strace $0x9000004D  }
0x163: {  	s0 =	stileid.u32;
	[bflag:$0x2] =	sbarrier.arrive $0xFFFF  }
0x164: {  	p0 =	sne.s32 s0, $0x0;
	s0 =	rddreg [dreg:$0x1]  }
0x165: {  	s0 =	sadd.s32 @!p0 $0x100000, s0  }
0x166: {  	[sflag:s0] =	ssyncadd.tile.s32 @!p0 $0x1;
	_ =	shalt  }
.Lfunc_end2:
_tile_overlayer_lowered:
.L_overlay_start_2:
0x167: {  	(tag) =	ssettag $0x2  }
0x168: {  	s0 =	rddreg [dreg:$0x0];
	s2 =	stileid.u32  }
0x169: {  	s1 =	rddreg [dreg:$0x1];
	p0 =	sne.s32 s2, $0x0  }
0x16a: {  	s3 =	rddreg [dreg:$0x2];
	[bflag:$0x3] =	sbarrier.arrive $0xFFFF;
	s2 =	simm.s32 @!p0 $0x1C03  }
0x16b: {  	[timem:s3], [sflag:s2] =	dma.local @!p0 [hbm:s0], s1  }
0x16c: {  	s0 =	simm.s32 @!p0 $0x3  }
0x16d: {  	_ =	swait.ge @!p0 [sflag:s0], s1  }
0x16e: {  	s1 =	ssub.s32 @!p0 $0x0, s1;
	[sflag:s0] =	ssyncset.done @!p0 $0x0  }
0x16f: {  	[sflag:s0] =	ssyncadd.s32 @!p0 s1  }
0x170: {  	[bflag:$0x3] =	sbarrier.arrive $0xFFFF  }
0x171: {  	_ =	shalt  }

// kernel: kernel.19.cloned.1.call-start
scs
__scs_entry_jumppad:
0x0: {  	(pc) =	sbr.rel $0x88, $3  }
0x1: {  	(tag) =	ssettag $0x0;
	lr =	simm.s32 $0x1  }
0x2: {  	[smem:$0x3F9E] =	sst lr;
	_ =	strace $0xD0000000  }
0x3: {  	_ = 	snop  }
0x4: {  	_ = 	snop  }
0x5: {  	_ = 	snop  }
0x6: {  	_ = 	snop  }
0x7: {  	_ = 	snop  }
__scs_overlays_trampoline_lowered:
0x8: {  	[smem:$0x3FAD] =	sst s0  }
0x9: {  	[smem:$0x3FAE] =	sst s1  }
0xa: {  	[smem:$0x3FAF] =	sst s2  }
0xb: {  	[smem:$0x3FB0] =	sst s3  }
0xc: {  	[smem:$0x3FB1] =	sst s4  }
0xd: {  	[smem:$0x3FB2] =	sst s5  }
0xe: {  	[smem:$0x3FB3] =	sst s6  }
0xf: {  	[smem:$0x3FB4] =	sst s7  }
0x10: {  	[smem:$0x3FB5] =	sst s8  }
0x11: {  	[smem:$0x3FB6] =	sst s9;
	s0 =	simm.s32 @!p0 $0x0  }
0x12: {  	s1 =	sld [smem:$0x3F9C];
	s0 =	simm.s32 @p0 $0x1  }
0x13: {  	[smem:$0x3FB7] =	sst s0;
	s0 =	simm.s32 @!p1 $0x0  }
0x14: {  	s2 =	sld [smem:$0x3F9B];
	s0 =	simm.s32 @p1 $0x1  }
0x15: {  	[smem:$0x3FB8] =	sst s0;
	s0 =	simm.s32 @!p2 $0x0  }
0x16: {  	s3 =	sld [smem:$0x3FDB];
	s0 =	simm.s32 @p2 $0x1  }
0x17: {  	s4 =	simm.s32 $0x1BF5;
	[smem:$0x3FBA] =	sst s0  }
0x18: {  	s0 =	sld [smem:$0x3F9D];
	_ =	swait.ge [sflag:s4], $0x0  }
0x19: {  	s7 =	sld [smem:$0x3F9E]  }
0x1a: {  	s8 =	sadd.s32 $0xFFFFE003, lr  }
0x1b: {  	s9 =	sadd.s32 $0xFFFFFEF7, lr;
	s5 =	simm.s32 $0xFFFFFFFF;
	p2 =	slt.u32 s8, $0xFFFFF086  }
0x1c: {  	p1 =	slt.u32 s9, $0xF7A;
	s5 =	simm.s32 @!p2 $0x0  }
0x1d: {  	s5 =	simm.s32 @p1 $0x1;
	p0 =	seq.s32 s7, s2  }
0x1e: {  	s7 =	smul.u32 @!p0 $0xF7A, s2;
	p2 =	seq.s32 @!p0 s5, $0x0  }
0x1f: {  	s9 =	smul.u32 $0xF7A, s1;
	s8 =	simm.s32 @!p0 $0x1BF5;
	p2 =	por !p2, p0  }
0x20: {  	[sflag:s8] =	ssyncset.s32 @!p0 $0xFFFFF086;
	s6 =	sadd.s32 @!p0 s3, s7;
	s7 =	simm.s32 @!p0 $0x108  }
0x21: {  	s3 =	sadd.s32 s3, s9;
	s6 =	sadd.s32 @!p0 $0x88, s6;
	s7 =	simm.s32 @p2 $0x1082  }
0x22: {  	[simem:s7], [sflag:s8] =	dma.local @!p0 [hbm:s6], $0xF7A  }
0x23: {  	s9 =	sor.u32 $0xD0000000, s2;
	s6 =	simm.s32 $0x108;
	_ =	swait.ge @!p0 [sflag:s8], $0x0  }
0x24: {  	s3 =	sadd.s32 $0x88, s3;
	s6 =	simm.s32 @!p1 $0x1082;
	[sflag:s4] =	ssyncset.s32 $0xFFFFF086  }
0x25: {  	[simem:s6], [sflag:s4] =	dma.local [hbm:s3], $0xF7A  }
0x26: {  	[smem:$0x3F9E] =	sst s1;
	(tag) =	ssettag s2;
	_ =	strace s9  }
0x27: {  	s1 =	sld [smem:$0x3FAE]  }
0x28: {  	s2 =	sld [smem:$0x3FAF]  }
0x29: {  	s4 =	sld [smem:$0x3FB1]  }
0x2a: {  	p0 =	seq.s32 s5, $0x0;
	s5 =	sld [smem:$0x3FB2]  }
0x2b: {  	s6 =	sld [smem:$0x3FB3]  }
0x2c: {  	s7 =	sld [smem:$0x3FB4]  }
0x2d: {  	s3 =	simm.s32 $0x108;
	s8 =	sld [smem:$0x3FB5]  }
0x2e: {  	s3 =	simm.s32 @!p0 $0x1082;
	s9 =	sld [smem:$0x3FB6]  }
0x2f: {  	lr =	sadd.s32 s0, s3;
	s0 =	sld [smem:$0x3FAD]  }
0x30: {  	s3 =	sld [smem:$0x3FB0]  }
0x31: {  	[smem:$0x3FB9] =	sst s10  }
0x32: {  	s10 =	sld [smem:$0x3FB7];
	_ =	sdelay $0x3  }
0x33: {  	p0 =	seq.s32 s10, $0x1;
	s10 =	sld [smem:$0x3FB9];
	_ =	sdelay $0x3  }
0x34: {  	[smem:$0x3FB9] =	sst s10  }
0x35: {  	s10 =	sld [smem:$0x3FB8];
	_ =	sdelay $0x3  }
0x36: {  	p1 =	seq.s32 s10, $0x1;
	s10 =	sld [smem:$0x3FB9];
	_ =	sdelay $0x3  }
0x37: {  	[smem:$0x3FB9] =	sst s10  }
0x38: {  	s10 =	sld [smem:$0x3FBA]  }
0x39: {  	_ = 	snop;
	(pc) =	sbr.ind lr, $3  }
0x3a: {  	_ = 	snop  }
0x3b: {  	_ = 	snop  }
0x3c: {  	p2 =	seq.s32 s10, $0x1;
	s10 =	sld [smem:$0x3FB9]  }
0x3d: {  	_ =	shalt  }
0x3e: {  	_ =	shalt  }
0x3f: {  	_ =	shalt  }
0x40: {  	_ =	shalt  }
0x41: {  	_ =	shalt  }
0x42: {  	_ =	shalt  }
0x43: {  	_ =	shalt  }
0x44: {  	_ =	shalt  }
0x45: {  	_ =	shalt  }
0x46: {  	_ =	shalt  }
0x47: {  	_ =	shalt  }
0x48: {  	_ =	shalt  }
0x49: {  	_ =	shalt  }
0x4a: {  	_ =	shalt  }
0x4b: {  	_ =	shalt  }
0x4c: {  	_ =	shalt  }
0x4d: {  	_ =	shalt  }
0x4e: {  	_ =	shalt  }
0x4f: {  	_ =	shalt  }
0x50: {  	_ =	shalt  }
0x51: {  	_ =	shalt  }
0x52: {  	_ =	shalt  }
0x53: {  	_ =	shalt  }
0x54: {  	_ =	shalt  }
0x55: {  	_ =	shalt  }
0x56: {  	_ =	shalt  }
0x57: {  	_ =	shalt  }
0x58: {  	_ =	shalt  }
0x59: {  	_ =	shalt  }
0x5a: {  	_ =	shalt  }
0x5b: {  	_ =	shalt  }
0x5c: {  	_ =	shalt  }
0x5d: {  	_ =	shalt  }
0x5e: {  	_ =	shalt  }
0x5f: {  	_ =	shalt  }
0x60: {  	_ =	shalt  }
0x61: {  	_ =	shalt  }
0x62: {  	_ =	shalt  }
0x63: {  	_ =	shalt  }
0x64: {  	_ =	shalt  }
0x65: {  	_ =	shalt  }
0x66: {  	_ =	shalt  }
0x67: {  	_ =	shalt  }
0x68: {  	_ =	shalt  }
0x69: {  	_ =	shalt  }
0x6a: {  	_ =	shalt  }
0x6b: {  	_ =	shalt  }
0x6c: {  	_ =	shalt  }
0x6d: {  	_ =	shalt  }
0x6e: {  	_ =	shalt  }
0x6f: {  	_ =	shalt  }
0x70: {  	_ =	shalt  }
0x71: {  	_ =	shalt  }
0x72: {  	_ =	shalt  }
0x73: {  	_ =	shalt  }
0x74: {  	_ =	shalt  }
0x75: {  	_ =	shalt  }
0x76: {  	_ =	shalt  }
0x77: {  	_ =	shalt  }
0x78: {  	_ =	shalt  }
0x79: {  	_ =	shalt  }
0x7a: {  	_ =	shalt  }
0x7b: {  	_ =	shalt  }
0x7c: {  	_ =	shalt  }
0x7d: {  	_ =	shalt  }
0x7e: {  	_ =	shalt  }
0x7f: {  	_ =	shalt  }
0x80: {  	_ =	shalt  }
0x81: {  	_ =	shalt  }
0x82: {  	_ =	shalt  }
0x83: {  	_ =	shalt  }
0x84: {  	_ =	shalt  }
0x85: {  	_ =	shalt  }
0x86: {  	_ =	shalt  }
0x87: {  	_ =	shalt  }
.Lfunc_end0:
.L_simem_size_0:
called_computation.3_lowered:
.L_overlay_start_0:
0x88: {  	s2 =	sld [smem:$0x3FD9]  }
0x89: {  	s3 =	sld [smem:$0x3FFE];
	_ =	sdelay $0x1  }
0x8a: {  	s1 =	srdreg.scid  }
0x8b: {  	s0 =	sand.u32 $0x1, s1  }
0x8c: {  	s17 =	sshll.u32 s0, $0xA;
	s2 =	sadd.s32 s3, s2  }
0x8d: {  	s2 =	sadd.s32 s2, s17  }
0x8e: {  	[smem:$0x3FC5] =	sst s2  }
0x8f: {  	_ = 	snop  }
0x90: {  	s18 =	sld [smem:$0x3FD0];
	(tm) =	ssettm $0x1  }
0x91: {  	s19 =	sld [smem:$0x3FFB];
	_ =	sdelay $0x3  }
0x92: {  	_ =	strace s19  }
0x93: {  	s2 =	sld [smem:$0x3FFC];
	_ =	sdelay $0x3  }
0x94: {  	_ =	strace s2  }
0x95: {  	s2 =	sld [smem:$0x3FFD];
	_ =	sdelay $0x3  }
0x96: {  	_ =	strace s2  }
0x97: {  	_ =	strace $0x8FFFFFFF  }
0x98: {  	s20 =	sld [smem:$0x3FDB];
	_ =	sdelay $0x1  }
0x99: {  	s4 =	simm.s32 $_scs_section_size  }
0x9a: {  	s5 =	simm.s32 $_size__tile_overlayer_lowered;
	s6 =	simm.s32 $_tile_overlayer_lowered  }
0x9b: {  	s7 =	simm.s32 $0x1BFF;
	s21 =	sshll.u32 s6, $0x1;
	s4 =	sadd.s32 s4, s20  }
0x9c: {  	s22 =	simm.s32 $0x0;
	s5 =	sshll.u32 s5, $0x1;
	s6 =	sadd.s32 s21, s4  }
0x9d: {  	[timem:s22], [sflag:s7] =	dma.local [hbm:s6], s5  }
0x9e: {  	_ =	swait.ge [sflag:s7], s5  }
0x9f: {  	s5 =	ssub.s32 $0x0, s5;
	[sflag:s7] =	ssyncset.done $0x0  }
0xa0: {  	[sflag:s7] =	ssyncadd.s32 s5;
	_ =	sdelay $0x1  }
0xa1: {  	s23 =	simm.s32 $0x1B8B  }
0xa2: {  	_ =	swait.ge [sflag:s23], $0x1  }
0xa3: {  	[sflag:s23] =	ssyncset.done $0x0  }
0xa4: {  	[sflag:s23] =	ssyncadd.s32 $0xFFFFFFFF  }
0xa5: {  	s5 =	sld [smem:$0x0]  }
0xa6: {  	s6 =	sand.u32 $0xFFFFFFFE, s1  }
0xa7: {  	p0 =	sne.s32 s1, s6  }
0xa8: {  	s6 =	sshll.u32 @p0 s6, $0xE  }
0xa9: {  	s6 =	sadd.s32 @p0 $0x11B8D, s6;
	s7 =	sshll.u32 @p0 s5, $0x11  }
0xaa: {  	s6 =	sor.u32 @p0 s7, s6  }
0xab: {  	[sflag:s6] =	ssyncadd.remote.s32 @p0 $0x1;
	_ =	sdelay $0x1  }
0xac: {  	s6 =	simm.s32 @p0 $0x1B8D  }
0xad: {  	_ =	swait.eq @p0 [sflag:s6], $0x1  }
0xae: {  	[sflag:s6] =	ssyncadd.s32 @p0 $0xFFFFFFFF  }
0xaf: {  	s7 =	sshll.u32 @!p0 s1, $0xE  }
0xb0: {  	s7 =	sor.u32 @!p0 $0x4000, s7;
	s6 =	simm.s32 @!p0 $0x1B8D  }
0xb1: {  	s5 =	sshll.u32 @!p0 s5, $0x11;
	s7 =	sadd.s32 @!p0 $0x11B8D, s7;
	_ =	swait.eq @!p0 [sflag:s6], $0x1  }
0xb2: {  	s5 =	sor.u32 @!p0 s5, s7;
	[sflag:s6] =	ssyncadd.s32 @!p0 $0xFFFFFFFF  }
0xb3: {  	s25 =	simm.s32 $0x1B8E;
	s24 =	sld [smem:$0x3FFE];
	[sflag:s5] =	ssyncadd.remote.s32 @!p0 $0x1  }
0xb4: {  	s26 =	simm.s32 $execute0_lowered;
	[smem:$0x3FD2] =	sst s25  }
0xb5: {  	s6 =	sshll.u32 s26, $0x1;
	_ =	strace $0x8000004F;
	[dreg:$0x1] =	wrdreg $0xFFFFFFFF  }
0xb6: {  	s28 =	simm.s32 $_size_execute0_lowered;
	s4 =	sadd.s32 s4, s6;
	[dreg:$0x0] =	wrdreg $0x0  }
0xb7: {  	s6 =	sshll.u32 s28, $0x1;
	[dreg:$0x2] =	wrdreg s4  }
0xb8: {  	[dreg:$0x3] =	wrdreg s6  }
0xb9: {  	[dreg:$0x4] =	wrdreg $0xC0  }
0xba: {  	_ =	task [dreg:s22], $0x5FFFF  }
0xbb: {  	[dreg:$0x1] =	wrdreg $0xFFFFFFFF  }
0xbc: {  	[dreg:$0x0] =	wrdreg $0x60  }
0xbd: {  	[dreg:$0x2] =	wrdreg s18  }
0xbe: {  	[dreg:$0x3] =	wrdreg s24  }
0xbf: {  	[dreg:$0x4] =	wrdreg $0xC  }
0xc0: {  	_ =	task.clear_ibuf [dreg:s22], $0x5FFFF;
	_ =	strace $0x9000004F  }
0xc1: {  	s29 =	simm.s32 $0xC;
	_ =	strace $0x80000051  }
0xc2: {  	_ =	swait.ge [sflag:s29], $0x1  }
0xc3: {  	[sflag:s29] =	ssyncadd.s32 $0xFFFFFFFF  }
0xc4: {  	_ =	strace $0x90000051  }
0xc5: {  	_ =	sfence  }
0xc6: {  	s30 =	sld [smem:$0x0];
	_ =	sdelay $0x2  }
0xc7: {  	s31 =	sshll.u32 s1, $0xD;
	s1 =	sshrl.u32 s1, $0x2  }
0xc8: {  	s4 =	sand.u32 $0x4000, s31;
	s1 =	sadd.s32 s1, s30  }
0xc9: {  	s0 =	sor.u32 s4, s0;
	s1 =	sshll.u32 s1, $0x11  }
0xca: {  	s0 =	sor.u32 s1, s0  }
0xcb: {  	s0 =	sadd.s32 $0x8F2B, s0  }
0xcc: {  	[sflag:s0] =	ssyncadd.remote.s32 $0x1  }
0xcd: {  	_ =	sfence.sel $0xFFFF  }
0xce: {  	[dreg:$0x0] =	wrdreg $0xFFFFFFFF;
	(pc) =	sbr.abs _section_cstart, $3  }
0xcf: {  	[dreg:$0x1] =	wrdreg $0xFFFFFFFF  }
0xd0: {  	_ =	task.clear_ibuf [dreg:s22], $0x2FFFF;
	_ =	strace $0x9FFFFFFF  }
0xd1: {  	(tm) =	ssettm $0x7FFFFFFF  }
tec
execute0_lowered:
.L_overlay_start_1:
0x0: {  	(tag) =	ssettag $0x1  }
0x1: {  	s2 =	rddreg [dreg:$0x0]  }
0x2: {  	s0 =	rddreg [dreg:$0x1]  }
0x3: {  	s1 =	srdreg.scid;
	s4 =	stileid.u32;
	s3 =	simm.s32 $0x0  }
0x4: {  	s14 =	simm.s32 $0x3;
	s16 =	simm.s32 $0x10880;
	s17 =	simm.s32 $0x80  }
0x5: {  	s18 =	simm.s32 $0x880;
	s19 =	simm.s32 $0x4880;
	s20 =	simm.s32 $0x12880  }
0x6: {  	s21 =	simm.s32 $0x8880;
	s22 =	simm.s32 $0xC880;
	s23 =	simm.s32 $0x1  }
0x7: {  	s24 =	simm.s32 $0x14880;
	s25 =	simm.s32 $0x2;
	s26 =	simm.s32 $0x0  }
0x8: {  	s1 =	sand.u32 $0x1, s1;
	s4 =	sshll.u32 s4, $0x1;
	[smem:$0x7FF] =	sst s3  }
0x9: {  	s10 =	sadd.s32 $0x129C00, s0;
	s12 =	sadd.s32 $0x12A400, s0;
	s9 =	sor.u32 s1, s4  }
0xa: {  	_ =	strace $0x80000050;
	s1 =	ssub.s32 $0x2, s1;
	s4 =	sshll.u32 s9, $0xC  }
0xb: {  	s5 =	sshll.u32 s9, $0x7;
	s8 =	sshrl.u32 s1, $0x1;
	s9 =	sshll.u32 s9, $0x8  }
0xc: {  	s11 =	sadd.s32 s4, s0;
	s7 =	sadd.s32 s5, s0;
	s5 =	sadd.s32 $0x14B800, s0  }
0xd: {  	s1 =	ssub.s32 s1, s8;
	s6 =	sadd.s32 $0x14A800, s7;
	s7 =	sadd.s32 $0x149800, s7  }
0xe: {  	s8 =	sadd.s32 $0x129800, s11;
	s11 =	sadd.s32 $0x12A000, s11;
	s13 =	smax.u32 s1, $0x1  }
.LBB2_1:
0xf: {  	[tilespmem:s3], [sflag:$0x3] =	stream.linear.gather [hbm4b:s6+s3], $0x400, $0x38;
	[tilespmem:$0x16880] =	vst v63  }
0x10: {  	_ =	swait.ge [sflag:s14], $0x400  }
0x11: {  	[sflag:s14] =	ssyncset.done $0x0  }
0x12: {  	s0 =	simm.s32 $0x400;
	[sflag:s14] =	ssyncadd.s32 $0xFFFFFC00  }
0x13: {  	[tilespmem:s0], [sflag:$0x3] =	stream.linear.gather [hbm4b:s7+s3], $0x400, $0x38;
	[tilespmem:$0x16880] =	vst v63  }
0x14: {  	_ =	swait.ge [sflag:s14], $0x400  }
0x15: {  	[sflag:s14] =	ssyncset.done $0x0  }
0x16: {  	[sflag:s14] =	ssyncadd.s32 $0xFFFFFC00  }
0x17: {  	[tilespmem:s16], [sflag:$0x1] =	stream.linear.gather [hbm4b:s8+s3], $0x2000, $0x38;
	[tilespmem:$0x16880] =	vst v63  }
0x18: {  	p1 =	por $0x1, $0x1;
	s1 =	simm.s32 $0x100  }
0x19: {  	[tilespmem:s18], [sflag:$0x1] =	stream.indirect.gather [hbm4b:s2+s17], $0x80, s3, s17, $0xb8;
	[tilespmem:$0x16880] =	vst v63  }
0x1a: {  	s29 =	smov.u32 s10;
	s28 =	simm.s32 $0x0;
	s0 =	simm.s32 $0x180  }
0x1b: {  	[tilespmem:s19], [sflag:$0x1] =	stream.indirect.gather [hbm4b:s2+s17], $0x80, s17, s17, $0xb8;
	[tilespmem:$0x16880] =	vst v63  }
.LBB2_2:
0x1c: {  	s29 =	sadd.s32 s4, s29;
	s30 =	simm.s32 $0x0  }
0x1d: {  	[tilespmem:s20], [sflag:$0x2] =	stream.linear.gather [hbm4b:s29+s30], $0x2000, $0x38;
	[tilespmem:$0x16880] =	vst v63  }
0x1e: {  	_ = 	snop  }
0x1f: {  	[tilespmem:s21], [sflag:$0x2] =	stream.indirect.gather [hbm4b:s2+s17], $0x80, s1, s17, $0xb8;
	[tilespmem:$0x16880] =	vst v63  }
0x20: {  	_ = 	snop  }
0x21: {  	[tilespmem:s22], [sflag:$0x2] =	stream.indirect.gather [hbm4b:s2+s17], $0x80, s0, s17, $0xb8;
	[tilespmem:$0x16880] =	vst v63  }
0x22: {  	_ =	swait.ge [sflag:s23], $0x2000  }
0x23: {  	[sflag:s23] =	ssyncset.done $0x0  }
0x24: {  	[sflag:s23] =	ssyncadd.s32 $0xFFFFE000  }
0x25: {  	_ =	swait.ge [sflag:s23], $0x4000  }
0x26: {  	[sflag:s23] =	ssyncset.done $0x0  }
0x27: {  	[sflag:s23] =	ssyncadd.s32 $0xFFFFC000  }
0x28: {  	s15 =	sshll.u32 s28, $0x4;
	_ =	swait.ge [sflag:s23], $0x4000  }
0x29: {  	s29 =	sshra.s32 s15, $0x2;
	[sflag:s23] =	ssyncset.done $0x0  }
0x2a: {  	s30 =	sadd.s32 $0x400, s29;
	[sflag:s23] =	ssyncadd.s32 $0xFFFFC000  }
0x2b: {  	s31 =	simm.s32 $0x980;
	v1 =	vld [tilespmem:s30+$0x0]  }
0x2c: {  	v4 =	vld [tilespmem:s31+$0xFFFFFF00]  }
0x2d: {  	v5 =	vld [tilespmem:s31+$0xFFFFFF80];
	_ =	sdelay $0x1  }
0x2e: {  	v6 =	vld [tilespmem:s31+$0x0]  }
0x2f: {  	v3 =	vbroadcast v1, $0x0;
	v2 =	vbroadcast v1, $0x1  }
0x30: {  	v7 =	vld [tilespmem:s31+$0x80];
	v0 =	vbroadcast v1, $0x2  }
0x31: {  	v4 =	vmul.f32 v4, v3;
	v5 =	vmul.f32 v5, v2;
	_ =	sdelay $0x1  }
0x32: {  	s0 =	simm.s32 $0x0;
	v1 =	vbroadcast v1, $0x3;
	v4 =	vadd.f32 v5, v4;
	v5 =	vmul.f32 v6, v0  }
0x33: {  	v6 =	vld [tilespmem:s0+$0x10880]  }
0x34: {  	v4 =	vadd.f32 v5, v4;
	v5 =	vmul.f32 v7, v1;
	_ =	sdelay $0x1  }
0x35: {  	v4 =	vadd.f32 v5, v4;
	_ =	sdelay $0x1  }
0x36: {  	v4 =	vmul.f32 v4, v6;
	_ =	sdelay $0x1  }
0x37: {  	[tilespmem:s0+$0x14880] =	vst v4  }
0x38: {  	v4 =	vld [tilespmem:s31+$0xFFFFFF10]  }
0x39: {  	v5 =	vld [tilespmem:s31+$0xFFFFFF90];
	_ =	sdelay $0x1  }
0x3a: {  	v6 =	vld [tilespmem:s31+$0x10];
	_ =	sdelay $0x1  }
0x3b: {  	v7 =	vld [tilespmem:s31+$0x90]  }
0x3c: {  	v4 =	vmul.f32 v4, v3;
	v5 =	vmul.f32 v5, v2;
	_ =	sdelay $0x1  }
0x3d: {  	v4 =	vadd.f32 v5, v4;
	v5 =	vmul.f32 v6, v0  }
0x3e: {  	v6 =	vld [tilespmem:s0+$0x10890]  }
0x3f: {  	v4 =	vadd.f32 v5, v4;
	v5 =	vmul.f32 v7, v1;
	_ =	sdelay $0x1  }
0x40: {  	v4 =	vadd.f32 v5, v4;
	_ =	sdelay $0x1  }
0x41: {  	v4 =	vmul.f32 v4, v6;
	_ =	sdelay $0x1  }
0x42: {  	[tilespmem:s0+$0x14890] =	vst v4  }
0x43: {  	v4 =	vld [tilespmem:s31+$0xFFFFFF20]  }
0x44: {  	v5 =	vld [tilespmem:s31+$0xFFFFFFA0];
	_ =	sdelay $0x1  }
0x45: {  	v6 =	vld [tilespmem:s31+$0x20];
	_ =	sdelay $0x1  }
0x46: {  	v7 =	vld [tilespmem:s31+$0xA0]  }
0x47: {  	v4 =	vmul.f32 v4, v3;
	v5 =	vmul.f32 v5, v2;
	_ =	sdelay $0x1  }
0x48: {  	v4 =	vadd.f32 v5, v4;
	v5 =	vmul.f32 v6, v0  }
0x49: {  	v6 =	vld [tilespmem:s0+$0x108A0]  }
0x4a: {  	v4 =	vadd.f32 v5, v4;
	v5 =	vmul.f32 v7, v1;
	_ =	sdelay $0x1  }
0x4b: {  	v4 =	vadd.f32 v5, v4;
	_ =	sdelay $0x1  }
0x4c: {  	v4 =	vmul.f32 v4, v6;
	_ =	sdelay $0x1  }
0x4d: {  	[tilespmem:s0+$0x148A0] =	vst v4  }
0x4e: {  	v4 =	vld [tilespmem:s31+$0xFFFFFFB0]  }
0x4f: {  	v5 =	vld [tilespmem:s31+$0xFFFFFF30];
	_ =	sdelay $0x1  }
0x50: {  	v6 =	vld [tilespmem:s31+$0x30];
	_ =	sdelay $0x1  }
0x51: {  	v7 =	vld [tilespmem:s31+$0xB0]  }
0x52: {  	v4 =	vmul.f32 v4, v2;
	v5 =	vmul.f32 v5, v3;
	_ =	sdelay $0x1  }
0x53: {  	v4 =	vadd.f32 v4, v5;
	v5 =	vmul.f32 v6, v0  }
0x54: {  	v6 =	vld [tilespmem:s0+$0x108B0]  }
0x55: {  	v4 =	vadd.f32 v5, v4;
	v5 =	vmul.f32 v7, v1;
	_ =	sdelay $0x1  }
0x56: {  	v4 =	vadd.f32 v5, v4;
	_ =	sdelay $0x1  }
0x57: {  	v4 =	vmul.f32 v4, v6;
	_ =	sdelay $0x1  }
0x58: {  	[tilespmem:s0+$0x148B0] =	vst v4  }
0x59: {  	v4 =	vld [tilespmem:s31+$0xFFFFFFC0]  }
0x5a: {  	v5 =	vld [tilespmem:s31+$0xFFFFFF40];
	_ =	sdelay $0x1  }
0x5b: {  	v6 =	vld [tilespmem:s31+$0x40];
	_ =	sdelay $0x1  }
0x5c: {  	v7 =	vld [tilespmem:s31+$0xC0]  }
0x5d: {  	v4 =	vmul.f32 v4, v2;
	v5 =	vmul.f32 v5, v3;
	_ =	sdelay $0x1  }
0x5e: {  	v6 =	vmul.f32 v6, v0;
	v4 =	vadd.f32 v4, v5  }
0x5f: {  	v5 =	vld [tilespmem:s0+$0x108C0]  }
0x60: {  	v7 =	vmul.f32 v7, v1;
	v4 =	vadd.f32 v6, v4;
	_ =	sdelay $0x1  }
0x61: {  	v4 =	vadd.f32 v7, v4;
	_ =	sdelay $0x1  }
0x62: {  	v4 =	vmul.f32 v4, v5;
	_ =	sdelay $0x1  }
0x63: {  	[tilespmem:s0+$0x148C0] =	vst v4  }
0x64: {  	v7 =	vld [tilespmem:s31+$0xFFFFFF50]  }
0x65: {  	v6 =	vld [tilespmem:s31+$0xFFFFFFD0]  }
0x66: {  	v5 =	vld [tilespmem:s31+$0x50]  }
0x67: {  	p0 =	por p1, p1;
	s1 =	simm.s32 $0x200;
	v4 =	vld [tilespmem:s31+$0xD0]  }
.LBB2_3:
0x68: {  	_ = 	snop  }
0x69: {  	p1 =	sne.s32 s1, $0x7E00;
	s30 =	sadd.s32 $0x4, s30;
	s31 =	sadd.s32 $0x200, s31;
	v3 =	vmul.f32 v7, v3  }
0x6a: {  	s15 =	smov.u32 s1;
	s1 =	sadd.s32 $0x200, s1;
	v2 =	vmul.f32 v6, v2  }
0x6b: {  	v0 =	vmul.f32 v5, v0  }
0x6c: {  	v2 =	vadd.f32 v2, v3;
	v1 =	vmul.f32 v4, v1;
	v3 =	vld [tilespmem:s0+$0x108D0];
	_ =	sdelay $0x1  }
0x6d: {  	v0 =	vadd.f32 v0, v2;
	_ =	sdelay $0x1  }
0x6e: {  	v0 =	vadd.f32 v1, v0;
	_ =	sdelay $0x1  }
0x6f: {  	v0 =	vmul.f32 v0, v3;
	_ =	sdelay $0x1  }
0x70: {  	[tilespmem:s0+$0x148D0] =	vst v0  }
0x71: {  	v1 =	vld [tilespmem:s30+$0x0]  }
0x72: {  	v4 =	vld [tilespmem:s31+$0xFFFFFF00]  }
0x73: {  	v5 =	vld [tilespmem:s31+$0xFFFFFF80];
	_ =	sdelay $0x1  }
0x74: {  	v6 =	vld [tilespmem:s31+$0x0]  }
0x75: {  	v3 =	vbroadcast v1, $0x0;
	v2 =	vbroadcast v1, $0x1  }
0x76: {  	v0 =	vbroadcast v1, $0x2;
	v1 =	vbroadcast v1, $0x3;
	v7 =	vld [tilespmem:s31+$0x80]  }
0x77: {  	v4 =	vmul.f32 v4, v3;
	v5 =	vmul.f32 v5, v2;
	_ =	sdelay $0x1  }
0x78: {  	s0 =	sshra.s32 s15, $0x2;
	v4 =	vadd.f32 v5, v4;
	v5 =	vmul.f32 v6, v0  }
0x79: {  	v6 =	vld [tilespmem:s0+$0x10880]  }
0x7a: {  	v4 =	vadd.f32 v5, v4;
	v5 =	vmul.f32 v7, v1;
	_ =	sdelay $0x1  }
0x7b: {  	v4 =	vadd.f32 v5, v4;
	_ =	sdelay $0x1  }
0x7c: {  	v4 =	vmul.f32 v4, v6;
	_ =	sdelay $0x1  }
0x7d: {  	[tilespmem:s0+$0x14880] =	vst v4  }
0x7e: {  	v4 =	vld [tilespmem:s31+$0xFFFFFF10]  }
0x7f: {  	v5 =	vld [tilespmem:s31+$0xFFFFFF90];
	_ =	sdelay $0x1  }
0x80: {  	v6 =	vld [tilespmem:s31+$0x10];
	_ =	sdelay $0x1  }
0x81: {  	v4 =	vmul.f32 v4, v3;
	v7 =	vld [tilespmem:s31+$0x90]  }
0x82: {  	v5 =	vmul.f32 v5, v2;
	_ =	sdelay $0x1  }
0x83: {  	v4 =	vadd.f32 v5, v4;
	v5 =	vmul.f32 v6, v0  }
0x84: {  	v6 =	vld [tilespmem:s0+$0x10890]  }
0x85: {  	v4 =	vadd.f32 v5, v4;
	v5 =	vmul.f32 v7, v1;
	_ =	sdelay $0x1  }
0x86: {  	v4 =	vadd.f32 v5, v4;
	_ =	sdelay $0x1  }
0x87: {  	v4 =	vmul.f32 v4, v6;
	_ =	sdelay $0x1  }
0x88: {  	[tilespmem:s0+$0x14890] =	vst v4  }
0x89: {  	v4 =	vld [tilespmem:s31+$0xFFFFFF20]  }
0x8a: {  	v5 =	vld [tilespmem:s31+$0xFFFFFFA0];
	_ =	sdelay $0x1  }
0x8b: {  	v6 =	vld [tilespmem:s31+$0x20];
	_ =	sdelay $0x1  }
0x8c: {  	v4 =	vmul.f32 v4, v3;
	v7 =	vld [tilespmem:s31+$0xA0]  }
0x8d: {  	v5 =	vmul.f32 v5, v2;
	_ =	sdelay $0x1  }
0x8e: {  	v4 =	vadd.f32 v5, v4;
	v5 =	vmul.f32 v6, v0  }
0x8f: {  	v6 =	vld [tilespmem:s0+$0x108A0]  }
0x90: {  	v4 =	vadd.f32 v5, v4;
	v5 =	vmul.f32 v7, v1;
	_ =	sdelay $0x1  }
0x91: {  	v4 =	vadd.f32 v5, v4;
	_ =	sdelay $0x1  }
0x92: {  	v4 =	vmul.f32 v4, v6;
	_ =	sdelay $0x1  }
0x93: {  	[tilespmem:s0+$0x148A0] =	vst v4  }
0x94: {  	v4 =	vld [tilespmem:s31+$0xFFFFFFB0]  }
0x95: {  	v5 =	vld [tilespmem:s31+$0xFFFFFF30];
	_ =	sdelay $0x1  }
0x96: {  	v6 =	vld [tilespmem:s31+$0x30];
	_ =	sdelay $0x1  }
0x97: {  	v4 =	vmul.f32 v4, v2;
	v7 =	vld [tilespmem:s31+$0xB0]  }
0x98: {  	v5 =	vmul.f32 v5, v3;
	_ =	sdelay $0x1  }
0x99: {  	v4 =	vadd.f32 v4, v5;
	v5 =	vmul.f32 v6, v0  }
0x9a: {  	v6 =	vld [tilespmem:s0+$0x108B0]  }
0x9b: {  	v4 =	vadd.f32 v5, v4;
	v5 =	vmul.f32 v7, v1;
	_ =	sdelay $0x1  }
0x9c: {  	v4 =	vadd.f32 v5, v4;
	_ =	sdelay $0x1  }
0x9d: {  	v4 =	vmul.f32 v4, v6;
	_ =	sdelay $0x1  }
0x9e: {  	[tilespmem:s0+$0x148B0] =	vst v4  }
0x9f: {  	v4 =	vld [tilespmem:s31+$0xFFFFFFC0]  }
0xa0: {  	v5 =	vld [tilespmem:s31+$0xFFFFFF40]  }
0xa1: {  	v6 =	vld [tilespmem:s31+$0x40]  }
0xa2: {  	v7 =	vld [tilespmem:s31+$0xC0];
	_ =	sdelay $0x1  }
0xa3: {  	v4 =	vmul.f32 v4, v2  }
0xa4: {  	v5 =	vmul.f32 v5, v3  }
0xa5: {  	v6 =	vmul.f32 v6, v0  }
0xa6: {  	v4 =	vadd.f32 v4, v5;
	v5 =	vmul.f32 v7, v1  }
0xa7: {  	v7 =	vld [tilespmem:s0+$0x108C0]  }
0xa8: {  	v4 =	vadd.f32 v6, v4;
	_ =	sdelay $0x1  }
0xa9: {  	v4 =	vadd.f32 v5, v4;
	_ =	sdelay $0x1  }
0xaa: {  	v4 =	vmul.f32 v4, v7;
	_ =	sdelay $0x1  }
.Ltmp0:
0xab: {  	[tilespmem:s0+$0x148C0] =	vst v4;
	(pc) =	sbr.rel @p1 .LBB2_3-.Ltmp0, $4  }
0xac: {  	v7 =	vld [tilespmem:s31+$0xFFFFFF50]  }
0xad: {  	v6 =	vld [tilespmem:s31+$0xFFFFFFD0]  }
0xae: {  	v5 =	vld [tilespmem:s31+$0x50]  }
0xaf: {  	v4 =	vld [tilespmem:s31+$0xD0]  }
0xb0: {  	_ =	sdelay $0x1  }
0xb1: {  	v3 =	vmul.f32 v7, v3;
	v2 =	vmul.f32 v6, v2;
	_ =	sdelay $0x1  }
0xb2: {  	v0 =	vmul.f32 v5, v0;
	v2 =	vadd.f32 v2, v3  }
0xb3: {  	v3 =	vld [tilespmem:s0+$0x108D0]  }
0xb4: {  	v1 =	vmul.f32 v4, v1;
	v0 =	vadd.f32 v0, v2;
	_ =	sdelay $0x1  }
0xb5: {  	v0 =	vadd.f32 v1, v0;
	_ =	sdelay $0x1  }
0xb6: {  	s1 =	sor.u32 s9, s28;
	v0 =	vmul.f32 v0, v3  }
0xb7: {  	s1 =	sshll.u32 s1, $0x4  }
0xb8: {  	s31 =	sadd.s32 s5, s1;
	[tilespmem:s0+$0x148D0] =	vst v0  }
0xb9: {  	[hbm4b:s31+s3] =	stream.linear.scatter [tilespmem:s24], [sflag:$0x3], $0x2000, $0x38;
	[tilespmem:$0x16880] =	vst v63  }
0xba: {  	_ =	swait.ge [sflag:s14], $0x2000  }
0xbb: {  	[sflag:s14] =	ssyncset.done $0x0  }
0xbc: {  	s1 =	simm.s32 @p0 $0x10880;
	s0 =	simm.s32 @p0 $0x0;
	[sflag:s14] =	ssyncadd.s32 $0xFFFFE000  }
0xbd: {  	[tilespmem:s1], [sflag:$0x1] =	stream.linear.gather @p0 [hbm4b:s11+s0], $0x2000, $0x38;
	[tilespmem:$0x16880] =	vst v63  }
0xbe: {  	s15 =	simm.s32 @p0 $0x880;
	s0 =	simm.s32 @p0 $0x80;
	s1 =	simm.s32 @p0 $0x200  }
0xbf: {  	[tilespmem:s15], [sflag:$0x1] =	stream.indirect.gather @p0 [hbm4b:s2+s0], $0x80, s1, s0, $0xb8;
	[tilespmem:$0x16880] =	vst v63  }
0xc0: {  	s1 =	simm.s32 @p0 $0x280;
	s15 =	simm.s32 @p0 $0x4880  }
0xc1: {  	[tilespmem:s15], [sflag:$0x1] =	stream.indirect.gather @p0 [hbm4b:s2+s0], $0x80, s1, s0, $0xb8;
	[tilespmem:$0x16880] =	vst v63  }
0xc2: {  	_ =	swait.ge [sflag:s25], $0x2000  }
0xc3: {  	[sflag:s25] =	ssyncset.done $0x0  }
0xc4: {  	[sflag:s25] =	ssyncadd.s32 $0xFFFFE000  }
0xc5: {  	_ =	swait.ge [sflag:s25], $0x4000  }
0xc6: {  	[sflag:s25] =	ssyncset.done $0x0  }
0xc7: {  	[sflag:s25] =	ssyncadd.s32 $0xFFFFC000  }
0xc8: {  	_ =	swait.ge [sflag:s25], $0x4000  }
0xc9: {  	[sflag:s25] =	ssyncset.done $0x0  }
0xca: {  	s29 =	sadd.s32 $0x500, s29;
	[sflag:s25] =	ssyncadd.s32 $0xFFFFC000  }
0xcb: {  	s30 =	simm.s32 $0x8980;
	v1 =	vld [tilespmem:s29+$0x0]  }
0xcc: {  	v4 =	vld [tilespmem:s30+$0xFFFFFF00]  }
0xcd: {  	v5 =	vld [tilespmem:s30+$0xFFFFFF80];
	_ =	sdelay $0x1  }
0xce: {  	v6 =	vld [tilespmem:s30+$0x0]  }
0xcf: {  	v3 =	vbroadcast v1, $0x0;
	v2 =	vbroadcast v1, $0x1  }
0xd0: {  	v7 =	vld [tilespmem:s30+$0x80];
	v0 =	vbroadcast v1, $0x2  }
0xd1: {  	v4 =	vmul.f32 v4, v3;
	v5 =	vmul.f32 v5, v2;
	_ =	sdelay $0x1  }
0xd2: {  	s0 =	simm.s32 $0x0;
	v1 =	vbroadcast v1, $0x3;
	v4 =	vadd.f32 v5, v4;
	v5 =	vmul.f32 v6, v0  }
0xd3: {  	v6 =	vld [tilespmem:s0+$0x12880]  }
0xd4: {  	v4 =	vadd.f32 v5, v4;
	v5 =	vmul.f32 v7, v1;
	_ =	sdelay $0x1  }
0xd5: {  	v4 =	vadd.f32 v5, v4;
	_ =	sdelay $0x1  }
0xd6: {  	v4 =	vmul.f32 v4, v6;
	_ =	sdelay $0x1  }
0xd7: {  	[tilespmem:s0+$0x14880] =	vst v4  }
0xd8: {  	v4 =	vld [tilespmem:s30+$0xFFFFFF10]  }
0xd9: {  	v5 =	vld [tilespmem:s30+$0xFFFFFF90];
	_ =	sdelay $0x1  }
0xda: {  	v6 =	vld [tilespmem:s30+$0x10];
	_ =	sdelay $0x1  }
0xdb: {  	v7 =	vld [tilespmem:s30+$0x90]  }
0xdc: {  	v4 =	vmul.f32 v4, v3;
	v5 =	vmul.f32 v5, v2;
	_ =	sdelay $0x1  }
0xdd: {  	v4 =	vadd.f32 v5, v4;
	v5 =	vmul.f32 v6, v0  }
0xde: {  	v6 =	vld [tilespmem:s0+$0x12890]  }
0xdf: {  	v4 =	vadd.f32 v5, v4;
	v5 =	vmul.f32 v7, v1;
	_ =	sdelay $0x1  }
0xe0: {  	v4 =	vadd.f32 v5, v4;
	_ =	sdelay $0x1  }
0xe1: {  	v4 =	vmul.f32 v4, v6;
	_ =	sdelay $0x1  }
0xe2: {  	[tilespmem:s0+$0x14890] =	vst v4  }
0xe3: {  	v4 =	vld [tilespmem:s30+$0xFFFFFF20]  }
0xe4: {  	v5 =	vld [tilespmem:s30+$0xFFFFFFA0];
	_ =	sdelay $0x1  }
0xe5: {  	v6 =	vld [tilespmem:s30+$0x20];
	_ =	sdelay $0x1  }
0xe6: {  	v7 =	vld [tilespmem:s30+$0xA0]  }
0xe7: {  	v4 =	vmul.f32 v4, v3;
	v5 =	vmul.f32 v5, v2;
	_ =	sdelay $0x1  }
0xe8: {  	v4 =	vadd.f32 v5, v4;
	v5 =	vmul.f32 v6, v0  }
0xe9: {  	v6 =	vld [tilespmem:s0+$0x128A0]  }
0xea: {  	v4 =	vadd.f32 v5, v4;
	v5 =	vmul.f32 v7, v1;
	_ =	sdelay $0x1  }
0xeb: {  	v4 =	vadd.f32 v5, v4;
	_ =	sdelay $0x1  }
0xec: {  	v4 =	vmul.f32 v4, v6;
	_ =	sdelay $0x1  }
0xed: {  	[tilespmem:s0+$0x148A0] =	vst v4  }
0xee: {  	v4 =	vld [tilespmem:s30+$0xFFFFFFB0]  }
0xef: {  	v5 =	vld [tilespmem:s30+$0xFFFFFF30];
	_ =	sdelay $0x1  }
0xf0: {  	v6 =	vld [tilespmem:s30+$0x30];
	_ =	sdelay $0x1  }
0xf1: {  	v7 =	vld [tilespmem:s30+$0xB0]  }
0xf2: {  	v4 =	vmul.f32 v4, v2;
	v5 =	vmul.f32 v5, v3;
	_ =	sdelay $0x1  }
0xf3: {  	v4 =	vadd.f32 v4, v5;
	v5 =	vmul.f32 v6, v0  }
0xf4: {  	v6 =	vld [tilespmem:s0+$0x128B0]  }
0xf5: {  	v4 =	vadd.f32 v5, v4;
	v5 =	vmul.f32 v7, v1;
	_ =	sdelay $0x1  }
0xf6: {  	v4 =	vadd.f32 v5, v4;
	_ =	sdelay $0x1  }
0xf7: {  	v4 =	vmul.f32 v4, v6;
	_ =	sdelay $0x1  }
0xf8: {  	[tilespmem:s0+$0x148B0] =	vst v4  }
0xf9: {  	v4 =	vld [tilespmem:s30+$0xFFFFFFC0]  }
0xfa: {  	v5 =	vld [tilespmem:s30+$0xFFFFFF40];
	_ =	sdelay $0x1  }
0xfb: {  	v6 =	vld [tilespmem:s30+$0x40];
	_ =	sdelay $0x1  }
0xfc: {  	v7 =	vld [tilespmem:s30+$0xC0]  }
0xfd: {  	v4 =	vmul.f32 v4, v2;
	v5 =	vmul.f32 v5, v3;
	_ =	sdelay $0x1  }
0xfe: {  	v6 =	vmul.f32 v6, v0;
	v4 =	vadd.f32 v4, v5  }
0xff: {  	v5 =	vld [tilespmem:s0+$0x128C0]  }
0x100: {  	v7 =	vmul.f32 v7, v1;
	v4 =	vadd.f32 v6, v4;
	_ =	sdelay $0x1  }
0x101: {  	v4 =	vadd.f32 v7, v4;
	_ =	sdelay $0x1  }
0x102: {  	v4 =	vmul.f32 v4, v5;
	_ =	sdelay $0x1  }
0x103: {  	[tilespmem:s0+$0x148C0] =	vst v4  }
0x104: {  	v7 =	vld [tilespmem:s30+$0xFFFFFF50]  }
0x105: {  	v6 =	vld [tilespmem:s30+$0xFFFFFFD0]  }
0x106: {  	v5 =	vld [tilespmem:s30+$0x50]  }
0x107: {  	s28 =	sor.u32 $0x40, s28;
	s1 =	simm.s32 $0x200;
	v4 =	vld [tilespmem:s30+$0xD0]  }
.LBB2_5:
0x108: {  	_ = 	snop  }
0x109: {  	p1 =	sne.s32 s1, $0x7E00;
	s29 =	sadd.s32 $0x4, s29;
	s30 =	sadd.s32 $0x200, s30;
	v3 =	vmul.f32 v7, v3  }
0x10a: {  	s15 =	smov.u32 s1;
	s1 =	sadd.s32 $0x200, s1;
	v2 =	vmul.f32 v6, v2  }
0x10b: {  	v0 =	vmul.f32 v5, v0  }
0x10c: {  	v2 =	vadd.f32 v2, v3;
	v1 =	vmul.f32 v4, v1;
	v3 =	vld [tilespmem:s0+$0x128D0];
	_ =	sdelay $0x1  }
0x10d: {  	v0 =	vadd.f32 v0, v2;
	_ =	sdelay $0x1  }
0x10e: {  	v0 =	vadd.f32 v1, v0;
	_ =	sdelay $0x1  }
0x10f: {  	v0 =	vmul.f32 v0, v3;
	_ =	sdelay $0x1  }
0x110: {  	[tilespmem:s0+$0x148D0] =	vst v0  }
0x111: {  	v1 =	vld [tilespmem:s29+$0x0]  }
0x112: {  	v4 =	vld [tilespmem:s30+$0xFFFFFF00]  }
0x113: {  	v5 =	vld [tilespmem:s30+$0xFFFFFF80];
	_ =	sdelay $0x1  }
0x114: {  	v6 =	vld [tilespmem:s30+$0x0]  }
0x115: {  	v3 =	vbroadcast v1, $0x0;
	v2 =	vbroadcast v1, $0x1  }
0x116: {  	v0 =	vbroadcast v1, $0x2;
	v1 =	vbroadcast v1, $0x3;
	v7 =	vld [tilespmem:s30+$0x80]  }
0x117: {  	v4 =	vmul.f32 v4, v3;
	v5 =	vmul.f32 v5, v2;
	_ =	sdelay $0x1  }
0x118: {  	s0 =	sshra.s32 s15, $0x2;
	v4 =	vadd.f32 v5, v4;
	v5 =	vmul.f32 v6, v0  }
0x119: {  	v6 =	vld [tilespmem:s0+$0x12880]  }
0x11a: {  	v4 =	vadd.f32 v5, v4;
	v5 =	vmul.f32 v7, v1;
	_ =	sdelay $0x1  }
0x11b: {  	v4 =	vadd.f32 v5, v4;
	_ =	sdelay $0x1  }
0x11c: {  	v4 =	vmul.f32 v4, v6;
	_ =	sdelay $0x1  }
0x11d: {  	[tilespmem:s0+$0x14880] =	vst v4  }
0x11e: {  	v4 =	vld [tilespmem:s30+$0xFFFFFF10]  }
0x11f: {  	v5 =	vld [tilespmem:s30+$0xFFFFFF90];
	_ =	sdelay $0x1  }
0x120: {  	v6 =	vld [tilespmem:s30+$0x10];
	_ =	sdelay $0x1  }
0x121: {  	v4 =	vmul.f32 v4, v3;
	v7 =	vld [tilespmem:s30+$0x90]  }
0x122: {  	v5 =	vmul.f32 v5, v2;
	_ =	sdelay $0x1  }
0x123: {  	v4 =	vadd.f32 v5, v4;
	v5 =	vmul.f32 v6, v0  }
0x124: {  	v6 =	vld [tilespmem:s0+$0x12890]  }
0x125: {  	v4 =	vadd.f32 v5, v4;
	v5 =	vmul.f32 v7, v1;
	_ =	sdelay $0x1  }
0x126: {  	v4 =	vadd.f32 v5, v4;
	_ =	sdelay $0x1  }
0x127: {  	v4 =	vmul.f32 v4, v6;
	_ =	sdelay $0x1  }
0x128: {  	[tilespmem:s0+$0x14890] =	vst v4  }
0x129: {  	v4 =	vld [tilespmem:s30+$0xFFFFFF20]  }
0x12a: {  	v5 =	vld [tilespmem:s30+$0xFFFFFFA0];
	_ =	sdelay $0x1  }
0x12b: {  	v6 =	vld [tilespmem:s30+$0x20];
	_ =	sdelay $0x1  }
0x12c: {  	v4 =	vmul.f32 v4, v3;
	v7 =	vld [tilespmem:s30+$0xA0]  }
0x12d: {  	v5 =	vmul.f32 v5, v2;
	_ =	sdelay $0x1  }
0x12e: {  	v4 =	vadd.f32 v5, v4;
	v5 =	vmul.f32 v6, v0  }
0x12f: {  	v6 =	vld [tilespmem:s0+$0x128A0]  }
0x130: {  	v4 =	vadd.f32 v5, v4;
	v5 =	vmul.f32 v7, v1;
	_ =	sdelay $0x1  }
0x131: {  	v4 =	vadd.f32 v5, v4;
	_ =	sdelay $0x1  }
0x132: {  	v4 =	vmul.f32 v4, v6;
	_ =	sdelay $0x1  }
0x133: {  	[tilespmem:s0+$0x148A0] =	vst v4  }
0x134: {  	v4 =	vld [tilespmem:s30+$0xFFFFFFB0]  }
0x135: {  	v5 =	vld [tilespmem:s30+$0xFFFFFF30];
	_ =	sdelay $0x1  }
0x136: {  	v6 =	vld [tilespmem:s30+$0x30];
	_ =	sdelay $0x1  }
0x137: {  	v4 =	vmul.f32 v4, v2;
	v7 =	vld [tilespmem:s30+$0xB0]  }
0x138: {  	v5 =	vmul.f32 v5, v3;
	_ =	sdelay $0x1  }
0x139: {  	v4 =	vadd.f32 v4, v5;
	v5 =	vmul.f32 v6, v0  }
0x13a: {  	v6 =	vld [tilespmem:s0+$0x128B0]  }
0x13b: {  	v4 =	vadd.f32 v5, v4;
	v5 =	vmul.f32 v7, v1;
	_ =	sdelay $0x1  }
0x13c: {  	v4 =	vadd.f32 v5, v4;
	_ =	sdelay $0x1  }
0x13d: {  	v4 =	vmul.f32 v4, v6;
	_ =	sdelay $0x1  }
0x13e: {  	[tilespmem:s0+$0x148B0] =	vst v4  }
0x13f: {  	v4 =	vld [tilespmem:s30+$0xFFFFFFC0]  }
0x140: {  	v5 =	vld [tilespmem:s30+$0xFFFFFF40]  }
0x141: {  	v6 =	vld [tilespmem:s30+$0x40]  }
0x142: {  	v7 =	vld [tilespmem:s30+$0xC0];
	_ =	sdelay $0x1  }
0x143: {  	v4 =	vmul.f32 v4, v2  }
0x144: {  	v5 =	vmul.f32 v5, v3  }
0x145: {  	v6 =	vmul.f32 v6, v0  }
0x146: {  	v4 =	vadd.f32 v4, v5;
	v5 =	vmul.f32 v7, v1  }
0x147: {  	v7 =	vld [tilespmem:s0+$0x128C0]  }
0x148: {  	v4 =	vadd.f32 v6, v4;
	_ =	sdelay $0x1  }
0x149: {  	v4 =	vadd.f32 v5, v4;
	_ =	sdelay $0x1  }
0x14a: {  	v4 =	vmul.f32 v4, v7;
	_ =	sdelay $0x1  }
.Ltmp1:
0x14b: {  	[tilespmem:s0+$0x148C0] =	vst v4;
	(pc) =	sbr.rel @p1 .LBB2_5-.Ltmp1, $4  }
0x14c: {  	v7 =	vld [tilespmem:s30+$0xFFFFFF50]  }
0x14d: {  	v6 =	vld [tilespmem:s30+$0xFFFFFFD0]  }
0x14e: {  	v5 =	vld [tilespmem:s30+$0x50]  }
0x14f: {  	v4 =	vld [tilespmem:s30+$0xD0]  }
0x150: {  	_ =	sdelay $0x1  }
0x151: {  	v3 =	vmul.f32 v7, v3;
	v2 =	vmul.f32 v6, v2;
	_ =	sdelay $0x1  }
0x152: {  	v0 =	vmul.f32 v5, v0;
	v2 =	vadd.f32 v2, v3  }
0x153: {  	v63 =	vld [tilespmem:s0+$0x128D0]  }
0x154: {  	v1 =	vmul.f32 v4, v1;
	v0 =	vadd.f32 v0, v2;
	_ =	sdelay $0x1  }
0x155: {  	v0 =	vadd.f32 v1, v0;
	_ =	sdelay $0x1  }
0x156: {  	s1 =	sor.u32 s9, s28;
	v0 =	vmul.f32 v0, v63  }
0x157: {  	s1 =	sshll.u32 s1, $0x4  }
.Ltmp2:
0x158: {  	s31 =	sadd.s32 s5, s1;
	[tilespmem:s0+$0x148D0] =	vst v0;
	(pc) =	sbr.rel @p0 .LBB2_2-.Ltmp2, $4  }
0x159: {  	[hbm4b:s31+s3] =	stream.linear.scatter [tilespmem:s24], [sflag:$0x3], $0x2000, $0x38;
	[tilespmem:$0x16880] =	vst v63  }
0x15a: {  	s28 =	simm.s32 $0x80;
	_ =	swait.ge [sflag:s14], $0x2000  }
0x15b: {  	p1 =	por $0x0, $0x0;
	s29 =	smov.u32 s12;
	[sflag:s14] =	ssyncset.done $0x0  }
0x15c: {  	s1 =	simm.s32 $0x300;
	s0 =	simm.s32 $0x380;
	[sflag:s14] =	ssyncadd.s32 $0xFFFFE000  }
0x15d: {  	s26 =	sadd.s32 $0x1, s26  }
0x15e: {  	p0 =	sne.s32 s26, s13  }
.Ltmp3:
0x15f: {  	_ = 	snop;
	(pc) =	sbr.rel @p0 .LBB2_1-.Ltmp3, $1  }
0x160: {  	_ =	sdelay $0x3  }
0x161: {  	_ =	sfence.sel $0x180000  }
0x162: {  	[bflag:$0x0] =	sbarrier.arrive $0xFFFF  }
0x163: {  	_ =	strace $0x90000050  }
0x164: {  	s0 =	stileid.u32;
	[bflag:$0x2] =	sbarrier.arrive $0xFFFF  }
0x165: {  	p0 =	sne.s32 s0, $0x0;
	s0 =	rddreg [dreg:$0x2]  }
0x166: {  	s0 =	sadd.s32 @!p0 $0x100000, s0  }
0x167: {  	[sflag:s0] =	ssyncadd.tile.s32 @!p0 $0x1;
	_ =	shalt  }
.Lfunc_end2:
_tile_overlayer_lowered:
.L_overlay_start_2:
0x168: {  	(tag) =	ssettag $0x2  }
0x169: {  	s0 =	rddreg [dreg:$0x0];
	s2 =	stileid.u32  }
0x16a: {  	s1 =	rddreg [dreg:$0x1];
	p0 =	sne.s32 s2, $0x0  }
0x16b: {  	s3 =	rddreg [dreg:$0x2];
	[bflag:$0x3] =	sbarrier.arrive $0xFFFF;
	s2 =	simm.s32 @!p0 $0x1C03  }
0x16c: {  	[timem:s3], [sflag:s2] =	dma.local @!p0 [hbm:s0], s1  }
0x16d: {  	s0 =	simm.s32 @!p0 $0x3  }
0x16e: {  	_ =	swait.ge @!p0 [sflag:s0], s1  }
0x16f: {  	s1 =	ssub.s32 @!p0 $0x0, s1;
	[sflag:s0] =	ssyncset.done @!p0 $0x0  }
0x170: {  	[sflag:s0] =	ssyncadd.s32 @!p0 s1  }
0x171: {  	[bflag:$0x3] =	sbarrier.arrive $0xFFFF  }
0x172: {  	_ =	shalt  }

</sc_bundles>
